<compile_context>
chip_gen: v7x
topology: tpu7x:2x2x1
jax: 0.10.2.dev20260603
libtpu: 0.0.44.dev20260713+nightly
codegen_flags: <defaults>
</compile_context>

<pallas_src>
import functools
import jax
import jax.numpy as jnp
from jax import lax
from jax.experimental import pallas as pl
from jax.experimental.pallas import tpu as pltpu
from jax.experimental.pallas import tpu_sc as plsc

VOCAB = 1000000
EMBED_DIM = 64
BATCH = 16384

_info = plsc.get_sparse_core_info()
_NC, _NS = _info.num_cores, _info.num_subcores
_W = 256
_CH = _W * _NS
_NCH = 122
_SCROWS = _CH * _NCH
_XBASE = _NC * _SCROWS
_XBLK = _NCH * _W
_TAILB = _XBLK + 2 * _W
_RING = 16
_ICH = 4096
_POSB = 14
_SENT = 1 << 20

_mesh = plsc.VectorSubcoreMesh(core_axis_name="c", subcore_axis_name="s")


@functools.partial(
    pl.kernel,
    mesh=_mesh,
    out_type=jax.ShapeDtypeStruct((BATCH, EMBED_DIM), jnp.float32),
    scratch_types=[
        pltpu.VMEM((_ICH,), jnp.int32),
        pltpu.VMEM((BATCH + 16,), jnp.int32),
        pltpu.VMEM((2, EMBED_DIM, _W), jnp.float32),
        pltpu.VMEM((16,), jnp.int32),
        pltpu.VMEM((_RING, EMBED_DIM), jnp.float32),
        pltpu.VMEM((EMBED_DIM, 64), jnp.float32),
        pltpu.VMEM_SHARED((3, EMBED_DIM, _CH), jnp.float32),
        pltpu.SemaphoreType.DMA,
        pltpu.SemaphoreType.DMA,
        pltpu.SemaphoreType.DMA,
        pltpu.SemaphoreType.DMA,
        pltpu.SemaphoreType.DMA,
        pltpu.SemaphoreType.DMA,
    ],
    compiler_params=pltpu.CompilerParams(needs_layout_passes=False),
)
def _gather(idx_hbm, tq_hbm, out_hbm, ichunk_v, lpk_v, slab_v, mpk_v,
            oring_v, tail_v, shared_v, sem_s0, sem_s1, sem_c0, sem_c1,
            sem_c2, sem_out):
    c = lax.axis_index("c")
    s = lax.axis_index("s")
    scbase = c * _SCROWS
    is_x = jnp.logical_and(c == _NC - 1, s == _NS - 1)

    _SEM_SL = (sem_s0, sem_s1)
    _SEM_CH = (sem_c0, sem_c1, sem_c2)

    def issue_chunk(k):
        base = scbase + k * _CH
        for cs in range(3):
            @pl.when(lax.rem(k, 3) == cs)
            def _(cs=cs):
                for tc in range(EMBED_DIM // 8):
                    pltpu.async_copy(
                        tq_hbm.at[pl.ds(tc * 8, 8), pl.ds(base, _CH)],
                        shared_v.at[cs, pl.ds(tc * 8, 8)],
                        _SEM_CH[cs],
                    )

    def drain_chunk(k):
        for cs in range(3):
            @pl.when(lax.rem(k, 3) == cs)
            def _(cs=cs):
                pltpu.make_async_copy(
                    tq_hbm.at[pl.ds(0, EMBED_DIM), pl.ds(0, _CH)],
                    shared_v.at[cs],
                    _SEM_CH[cs],
                ).wait()

    def issue_slab(k):
        cs3 = lax.rem(k, 3)
        off = pl.multiple_of(s * _W, _W)
        for sl in range(2):
            @pl.when(lax.rem(k, 2) == sl)
            def _(sl=sl):
                pltpu.async_copy(
                    shared_v.at[cs3, pl.ds(0, EMBED_DIM), pl.ds(off, _W)],
                    slab_v.at[sl],
                    _SEM_SL[sl],
                )

    def drain_slab(k):
        for sl in range(2):
            @pl.when(lax.rem(k, 2) == sl)
            def _(sl=sl):
                pltpu.make_async_copy(
                    tq_hbm.at[pl.ds(0, EMBED_DIM), pl.ds(0, _W)],
                    slab_v.at[sl],
                    _SEM_SL[sl],
                ).wait()

    @pl.when(s == 0)
    def _():
        issue_chunk(jnp.int32(0))
        issue_chunk(jnp.int32(1))

    def scan_chunk(ci, n):
        pltpu.sync_copy(idx_hbm.at[pl.ds(ci * _ICH, _ICH)], ichunk_v)

        def scan_g(g, n):
            v = ichunk_v[pl.ds(g * 16, 16)]
            p = lax.iota(jnp.int32, 16) + (ci * _ICH + g * 16)
            rel = v - scbase
            in_main = jnp.logical_and(v >= scbase, v < scbase + _SCROWS)
            stripe = lax.rem(lax.shift_right_logical(rel, 8), _NS)
            m_main = jnp.logical_and(in_main, stripe == s)
            m_x = jnp.logical_and(v >= _XBASE, is_x)
            m = jnp.logical_or(m_main, m_x)
            rt_main = lax.shift_left(lax.shift_right_logical(rel, 12), 8) | (
                rel & (_W - 1)
            )
            rt_x = _XBLK + (v - _XBASE)
            rt = jnp.where(m_x, rt_x, rt_main)
            pk = lax.shift_left(rt, _POSB) | p
            plsc.store_compressed(lpk_v.at[pl.ds(n, 16)], pk, mask=m)
            return n + plsc.all_reduce_population_count(m)[0]

        return lax.fori_loop(0, _ICH // 16, scan_g, n)

    n = lax.fori_loop(0, BATCH // _ICH, scan_chunk, jnp.int32(0))
    ng = (n + 15) // 16

    def scan_and_emit(r0rel, gather_row, issued):
        def scan_list(g, issued):
            q = lpk_v[pl.ds(g * 16, 16)]
            rel = lax.shift_right_logical(q, _POSB)
            m = jnp.logical_and(rel >= r0rel, rel < r0rel + _W)
            plsc.store_compressed(mpk_v.at[pl.ds(0, 16)], q, mask=m)
            cnt = plsc.all_reduce_population_count(m)[0]

            def emit(j, issued):
                jv = jnp.full((16,), 0, jnp.int32) + j
                q1 = plsc.load_gather(mpk_v.at[pl.ds(0, 16)], [jv])[0]
                pos = q1 & ((1 << _POSB) - 1)
                relv = (
                    jnp.full((16,), 0, jnp.int32)
                    + (lax.shift_right_logical(q1, _POSB) - r0rel)
                )
                oslot = lax.rem(issued, _RING)

                @pl.when(issued >= _RING)
                def _():
                    pltpu.make_async_copy(
                        out_hbm.at[0], oring_v.at[0], sem_out
                    ).wait()

                for k in range(EMBED_DIM // 16):
                    cvec = lax.iota(jnp.int32, 16) + 16 * k
                    oring_v[oslot, pl.ds(16 * k, 16)] = gather_row(cvec, relv)
                pltpu.async_copy(oring_v.at[oslot], out_hbm.at[pos], sem_out)
                return issued + 1

            return lax.fori_loop(0, cnt, emit, issued)

        return lax.fori_loop(0, ng, scan_list, issued)

    def gather_slab(slotv):
        def gather_row(cvec, relv):
            return plsc.load_gather(
                slab_v.at[pl.ds(0, 2), pl.ds(0, EMBED_DIM), pl.ds(0, _W)],
                [slotv, cvec, relv],
            )

        return gather_row

    def do_round(k, issued):
        @pl.when(k >= 1)
        def _():
            drain_slab(k - 1)

        plsc.subcore_barrier()

        @pl.when(s == 0)
        def _():
            @pl.when(k + 2 < _NCH)
            def _():
                issue_chunk(k + 2)

            @pl.when(k < _NCH)
            def _():
                drain_chunk(k)

        plsc.subcore_barrier()

        @pl.when(k < _NCH)
        def _():
            issue_slab(k)

        r0rel = jnp.where(k >= 1, (k - 1) * _W, _SENT)
        slotv = jnp.full((16,), 0, jnp.int32) + lax.rem(k + 1, 2)
        return scan_and_emit(r0rel, gather_slab(slotv), issued)

    issued = lax.fori_loop(0, _NCH + 1, do_round, jnp.int32(0))

    @pl.when(is_x)
    def _():
        for tc in range(EMBED_DIM // 8):
            pltpu.sync_copy(
                tq_hbm.at[pl.ds(tc * 8, 8), pl.ds(_XBASE, _W)],
                slab_v.at[0, pl.ds(tc * 8, 8)],
            )
            pltpu.sync_copy(
                tq_hbm.at[pl.ds(tc * 8, 8), pl.ds(_XBASE + _W, _W)],
                slab_v.at[1, pl.ds(tc * 8, 8)],
            )
            pltpu.sync_copy(
                tq_hbm.at[pl.ds(tc * 8, 8), pl.ds(_XBASE + 2 * _W, 64)],
                tail_v.at[pl.ds(tc * 8, 8)],
            )

    issued = scan_and_emit(
        jnp.int32(_XBLK),
        gather_slab(jnp.full((16,), 0, jnp.int32)),
        issued,
    )
    issued = scan_and_emit(
        jnp.int32(_XBLK + _W),
        gather_slab(jnp.full((16,), 1, jnp.int32)),
        issued,
    )

    def gather_tail(cvec, relv):
        return plsc.load_gather(
            tail_v.at[pl.ds(0, EMBED_DIM), pl.ds(0, 64)], [cvec, relv]
        )

    issued = scan_and_emit(jnp.int32(_TAILB), gather_tail, issued)

    def drain_out(i, _):
        pltpu.make_async_copy(out_hbm.at[0], oring_v.at[0], sem_out).wait()
        return 0

    lax.fori_loop(0, jnp.minimum(issued, _RING), drain_out, 0)


def kernel(x, table):
    out = _gather(x.reshape(BATCH), table.T)
    return out.reshape(BATCH, 1, EMBED_DIM)

# --- scband reference (transcript-rebuilt; emitter-appended) ---
"""Pipeline reference for scband-context-embedding-40879498728956 (READ-ONLY COPY).

The authoritative reference and input builder live on the scoring server;
editing this copy changes nothing except your own understanding.
"""

import jax, jax.numpy as jnp
import numpy as np

VOCAB = 1000000
EMBED_DIM = 64
BATCH = 16384

def setup_inputs(seed: int = 0) -> dict:
    key = jax.random.key(seed)
    k_idx, k_tab = jax.random.split(key)
    x = jax.random.randint(k_idx, (BATCH, 1), 0, VOCAB, dtype=jnp.int64 if jax.config.read('jax_enable_x64') else jnp.int32)
    table = jax.random.normal(k_tab, (VOCAB, EMBED_DIM), dtype=jnp.float32) * 0.02
    return {"x": x, "table": table}

def reference(x, table):
    # ContextEmbedding.forward with output_shape=None: pure embedding lookup.
    # x: (n, 1) int indices -> embedding: (n, 1, embed_dim)
    embedding = jnp.take(table, x, axis=0)
    return embedding

if __name__ == "__main__":
    import jax
    _d = setup_inputs()
    print(jax.jit(kernel)(*tuple(_d.values())))

</pallas_src>

<mosaic_0001>
#map = affine_map<(d0, d1) -> (0)>
#map1 = affine_map<(d0, d1) -> (0, 0)>
module attributes {stable_mosaic.version = 14 : i64} {
  func.func @_gather(%arg0: i32, %arg1: i32, %arg2: memref<16384xi32, #tpu.memory_space<hbm>>, %arg3: memref<64x1000000xf32, #tpu.memory_space<hbm>>, %arg4: memref<16384x64xf32, #tpu.memory_space<hbm>>, %arg5: memref<4096xi32, #tpu.memory_space<vmem>>, %arg6: memref<16400xi32, #tpu.memory_space<vmem>>, %arg7: memref<2x64x256xf32, #tpu.memory_space<vmem>>, %arg8: memref<16xi32, #tpu.memory_space<vmem>>, %arg9: memref<16x64xf32, #tpu.memory_space<vmem>>, %arg10: memref<64x64xf32, #tpu.memory_space<vmem>>, %arg11: memref<3x64x4096xf32, #tpu.memory_space<vmem_shared>>, %arg12: memref<!tpu.dma_semaphore, #tpu.memory_space<semaphore_mem>>, %arg13: memref<!tpu.dma_semaphore, #tpu.memory_space<semaphore_mem>>, %arg14: memref<!tpu.dma_semaphore, #tpu.memory_space<semaphore_mem>>, %arg15: memref<!tpu.dma_semaphore, #tpu.memory_space<semaphore_mem>>, %arg16: memref<!tpu.dma_semaphore, #tpu.memory_space<semaphore_mem>>, %arg17: memref<!tpu.dma_semaphore, #tpu.memory_space<semaphore_mem>>) attributes {dimension_semantics = [#tpu.dimension_semantics<core_parallel>, #tpu.dimension_semantics<subcore_parallel>], iteration_bounds = array<i64: 2, 16>, scalar_prefetch = 0 : i64, scratch_operands = 13 : i64, tpu.core_type = #tpu.core_type<sc_vector_subcore>, window_params = [{transform_indices = #map}, {transform_indices = #map1}, {transform_indices = #map1}]} {
    %mul3A = arith.constant 499712 : i32
    %mul3A_0 = arith.muli %arg0, %mul3A : i32
    %eq3A = arith.constant 1 : i32
    %eq3A_1 = arith.cmpi eq, %arg0, %eq3A : i32
    %eq3A_2 = arith.constant 15 : i32
    %eq3A_3 = arith.cmpi eq, %arg1, %eq3A_2 : i32
    %and3A = arith.andi %eq3A_1, %eq3A_3 : i1
    %eq3A_4 = arith.constant 0 : i32
    %eq3A_5 = arith.cmpi eq, %arg1, %eq3A_4 : i32
    %convert_element_type3A = arith.extui %eq3A_5 : i1 to i32
    %cond3A = arith.constant 0 : i32
    %cond3A_6 = arith.cmpi ne, %convert_element_type3A, %cond3A : i32
    scf.if %cond3A_6 {
      %mul3A_92 = arith.constant 0 : i32
      %mul3A_93 = arith.constant 4096 : i32
      %mul3A_94 = arith.muli %mul3A_92, %mul3A_93 : i32
      %add3A_95 = arith.addi %mul3A_0, %mul3A_94 : i32
      %rem3A_96 = arith.constant 0 : i32
      %rem3A_97 = arith.constant 3 : i32
      %rem3A_98 = arith.remsi %rem3A_96, %rem3A_97 : i32
      %eq3A_99 = arith.constant 0 : i32
      %eq3A_100 = arith.cmpi eq, %rem3A_98, %eq3A_99 : i32
      %convert_element_type3A_101 = arith.extui %eq3A_100 : i1 to i32
      %cond3A_102 = arith.constant 0 : i32
      %cond3A_103 = arith.cmpi ne, %convert_element_type3A_101, %cond3A_102 : i32
      scf.if %cond3A_103 {
        %dma_start3A = arith.constant 0 : i32
        %dma_start3A_148 = arith.constant 0 : i32
        %dma_start3A_149 = arith.constant 0 : i32
        %dma_start3A_150 = tpu.memref_slice %arg11[%dma_start3A, %dma_start3A_148, %dma_start3A_149] : memref<3x64x4096xf32, #tpu.memory_space<vmem_shared>> -> memref<1x8x4096xf32, #tpu.memory_space<vmem_shared>>
        %dma_start3A_151 = tpu.memref_squeeze %dma_start3A_150 : memref<1x8x4096xf32, #tpu.memory_space<vmem_shared>> -> memref<8x4096xf32, #tpu.memory_space<vmem_shared>>
        %dma_start3A_152 = arith.constant 0 : i32
        %dma_start3A_153 = tpu.memref_slice %arg3[%dma_start3A_152, %add3A_95] : memref<64x1000000xf32, #tpu.memory_space<hbm>> -> memref<8x4096xf32, #tpu.memory_space<hbm>>
        tpu.enqueue_dma source(%dma_start3A_153 : memref<8x4096xf32, #tpu.memory_space<hbm>>) target(%dma_start3A_151 : memref<8x4096xf32, #tpu.memory_space<vmem_shared>>) target_semaphore(%arg14 : memref<!tpu.dma_semaphore, #tpu.memory_space<semaphore_mem>>)
        %dma_start3A_154 = arith.constant 0 : i32
        %dma_start3A_155 = arith.constant 8 : i32
        %dma_start3A_156 = arith.constant 0 : i32
        %dma_start3A_157 = tpu.memref_slice %arg11[%dma_start3A_154, %dma_start3A_155, %dma_start3A_156] : memref<3x64x4096xf32, #tpu.memory_space<vmem_shared>> -> memref<1x8x4096xf32, #tpu.memory_space<vmem_shared>>
        %dma_start3A_158 = tpu.memref_squeeze %dma_start3A_157 : memref<1x8x4096xf32, #tpu.memory_space<vmem_shared>> -> memref<8x4096xf32, #tpu.memory_space<vmem_shared>>
        %dma_start3A_159 = arith.constant 8 : i32
        %dma_start3A_160 = tpu.memref_slice %arg3[%dma_start3A_159, %add3A_95] : memref<64x1000000xf32, #tpu.memory_space<hbm>> -> memref<8x4096xf32, #tpu.memory_space<hbm>>
        tpu.enqueue_dma source(%dma_start3A_160 : memref<8x4096xf32, #tpu.memory_space<hbm>>) target(%dma_start3A_158 : memref<8x4096xf32, #tpu.memory_space<vmem_shared>>) target_semaphore(%arg14 : memref<!tpu.dma_semaphore, #tpu.memory_space<semaphore_mem>>)
        %dma_start3A_161 = arith.constant 0 : i32
        %dma_start3A_162 = arith.constant 16 : i32
        %dma_start3A_163 = arith.constant 0 : i32
        %dma_start3A_164 = tpu.memref_slice %arg11[%dma_start3A_161, %dma_start3A_162, %dma_start3A_163] : memref<3x64x4096xf32, #tpu.memory_space<vmem_shared>> -> memref<1x8x4096xf32, #tpu.memory_space<vmem_shared>>
        %dma_start3A_165 = tpu.memref_squeeze %dma_start3A_164 : memref<1x8x4096xf32, #tpu.memory_space<vmem_shared>> -> memref<8x4096xf32, #tpu.memory_space<vmem_shared>>
        %dma_start3A_166 = arith.constant 16 : i32
        %dma_start3A_167 = tpu.memref_slice %arg3[%dma_start3A_166, %add3A_95] : memref<64x1000000xf32, #tpu.memory_space<hbm>> -> memref<8x4096xf32, #tpu.memory_space<hbm>>
        tpu.enqueue_dma source(%dma_start3A_167 : memref<8x4096xf32, #tpu.memory_space<hbm>>) target(%dma_start3A_165 : memref<8x4096xf32, #tpu.memory_space<vmem_shared>>) target_semaphore(%arg14 : memref<!tpu.dma_semaphore, #tpu.memory_space<semaphore_mem>>)
        %dma_start3A_168 = arith.constant 0 : i32
        %dma_start3A_169 = arith.constant 24 : i32
        %dma_start3A_170 = arith.constant 0 : i32
        %dma_start3A_171 = tpu.memref_slice %arg11[%dma_start3A_168, %dma_start3A_169, %dma_start3A_170] : memref<3x64x4096xf32, #tpu.memory_space<vmem_shared>> -> memref<1x8x4096xf32, #tpu.memory_space<vmem_shared>>
        %dma_start3A_172 = tpu.memref_squeeze %dma_start3A_171 : memref<1x8x4096xf32, #tpu.memory_space<vmem_shared>> -> memref<8x4096xf32, #tpu.memory_space<vmem_shared>>
        %dma_start3A_173 = arith.constant 24 : i32
        %dma_start3A_174 = tpu.memref_slice %arg3[%dma_start3A_173, %add3A_95] : memref<64x1000000xf32, #tpu.memory_space<hbm>> -> memref<8x4096xf32, #tpu.memory_space<hbm>>
        tpu.enqueue_dma source(%dma_start3A_174 : memref<8x4096xf32, #tpu.memory_space<hbm>>) target(%dma_start3A_172 : memref<8x4096xf32, #tpu.memory_space<vmem_shared>>) target_semaphore(%arg14 : memref<!tpu.dma_semaphore, #tpu.memory_space<semaphore_mem>>)
        %dma_start3A_175 = arith.constant 0 : i32
        %dma_start3A_176 = arith.constant 32 : i32
        %dma_start3A_177 = arith.constant 0 : i32
        %dma_start3A_178 = tpu.memref_slice %arg11[%dma_start3A_175, %dma_start3A_176, %dma_start3A_177] : memref<3x64x4096xf32, #tpu.memory_space<vmem_shared>> -> memref<1x8x4096xf32, #tpu.memory_space<vmem_shared>>
        %dma_start3A_179 = tpu.memref_squeeze %dma_start3A_178 : memref<1x8x4096xf32, #tpu.memory_space<vmem_shared>> -> memref<8x4096xf32, #tpu.memory_space<vmem_shared>>
        %dma_start3A_180 = arith.constant 32 : i32
        %dma_start3A_181 = tpu.memref_slice %arg3[%dma_start3A_180, %add3A_95] : memref<64x1000000xf32, #tpu.memory_space<hbm>> -> memref<8x4096xf32, #tpu.memory_space<hbm>>
        tpu.enqueue_dma source(%dma_start3A_181 : memref<8x4096xf32, #tpu.memory_space<hbm>>) target(%dma_start3A_179 : memref<8x4096xf32, #tpu.memory_space<vmem_shared>>) target_semaphore(%arg14 : memref<!tpu.dma_semaphore, #tpu.memory_space<semaphore_mem>>)
        %dma_start3A_182 = arith.constant 0 : i32
        %dma_start3A_183 = arith.constant 40 : i32
        %dma_start3A_184 = arith.constant 0 : i32
        %dma_start3A_185 = tpu.memref_slice %arg11[%dma_start3A_182, %dma_start3A_183, %dma_start3A_184] : memref<3x64x4096xf32, #tpu.memory_space<vmem_shared>> -> memref<1x8x4096xf32, #tpu.memory_space<vmem_shared>>
        %dma_start3A_186 = tpu.memref_squeeze %dma_start3A_185 : memref<1x8x4096xf32, #tpu.memory_space<vmem_shared>> -> memref<8x4096xf32, #tpu.memory_space<vmem_shared>>
        %dma_start3A_187 = arith.constant 40 : i32
        %dma_start3A_188 = tpu.memref_slice %arg3[%dma_start3A_187, %add3A_95] : memref<64x1000000xf32, #tpu.memory_space<hbm>> -> memref<8x4096xf32, #tpu.memory_space<hbm>>
        tpu.enqueue_dma source(%dma_start3A_188 : memref<8x4096xf32, #tpu.memory_space<hbm>>) target(%dma_start3A_186 : memref<8x4096xf32, #tpu.memory_space<vmem_shared>>) target_semaphore(%arg14 : memref<!tpu.dma_semaphore, #tpu.memory_space<semaphore_mem>>)
        %dma_start3A_189 = arith.constant 0 : i32
        %dma_start3A_190 = arith.constant 48 : i32
        %dma_start3A_191 = arith.constant 0 : i32
        %dma_start3A_192 = tpu.memref_slice %arg11[%dma_start3A_189, %dma_start3A_190, %dma_start3A_191] : memref<3x64x4096xf32, #tpu.memory_space<vmem_shared>> -> memref<1x8x4096xf32, #tpu.memory_space<vmem_shared>>
        %dma_start3A_193 = tpu.memref_squeeze %dma_start3A_192 : memref<1x8x4096xf32, #tpu.memory_space<vmem_shared>> -> memref<8x4096xf32, #tpu.memory_space<vmem_shared>>
        %dma_start3A_194 = arith.constant 48 : i32
        %dma_start3A_195 = tpu.memref_slice %arg3[%dma_start3A_194, %add3A_95] : memref<64x1000000xf32, #tpu.memory_space<hbm>> -> memref<8x4096xf32, #tpu.memory_space<hbm>>
        tpu.enqueue_dma source(%dma_start3A_195 : memref<8x4096xf32, #tpu.memory_space<hbm>>) target(%dma_start3A_193 : memref<8x4096xf32, #tpu.memory_space<vmem_shared>>) target_semaphore(%arg14 : memref<!tpu.dma_semaphore, #tpu.memory_space<semaphore_mem>>)
        %dma_start3A_196 = arith.constant 0 : i32
        %dma_start3A_197 = arith.constant 56 : i32
        %dma_start3A_198 = arith.constant 0 : i32
        %dma_start3A_199 = tpu.memref_slice %arg11[%dma_start3A_196, %dma_start3A_197, %dma_start3A_198] : memref<3x64x4096xf32, #tpu.memory_space<vmem_shared>> -> memref<1x8x4096xf32, #tpu.memory_space<vmem_shared>>
        %dma_start3A_200 = tpu.memref_squeeze %dma_start3A_199 : memref<1x8x4096xf32, #tpu.memory_space<vmem_shared>> -> memref<8x4096xf32, #tpu.memory_space<vmem_shared>>
        %dma_start3A_201 = arith.constant 56 : i32
        %dma_start3A_202 = tpu.memref_slice %arg3[%dma_start3A_201, %add3A_95] : memref<64x1000000xf32, #tpu.memory_space<hbm>> -> memref<8x4096xf32, #tpu.memory_space<hbm>>
        tpu.enqueue_dma source(%dma_start3A_202 : memref<8x4096xf32, #tpu.memory_space<hbm>>) target(%dma_start3A_200 : memref<8x4096xf32, #tpu.memory_space<vmem_shared>>) target_semaphore(%arg14 : memref<!tpu.dma_semaphore, #tpu.memory_space<semaphore_mem>>)
      } else {
      }
      %rem3A_104 = arith.constant 0 : i32
      %rem3A_105 = arith.constant 3 : i32
      %rem3A_106 = arith.remsi %rem3A_104, %rem3A_105 : i32
      %eq3A_107 = arith.constant 1 : i32
      %eq3A_108 = arith.cmpi eq, %rem3A_106, %eq3A_107 : i32
      %convert_element_type3A_109 = arith.extui %eq3A_108 : i1 to i32
      %cond3A_110 = arith.constant 0 : i32
      %cond3A_111 = arith.cmpi ne, %convert_element_type3A_109, %cond3A_110 : i32
      scf.if %cond3A_111 {
        %dma_start3A = arith.constant 1 : i32
        %dma_start3A_148 = arith.constant 0 : i32
        %dma_start3A_149 = arith.constant 0 : i32
        %dma_start3A_150 = tpu.memref_slice %arg11[%dma_start3A, %dma_start3A_148, %dma_start3A_149] : memref<3x64x4096xf32, #tpu.memory_space<vmem_shared>> -> memref<1x8x4096xf32, #tpu.memory_space<vmem_shared>>
        %dma_start3A_151 = tpu.memref_squeeze %dma_start3A_150 : memref<1x8x4096xf32, #tpu.memory_space<vmem_shared>> -> memref<8x4096xf32, #tpu.memory_space<vmem_shared>>
        %dma_start3A_152 = arith.constant 0 : i32
        %dma_start3A_153 = tpu.memref_slice %arg3[%dma_start3A_152, %add3A_95] : memref<64x1000000xf32, #tpu.memory_space<hbm>> -> memref<8x4096xf32, #tpu.memory_space<hbm>>
        tpu.enqueue_dma source(%dma_start3A_153 : memref<8x4096xf32, #tpu.memory_space<hbm>>) target(%dma_start3A_151 : memref<8x4096xf32, #tpu.memory_space<vmem_shared>>) target_semaphore(%arg15 : memref<!tpu.dma_semaphore, #tpu.memory_space<semaphore_mem>>)
        %dma_start3A_154 = arith.constant 1 : i32
        %dma_start3A_155 = arith.constant 8 : i32
        %dma_start3A_156 = arith.constant 0 : i32
        %dma_start3A_157 = tpu.memref_slice %arg11[%dma_start3A_154, %dma_start3A_155, %dma_start3A_156] : memref<3x64x4096xf32, #tpu.memory_space<vmem_shared>> -> memref<1x8x4096xf32, #tpu.memory_space<vmem_shared>>
        %dma_start3A_158 = tpu.memref_squeeze %dma_start3A_157 : memref<1x8x4096xf32, #tpu.memory_space<vmem_shared>> -> memref<8x4096xf32, #tpu.memory_space<vmem_shared>>
        %dma_start3A_159 = arith.constant 8 : i32
        %dma_start3A_160 = tpu.memref_slice %arg3[%dma_start3A_159, %add3A_95] : memref<64x1000000xf32, #tpu.memory_space<hbm>> -> memref<8x4096xf32, #tpu.memory_space<hbm>>
        tpu.enqueue_dma source(%dma_start3A_160 : memref<8x4096xf32, #tpu.memory_space<hbm>>) target(%dma_start3A_158 : memref<8x4096xf32, #tpu.memory_space<vmem_shared>>) target_semaphore(%arg15 : memref<!tpu.dma_semaphore, #tpu.memory_space<semaphore_mem>>)
        %dma_start3A_161 = arith.constant 1 : i32
        %dma_start3A_162 = arith.constant 16 : i32
        %dma_start3A_163 = arith.constant 0 : i32
        %dma_start3A_164 = tpu.memref_slice %arg11[%dma_start3A_161, %dma_start3A_162, %dma_start3A_163] : memref<3x64x4096xf32, #tpu.memory_space<vmem_shared>> -> memref<1x8x4096xf32, #tpu.memory_space<vmem_shared>>
        %dma_start3A_165 = tpu.memref_squeeze %dma_start3A_164 : memref<1x8x4096xf32, #tpu.memory_space<vmem_shared>> -> memref<8x4096xf32, #tpu.memory_space<vmem_shared>>
        %dma_start3A_166 = arith.constant 16 : i32
        %dma_start3A_167 = tpu.memref_slice %arg3[%dma_start3A_166, %add3A_95] : memref<64x1000000xf32, #tpu.memory_space<hbm>> -> memref<8x4096xf32, #tpu.memory_space<hbm>>
        tpu.enqueue_dma source(%dma_start3A_167 : memref<8x4096xf32, #tpu.memory_space<hbm>>) target(%dma_start3A_165 : memref<8x4096xf32, #tpu.memory_space<vmem_shared>>) target_semaphore(%arg15 : memref<!tpu.dma_semaphore, #tpu.memory_space<semaphore_mem>>)
        %dma_start3A_168 = arith.constant 1 : i32
        %dma_start3A_169 = arith.constant 24 : i32
        %dma_start3A_170 = arith.constant 0 : i32
        %dma_start3A_171 = tpu.memref_slice %arg11[%dma_start3A_168, %dma_start3A_169, %dma_start3A_170] : memref<3x64x4096xf32, #tpu.memory_space<vmem_shared>> -> memref<1x8x4096xf32, #tpu.memory_space<vmem_shared>>
        %dma_start3A_172 = tpu.memref_squeeze %dma_start3A_171 : memref<1x8x4096xf32, #tpu.memory_space<vmem_shared>> -> memref<8x4096xf32, #tpu.memory_space<vmem_shared>>
        %dma_start3A_173 = arith.constant 24 : i32
        %dma_start3A_174 = tpu.memref_slice %arg3[%dma_start3A_173, %add3A_95] : memref<64x1000000xf32, #tpu.memory_space<hbm>> -> memref<8x4096xf32, #tpu.memory_space<hbm>>
        tpu.enqueue_dma source(%dma_start3A_174 : memref<8x4096xf32, #tpu.memory_space<hbm>>) target(%dma_start3A_172 : memref<8x4096xf32, #tpu.memory_space<vmem_shared>>) target_semaphore(%arg15 : memref<!tpu.dma_semaphore, #tpu.memory_space<semaphore_mem>>)
        %dma_start3A_175 = arith.constant 1 : i32
        %dma_start3A_176 = arith.constant 32 : i32
        %dma_start3A_177 = arith.constant 0 : i32
        %dma_start3A_178 = tpu.memref_slice %arg11[%dma_start3A_175, %dma_start3A_176, %dma_start3A_177] : memref<3x64x4096xf32, #tpu.memory_space<vmem_shared>> -> memref<1x8x4096xf32, #tpu.memory_space<vmem_shared>>
        %dma_start3A_179 = tpu.memref_squeeze %dma_start3A_178 : memref<1x8x4096xf32, #tpu.memory_space<vmem_shared>> -> memref<8x4096xf32, #tpu.memory_space<vmem_shared>>
        %dma_start3A_180 = arith.constant 32 : i32
        %dma_start3A_181 = tpu.memref_slice %arg3[%dma_start3A_180, %add3A_95] : memref<64x1000000xf32, #tpu.memory_space<hbm>> -> memref<8x4096xf32, #tpu.memory_space<hbm>>
        tpu.enqueue_dma source(%dma_start3A_181 : memref<8x4096xf32, #tpu.memory_space<hbm>>) target(%dma_start3A_179 : memref<8x4096xf32, #tpu.memory_space<vmem_shared>>) target_semaphore(%arg15 : memref<!tpu.dma_semaphore, #tpu.memory_space<semaphore_mem>>)
        %dma_start3A_182 = arith.constant 1 : i32
        %dma_start3A_183 = arith.constant 40 : i32
        %dma_start3A_184 = arith.constant 0 : i32
        %dma_start3A_185 = tpu.memref_slice %arg11[%dma_start3A_182, %dma_start3A_183, %dma_start3A_184] : memref<3x64x4096xf32, #tpu.memory_space<vmem_shared>> -> memref<1x8x4096xf32, #tpu.memory_space<vmem_shared>>
        %dma_start3A_186 = tpu.memref_squeeze %dma_start3A_185 : memref<1x8x4096xf32, #tpu.memory_space<vmem_shared>> -> memref<8x4096xf32, #tpu.memory_space<vmem_shared>>
        %dma_start3A_187 = arith.constant 40 : i32
        %dma_start3A_188 = tpu.memref_slice %arg3[%dma_start3A_187, %add3A_95] : memref<64x1000000xf32, #tpu.memory_space<hbm>> -> memref<8x4096xf32, #tpu.memory_space<hbm>>
        tpu.enqueue_dma source(%dma_start3A_188 : memref<8x4096xf32, #tpu.memory_space<hbm>>) target(%dma_start3A_186 : memref<8x4096xf32, #tpu.memory_space<vmem_shared>>) target_semaphore(%arg15 : memref<!tpu.dma_semaphore, #tpu.memory_space<semaphore_mem>>)
        %dma_start3A_189 = arith.constant 1 : i32
        %dma_start3A_190 = arith.constant 48 : i32
        %dma_start3A_191 = arith.constant 0 : i32
        %dma_start3A_192 = tpu.memref_slice %arg11[%dma_start3A_189, %dma_start3A_190, %dma_start3A_191] : memref<3x64x4096xf32, #tpu.memory_space<vmem_shared>> -> memref<1x8x4096xf32, #tpu.memory_space<vmem_shared>>
        %dma_start3A_193 = tpu.memref_squeeze %dma_start3A_192 : memref<1x8x4096xf32, #tpu.memory_space<vmem_shared>> -> memref<8x4096xf32, #tpu.memory_space<vmem_shared>>
        %dma_start3A_194 = arith.constant 48 : i32
        %dma_start3A_195 = tpu.memref_slice %arg3[%dma_start3A_194, %add3A_95] : memref<64x1000000xf32, #tpu.memory_space<hbm>> -> memref<8x4096xf32, #tpu.memory_space<hbm>>
        tpu.enqueue_dma source(%dma_start3A_195 : memref<8x4096xf32, #tpu.memory_space<hbm>>) target(%dma_start3A_193 : memref<8x4096xf32, #tpu.memory_space<vmem_shared>>) target_semaphore(%arg15 : memref<!tpu.dma_semaphore, #tpu.memory_space<semaphore_mem>>)
        %dma_start3A_196 = arith.constant 1 : i32
        %dma_start3A_197 = arith.constant 56 : i32
        %dma_start3A_198 = arith.constant 0 : i32
        %dma_start3A_199 = tpu.memref_slice %arg11[%dma_start3A_196, %dma_start3A_197, %dma_start3A_198] : memref<3x64x4096xf32, #tpu.memory_space<vmem_shared>> -> memref<1x8x4096xf32, #tpu.memory_space<vmem_shared>>
        %dma_start3A_200 = tpu.memref_squeeze %dma_start3A_199 : memref<1x8x4096xf32, #tpu.memory_space<vmem_shared>> -> memref<8x4096xf32, #tpu.memory_space<vmem_shared>>
        %dma_start3A_201 = arith.constant 56 : i32
        %dma_start3A_202 = tpu.memref_slice %arg3[%dma_start3A_201, %add3A_95] : memref<64x1000000xf32, #tpu.memory_space<hbm>> -> memref<8x4096xf32, #tpu.memory_space<hbm>>
        tpu.enqueue_dma source(%dma_start3A_202 : memref<8x4096xf32, #tpu.memory_space<hbm>>) target(%dma_start3A_200 : memref<8x4096xf32, #tpu.memory_space<vmem_shared>>) target_semaphore(%arg15 : memref<!tpu.dma_semaphore, #tpu.memory_space<semaphore_mem>>)
      } else {
      }
      %rem3A_112 = arith.constant 0 : i32
      %rem3A_113 = arith.constant 3 : i32
      %rem3A_114 = arith.remsi %rem3A_112, %rem3A_113 : i32
      %eq3A_115 = arith.constant 2 : i32
      %eq3A_116 = arith.cmpi eq, %rem3A_114, %eq3A_115 : i32
      %convert_element_type3A_117 = arith.extui %eq3A_116 : i1 to i32
      %cond3A_118 = arith.constant 0 : i32
      %cond3A_119 = arith.cmpi ne, %convert_element_type3A_117, %cond3A_118 : i32
      scf.if %cond3A_119 {
        %dma_start3A = arith.constant 2 : i32
        %dma_start3A_148 = arith.constant 0 : i32
        %dma_start3A_149 = arith.constant 0 : i32
        %dma_start3A_150 = tpu.memref_slice %arg11[%dma_start3A, %dma_start3A_148, %dma_start3A_149] : memref<3x64x4096xf32, #tpu.memory_space<vmem_shared>> -> memref<1x8x4096xf32, #tpu.memory_space<vmem_shared>>
        %dma_start3A_151 = tpu.memref_squeeze %dma_start3A_150 : memref<1x8x4096xf32, #tpu.memory_space<vmem_shared>> -> memref<8x4096xf32, #tpu.memory_space<vmem_shared>>
        %dma_start3A_152 = arith.constant 0 : i32
        %dma_start3A_153 = tpu.memref_slice %arg3[%dma_start3A_152, %add3A_95] : memref<64x1000000xf32, #tpu.memory_space<hbm>> -> memref<8x4096xf32, #tpu.memory_space<hbm>>
        tpu.enqueue_dma source(%dma_start3A_153 : memref<8x4096xf32, #tpu.memory_space<hbm>>) target(%dma_start3A_151 : memref<8x4096xf32, #tpu.memory_space<vmem_shared>>) target_semaphore(%arg16 : memref<!tpu.dma_semaphore, #tpu.memory_space<semaphore_mem>>)
        %dma_start3A_154 = arith.constant 2 : i32
        %dma_start3A_155 = arith.constant 8 : i32
        %dma_start3A_156 = arith.constant 0 : i32
        %dma_start3A_157 = tpu.memref_slice %arg11[%dma_start3A_154, %dma_start3A_155, %dma_start3A_156] : memref<3x64x4096xf32, #tpu.memory_space<vmem_shared>> -> memref<1x8x4096xf32, #tpu.memory_space<vmem_shared>>
        %dma_start3A_158 = tpu.memref_squeeze %dma_start3A_157 : memref<1x8x4096xf32, #tpu.memory_space<vmem_shared>> -> memref<8x4096xf32, #tpu.memory_space<vmem_shared>>
        %dma_start3A_159 = arith.constant 8 : i32
        %dma_start3A_160 = tpu.memref_slice %arg3[%dma_start3A_159, %add3A_95] : memref<64x1000000xf32, #tpu.memory_space<hbm>> -> memref<8x4096xf32, #tpu.memory_space<hbm>>
        tpu.enqueue_dma source(%dma_start3A_160 : memref<8x4096xf32, #tpu.memory_space<hbm>>) target(%dma_start3A_158 : memref<8x4096xf32, #tpu.memory_space<vmem_shared>>) target_semaphore(%arg16 : memref<!tpu.dma_semaphore, #tpu.memory_space<semaphore_mem>>)
        %dma_start3A_161 = arith.constant 2 : i32
        %dma_start3A_162 = arith.constant 16 : i32
        %dma_start3A_163 = arith.constant 0 : i32
        %dma_start3A_164 = tpu.memref_slice %arg11[%dma_start3A_161, %dma_start3A_162, %dma_start3A_163] : memref<3x64x4096xf32, #tpu.memory_space<vmem_shared>> -> memref<1x8x4096xf32, #tpu.memory_space<vmem_shared>>
        %dma_start3A_165 = tpu.memref_squeeze %dma_start3A_164 : memref<1x8x4096xf32, #tpu.memory_space<vmem_shared>> -> memref<8x4096xf32, #tpu.memory_space<vmem_shared>>
        %dma_start3A_166 = arith.constant 16 : i32
        %dma_start3A_167 = tpu.memref_slice %arg3[%dma_start3A_166, %add3A_95] : memref<64x1000000xf32, #tpu.memory_space<hbm>> -> memref<8x4096xf32, #tpu.memory_space<hbm>>
        tpu.enqueue_dma source(%dma_start3A_167 : memref<8x4096xf32, #tpu.memory_space<hbm>>) target(%dma_start3A_165 : memref<8x4096xf32, #tpu.memory_space<vmem_shared>>) target_semaphore(%arg16 : memref<!tpu.dma_semaphore, #tpu.memory_space<semaphore_mem>>)
        %dma_start3A_168 = arith.constant 2 : i32
        %dma_start3A_169 = arith.constant 24 : i32
        %dma_start3A_170 = arith.constant 0 : i32
        %dma_start3A_171 = tpu.memref_slice %arg11[%dma_start3A_168, %dma_start3A_169, %dma_start3A_170] : memref<3x64x4096xf32, #tpu.memory_space<vmem_shared>> -> memref<1x8x4096xf32, #tpu.memory_space<vmem_shared>>
        %dma_start3A_172 = tpu.memref_squeeze %dma_start3A_171 : memref<1x8x4096xf32, #tpu.memory_space<vmem_shared>> -> memref<8x4096xf32, #tpu.memory_space<vmem_shared>>
        %dma_start3A_173 = arith.constant 24 : i32
        %dma_start3A_174 = tpu.memref_slice %arg3[%dma_start3A_173, %add3A_95] : memref<64x1000000xf32, #tpu.memory_space<hbm>> -> memref<8x4096xf32, #tpu.memory_space<hbm>>
        tpu.enqueue_dma source(%dma_start3A_174 : memref<8x4096xf32, #tpu.memory_space<hbm>>) target(%dma_start3A_172 : memref<8x4096xf32, #tpu.memory_space<vmem_shared>>) target_semaphore(%arg16 : memref<!tpu.dma_semaphore, #tpu.memory_space<semaphore_mem>>)
        %dma_start3A_175 = arith.constant 2 : i32
        %dma_start3A_176 = arith.constant 32 : i32
        %dma_start3A_177 = arith.constant 0 : i32
        %dma_start3A_178 = tpu.memref_slice %arg11[%dma_start3A_175, %dma_start3A_176, %dma_start3A_177] : memref<3x64x4096xf32, #tpu.memory_space<vmem_shared>> -> memref<1x8x4096xf32, #tpu.memory_space<vmem_shared>>
        %dma_start3A_179 = tpu.memref_squeeze %dma_start3A_178 : memref<1x8x4096xf32, #tpu.memory_space<vmem_shared>> -> memref<8x4096xf32, #tpu.memory_space<vmem_shared>>
        %dma_start3A_180 = arith.constant 32 : i32
        %dma_start3A_181 = tpu.memref_slice %arg3[%dma_start3A_180, %add3A_95] : memref<64x1000000xf32, #tpu.memory_space<hbm>> -> memref<8x4096xf32, #tpu.memory_space<hbm>>
        tpu.enqueue_dma source(%dma_start3A_181 : memref<8x4096xf32, #tpu.memory_space<hbm>>) target(%dma_start3A_179 : memref<8x4096xf32, #tpu.memory_space<vmem_shared>>) target_semaphore(%arg16 : memref<!tpu.dma_semaphore, #tpu.memory_space<semaphore_mem>>)
        %dma_start3A_182 = arith.constant 2 : i32
        %dma_start3A_183 = arith.constant 40 : i32
        %dma_start3A_184 = arith.constant 0 : i32
        %dma_start3A_185 = tpu.memref_slice %arg11[%dma_start3A_182, %dma_start3A_183, %dma_start3A_184] : memref<3x64x4096xf32, #tpu.memory_space<vmem_shared>> -> memref<1x8x4096xf32, #tpu.memory_space<vmem_shared>>
        %dma_start3A_186 = tpu.memref_squeeze %dma_start3A_185 : memref<1x8x4096xf32, #tpu.memory_space<vmem_shared>> -> memref<8x4096xf32, #tpu.memory_space<vmem_shared>>
        %dma_start3A_187 = arith.constant 40 : i32
        %dma_start3A_188 = tpu.memref_slice %arg3[%dma_start3A_187, %add3A_95] : memref<64x1000000xf32, #tpu.memory_space<hbm>> -> memref<8x4096xf32, #tpu.memory_space<hbm>>
        tpu.enqueue_dma source(%dma_start3A_188 : memref<8x4096xf32, #tpu.memory_space<hbm>>) target(%dma_start3A_186 : memref<8x4096xf32, #tpu.memory_space<vmem_shared>>) target_semaphore(%arg16 : memref<!tpu.dma_semaphore, #tpu.memory_space<semaphore_mem>>)
        %dma_start3A_189 = arith.constant 2 : i32
        %dma_start3A_190 = arith.constant 48 : i32
        %dma_start3A_191 = arith.constant 0 : i32
        %dma_start3A_192 = tpu.memref_slice %arg11[%dma_start3A_189, %dma_start3A_190, %dma_start3A_191] : memref<3x64x4096xf32, #tpu.memory_space<vmem_shared>> -> memref<1x8x4096xf32, #tpu.memory_space<vmem_shared>>
        %dma_start3A_193 = tpu.memref_squeeze %dma_start3A_192 : memref<1x8x4096xf32, #tpu.memory_space<vmem_shared>> -> memref<8x4096xf32, #tpu.memory_space<vmem_shared>>
        %dma_start3A_194 = arith.constant 48 : i32
        %dma_start3A_195 = tpu.memref_slice %arg3[%dma_start3A_194, %add3A_95] : memref<64x1000000xf32, #tpu.memory_space<hbm>> -> memref<8x4096xf32, #tpu.memory_space<hbm>>
        tpu.enqueue_dma source(%dma_start3A_195 : memref<8x4096xf32, #tpu.memory_space<hbm>>) target(%dma_start3A_193 : memref<8x4096xf32, #tpu.memory_space<vmem_shared>>) target_semaphore(%arg16 : memref<!tpu.dma_semaphore, #tpu.memory_space<semaphore_mem>>)
        %dma_start3A_196 = arith.constant 2 : i32
        %dma_start3A_197 = arith.constant 56 : i32
        %dma_start3A_198 = arith.constant 0 : i32
        %dma_start3A_199 = tpu.memref_slice %arg11[%dma_start3A_196, %dma_start3A_197, %dma_start3A_198] : memref<3x64x4096xf32, #tpu.memory_space<vmem_shared>> -> memref<1x8x4096xf32, #tpu.memory_space<vmem_shared>>
        %dma_start3A_200 = tpu.memref_squeeze %dma_start3A_199 : memref<1x8x4096xf32, #tpu.memory_space<vmem_shared>> -> memref<8x4096xf32, #tpu.memory_space<vmem_shared>>
        %dma_start3A_201 = arith.constant 56 : i32
        %dma_start3A_202 = tpu.memref_slice %arg3[%dma_start3A_201, %add3A_95] : memref<64x1000000xf32, #tpu.memory_space<hbm>> -> memref<8x4096xf32, #tpu.memory_space<hbm>>
        tpu.enqueue_dma source(%dma_start3A_202 : memref<8x4096xf32, #tpu.memory_space<hbm>>) target(%dma_start3A_200 : memref<8x4096xf32, #tpu.memory_space<vmem_shared>>) target_semaphore(%arg16 : memref<!tpu.dma_semaphore, #tpu.memory_space<semaphore_mem>>)
      } else {
      }
      %mul3A_120 = arith.constant 1 : i32
      %mul3A_121 = arith.constant 4096 : i32
      %mul3A_122 = arith.muli %mul3A_120, %mul3A_121 : i32
      %add3A_123 = arith.addi %mul3A_0, %mul3A_122 : i32
      %rem3A_124 = arith.constant 1 : i32
      %rem3A_125 = arith.constant 3 : i32
      %rem3A_126 = arith.remsi %rem3A_124, %rem3A_125 : i32
      %eq3A_127 = arith.constant 0 : i32
      %eq3A_128 = arith.cmpi eq, %rem3A_126, %eq3A_127 : i32
      %convert_element_type3A_129 = arith.extui %eq3A_128 : i1 to i32
      %cond3A_130 = arith.constant 0 : i32
      %cond3A_131 = arith.cmpi ne, %convert_element_type3A_129, %cond3A_130 : i32
      scf.if %cond3A_131 {
        %dma_start3A = arith.constant 0 : i32
        %dma_start3A_148 = arith.constant 0 : i32
        %dma_start3A_149 = arith.constant 0 : i32
        %dma_start3A_150 = tpu.memref_slice %arg11[%dma_start3A, %dma_start3A_148, %dma_start3A_149] : memref<3x64x4096xf32, #tpu.memory_space<vmem_shared>> -> memref<1x8x4096xf32, #tpu.memory_space<vmem_shared>>
        %dma_start3A_151 = tpu.memref_squeeze %dma_start3A_150 : memref<1x8x4096xf32, #tpu.memory_space<vmem_shared>> -> memref<8x4096xf32, #tpu.memory_space<vmem_shared>>
        %dma_start3A_152 = arith.constant 0 : i32
        %dma_start3A_153 = tpu.memref_slice %arg3[%dma_start3A_152, %add3A_123] : memref<64x1000000xf32, #tpu.memory_space<hbm>> -> memref<8x4096xf32, #tpu.memory_space<hbm>>
        tpu.enqueue_dma source(%dma_start3A_153 : memref<8x4096xf32, #tpu.memory_space<hbm>>) target(%dma_start3A_151 : memref<8x4096xf32, #tpu.memory_space<vmem_shared>>) target_semaphore(%arg14 : memref<!tpu.dma_semaphore, #tpu.memory_space<semaphore_mem>>)
        %dma_start3A_154 = arith.constant 0 : i32
        %dma_start3A_155 = arith.constant 8 : i32
        %dma_start3A_156 = arith.constant 0 : i32
        %dma_start3A_157 = tpu.memref_slice %arg11[%dma_start3A_154, %dma_start3A_155, %dma_start3A_156] : memref<3x64x4096xf32, #tpu.memory_space<vmem_shared>> -> memref<1x8x4096xf32, #tpu.memory_space<vmem_shared>>
        %dma_start3A_158 = tpu.memref_squeeze %dma_start3A_157 : memref<1x8x4096xf32, #tpu.memory_space<vmem_shared>> -> memref<8x4096xf32, #tpu.memory_space<vmem_shared>>
        %dma_start3A_159 = arith.constant 8 : i32
        %dma_start3A_160 = tpu.memref_slice %arg3[%dma_start3A_159, %add3A_123] : memref<64x1000000xf32, #tpu.memory_space<hbm>> -> memref<8x4096xf32, #tpu.memory_space<hbm>>
        tpu.enqueue_dma source(%dma_start3A_160 : memref<8x4096xf32, #tpu.memory_space<hbm>>) target(%dma_start3A_158 : memref<8x4096xf32, #tpu.memory_space<vmem_shared>>) target_semaphore(%arg14 : memref<!tpu.dma_semaphore, #tpu.memory_space<semaphore_mem>>)
        %dma_start3A_161 = arith.constant 0 : i32
        %dma_start3A_162 = arith.constant 16 : i32
        %dma_start3A_163 = arith.constant 0 : i32
        %dma_start3A_164 = tpu.memref_slice %arg11[%dma_start3A_161, %dma_start3A_162, %dma_start3A_163] : memref<3x64x4096xf32, #tpu.memory_space<vmem_shared>> -> memref<1x8x4096xf32, #tpu.memory_space<vmem_shared>>
        %dma_start3A_165 = tpu.memref_squeeze %dma_start3A_164 : memref<1x8x4096xf32, #tpu.memory_space<vmem_shared>> -> memref<8x4096xf32, #tpu.memory_space<vmem_shared>>
        %dma_start3A_166 = arith.constant 16 : i32
        %dma_start3A_167 = tpu.memref_slice %arg3[%dma_start3A_166, %add3A_123] : memref<64x1000000xf32, #tpu.memory_space<hbm>> -> memref<8x4096xf32, #tpu.memory_space<hbm>>
        tpu.enqueue_dma source(%dma_start3A_167 : memref<8x4096xf32, #tpu.memory_space<hbm>>) target(%dma_start3A_165 : memref<8x4096xf32, #tpu.memory_space<vmem_shared>>) target_semaphore(%arg14 : memref<!tpu.dma_semaphore, #tpu.memory_space<semaphore_mem>>)
        %dma_start3A_168 = arith.constant 0 : i32
        %dma_start3A_169 = arith.constant 24 : i32
        %dma_start3A_170 = arith.constant 0 : i32
        %dma_start3A_171 = tpu.memref_slice %arg11[%dma_start3A_168, %dma_start3A_169, %dma_start3A_170] : memref<3x64x4096xf32, #tpu.memory_space<vmem_shared>> -> memref<1x8x4096xf32, #tpu.memory_space<vmem_shared>>
        %dma_start3A_172 = tpu.memref_squeeze %dma_start3A_171 : memref<1x8x4096xf32, #tpu.memory_space<vmem_shared>> -> memref<8x4096xf32, #tpu.memory_space<vmem_shared>>
        %dma_start3A_173 = arith.constant 24 : i32
        %dma_start3A_174 = tpu.memref_slice %arg3[%dma_start3A_173, %add3A_123] : memref<64x1000000xf32, #tpu.memory_space<hbm>> -> memref<8x4096xf32, #tpu.memory_space<hbm>>
        tpu.enqueue_dma source(%dma_start3A_174 : memref<8x4096xf32, #tpu.memory_space<hbm>>) target(%dma_start3A_172 : memref<8x4096xf32, #tpu.memory_space<vmem_shared>>) target_semaphore(%arg14 : memref<!tpu.dma_semaphore, #tpu.memory_space<semaphore_mem>>)
        %dma_start3A_175 = arith.constant 0 : i32
        %dma_start3A_176 = arith.constant 32 : i32
        %dma_start3A_177 = arith.constant 0 : i32
        %dma_start3A_178 = tpu.memref_slice %arg11[%dma_start3A_175, %dma_start3A_176, %dma_start3A_177] : memref<3x64x4096xf32, #tpu.memory_space<vmem_shared>> -> memref<1x8x4096xf32, #tpu.memory_space<vmem_shared>>
        %dma_start3A_179 = tpu.memref_squeeze %dma_start3A_178 : memref<1x8x4096xf32, #tpu.memory_space<vmem_shared>> -> memref<8x4096xf32, #tpu.memory_space<vmem_shared>>
        %dma_start3A_180 = arith.constant 32 : i32
        %dma_start3A_181 = tpu.memref_slice %arg3[%dma_start3A_180, %add3A_123] : memref<64x1000000xf32, #tpu.memory_space<hbm>> -> memref<8x4096xf32, #tpu.memory_space<hbm>>
        tpu.enqueue_dma source(%dma_start3A_181 : memref<8x4096xf32, #tpu.memory_space<hbm>>) target(%dma_start3A_179 : memref<8x4096xf32, #tpu.memory_space<vmem_shared>>) target_semaphore(%arg14 : memref<!tpu.dma_semaphore, #tpu.memory_space<semaphore_mem>>)
        %dma_start3A_182 = arith.constant 0 : i32
        %dma_start3A_183 = arith.constant 40 : i32
        %dma_start3A_184 = arith.constant 0 : i32
        %dma_start3A_185 = tpu.memref_slice %arg11[%dma_start3A_182, %dma_start3A_183, %dma_start3A_184] : memref<3x64x4096xf32, #tpu.memory_space<vmem_shared>> -> memref<1x8x4096xf32, #tpu.memory_space<vmem_shared>>
        %dma_start3A_186 = tpu.memref_squeeze %dma_start3A_185 : memref<1x8x4096xf32, #tpu.memory_space<vmem_shared>> -> memref<8x4096xf32, #tpu.memory_space<vmem_shared>>
        %dma_start3A_187 = arith.constant 40 : i32
        %dma_start3A_188 = tpu.memref_slice %arg3[%dma_start3A_187, %add3A_123] : memref<64x1000000xf32, #tpu.memory_space<hbm>> -> memref<8x4096xf32, #tpu.memory_space<hbm>>
        tpu.enqueue_dma source(%dma_start3A_188 : memref<8x4096xf32, #tpu.memory_space<hbm>>) target(%dma_start3A_186 : memref<8x4096xf32, #tpu.memory_space<vmem_shared>>) target_semaphore(%arg14 : memref<!tpu.dma_semaphore, #tpu.memory_space<semaphore_mem>>)
        %dma_start3A_189 = arith.constant 0 : i32
        %dma_start3A_190 = arith.constant 48 : i32
        %dma_start3A_191 = arith.constant 0 : i32
        %dma_start3A_192 = tpu.memref_slice %arg11[%dma_start3A_189, %dma_start3A_190, %dma_start3A_191] : memref<3x64x4096xf32, #tpu.memory_space<vmem_shared>> -> memref<1x8x4096xf32, #tpu.memory_space<vmem_shared>>
        %dma_start3A_193 = tpu.memref_squeeze %dma_start3A_192 : memref<1x8x4096xf32, #tpu.memory_space<vmem_shared>> -> memref<8x4096xf32, #tpu.memory_space<vmem_shared>>
        %dma_start3A_194 = arith.constant 48 : i32
        %dma_start3A_195 = tpu.memref_slice %arg3[%dma_start3A_194, %add3A_123] : memref<64x1000000xf32, #tpu.memory_space<hbm>> -> memref<8x4096xf32, #tpu.memory_space<hbm>>
        tpu.enqueue_dma source(%dma_start3A_195 : memref<8x4096xf32, #tpu.memory_space<hbm>>) target(%dma_start3A_193 : memref<8x4096xf32, #tpu.memory_space<vmem_shared>>) target_semaphore(%arg14 : memref<!tpu.dma_semaphore, #tpu.memory_space<semaphore_mem>>)
        %dma_start3A_196 = arith.constant 0 : i32
        %dma_start3A_197 = arith.constant 56 : i32
        %dma_start3A_198 = arith.constant 0 : i32
        %dma_start3A_199 = tpu.memref_slice %arg11[%dma_start3A_196, %dma_start3A_197, %dma_start3A_198] : memref<3x64x4096xf32, #tpu.memory_space<vmem_shared>> -> memref<1x8x4096xf32, #tpu.memory_space<vmem_shared>>
        %dma_start3A_200 = tpu.memref_squeeze %dma_start3A_199 : memref<1x8x4096xf32, #tpu.memory_space<vmem_shared>> -> memref<8x4096xf32, #tpu.memory_space<vmem_shared>>
        %dma_start3A_201 = arith.constant 56 : i32
        %dma_start3A_202 = tpu.memref_slice %arg3[%dma_start3A_201, %add3A_123] : memref<64x1000000xf32, #tpu.memory_space<hbm>> -> memref<8x4096xf32, #tpu.memory_space<hbm>>
        tpu.enqueue_dma source(%dma_start3A_202 : memref<8x4096xf32, #tpu.memory_space<hbm>>) target(%dma_start3A_200 : memref<8x4096xf32, #tpu.memory_space<vmem_shared>>) target_semaphore(%arg14 : memref<!tpu.dma_semaphore, #tpu.memory_space<semaphore_mem>>)
      } else {
      }
      %rem3A_132 = arith.constant 1 : i32
      %rem3A_133 = arith.constant 3 : i32
      %rem3A_134 = arith.remsi %rem3A_132, %rem3A_133 : i32
      %eq3A_135 = arith.constant 1 : i32
      %eq3A_136 = arith.cmpi eq, %rem3A_134, %eq3A_135 : i32
      %convert_element_type3A_137 = arith.extui %eq3A_136 : i1 to i32
      %cond3A_138 = arith.constant 0 : i32
      %cond3A_139 = arith.cmpi ne, %convert_element_type3A_137, %cond3A_138 : i32
      scf.if %cond3A_139 {
        %dma_start3A = arith.constant 1 : i32
        %dma_start3A_148 = arith.constant 0 : i32
        %dma_start3A_149 = arith.constant 0 : i32
        %dma_start3A_150 = tpu.memref_slice %arg11[%dma_start3A, %dma_start3A_148, %dma_start3A_149] : memref<3x64x4096xf32, #tpu.memory_space<vmem_shared>> -> memref<1x8x4096xf32, #tpu.memory_space<vmem_shared>>
        %dma_start3A_151 = tpu.memref_squeeze %dma_start3A_150 : memref<1x8x4096xf32, #tpu.memory_space<vmem_shared>> -> memref<8x4096xf32, #tpu.memory_space<vmem_shared>>
        %dma_start3A_152 = arith.constant 0 : i32
        %dma_start3A_153 = tpu.memref_slice %arg3[%dma_start3A_152, %add3A_123] : memref<64x1000000xf32, #tpu.memory_space<hbm>> -> memref<8x4096xf32, #tpu.memory_space<hbm>>
        tpu.enqueue_dma source(%dma_start3A_153 : memref<8x4096xf32, #tpu.memory_space<hbm>>) target(%dma_start3A_151 : memref<8x4096xf32, #tpu.memory_space<vmem_shared>>) target_semaphore(%arg15 : memref<!tpu.dma_semaphore, #tpu.memory_space<semaphore_mem>>)
        %dma_start3A_154 = arith.constant 1 : i32
        %dma_start3A_155 = arith.constant 8 : i32
        %dma_start3A_156 = arith.constant 0 : i32
        %dma_start3A_157 = tpu.memref_slice %arg11[%dma_start3A_154, %dma_start3A_155, %dma_start3A_156] : memref<3x64x4096xf32, #tpu.memory_space<vmem_shared>> -> memref<1x8x4096xf32, #tpu.memory_space<vmem_shared>>
        %dma_start3A_158 = tpu.memref_squeeze %dma_start3A_157 : memref<1x8x4096xf32, #tpu.memory_space<vmem_shared>> -> memref<8x4096xf32, #tpu.memory_space<vmem_shared>>
        %dma_start3A_159 = arith.constant 8 : i32
        %dma_start3A_160 = tpu.memref_slice %arg3[%dma_start3A_159, %add3A_123] : memref<64x1000000xf32, #tpu.memory_space<hbm>> -> memref<8x4096xf32, #tpu.memory_space<hbm>>
        tpu.enqueue_dma source(%dma_start3A_160 : memref<8x4096xf32, #tpu.memory_space<hbm>>) target(%dma_start3A_158 : memref<8x4096xf32, #tpu.memory_space<vmem_shared>>) target_semaphore(%arg15 : memref<!tpu.dma_semaphore, #tpu.memory_space<semaphore_mem>>)
        %dma_start3A_161 = arith.constant 1 : i32
        %dma_start3A_162 = arith.constant 16 : i32
        %dma_start3A_163 = arith.constant 0 : i32
        %dma_start3A_164 = tpu.memref_slice %arg11[%dma_start3A_161, %dma_start3A_162, %dma_start3A_163] : memref<3x64x4096xf32, #tpu.memory_space<vmem_shared>> -> memref<1x8x4096xf32, #tpu.memory_space<vmem_shared>>
        %dma_start3A_165 = tpu.memref_squeeze %dma_start3A_164 : memref<1x8x4096xf32, #tpu.memory_space<vmem_shared>> -> memref<8x4096xf32, #tpu.memory_space<vmem_shared>>
        %dma_start3A_166 = arith.constant 16 : i32
        %dma_start3A_167 = tpu.memref_slice %arg3[%dma_start3A_166, %add3A_123] : memref<64x1000000xf32, #tpu.memory_space<hbm>> -> memref<8x4096xf32, #tpu.memory_space<hbm>>
        tpu.enqueue_dma source(%dma_start3A_167 : memref<8x4096xf32, #tpu.memory_space<hbm>>) target(%dma_start3A_165 : memref<8x4096xf32, #tpu.memory_space<vmem_shared>>) target_semaphore(%arg15 : memref<!tpu.dma_semaphore, #tpu.memory_space<semaphore_mem>>)
        %dma_start3A_168 = arith.constant 1 : i32
        %dma_start3A_169 = arith.constant 24 : i32
        %dma_start3A_170 = arith.constant 0 : i32
        %dma_start3A_171 = tpu.memref_slice %arg11[%dma_start3A_168, %dma_start3A_169, %dma_start3A_170] : memref<3x64x4096xf32, #tpu.memory_space<vmem_shared>> -> memref<1x8x4096xf32, #tpu.memory_space<vmem_shared>>
        %dma_start3A_172 = tpu.memref_squeeze %dma_start3A_171 : memref<1x8x4096xf32, #tpu.memory_space<vmem_shared>> -> memref<8x4096xf32, #tpu.memory_space<vmem_shared>>
        %dma_start3A_173 = arith.constant 24 : i32
        %dma_start3A_174 = tpu.memref_slice %arg3[%dma_start3A_173, %add3A_123] : memref<64x1000000xf32, #tpu.memory_space<hbm>> -> memref<8x4096xf32, #tpu.memory_space<hbm>>
        tpu.enqueue_dma source(%dma_start3A_174 : memref<8x4096xf32, #tpu.memory_space<hbm>>) target(%dma_start3A_172 : memref<8x4096xf32, #tpu.memory_space<vmem_shared>>) target_semaphore(%arg15 : memref<!tpu.dma_semaphore, #tpu.memory_space<semaphore_mem>>)
        %dma_start3A_175 = arith.constant 1 : i32
        %dma_start3A_176 = arith.constant 32 : i32
        %dma_start3A_177 = arith.constant 0 : i32
        %dma_start3A_178 = tpu.memref_slice %arg11[%dma_start3A_175, %dma_start3A_176, %dma_start3A_177] : memref<3x64x4096xf32, #tpu.memory_space<vmem_shared>> -> memref<1x8x4096xf32, #tpu.memory_space<vmem_shared>>
        %dma_start3A_179 = tpu.memref_squeeze %dma_start3A_178 : memref<1x8x4096xf32, #tpu.memory_space<vmem_shared>> -> memref<8x4096xf32, #tpu.memory_space<vmem_shared>>
        %dma_start3A_180 = arith.constant 32 : i32
        %dma_start3A_181 = tpu.memref_slice %arg3[%dma_start3A_180, %add3A_123] : memref<64x1000000xf32, #tpu.memory_space<hbm>> -> memref<8x4096xf32, #tpu.memory_space<hbm>>
        tpu.enqueue_dma source(%dma_start3A_181 : memref<8x4096xf32, #tpu.memory_space<hbm>>) target(%dma_start3A_179 : memref<8x4096xf32, #tpu.memory_space<vmem_shared>>) target_semaphore(%arg15 : memref<!tpu.dma_semaphore, #tpu.memory_space<semaphore_mem>>)
        %dma_start3A_182 = arith.constant 1 : i32
        %dma_start3A_183 = arith.constant 40 : i32
        %dma_start3A_184 = arith.constant 0 : i32
        %dma_start3A_185 = tpu.memref_slice %arg11[%dma_start3A_182, %dma_start3A_183, %dma_start3A_184] : memref<3x64x4096xf32, #tpu.memory_space<vmem_shared>> -> memref<1x8x4096xf32, #tpu.memory_space<vmem_shared>>
        %dma_start3A_186 = tpu.memref_squeeze %dma_start3A_185 : memref<1x8x4096xf32, #tpu.memory_space<vmem_shared>> -> memref<8x4096xf32, #tpu.memory_space<vmem_shared>>
        %dma_start3A_187 = arith.constant 40 : i32
        %dma_start3A_188 = tpu.memref_slice %arg3[%dma_start3A_187, %add3A_123] : memref<64x1000000xf32, #tpu.memory_space<hbm>> -> memref<8x4096xf32, #tpu.memory_space<hbm>>
        tpu.enqueue_dma source(%dma_start3A_188 : memref<8x4096xf32, #tpu.memory_space<hbm>>) target(%dma_start3A_186 : memref<8x4096xf32, #tpu.memory_space<vmem_shared>>) target_semaphore(%arg15 : memref<!tpu.dma_semaphore, #tpu.memory_space<semaphore_mem>>)
        %dma_start3A_189 = arith.constant 1 : i32
        %dma_start3A_190 = arith.constant 48 : i32
        %dma_start3A_191 = arith.constant 0 : i32
        %dma_start3A_192 = tpu.memref_slice %arg11[%dma_start3A_189, %dma_start3A_190, %dma_start3A_191] : memref<3x64x4096xf32, #tpu.memory_space<vmem_shared>> -> memref<1x8x4096xf32, #tpu.memory_space<vmem_shared>>
        %dma_start3A_193 = tpu.memref_squeeze %dma_start3A_192 : memref<1x8x4096xf32, #tpu.memory_space<vmem_shared>> -> memref<8x4096xf32, #tpu.memory_space<vmem_shared>>
        %dma_start3A_194 = arith.constant 48 : i32
        %dma_start3A_195 = tpu.memref_slice %arg3[%dma_start3A_194, %add3A_123] : memref<64x1000000xf32, #tpu.memory_space<hbm>> -> memref<8x4096xf32, #tpu.memory_space<hbm>>
        tpu.enqueue_dma source(%dma_start3A_195 : memref<8x4096xf32, #tpu.memory_space<hbm>>) target(%dma_start3A_193 : memref<8x4096xf32, #tpu.memory_space<vmem_shared>>) target_semaphore(%arg15 : memref<!tpu.dma_semaphore, #tpu.memory_space<semaphore_mem>>)
        %dma_start3A_196 = arith.constant 1 : i32
        %dma_start3A_197 = arith.constant 56 : i32
        %dma_start3A_198 = arith.constant 0 : i32
        %dma_start3A_199 = tpu.memref_slice %arg11[%dma_start3A_196, %dma_start3A_197, %dma_start3A_198] : memref<3x64x4096xf32, #tpu.memory_space<vmem_shared>> -> memref<1x8x4096xf32, #tpu.memory_space<vmem_shared>>
        %dma_start3A_200 = tpu.memref_squeeze %dma_start3A_199 : memref<1x8x4096xf32, #tpu.memory_space<vmem_shared>> -> memref<8x4096xf32, #tpu.memory_space<vmem_shared>>
        %dma_start3A_201 = arith.constant 56 : i32
        %dma_start3A_202 = tpu.memref_slice %arg3[%dma_start3A_201, %add3A_123] : memref<64x1000000xf32, #tpu.memory_space<hbm>> -> memref<8x4096xf32, #tpu.memory_space<hbm>>
        tpu.enqueue_dma source(%dma_start3A_202 : memref<8x4096xf32, #tpu.memory_space<hbm>>) target(%dma_start3A_200 : memref<8x4096xf32, #tpu.memory_space<vmem_shared>>) target_semaphore(%arg15 : memref<!tpu.dma_semaphore, #tpu.memory_space<semaphore_mem>>)
      } else {
      }
      %rem3A_140 = arith.constant 1 : i32
      %rem3A_141 = arith.constant 3 : i32
      %rem3A_142 = arith.remsi %rem3A_140, %rem3A_141 : i32
      %eq3A_143 = arith.constant 2 : i32
      %eq3A_144 = arith.cmpi eq, %rem3A_142, %eq3A_143 : i32
      %convert_element_type3A_145 = arith.extui %eq3A_144 : i1 to i32
      %cond3A_146 = arith.constant 0 : i32
      %cond3A_147 = arith.cmpi ne, %convert_element_type3A_145, %cond3A_146 : i32
      scf.if %cond3A_147 {
        %dma_start3A = arith.constant 2 : i32
        %dma_start3A_148 = arith.constant 0 : i32
        %dma_start3A_149 = arith.constant 0 : i32
        %dma_start3A_150 = tpu.memref_slice %arg11[%dma_start3A, %dma_start3A_148, %dma_start3A_149] : memref<3x64x4096xf32, #tpu.memory_space<vmem_shared>> -> memref<1x8x4096xf32, #tpu.memory_space<vmem_shared>>
        %dma_start3A_151 = tpu.memref_squeeze %dma_start3A_150 : memref<1x8x4096xf32, #tpu.memory_space<vmem_shared>> -> memref<8x4096xf32, #tpu.memory_space<vmem_shared>>
        %dma_start3A_152 = arith.constant 0 : i32
        %dma_start3A_153 = tpu.memref_slice %arg3[%dma_start3A_152, %add3A_123] : memref<64x1000000xf32, #tpu.memory_space<hbm>> -> memref<8x4096xf32, #tpu.memory_space<hbm>>
        tpu.enqueue_dma source(%dma_start3A_153 : memref<8x4096xf32, #tpu.memory_space<hbm>>) target(%dma_start3A_151 : memref<8x4096xf32, #tpu.memory_space<vmem_shared>>) target_semaphore(%arg16 : memref<!tpu.dma_semaphore, #tpu.memory_space<semaphore_mem>>)
        %dma_start3A_154 = arith.constant 2 : i32
        %dma_start3A_155 = arith.constant 8 : i32
        %dma_start3A_156 = arith.constant 0 : i32
        %dma_start3A_157 = tpu.memref_slice %arg11[%dma_start3A_154, %dma_start3A_155, %dma_start3A_156] : memref<3x64x4096xf32, #tpu.memory_space<vmem_shared>> -> memref<1x8x4096xf32, #tpu.memory_space<vmem_shared>>
        %dma_start3A_158 = tpu.memref_squeeze %dma_start3A_157 : memref<1x8x4096xf32, #tpu.memory_space<vmem_shared>> -> memref<8x4096xf32, #tpu.memory_space<vmem_shared>>
        %dma_start3A_159 = arith.constant 8 : i32
        %dma_start3A_160 = tpu.memref_slice %arg3[%dma_start3A_159, %add3A_123] : memref<64x1000000xf32, #tpu.memory_space<hbm>> -> memref<8x4096xf32, #tpu.memory_space<hbm>>
        tpu.enqueue_dma source(%dma_start3A_160 : memref<8x4096xf32, #tpu.memory_space<hbm>>) target(%dma_start3A_158 : memref<8x4096xf32, #tpu.memory_space<vmem_shared>>) target_semaphore(%arg16 : memref<!tpu.dma_semaphore, #tpu.memory_space<semaphore_mem>>)
        %dma_start3A_161 = arith.constant 2 : i32
        %dma_start3A_162 = arith.constant 16 : i32
        %dma_start3A_163 = arith.constant 0 : i32
        %dma_start3A_164 = tpu.memref_slice %arg11[%dma_start3A_161, %dma_start3A_162, %dma_start3A_163] : memref<3x64x4096xf32, #tpu.memory_space<vmem_shared>> -> memref<1x8x4096xf32, #tpu.memory_space<vmem_shared>>
        %dma_start3A_165 = tpu.memref_squeeze %dma_start3A_164 : memref<1x8x4096xf32, #tpu.memory_space<vmem_shared>> -> memref<8x4096xf32, #tpu.memory_space<vmem_shared>>
        %dma_start3A_166 = arith.constant 16 : i32
        %dma_start3A_167 = tpu.memref_slice %arg3[%dma_start3A_166, %add3A_123] : memref<64x1000000xf32, #tpu.memory_space<hbm>> -> memref<8x4096xf32, #tpu.memory_space<hbm>>
        tpu.enqueue_dma source(%dma_start3A_167 : memref<8x4096xf32, #tpu.memory_space<hbm>>) target(%dma_start3A_165 : memref<8x4096xf32, #tpu.memory_space<vmem_shared>>) target_semaphore(%arg16 : memref<!tpu.dma_semaphore, #tpu.memory_space<semaphore_mem>>)
        %dma_start3A_168 = arith.constant 2 : i32
        %dma_start3A_169 = arith.constant 24 : i32
        %dma_start3A_170 = arith.constant 0 : i32
        %dma_start3A_171 = tpu.memref_slice %arg11[%dma_start3A_168, %dma_start3A_169, %dma_start3A_170] : memref<3x64x4096xf32, #tpu.memory_space<vmem_shared>> -> memref<1x8x4096xf32, #tpu.memory_space<vmem_shared>>
        %dma_start3A_172 = tpu.memref_squeeze %dma_start3A_171 : memref<1x8x4096xf32, #tpu.memory_space<vmem_shared>> -> memref<8x4096xf32, #tpu.memory_space<vmem_shared>>
        %dma_start3A_173 = arith.constant 24 : i32
        %dma_start3A_174 = tpu.memref_slice %arg3[%dma_start3A_173, %add3A_123] : memref<64x1000000xf32, #tpu.memory_space<hbm>> -> memref<8x4096xf32, #tpu.memory_space<hbm>>
        tpu.enqueue_dma source(%dma_start3A_174 : memref<8x4096xf32, #tpu.memory_space<hbm>>) target(%dma_start3A_172 : memref<8x4096xf32, #tpu.memory_space<vmem_shared>>) target_semaphore(%arg16 : memref<!tpu.dma_semaphore, #tpu.memory_space<semaphore_mem>>)
        %dma_start3A_175 = arith.constant 2 : i32
        %dma_start3A_176 = arith.constant 32 : i32
        %dma_start3A_177 = arith.constant 0 : i32
        %dma_start3A_178 = tpu.memref_slice %arg11[%dma_start3A_175, %dma_start3A_176, %dma_start3A_177] : memref<3x64x4096xf32, #tpu.memory_space<vmem_shared>> -> memref<1x8x4096xf32, #tpu.memory_space<vmem_shared>>
        %dma_start3A_179 = tpu.memref_squeeze %dma_start3A_178 : memref<1x8x4096xf32, #tpu.memory_space<vmem_shared>> -> memref<8x4096xf32, #tpu.memory_space<vmem_shared>>
        %dma_start3A_180 = arith.constant 32 : i32
        %dma_start3A_181 = tpu.memref_slice %arg3[%dma_start3A_180, %add3A_123] : memref<64x1000000xf32, #tpu.memory_space<hbm>> -> memref<8x4096xf32, #tpu.memory_space<hbm>>
        tpu.enqueue_dma source(%dma_start3A_181 : memref<8x4096xf32, #tpu.memory_space<hbm>>) target(%dma_start3A_179 : memref<8x4096xf32, #tpu.memory_space<vmem_shared>>) target_semaphore(%arg16 : memref<!tpu.dma_semaphore, #tpu.memory_space<semaphore_mem>>)
        %dma_start3A_182 = arith.constant 2 : i32
        %dma_start3A_183 = arith.constant 40 : i32
        %dma_start3A_184 = arith.constant 0 : i32
        %dma_start3A_185 = tpu.memref_slice %arg11[%dma_start3A_182, %dma_start3A_183, %dma_start3A_184] : memref<3x64x4096xf32, #tpu.memory_space<vmem_shared>> -> memref<1x8x4096xf32, #tpu.memory_space<vmem_shared>>
        %dma_start3A_186 = tpu.memref_squeeze %dma_start3A_185 : memref<1x8x4096xf32, #tpu.memory_space<vmem_shared>> -> memref<8x4096xf32, #tpu.memory_space<vmem_shared>>
        %dma_start3A_187 = arith.constant 40 : i32
        %dma_start3A_188 = tpu.memref_slice %arg3[%dma_start3A_187, %add3A_123] : memref<64x1000000xf32, #tpu.memory_space<hbm>> -> memref<8x4096xf32, #tpu.memory_space<hbm>>
        tpu.enqueue_dma source(%dma_start3A_188 : memref<8x4096xf32, #tpu.memory_space<hbm>>) target(%dma_start3A_186 : memref<8x4096xf32, #tpu.memory_space<vmem_shared>>) target_semaphore(%arg16 : memref<!tpu.dma_semaphore, #tpu.memory_space<semaphore_mem>>)
        %dma_start3A_189 = arith.constant 2 : i32
        %dma_start3A_190 = arith.constant 48 : i32
        %dma_start3A_191 = arith.constant 0 : i32
        %dma_start3A_192 = tpu.memref_slice %arg11[%dma_start3A_189, %dma_start3A_190, %dma_start3A_191] : memref<3x64x4096xf32, #tpu.memory_space<vmem_shared>> -> memref<1x8x4096xf32, #tpu.memory_space<vmem_shared>>
        %dma_start3A_193 = tpu.memref_squeeze %dma_start3A_192 : memref<1x8x4096xf32, #tpu.memory_space<vmem_shared>> -> memref<8x4096xf32, #tpu.memory_space<vmem_shared>>
        %dma_start3A_194 = arith.constant 48 : i32
        %dma_start3A_195 = tpu.memref_slice %arg3[%dma_start3A_194, %add3A_123] : memref<64x1000000xf32, #tpu.memory_space<hbm>> -> memref<8x4096xf32, #tpu.memory_space<hbm>>
        tpu.enqueue_dma source(%dma_start3A_195 : memref<8x4096xf32, #tpu.memory_space<hbm>>) target(%dma_start3A_193 : memref<8x4096xf32, #tpu.memory_space<vmem_shared>>) target_semaphore(%arg16 : memref<!tpu.dma_semaphore, #tpu.memory_space<semaphore_mem>>)
        %dma_start3A_196 = arith.constant 2 : i32
        %dma_start3A_197 = arith.constant 56 : i32
        %dma_start3A_198 = arith.constant 0 : i32
        %dma_start3A_199 = tpu.memref_slice %arg11[%dma_start3A_196, %dma_start3A_197, %dma_start3A_198] : memref<3x64x4096xf32, #tpu.memory_space<vmem_shared>> -> memref<1x8x4096xf32, #tpu.memory_space<vmem_shared>>
        %dma_start3A_200 = tpu.memref_squeeze %dma_start3A_199 : memref<1x8x4096xf32, #tpu.memory_space<vmem_shared>> -> memref<8x4096xf32, #tpu.memory_space<vmem_shared>>
        %dma_start3A_201 = arith.constant 56 : i32
        %dma_start3A_202 = tpu.memref_slice %arg3[%dma_start3A_201, %add3A_123] : memref<64x1000000xf32, #tpu.memory_space<hbm>> -> memref<8x4096xf32, #tpu.memory_space<hbm>>
        tpu.enqueue_dma source(%dma_start3A_202 : memref<8x4096xf32, #tpu.memory_space<hbm>>) target(%dma_start3A_200 : memref<8x4096xf32, #tpu.memory_space<vmem_shared>>) target_semaphore(%arg16 : memref<!tpu.dma_semaphore, #tpu.memory_space<semaphore_mem>>)
      } else {
      }
    } else {
    }
    %scan3A = arith.constant 0 : i32
    %scan3A_7 = arith.constant 0 : i32
    %scan3A_8 = arith.constant 4 : i32
    %scan3A_9 = arith.addi %scan3A_7, %scan3A_8 : i32
    %scan3A_10 = arith.constant 1 : i32
    %scan3A_11 = scf.for %scan3A_92 = %scan3A_7 to %scan3A_9 step %scan3A_10 iter_args(%scan3A_93 = %scan3A) -> (i32)  : i32 {
      %mul3A_94 = arith.constant 4096 : i32
      %mul3A_95 = arith.muli %scan3A_92, %mul3A_94 : i32
      "tpu.region"() ({
        %run_scoped3A = tpu.sem_alloc : memref<!tpu.dma_semaphore, #tpu.memory_space<semaphore_mem>>
        %dma_start3A = tpu.memref_slice %arg2[%mul3A_95] : memref<16384xi32, #tpu.memory_space<hbm>> -> memref<4096xi32, #tpu.memory_space<hbm>>
        %dma_start3A_102 = tpu.memref_slice %arg2[%mul3A_95] : memref<16384xi32, #tpu.memory_space<hbm>> -> memref<4096xi32, #tpu.memory_space<hbm>>
        tpu.enqueue_dma source(%dma_start3A_102 : memref<4096xi32, #tpu.memory_space<hbm>>) target(%arg5 : memref<4096xi32, #tpu.memory_space<vmem>>) target_semaphore(%run_scoped3A : memref<!tpu.dma_semaphore, #tpu.memory_space<semaphore_mem>>)
        %dma_wait3A = tpu.memref_slice %arg2[%mul3A_95] : memref<16384xi32, #tpu.memory_space<hbm>> -> memref<4096xi32, #tpu.memory_space<hbm>>
        %dma_wait3A_103 = tpu.memref_slice %arg2[%mul3A_95] : memref<16384xi32, #tpu.memory_space<hbm>> -> memref<4096xi32, #tpu.memory_space<hbm>>
        tpu.wait_dma2 semaphore(%run_scoped3A : memref<!tpu.dma_semaphore, #tpu.memory_space<semaphore_mem>>) src(%dma_wait3A_103 : memref<4096xi32, #tpu.memory_space<hbm>>) dst(%arg5 : memref<4096xi32, #tpu.memory_space<vmem>>)
        tpu.yield
      }) : () -> ()
      %scan3A_96 = arith.constant 0 : i32
      %scan3A_97 = arith.constant 256 : i32
      %scan3A_98 = arith.addi %scan3A_96, %scan3A_97 : i32
      %scan3A_99 = arith.constant 1 : i32
      %scan3A_100 = scf.for %scan3A_102 = %scan3A_96 to %scan3A_98 step %scan3A_99 iter_args(%scan3A_103 = %scan3A_93) -> (i32)  : i32 {
        %mul3A_104 = arith.constant 16 : i32
        %mul3A_105 = arith.muli %scan3A_102, %mul3A_104 : i32
        %get3A = arith.index_cast %mul3A_105 : i32 to index
        %get3A_106 = tpu.vector_load %arg5[%get3A] {strides = array<i32>} : memref<4096xi32, #tpu.memory_space<vmem>>, vector<16xi32>,
        %iota3A = tpu.iota {dimensions = array<i32: 0>} : vector<16xi32>
        %mul3A_107 = arith.constant 4096 : i32
        %mul3A_108 = arith.muli %scan3A_92, %mul3A_107 : i32
        %mul3A_109 = arith.constant 16 : i32
        %mul3A_110 = arith.muli %scan3A_102, %mul3A_109 : i32
        %add3A_111 = arith.addi %mul3A_108, %mul3A_110 : i32
        %add3A_112 = vector.broadcast %add3A_111 : i32 to vector<16xi32>
        %add3A_113 = arith.addi %iota3A, %add3A_112 : vector<16xi32>
        %sub3A_114 = vector.broadcast %mul3A_0 : i32 to vector<16xi32>
        %sub3A_115 = arith.subi %get3A_106, %sub3A_114 : vector<16xi32>
        %ge3A = vector.broadcast %mul3A_0 : i32 to vector<16xi32>
        %ge3A_116 = arith.cmpi sge, %get3A_106, %ge3A : vector<16xi32>
        %add3A_117 = arith.constant 499712 : i32
        %add3A_118 = arith.addi %mul3A_0, %add3A_117 : i32
        %lt3A = vector.broadcast %add3A_118 : i32 to vector<16xi32>
        %lt3A_119 = arith.cmpi slt, %get3A_106, %lt3A : vector<16xi32>
        %and3A_120 = arith.andi %ge3A_116, %lt3A_119 : vector<16xi1>
        %shift_right_logical3A = arith.constant 8 : i32
        %shift_right_logical3A_121 = vector.broadcast %shift_right_logical3A : i32 to vector<16xi32>
        %shift_right_logical3A_122 = arith.shrui %sub3A_115, %shift_right_logical3A_121 : vector<16xi32>
        %rem3A_123 = arith.constant 16 : i32
        %rem3A_124 = vector.broadcast %rem3A_123 : i32 to vector<16xi32>
        %rem3A_125 = arith.remsi %shift_right_logical3A_122, %rem3A_124 : vector<16xi32>
        %eq3A_126 = vector.broadcast %arg1 : i32 to vector<16xi32>
        %eq3A_127 = arith.cmpi eq, %rem3A_125, %eq3A_126 : vector<16xi32>
        %and3A_128 = arith.andi %and3A_120, %eq3A_127 : vector<16xi1>
        %ge3A_129 = arith.constant 999424 : i32
        %ge3A_130 = vector.broadcast %ge3A_129 : i32 to vector<16xi32>
        %ge3A_131 = arith.cmpi sge, %get3A_106, %ge3A_130 : vector<16xi32>
        %and3A_132 = vector.broadcast %and3A : i1 to vector<16xi1>
        %and3A_133 = arith.andi %ge3A_131, %and3A_132 : vector<16xi1>
        %or3A = arith.ori %and3A_128, %and3A_133 : vector<16xi1>
        %shift_right_logical3A_134 = arith.constant 12 : i32
        %shift_right_logical3A_135 = vector.broadcast %shift_right_logical3A_134 : i32 to vector<16xi32>
        %shift_right_logical3A_136 = arith.shrui %sub3A_115, %shift_right_logical3A_135 : vector<16xi32>
        %shift_left3A = arith.constant 8 : i32
        %shift_left3A_137 = vector.broadcast %shift_left3A : i32 to vector<16xi32>
        %shift_left3A_138 = arith.shli %shift_right_logical3A_136, %shift_left3A_137 : vector<16xi32>
        %and3A_139 = arith.constant 255 : i32
        %and3A_140 = vector.broadcast %and3A_139 : i32 to vector<16xi32>
        %and3A_141 = arith.andi %sub3A_115, %and3A_140 : vector<16xi32>
        %or3A_142 = arith.ori %shift_left3A_138, %and3A_141 : vector<16xi32>
        %sub3A_143 = arith.constant 999424 : i32
        %sub3A_144 = vector.broadcast %sub3A_143 : i32 to vector<16xi32>
        %sub3A_145 = arith.subi %get3A_106, %sub3A_144 : vector<16xi32>
        %add3A_146 = arith.constant 31232 : i32
        %add3A_147 = vector.broadcast %add3A_146 : i32 to vector<16xi32>
        %add3A_148 = arith.addi %add3A_147, %sub3A_145 : vector<16xi32>
        %select_n3A_149 = arith.select %and3A_133, %add3A_148, %or3A_142 : vector<16xi1>, vector<16xi32>
        %shift_left3A_150 = arith.constant 14 : i32
        %shift_left3A_151 = vector.broadcast %shift_left3A_150 : i32 to vector<16xi32>
        %shift_left3A_152 = arith.shli %select_n3A_149, %shift_left3A_151 : vector<16xi32>
        %or3A_153 = arith.ori %shift_left3A_152, %add3A_113 : vector<16xi32>
        %swap3A = arith.index_cast %scan3A_103 : i32 to index
        %swap3A_154 = tpu.vector_load %arg6[%swap3A] masked %or3A {strides = array<i32>} : memref<16400xi32, #tpu.memory_space<vmem>>, vector<16xi32>, vector<16xi1>
        tpu.vector_store %arg6[%swap3A], %or3A_153 masked %or3A {strides = array<i32>} : memref<16400xi32, #tpu.memory_space<vmem>>, vector<16xi32>, vector<16xi1>
        %all_reduce_population_count3A = tpu.all_reduce %or3A {dim = 0 : i64, kind = #tpu.reduction_kind<sum>} : vector<16xi1> -> vector<16xi32>
        %slice3A = vector.extract_strided_slice %all_reduce_population_count3A {offsets = [0], sizes = [1], strides = [1]} : vector<16xi32> to vector<1xi32>
        %squeeze3A = vector.extract %slice3A[0] : i32 from vector<1xi32>
        %add3A_155 = arith.addi %scan3A_103, %squeeze3A : i32
        scf.yield %add3A_155 : i32
      }
      %scan3A_101 = arith.constant 256 : i32
      scf.yield %scan3A_100 : i32
    }
    %scan3A_12 = arith.constant 4 : i32
    %add3A = arith.constant 15 : i32
    %add3A_13 = arith.addi %scan3A_11, %add3A : i32
    %jit3A = arith.constant 16 : i32
    %div3A = arith.divsi %add3A_13, %jit3A : i32
    %sign3A = arith.constant 0 : i32
    %sign3A_14 = arith.cmpi sgt, %add3A_13, %sign3A : i32
    %sign3A_15 = arith.extui %sign3A_14 : i1 to i32
    %sign3A_16 = arith.constant 0 : i32
    %sign3A_17 = arith.cmpi slt, %add3A_13, %sign3A_16 : i32
    %sign3A_18 = arith.extui %sign3A_17 : i1 to i32
    %sign3A_19 = arith.subi %sign3A_15, %sign3A_18 : i32
    %sign3A_20 = arith.constant 0 : i32
    %sign3A_21 = arith.cmpi sgt, %jit3A, %sign3A_20 : i32
    %sign3A_22 = arith.extui %sign3A_21 : i1 to i32
    %sign3A_23 = arith.constant 0 : i32
    %sign3A_24 = arith.cmpi slt, %jit3A, %sign3A_23 : i32
    %sign3A_25 = arith.extui %sign3A_24 : i1 to i32
    %sign3A_26 = arith.subi %sign3A_22, %sign3A_25 : i32
    %ne3A = arith.cmpi ne, %sign3A_19, %sign3A_26 : i32
    %rem3A = arith.remsi %add3A_13, %jit3A : i32
    %ne3A_27 = arith.constant 0 : i32
    %ne3A_28 = arith.cmpi ne, %rem3A, %ne3A_27 : i32
    %and3A_29 = arith.andi %ne3A, %ne3A_28 : i1
    %sub3A = arith.constant 1 : i32
    %sub3A_30 = arith.subi %div3A, %sub3A : i32
    %select_n3A = arith.select %and3A_29, %sub3A_30, %div3A : i32
    %scan3A_31 = arith.constant 0 : i32
    %scan3A_32 = arith.constant 0 : i32
    %scan3A_33 = arith.constant 123 : i32
    %scan3A_34 = arith.addi %scan3A_32, %scan3A_33 : i32
    %scan3A_35 = arith.constant 1 : i32
    %scan3A_36 = scf.for %scan3A_92 = %scan3A_32 to %scan3A_34 step %scan3A_35 iter_args(%scan3A_93 = %scan3A_31) -> (i32)  : i32 {
      %ge3A = arith.constant 1 : i32
      %ge3A_94 = arith.cmpi sge, %scan3A_92, %ge3A : i32
      %convert_element_type3A_95 = arith.extui %ge3A_94 : i1 to i32
      %cond3A_96 = arith.constant 0 : i32
      %cond3A_97 = arith.cmpi ne, %convert_element_type3A_95, %cond3A_96 : i32
      scf.if %cond3A_97 {
        %sub3A_135 = arith.constant 1 : i32
        %sub3A_136 = arith.subi %scan3A_92, %sub3A_135 : i32
        %rem3A_137 = arith.constant 2 : i32
        %rem3A_138 = arith.remsi %sub3A_136, %rem3A_137 : i32
        %eq3A_139 = arith.constant 0 : i32
        %eq3A_140 = arith.cmpi eq, %rem3A_138, %eq3A_139 : i32
        %convert_element_type3A_141 = arith.extui %eq3A_140 : i1 to i32
        %cond3A_142 = arith.constant 0 : i32
        %cond3A_143 = arith.cmpi ne, %convert_element_type3A_141, %cond3A_142 : i32
        scf.if %cond3A_143 {
          %dma_wait3A = arith.constant 0 : i32
          %dma_wait3A_151 = arith.constant 0 : i32
          %dma_wait3A_152 = arith.constant 0 : i32
          %dma_wait3A_153 = tpu.memref_slice %arg7[%dma_wait3A, %dma_wait3A_151, %dma_wait3A_152] : memref<2x64x256xf32, #tpu.memory_space<vmem>> -> memref<1x64x256xf32, #tpu.memory_space<vmem>>
          %dma_wait3A_154 = tpu.memref_squeeze %dma_wait3A_153 : memref<1x64x256xf32, #tpu.memory_space<vmem>> -> memref<64x256xf32, #tpu.memory_space<vmem>>
          %dma_wait3A_155 = arith.constant 0 : i32
          %dma_wait3A_156 = arith.constant 0 : i32
          %dma_wait3A_157 = tpu.memref_slice %arg3[%dma_wait3A_155, %dma_wait3A_156] : memref<64x1000000xf32, #tpu.memory_space<hbm>> -> memref<64x256xf32, #tpu.memory_space<hbm>>
          %dma_wait3A_158 = arith.constant 0 : i32
          %dma_wait3A_159 = arith.constant 0 : i32
          %dma_wait3A_160 = tpu.memref_slice %arg7[%dma_wait3A, %dma_wait3A_158, %dma_wait3A_159] : memref<2x64x256xf32, #tpu.memory_space<vmem>> -> memref<1x64x256xf32, #tpu.memory_space<vmem>>
          %dma_wait3A_161 = tpu.memref_squeeze %dma_wait3A_160 : memref<1x64x256xf32, #tpu.memory_space<vmem>> -> memref<64x256xf32, #tpu.memory_space<vmem>>
          %dma_wait3A_162 = arith.constant 0 : i32
          %dma_wait3A_163 = arith.constant 0 : i32
          %dma_wait3A_164 = tpu.memref_slice %arg3[%dma_wait3A_162, %dma_wait3A_163] : memref<64x1000000xf32, #tpu.memory_space<hbm>> -> memref<64x256xf32, #tpu.memory_space<hbm>>
          tpu.wait_dma2 semaphore(%arg12 : memref<!tpu.dma_semaphore, #tpu.memory_space<semaphore_mem>>) src(%dma_wait3A_164 : memref<64x256xf32, #tpu.memory_space<hbm>>) dst(%dma_wait3A_161 : memref<64x256xf32, #tpu.memory_space<vmem>>)
        } else {
        }
        %rem3A_144 = arith.constant 2 : i32
        %rem3A_145 = arith.remsi %sub3A_136, %rem3A_144 : i32
        %eq3A_146 = arith.constant 1 : i32
        %eq3A_147 = arith.cmpi eq, %rem3A_145, %eq3A_146 : i32
        %convert_element_type3A_148 = arith.extui %eq3A_147 : i1 to i32
        %cond3A_149 = arith.constant 0 : i32
        %cond3A_150 = arith.cmpi ne, %convert_element_type3A_148, %cond3A_149 : i32
        scf.if %cond3A_150 {
          %dma_wait3A = arith.constant 1 : i32
          %dma_wait3A_151 = arith.constant 0 : i32
          %dma_wait3A_152 = arith.constant 0 : i32
          %dma_wait3A_153 = tpu.memref_slice %arg7[%dma_wait3A, %dma_wait3A_151, %dma_wait3A_152] : memref<2x64x256xf32, #tpu.memory_space<vmem>> -> memref<1x64x256xf32, #tpu.memory_space<vmem>>
          %dma_wait3A_154 = tpu.memref_squeeze %dma_wait3A_153 : memref<1x64x256xf32, #tpu.memory_space<vmem>> -> memref<64x256xf32, #tpu.memory_space<vmem>>
          %dma_wait3A_155 = arith.constant 0 : i32
          %dma_wait3A_156 = arith.constant 0 : i32
          %dma_wait3A_157 = tpu.memref_slice %arg3[%dma_wait3A_155, %dma_wait3A_156] : memref<64x1000000xf32, #tpu.memory_space<hbm>> -> memref<64x256xf32, #tpu.memory_space<hbm>>
          %dma_wait3A_158 = arith.constant 0 : i32
          %dma_wait3A_159 = arith.constant 0 : i32
          %dma_wait3A_160 = tpu.memref_slice %arg7[%dma_wait3A, %dma_wait3A_158, %dma_wait3A_159] : memref<2x64x256xf32, #tpu.memory_space<vmem>> -> memref<1x64x256xf32, #tpu.memory_space<vmem>>
          %dma_wait3A_161 = tpu.memref_squeeze %dma_wait3A_160 : memref<1x64x256xf32, #tpu.memory_space<vmem>> -> memref<64x256xf32, #tpu.memory_space<vmem>>
          %dma_wait3A_162 = arith.constant 0 : i32
          %dma_wait3A_163 = arith.constant 0 : i32
          %dma_wait3A_164 = tpu.memref_slice %arg3[%dma_wait3A_162, %dma_wait3A_163] : memref<64x1000000xf32, #tpu.memory_space<hbm>> -> memref<64x256xf32, #tpu.memory_space<hbm>>
          tpu.wait_dma2 semaphore(%arg13 : memref<!tpu.dma_semaphore, #tpu.memory_space<semaphore_mem>>) src(%dma_wait3A_164 : memref<64x256xf32, #tpu.memory_space<hbm>>) dst(%dma_wait3A_161 : memref<64x256xf32, #tpu.memory_space<vmem>>)
        } else {
        }
      } else {
      }
      %barrier3A = arith.constant 0 : index
      tpu.barrier barrier_id(%barrier3A)
      %eq3A_98 = arith.constant 0 : i32
      %eq3A_99 = arith.cmpi eq, %arg1, %eq3A_98 : i32
      %convert_element_type3A_100 = arith.extui %eq3A_99 : i1 to i32
      %cond3A_101 = arith.constant 0 : i32
      %cond3A_102 = arith.cmpi ne, %convert_element_type3A_100, %cond3A_101 : i32
      scf.if %cond3A_102 {
        %add3A_135 = arith.constant 2 : i32
        %add3A_136 = arith.addi %scan3A_92, %add3A_135 : i32
        %lt3A_137 = arith.constant 122 : i32
        %lt3A_138 = arith.cmpi slt, %add3A_136, %lt3A_137 : i32
        %convert_element_type3A_139 = arith.extui %lt3A_138 : i1 to i32
        %cond3A_140 = arith.constant 0 : i32
        %cond3A_141 = arith.cmpi ne, %convert_element_type3A_139, %cond3A_140 : i32
        scf.if %cond3A_141 {
          %add3A_147 = arith.constant 2 : i32
          %add3A_148 = arith.addi %scan3A_92, %add3A_147 : i32
          %mul3A_149 = arith.constant 4096 : i32
          %mul3A_150 = arith.muli %add3A_148, %mul3A_149 : i32
          %add3A_151 = arith.addi %mul3A_0, %mul3A_150 : i32
          %rem3A_152 = arith.constant 3 : i32
          %rem3A_153 = arith.remsi %add3A_148, %rem3A_152 : i32
          %eq3A_154 = arith.constant 0 : i32
          %eq3A_155 = arith.cmpi eq, %rem3A_153, %eq3A_154 : i32
          %convert_element_type3A_156 = arith.extui %eq3A_155 : i1 to i32
          %cond3A_157 = arith.constant 0 : i32
          %cond3A_158 = arith.cmpi ne, %convert_element_type3A_156, %cond3A_157 : i32
          scf.if %cond3A_158 {
            %dma_start3A = arith.constant 0 : i32
            %dma_start3A_173 = arith.constant 0 : i32
            %dma_start3A_174 = arith.constant 0 : i32
            %dma_start3A_175 = tpu.memref_slice %arg11[%dma_start3A, %dma_start3A_173, %dma_start3A_174] : memref<3x64x4096xf32, #tpu.memory_space<vmem_shared>> -> memref<1x8x4096xf32, #tpu.memory_space<vmem_shared>>
            %dma_start3A_176 = tpu.memref_squeeze %dma_start3A_175 : memref<1x8x4096xf32, #tpu.memory_space<vmem_shared>> -> memref<8x4096xf32, #tpu.memory_space<vmem_shared>>
            %dma_start3A_177 = arith.constant 0 : i32
            %dma_start3A_178 = tpu.memref_slice %arg3[%dma_start3A_177, %add3A_151] : memref<64x1000000xf32, #tpu.memory_space<hbm>> -> memref<8x4096xf32, #tpu.memory_space<hbm>>
            tpu.enqueue_dma source(%dma_start3A_178 : memref<8x4096xf32, #tpu.memory_space<hbm>>) target(%dma_start3A_176 : memref<8x4096xf32, #tpu.memory_space<vmem_shared>>) target_semaphore(%arg14 : memref<!tpu.dma_semaphore, #tpu.memory_space<semaphore_mem>>)
            %dma_start3A_179 = arith.constant 0 : i32
            %dma_start3A_180 = arith.constant 8 : i32
            %dma_start3A_181 = arith.constant 0 : i32
            %dma_start3A_182 = tpu.memref_slice %arg11[%dma_start3A_179, %dma_start3A_180, %dma_start3A_181] : memref<3x64x4096xf32, #tpu.memory_space<vmem_shared>> -> memref<1x8x4096xf32, #tpu.memory_space<vmem_shared>>
            %dma_start3A_183 = tpu.memref_squeeze %dma_start3A_182 : memref<1x8x4096xf32, #tpu.memory_space<vmem_shared>> -> memref<8x4096xf32, #tpu.memory_space<vmem_shared>>
            %dma_start3A_184 = arith.constant 8 : i32
            %dma_start3A_185 = tpu.memref_slice %arg3[%dma_start3A_184, %add3A_151] : memref<64x1000000xf32, #tpu.memory_space<hbm>> -> memref<8x4096xf32, #tpu.memory_space<hbm>>
            tpu.enqueue_dma source(%dma_start3A_185 : memref<8x4096xf32, #tpu.memory_space<hbm>>) target(%dma_start3A_183 : memref<8x4096xf32, #tpu.memory_space<vmem_shared>>) target_semaphore(%arg14 : memref<!tpu.dma_semaphore, #tpu.memory_space<semaphore_mem>>)
            %dma_start3A_186 = arith.constant 0 : i32
            %dma_start3A_187 = arith.constant 16 : i32
            %dma_start3A_188 = arith.constant 0 : i32
            %dma_start3A_189 = tpu.memref_slice %arg11[%dma_start3A_186, %dma_start3A_187, %dma_start3A_188] : memref<3x64x4096xf32, #tpu.memory_space<vmem_shared>> -> memref<1x8x4096xf32, #tpu.memory_space<vmem_shared>>
            %dma_start3A_190 = tpu.memref_squeeze %dma_start3A_189 : memref<1x8x4096xf32, #tpu.memory_space<vmem_shared>> -> memref<8x4096xf32, #tpu.memory_space<vmem_shared>>
            %dma_start3A_191 = arith.constant 16 : i32
            %dma_start3A_192 = tpu.memref_slice %arg3[%dma_start3A_191, %add3A_151] : memref<64x1000000xf32, #tpu.memory_space<hbm>> -> memref<8x4096xf32, #tpu.memory_space<hbm>>
            tpu.enqueue_dma source(%dma_start3A_192 : memref<8x4096xf32, #tpu.memory_space<hbm>>) target(%dma_start3A_190 : memref<8x4096xf32, #tpu.memory_space<vmem_shared>>) target_semaphore(%arg14 : memref<!tpu.dma_semaphore, #tpu.memory_space<semaphore_mem>>)
            %dma_start3A_193 = arith.constant 0 : i32
            %dma_start3A_194 = arith.constant 24 : i32
            %dma_start3A_195 = arith.constant 0 : i32
            %dma_start3A_196 = tpu.memref_slice %arg11[%dma_start3A_193, %dma_start3A_194, %dma_start3A_195] : memref<3x64x4096xf32, #tpu.memory_space<vmem_shared>> -> memref<1x8x4096xf32, #tpu.memory_space<vmem_shared>>
            %dma_start3A_197 = tpu.memref_squeeze %dma_start3A_196 : memref<1x8x4096xf32, #tpu.memory_space<vmem_shared>> -> memref<8x4096xf32, #tpu.memory_space<vmem_shared>>
            %dma_start3A_198 = arith.constant 24 : i32
            %dma_start3A_199 = tpu.memref_slice %arg3[%dma_start3A_198, %add3A_151] : memref<64x1000000xf32, #tpu.memory_space<hbm>> -> memref<8x4096xf32, #tpu.memory_space<hbm>>
            tpu.enqueue_dma source(%dma_start3A_199 : memref<8x4096xf32, #tpu.memory_space<hbm>>) target(%dma_start3A_197 : memref<8x4096xf32, #tpu.memory_space<vmem_shared>>) target_semaphore(%arg14 : memref<!tpu.dma_semaphore, #tpu.memory_space<semaphore_mem>>)
            %dma_start3A_200 = arith.constant 0 : i32
            %dma_start3A_201 = arith.constant 32 : i32
            %dma_start3A_202 = arith.constant 0 : i32
            %dma_start3A_203 = tpu.memref_slice %arg11[%dma_start3A_200, %dma_start3A_201, %dma_start3A_202] : memref<3x64x4096xf32, #tpu.memory_space<vmem_shared>> -> memref<1x8x4096xf32, #tpu.memory_space<vmem_shared>>
            %dma_start3A_204 = tpu.memref_squeeze %dma_start3A_203 : memref<1x8x4096xf32, #tpu.memory_space<vmem_shared>> -> memref<8x4096xf32, #tpu.memory_space<vmem_shared>>
            %dma_start3A_205 = arith.constant 32 : i32
            %dma_start3A_206 = tpu.memref_slice %arg3[%dma_start3A_205, %add3A_151] : memref<64x1000000xf32, #tpu.memory_space<hbm>> -> memref<8x4096xf32, #tpu.memory_space<hbm>>
            tpu.enqueue_dma source(%dma_start3A_206 : memref<8x4096xf32, #tpu.memory_space<hbm>>) target(%dma_start3A_204 : memref<8x4096xf32, #tpu.memory_space<vmem_shared>>) target_semaphore(%arg14 : memref<!tpu.dma_semaphore, #tpu.memory_space<semaphore_mem>>)
            %dma_start3A_207 = arith.constant 0 : i32
            %dma_start3A_208 = arith.constant 40 : i32
            %dma_start3A_209 = arith.constant 0 : i32
            %dma_start3A_210 = tpu.memref_slice %arg11[%dma_start3A_207, %dma_start3A_208, %dma_start3A_209] : memref<3x64x4096xf32, #tpu.memory_space<vmem_shared>> -> memref<1x8x4096xf32, #tpu.memory_space<vmem_shared>>
            %dma_start3A_211 = tpu.memref_squeeze %dma_start3A_210 : memref<1x8x4096xf32, #tpu.memory_space<vmem_shared>> -> memref<8x4096xf32, #tpu.memory_space<vmem_shared>>
            %dma_start3A_212 = arith.constant 40 : i32
            %dma_start3A_213 = tpu.memref_slice %arg3[%dma_start3A_212, %add3A_151] : memref<64x1000000xf32, #tpu.memory_space<hbm>> -> memref<8x4096xf32, #tpu.memory_space<hbm>>
            tpu.enqueue_dma source(%dma_start3A_213 : memref<8x4096xf32, #tpu.memory_space<hbm>>) target(%dma_start3A_211 : memref<8x4096xf32, #tpu.memory_space<vmem_shared>>) target_semaphore(%arg14 : memref<!tpu.dma_semaphore, #tpu.memory_space<semaphore_mem>>)
            %dma_start3A_214 = arith.constant 0 : i32
            %dma_start3A_215 = arith.constant 48 : i32
            %dma_start3A_216 = arith.constant 0 : i32
            %dma_start3A_217 = tpu.memref_slice %arg11[%dma_start3A_214, %dma_start3A_215, %dma_start3A_216] : memref<3x64x4096xf32, #tpu.memory_space<vmem_shared>> -> memref<1x8x4096xf32, #tpu.memory_space<vmem_shared>>
            %dma_start3A_218 = tpu.memref_squeeze %dma_start3A_217 : memref<1x8x4096xf32, #tpu.memory_space<vmem_shared>> -> memref<8x4096xf32, #tpu.memory_space<vmem_shared>>
            %dma_start3A_219 = arith.constant 48 : i32
            %dma_start3A_220 = tpu.memref_slice %arg3[%dma_start3A_219, %add3A_151] : memref<64x1000000xf32, #tpu.memory_space<hbm>> -> memref<8x4096xf32, #tpu.memory_space<hbm>>
            tpu.enqueue_dma source(%dma_start3A_220 : memref<8x4096xf32, #tpu.memory_space<hbm>>) target(%dma_start3A_218 : memref<8x4096xf32, #tpu.memory_space<vmem_shared>>) target_semaphore(%arg14 : memref<!tpu.dma_semaphore, #tpu.memory_space<semaphore_mem>>)
            %dma_start3A_221 = arith.constant 0 : i32
            %dma_start3A_222 = arith.constant 56 : i32
            %dma_start3A_223 = arith.constant 0 : i32
            %dma_start3A_224 = tpu.memref_slice %arg11[%dma_start3A_221, %dma_start3A_222, %dma_start3A_223] : memref<3x64x4096xf32, #tpu.memory_space<vmem_shared>> -> memref<1x8x4096xf32, #tpu.memory_space<vmem_shared>>
            %dma_start3A_225 = tpu.memref_squeeze %dma_start3A_224 : memref<1x8x4096xf32, #tpu.memory_space<vmem_shared>> -> memref<8x4096xf32, #tpu.memory_space<vmem_shared>>
            %dma_start3A_226 = arith.constant 56 : i32
            %dma_start3A_227 = tpu.memref_slice %arg3[%dma_start3A_226, %add3A_151] : memref<64x1000000xf32, #tpu.memory_space<hbm>> -> memref<8x4096xf32, #tpu.memory_space<hbm>>
            tpu.enqueue_dma source(%dma_start3A_227 : memref<8x4096xf32, #tpu.memory_space<hbm>>) target(%dma_start3A_225 : memref<8x4096xf32, #tpu.memory_space<vmem_shared>>) target_semaphore(%arg14 : memref<!tpu.dma_semaphore, #tpu.memory_space<semaphore_mem>>)
          } else {
          }
          %rem3A_159 = arith.constant 3 : i32
          %rem3A_160 = arith.remsi %add3A_148, %rem3A_159 : i32
          %eq3A_161 = arith.constant 1 : i32
          %eq3A_162 = arith.cmpi eq, %rem3A_160, %eq3A_161 : i32
          %convert_element_type3A_163 = arith.extui %eq3A_162 : i1 to i32
          %cond3A_164 = arith.constant 0 : i32
          %cond3A_165 = arith.cmpi ne, %convert_element_type3A_163, %cond3A_164 : i32
          scf.if %cond3A_165 {
            %dma_start3A = arith.constant 1 : i32
            %dma_start3A_173 = arith.constant 0 : i32
            %dma_start3A_174 = arith.constant 0 : i32
            %dma_start3A_175 = tpu.memref_slice %arg11[%dma_start3A, %dma_start3A_173, %dma_start3A_174] : memref<3x64x4096xf32, #tpu.memory_space<vmem_shared>> -> memref<1x8x4096xf32, #tpu.memory_space<vmem_shared>>
            %dma_start3A_176 = tpu.memref_squeeze %dma_start3A_175 : memref<1x8x4096xf32, #tpu.memory_space<vmem_shared>> -> memref<8x4096xf32, #tpu.memory_space<vmem_shared>>
            %dma_start3A_177 = arith.constant 0 : i32
            %dma_start3A_178 = tpu.memref_slice %arg3[%dma_start3A_177, %add3A_151] : memref<64x1000000xf32, #tpu.memory_space<hbm>> -> memref<8x4096xf32, #tpu.memory_space<hbm>>
            tpu.enqueue_dma source(%dma_start3A_178 : memref<8x4096xf32, #tpu.memory_space<hbm>>) target(%dma_start3A_176 : memref<8x4096xf32, #tpu.memory_space<vmem_shared>>) target_semaphore(%arg15 : memref<!tpu.dma_semaphore, #tpu.memory_space<semaphore_mem>>)
            %dma_start3A_179 = arith.constant 1 : i32
            %dma_start3A_180 = arith.constant 8 : i32
            %dma_start3A_181 = arith.constant 0 : i32
            %dma_start3A_182 = tpu.memref_slice %arg11[%dma_start3A_179, %dma_start3A_180, %dma_start3A_181] : memref<3x64x4096xf32, #tpu.memory_space<vmem_shared>> -> memref<1x8x4096xf32, #tpu.memory_space<vmem_shared>>
            %dma_start3A_183 = tpu.memref_squeeze %dma_start3A_182 : memref<1x8x4096xf32, #tpu.memory_space<vmem_shared>> -> memref<8x4096xf32, #tpu.memory_space<vmem_shared>>
            %dma_start3A_184 = arith.constant 8 : i32
            %dma_start3A_185 = tpu.memref_slice %arg3[%dma_start3A_184, %add3A_151] : memref<64x1000000xf32, #tpu.memory_space<hbm>> -> memref<8x4096xf32, #tpu.memory_space<hbm>>
            tpu.enqueue_dma source(%dma_start3A_185 : memref<8x4096xf32, #tpu.memory_space<hbm>>) target(%dma_start3A_183 : memref<8x4096xf32, #tpu.memory_space<vmem_shared>>) target_semaphore(%arg15 : memref<!tpu.dma_semaphore, #tpu.memory_space<semaphore_mem>>)
            %dma_start3A_186 = arith.constant 1 : i32
            %dma_start3A_187 = arith.constant 16 : i32
            %dma_start3A_188 = arith.constant 0 : i32
            %dma_start3A_189 = tpu.memref_slice %arg11[%dma_start3A_186, %dma_start3A_187, %dma_start3A_188] : memref<3x64x4096xf32, #tpu.memory_space<vmem_shared>> -> memref<1x8x4096xf32, #tpu.memory_space<vmem_shared>>
            %dma_start3A_190 = tpu.memref_squeeze %dma_start3A_189 : memref<1x8x4096xf32, #tpu.memory_space<vmem_shared>> -> memref<8x4096xf32, #tpu.memory_space<vmem_shared>>
            %dma_start3A_191 = arith.constant 16 : i32
            %dma_start3A_192 = tpu.memref_slice %arg3[%dma_start3A_191, %add3A_151] : memref<64x1000000xf32, #tpu.memory_space<hbm>> -> memref<8x4096xf32, #tpu.memory_space<hbm>>
            tpu.enqueue_dma source(%dma_start3A_192 : memref<8x4096xf32, #tpu.memory_space<hbm>>) target(%dma_start3A_190 : memref<8x4096xf32, #tpu.memory_space<vmem_shared>>) target_semaphore(%arg15 : memref<!tpu.dma_semaphore, #tpu.memory_space<semaphore_mem>>)
            %dma_start3A_193 = arith.constant 1 : i32
            %dma_start3A_194 = arith.constant 24 : i32
            %dma_start3A_195 = arith.constant 0 : i32
            %dma_start3A_196 = tpu.memref_slice %arg11[%dma_start3A_193, %dma_start3A_194, %dma_start3A_195] : memref<3x64x4096xf32, #tpu.memory_space<vmem_shared>> -> memref<1x8x4096xf32, #tpu.memory_space<vmem_shared>>
            %dma_start3A_197 = tpu.memref_squeeze %dma_start3A_196 : memref<1x8x4096xf32, #tpu.memory_space<vmem_shared>> -> memref<8x4096xf32, #tpu.memory_space<vmem_shared>>
            %dma_start3A_198 = arith.constant 24 : i32
            %dma_start3A_199 = tpu.memref_slice %arg3[%dma_start3A_198, %add3A_151] : memref<64x1000000xf32, #tpu.memory_space<hbm>> -> memref<8x4096xf32, #tpu.memory_space<hbm>>
            tpu.enqueue_dma source(%dma_start3A_199 : memref<8x4096xf32, #tpu.memory_space<hbm>>) target(%dma_start3A_197 : memref<8x4096xf32, #tpu.memory_space<vmem_shared>>) target_semaphore(%arg15 : memref<!tpu.dma_semaphore, #tpu.memory_space<semaphore_mem>>)
            %dma_start3A_200 = arith.constant 1 : i32
            %dma_start3A_201 = arith.constant 32 : i32
            %dma_start3A_202 = arith.constant 0 : i32
            %dma_start3A_203 = tpu.memref_slice %arg11[%dma_start3A_200, %dma_start3A_201, %dma_start3A_202] : memref<3x64x4096xf32, #tpu.memory_space<vmem_shared>> -> memref<1x8x4096xf32, #tpu.memory_space<vmem_shared>>
            %dma_start3A_204 = tpu.memref_squeeze %dma_start3A_203 : memref<1x8x4096xf32, #tpu.memory_space<vmem_shared>> -> memref<8x4096xf32, #tpu.memory_space<vmem_shared>>
            %dma_start3A_205 = arith.constant 32 : i32
            %dma_start3A_206 = tpu.memref_slice %arg3[%dma_start3A_205, %add3A_151] : memref<64x1000000xf32, #tpu.memory_space<hbm>> -> memref<8x4096xf32, #tpu.memory_space<hbm>>
            tpu.enqueue_dma source(%dma_start3A_206 : memref<8x4096xf32, #tpu.memory_space<hbm>>) target(%dma_start3A_204 : memref<8x4096xf32, #tpu.memory_space<vmem_shared>>) target_semaphore(%arg15 : memref<!tpu.dma_semaphore, #tpu.memory_space<semaphore_mem>>)
            %dma_start3A_207 = arith.constant 1 : i32
            %dma_start3A_208 = arith.constant 40 : i32
            %dma_start3A_209 = arith.constant 0 : i32
            %dma_start3A_210 = tpu.memref_slice %arg11[%dma_start3A_207, %dma_start3A_208, %dma_start3A_209] : memref<3x64x4096xf32, #tpu.memory_space<vmem_shared>> -> memref<1x8x4096xf32, #tpu.memory_space<vmem_shared>>
            %dma_start3A_211 = tpu.memref_squeeze %dma_start3A_210 : memref<1x8x4096xf32, #tpu.memory_space<vmem_shared>> -> memref<8x4096xf32, #tpu.memory_space<vmem_shared>>
            %dma_start3A_212 = arith.constant 40 : i32
            %dma_start3A_213 = tpu.memref_slice %arg3[%dma_start3A_212, %add3A_151] : memref<64x1000000xf32, #tpu.memory_space<hbm>> -> memref<8x4096xf32, #tpu.memory_space<hbm>>
            tpu.enqueue_dma source(%dma_start3A_213 : memref<8x4096xf32, #tpu.memory_space<hbm>>) target(%dma_start3A_211 : memref<8x4096xf32, #tpu.memory_space<vmem_shared>>) target_semaphore(%arg15 : memref<!tpu.dma_semaphore, #tpu.memory_space<semaphore_mem>>)
            %dma_start3A_214 = arith.constant 1 : i32
            %dma_start3A_215 = arith.constant 48 : i32
            %dma_start3A_216 = arith.constant 0 : i32
            %dma_start3A_217 = tpu.memref_slice %arg11[%dma_start3A_214, %dma_start3A_215, %dma_start3A_216] : memref<3x64x4096xf32, #tpu.memory_space<vmem_shared>> -> memref<1x8x4096xf32, #tpu.memory_space<vmem_shared>>
            %dma_start3A_218 = tpu.memref_squeeze %dma_start3A_217 : memref<1x8x4096xf32, #tpu.memory_space<vmem_shared>> -> memref<8x4096xf32, #tpu.memory_space<vmem_shared>>
            %dma_start3A_219 = arith.constant 48 : i32
            %dma_start3A_220 = tpu.memref_slice %arg3[%dma_start3A_219, %add3A_151] : memref<64x1000000xf32, #tpu.memory_space<hbm>> -> memref<8x4096xf32, #tpu.memory_space<hbm>>
            tpu.enqueue_dma source(%dma_start3A_220 : memref<8x4096xf32, #tpu.memory_space<hbm>>) target(%dma_start3A_218 : memref<8x4096xf32, #tpu.memory_space<vmem_shared>>) target_semaphore(%arg15 : memref<!tpu.dma_semaphore, #tpu.memory_space<semaphore_mem>>)
            %dma_start3A_221 = arith.constant 1 : i32
            %dma_start3A_222 = arith.constant 56 : i32
            %dma_start3A_223 = arith.constant 0 : i32
            %dma_start3A_224 = tpu.memref_slice %arg11[%dma_start3A_221, %dma_start3A_222, %dma_start3A_223] : memref<3x64x4096xf32, #tpu.memory_space<vmem_shared>> -> memref<1x8x4096xf32, #tpu.memory_space<vmem_shared>>
            %dma_start3A_225 = tpu.memref_squeeze %dma_start3A_224 : memref<1x8x4096xf32, #tpu.memory_space<vmem_shared>> -> memref<8x4096xf32, #tpu.memory_space<vmem_shared>>
            %dma_start3A_226 = arith.constant 56 : i32
            %dma_start3A_227 = tpu.memref_slice %arg3[%dma_start3A_226, %add3A_151] : memref<64x1000000xf32, #tpu.memory_space<hbm>> -> memref<8x4096xf32, #tpu.memory_space<hbm>>
            tpu.enqueue_dma source(%dma_start3A_227 : memref<8x4096xf32, #tpu.memory_space<hbm>>) target(%dma_start3A_225 : memref<8x4096xf32, #tpu.memory_space<vmem_shared>>) target_semaphore(%arg15 : memref<!tpu.dma_semaphore, #tpu.memory_space<semaphore_mem>>)
          } else {
          }
          %rem3A_166 = arith.constant 3 : i32
          %rem3A_167 = arith.remsi %add3A_148, %rem3A_166 : i32
          %eq3A_168 = arith.constant 2 : i32
          %eq3A_169 = arith.cmpi eq, %rem3A_167, %eq3A_168 : i32
          %convert_element_type3A_170 = arith.extui %eq3A_169 : i1 to i32
          %cond3A_171 = arith.constant 0 : i32
          %cond3A_172 = arith.cmpi ne, %convert_element_type3A_170, %cond3A_171 : i32
          scf.if %cond3A_172 {
            %dma_start3A = arith.constant 2 : i32
            %dma_start3A_173 = arith.constant 0 : i32
            %dma_start3A_174 = arith.constant 0 : i32
            %dma_start3A_175 = tpu.memref_slice %arg11[%dma_start3A, %dma_start3A_173, %dma_start3A_174] : memref<3x64x4096xf32, #tpu.memory_space<vmem_shared>> -> memref<1x8x4096xf32, #tpu.memory_space<vmem_shared>>
            %dma_start3A_176 = tpu.memref_squeeze %dma_start3A_175 : memref<1x8x4096xf32, #tpu.memory_space<vmem_shared>> -> memref<8x4096xf32, #tpu.memory_space<vmem_shared>>
            %dma_start3A_177 = arith.constant 0 : i32
            %dma_start3A_178 = tpu.memref_slice %arg3[%dma_start3A_177, %add3A_151] : memref<64x1000000xf32, #tpu.memory_space<hbm>> -> memref<8x4096xf32, #tpu.memory_space<hbm>>
            tpu.enqueue_dma source(%dma_start3A_178 : memref<8x4096xf32, #tpu.memory_space<hbm>>) target(%dma_start3A_176 : memref<8x4096xf32, #tpu.memory_space<vmem_shared>>) target_semaphore(%arg16 : memref<!tpu.dma_semaphore, #tpu.memory_space<semaphore_mem>>)
            %dma_start3A_179 = arith.constant 2 : i32
            %dma_start3A_180 = arith.constant 8 : i32
            %dma_start3A_181 = arith.constant 0 : i32
            %dma_start3A_182 = tpu.memref_slice %arg11[%dma_start3A_179, %dma_start3A_180, %dma_start3A_181] : memref<3x64x4096xf32, #tpu.memory_space<vmem_shared>> -> memref<1x8x4096xf32, #tpu.memory_space<vmem_shared>>
            %dma_start3A_183 = tpu.memref_squeeze %dma_start3A_182 : memref<1x8x4096xf32, #tpu.memory_space<vmem_shared>> -> memref<8x4096xf32, #tpu.memory_space<vmem_shared>>
            %dma_start3A_184 = arith.constant 8 : i32
            %dma_start3A_185 = tpu.memref_slice %arg3[%dma_start3A_184, %add3A_151] : memref<64x1000000xf32, #tpu.memory_space<hbm>> -> memref<8x4096xf32, #tpu.memory_space<hbm>>
            tpu.enqueue_dma source(%dma_start3A_185 : memref<8x4096xf32, #tpu.memory_space<hbm>>) target(%dma_start3A_183 : memref<8x4096xf32, #tpu.memory_space<vmem_shared>>) target_semaphore(%arg16 : memref<!tpu.dma_semaphore, #tpu.memory_space<semaphore_mem>>)
            %dma_start3A_186 = arith.constant 2 : i32
            %dma_start3A_187 = arith.constant 16 : i32
            %dma_start3A_188 = arith.constant 0 : i32
            %dma_start3A_189 = tpu.memref_slice %arg11[%dma_start3A_186, %dma_start3A_187, %dma_start3A_188] : memref<3x64x4096xf32, #tpu.memory_space<vmem_shared>> -> memref<1x8x4096xf32, #tpu.memory_space<vmem_shared>>
            %dma_start3A_190 = tpu.memref_squeeze %dma_start3A_189 : memref<1x8x4096xf32, #tpu.memory_space<vmem_shared>> -> memref<8x4096xf32, #tpu.memory_space<vmem_shared>>
            %dma_start3A_191 = arith.constant 16 : i32
            %dma_start3A_192 = tpu.memref_slice %arg3[%dma_start3A_191, %add3A_151] : memref<64x1000000xf32, #tpu.memory_space<hbm>> -> memref<8x4096xf32, #tpu.memory_space<hbm>>
            tpu.enqueue_dma source(%dma_start3A_192 : memref<8x4096xf32, #tpu.memory_space<hbm>>) target(%dma_start3A_190 : memref<8x4096xf32, #tpu.memory_space<vmem_shared>>) target_semaphore(%arg16 : memref<!tpu.dma_semaphore, #tpu.memory_space<semaphore_mem>>)
            %dma_start3A_193 = arith.constant 2 : i32
            %dma_start3A_194 = arith.constant 24 : i32
            %dma_start3A_195 = arith.constant 0 : i32
            %dma_start3A_196 = tpu.memref_slice %arg11[%dma_start3A_193, %dma_start3A_194, %dma_start3A_195] : memref<3x64x4096xf32, #tpu.memory_space<vmem_shared>> -> memref<1x8x4096xf32, #tpu.memory_space<vmem_shared>>
            %dma_start3A_197 = tpu.memref_squeeze %dma_start3A_196 : memref<1x8x4096xf32, #tpu.memory_space<vmem_shared>> -> memref<8x4096xf32, #tpu.memory_space<vmem_shared>>
            %dma_start3A_198 = arith.constant 24 : i32
            %dma_start3A_199 = tpu.memref_slice %arg3[%dma_start3A_198, %add3A_151] : memref<64x1000000xf32, #tpu.memory_space<hbm>> -> memref<8x4096xf32, #tpu.memory_space<hbm>>
            tpu.enqueue_dma source(%dma_start3A_199 : memref<8x4096xf32, #tpu.memory_space<hbm>>) target(%dma_start3A_197 : memref<8x4096xf32, #tpu.memory_space<vmem_shared>>) target_semaphore(%arg16 : memref<!tpu.dma_semaphore, #tpu.memory_space<semaphore_mem>>)
            %dma_start3A_200 = arith.constant 2 : i32
            %dma_start3A_201 = arith.constant 32 : i32
            %dma_start3A_202 = arith.constant 0 : i32
            %dma_start3A_203 = tpu.memref_slice %arg11[%dma_start3A_200, %dma_start3A_201, %dma_start3A_202] : memref<3x64x4096xf32, #tpu.memory_space<vmem_shared>> -> memref<1x8x4096xf32, #tpu.memory_space<vmem_shared>>
            %dma_start3A_204 = tpu.memref_squeeze %dma_start3A_203 : memref<1x8x4096xf32, #tpu.memory_space<vmem_shared>> -> memref<8x4096xf32, #tpu.memory_space<vmem_shared>>
            %dma_start3A_205 = arith.constant 32 : i32
            %dma_start3A_206 = tpu.memref_slice %arg3[%dma_start3A_205, %add3A_151] : memref<64x1000000xf32, #tpu.memory_space<hbm>> -> memref<8x4096xf32, #tpu.memory_space<hbm>>
            tpu.enqueue_dma source(%dma_start3A_206 : memref<8x4096xf32, #tpu.memory_space<hbm>>) target(%dma_start3A_204 : memref<8x4096xf32, #tpu.memory_space<vmem_shared>>) target_semaphore(%arg16 : memref<!tpu.dma_semaphore, #tpu.memory_space<semaphore_mem>>)
            %dma_start3A_207 = arith.constant 2 : i32
            %dma_start3A_208 = arith.constant 40 : i32
            %dma_start3A_209 = arith.constant 0 : i32
            %dma_start3A_210 = tpu.memref_slice %arg11[%dma_start3A_207, %dma_start3A_208, %dma_start3A_209] : memref<3x64x4096xf32, #tpu.memory_space<vmem_shared>> -> memref<1x8x4096xf32, #tpu.memory_space<vmem_shared>>
            %dma_start3A_211 = tpu.memref_squeeze %dma_start3A_210 : memref<1x8x4096xf32, #tpu.memory_space<vmem_shared>> -> memref<8x4096xf32, #tpu.memory_space<vmem_shared>>
            %dma_start3A_212 = arith.constant 40 : i32
            %dma_start3A_213 = tpu.memref_slice %arg3[%dma_start3A_212, %add3A_151] : memref<64x1000000xf32, #tpu.memory_space<hbm>> -> memref<8x4096xf32, #tpu.memory_space<hbm>>
            tpu.enqueue_dma source(%dma_start3A_213 : memref<8x4096xf32, #tpu.memory_space<hbm>>) target(%dma_start3A_211 : memref<8x4096xf32, #tpu.memory_space<vmem_shared>>) target_semaphore(%arg16 : memref<!tpu.dma_semaphore, #tpu.memory_space<semaphore_mem>>)
            %dma_start3A_214 = arith.constant 2 : i32
            %dma_start3A_215 = arith.constant 48 : i32
            %dma_start3A_216 = arith.constant 0 : i32
            %dma_start3A_217 = tpu.memref_slice %arg11[%dma_start3A_214, %dma_start3A_215, %dma_start3A_216] : memref<3x64x4096xf32, #tpu.memory_space<vmem_shared>> -> memref<1x8x4096xf32, #tpu.memory_space<vmem_shared>>
            %dma_start3A_218 = tpu.memref_squeeze %dma_start3A_217 : memref<1x8x4096xf32, #tpu.memory_space<vmem_shared>> -> memref<8x4096xf32, #tpu.memory_space<vmem_shared>>
            %dma_start3A_219 = arith.constant 48 : i32
            %dma_start3A_220 = tpu.memref_slice %arg3[%dma_start3A_219, %add3A_151] : memref<64x1000000xf32, #tpu.memory_space<hbm>> -> memref<8x4096xf32, #tpu.memory_space<hbm>>
            tpu.enqueue_dma source(%dma_start3A_220 : memref<8x4096xf32, #tpu.memory_space<hbm>>) target(%dma_start3A_218 : memref<8x4096xf32, #tpu.memory_space<vmem_shared>>) target_semaphore(%arg16 : memref<!tpu.dma_semaphore, #tpu.memory_space<semaphore_mem>>)
            %dma_start3A_221 = arith.constant 2 : i32
            %dma_start3A_222 = arith.constant 56 : i32
            %dma_start3A_223 = arith.constant 0 : i32
            %dma_start3A_224 = tpu.memref_slice %arg11[%dma_start3A_221, %dma_start3A_222, %dma_start3A_223] : memref<3x64x4096xf32, #tpu.memory_space<vmem_shared>> -> memref<1x8x4096xf32, #tpu.memory_space<vmem_shared>>
            %dma_start3A_225 = tpu.memref_squeeze %dma_start3A_224 : memref<1x8x4096xf32, #tpu.memory_space<vmem_shared>> -> memref<8x4096xf32, #tpu.memory_space<vmem_shared>>
            %dma_start3A_226 = arith.constant 56 : i32
            %dma_start3A_227 = tpu.memref_slice %arg3[%dma_start3A_226, %add3A_151] : memref<64x1000000xf32, #tpu.memory_space<hbm>> -> memref<8x4096xf32, #tpu.memory_space<hbm>>
            tpu.enqueue_dma source(%dma_start3A_227 : memref<8x4096xf32, #tpu.memory_space<hbm>>) target(%dma_start3A_225 : memref<8x4096xf32, #tpu.memory_space<vmem_shared>>) target_semaphore(%arg16 : memref<!tpu.dma_semaphore, #tpu.memory_space<semaphore_mem>>)
          } else {
          }
        } else {
        }
        %lt3A_142 = arith.constant 122 : i32
        %lt3A_143 = arith.cmpi slt, %scan3A_92, %lt3A_142 : i32
        %convert_element_type3A_144 = arith.extui %lt3A_143 : i1 to i32
        %cond3A_145 = arith.constant 0 : i32
        %cond3A_146 = arith.cmpi ne, %convert_element_type3A_144, %cond3A_145 : i32
        scf.if %cond3A_146 {
          %rem3A_147 = arith.constant 3 : i32
          %rem3A_148 = arith.remsi %scan3A_92, %rem3A_147 : i32
          %eq3A_149 = arith.constant 0 : i32
          %eq3A_150 = arith.cmpi eq, %rem3A_148, %eq3A_149 : i32
          %convert_element_type3A_151 = arith.extui %eq3A_150 : i1 to i32
          %cond3A_152 = arith.constant 0 : i32
          %cond3A_153 = arith.cmpi ne, %convert_element_type3A_151, %cond3A_152 : i32
          scf.if %cond3A_153 {
            %dma_wait3A = arith.constant 0 : i32
            %dma_wait3A_168 = arith.constant 0 : i32
            %dma_wait3A_169 = arith.constant 0 : i32
            %dma_wait3A_170 = tpu.memref_slice %arg11[%dma_wait3A, %dma_wait3A_168, %dma_wait3A_169] : memref<3x64x4096xf32, #tpu.memory_space<vmem_shared>> -> memref<1x64x4096xf32, #tpu.memory_space<vmem_shared>>
            %dma_wait3A_171 = tpu.memref_squeeze %dma_wait3A_170 : memref<1x64x4096xf32, #tpu.memory_space<vmem_shared>> -> memref<64x4096xf32, #tpu.memory_space<vmem_shared>>
            %dma_wait3A_172 = arith.constant 0 : i32
            %dma_wait3A_173 = arith.constant 0 : i32
            %dma_wait3A_174 = tpu.memref_slice %arg3[%dma_wait3A_172, %dma_wait3A_173] : memref<64x1000000xf32, #tpu.memory_space<hbm>> -> memref<64x4096xf32, #tpu.memory_space<hbm>>
            tpu.wait_dma2 semaphore(%arg14 : memref<!tpu.dma_semaphore, #tpu.memory_space<semaphore_mem>>) src(%dma_wait3A_174 : memref<64x4096xf32, #tpu.memory_space<hbm>>) dst(%dma_wait3A_171 : memref<64x4096xf32, #tpu.memory_space<vmem_shared>>)
          } else {
          }
          %rem3A_154 = arith.constant 3 : i32
          %rem3A_155 = arith.remsi %scan3A_92, %rem3A_154 : i32
          %eq3A_156 = arith.constant 1 : i32
          %eq3A_157 = arith.cmpi eq, %rem3A_155, %eq3A_156 : i32
          %convert_element_type3A_158 = arith.extui %eq3A_157 : i1 to i32
          %cond3A_159 = arith.constant 0 : i32
          %cond3A_160 = arith.cmpi ne, %convert_element_type3A_158, %cond3A_159 : i32
          scf.if %cond3A_160 {
            %dma_wait3A = arith.constant 1 : i32
            %dma_wait3A_168 = arith.constant 0 : i32
            %dma_wait3A_169 = arith.constant 0 : i32
            %dma_wait3A_170 = tpu.memref_slice %arg11[%dma_wait3A, %dma_wait3A_168, %dma_wait3A_169] : memref<3x64x4096xf32, #tpu.memory_space<vmem_shared>> -> memref<1x64x4096xf32, #tpu.memory_space<vmem_shared>>
            %dma_wait3A_171 = tpu.memref_squeeze %dma_wait3A_170 : memref<1x64x4096xf32, #tpu.memory_space<vmem_shared>> -> memref<64x4096xf32, #tpu.memory_space<vmem_shared>>
            %dma_wait3A_172 = arith.constant 0 : i32
            %dma_wait3A_173 = arith.constant 0 : i32
            %dma_wait3A_174 = tpu.memref_slice %arg3[%dma_wait3A_172, %dma_wait3A_173] : memref<64x1000000xf32, #tpu.memory_space<hbm>> -> memref<64x4096xf32, #tpu.memory_space<hbm>>
            tpu.wait_dma2 semaphore(%arg15 : memref<!tpu.dma_semaphore, #tpu.memory_space<semaphore_mem>>) src(%dma_wait3A_174 : memref<64x4096xf32, #tpu.memory_space<hbm>>) dst(%dma_wait3A_171 : memref<64x4096xf32, #tpu.memory_space<vmem_shared>>)
          } else {
          }
          %rem3A_161 = arith.constant 3 : i32
          %rem3A_162 = arith.remsi %scan3A_92, %rem3A_161 : i32
          %eq3A_163 = arith.constant 2 : i32
          %eq3A_164 = arith.cmpi eq, %rem3A_162, %eq3A_163 : i32
          %convert_element_type3A_165 = arith.extui %eq3A_164 : i1 to i32
          %cond3A_166 = arith.constant 0 : i32
          %cond3A_167 = arith.cmpi ne, %convert_element_type3A_165, %cond3A_166 : i32
          scf.if %cond3A_167 {
            %dma_wait3A = arith.constant 2 : i32
            %dma_wait3A_168 = arith.constant 0 : i32
            %dma_wait3A_169 = arith.constant 0 : i32
            %dma_wait3A_170 = tpu.memref_slice %arg11[%dma_wait3A, %dma_wait3A_168, %dma_wait3A_169] : memref<3x64x4096xf32, #tpu.memory_space<vmem_shared>> -> memref<1x64x4096xf32, #tpu.memory_space<vmem_shared>>
            %dma_wait3A_171 = tpu.memref_squeeze %dma_wait3A_170 : memref<1x64x4096xf32, #tpu.memory_space<vmem_shared>> -> memref<64x4096xf32, #tpu.memory_space<vmem_shared>>
            %dma_wait3A_172 = arith.constant 0 : i32
            %dma_wait3A_173 = arith.constant 0 : i32
            %dma_wait3A_174 = tpu.memref_slice %arg3[%dma_wait3A_172, %dma_wait3A_173] : memref<64x1000000xf32, #tpu.memory_space<hbm>> -> memref<64x4096xf32, #tpu.memory_space<hbm>>
            tpu.wait_dma2 semaphore(%arg16 : memref<!tpu.dma_semaphore, #tpu.memory_space<semaphore_mem>>) src(%dma_wait3A_174 : memref<64x4096xf32, #tpu.memory_space<hbm>>) dst(%dma_wait3A_171 : memref<64x4096xf32, #tpu.memory_space<vmem_shared>>)
          } else {
          }
        } else {
        }
      } else {
      }
      %barrier3A_103 = arith.constant 0 : index
      tpu.barrier barrier_id(%barrier3A_103)
      %lt3A = arith.constant 122 : i32
      %lt3A_104 = arith.cmpi slt, %scan3A_92, %lt3A : i32
      %convert_element_type3A_105 = arith.extui %lt3A_104 : i1 to i32
      %cond3A_106 = arith.constant 0 : i32
      %cond3A_107 = arith.cmpi ne, %convert_element_type3A_105, %cond3A_106 : i32
      scf.if %cond3A_107 {
        %rem3A_135 = arith.constant 3 : i32
        %rem3A_136 = arith.remsi %scan3A_92, %rem3A_135 : i32
        %mul3A_137 = arith.constant 256 : i32
        %mul3A_138 = arith.muli %arg1, %mul3A_137 : i32
        %multiple_of3A = tpu.assume_multiple %mul3A_138, 256 : i32
        %rem3A_139 = arith.constant 2 : i32
        %rem3A_140 = arith.remsi %scan3A_92, %rem3A_139 : i32
        %eq3A_141 = arith.constant 0 : i32
        %eq3A_142 = arith.cmpi eq, %rem3A_140, %eq3A_141 : i32
        %convert_element_type3A_143 = arith.extui %eq3A_142 : i1 to i32
        %cond3A_144 = arith.constant 0 : i32
        %cond3A_145 = arith.cmpi ne, %convert_element_type3A_143, %cond3A_144 : i32
        scf.if %cond3A_145 {
          %dma_start3A = arith.constant 0 : i32
          %dma_start3A_153 = arith.constant 0 : i32
          %dma_start3A_154 = arith.constant 0 : i32
          %dma_start3A_155 = tpu.memref_slice %arg7[%dma_start3A, %dma_start3A_153, %dma_start3A_154] : memref<2x64x256xf32, #tpu.memory_space<vmem>> -> memref<1x64x256xf32, #tpu.memory_space<vmem>>
          %dma_start3A_156 = tpu.memref_squeeze %dma_start3A_155 : memref<1x64x256xf32, #tpu.memory_space<vmem>> -> memref<64x256xf32, #tpu.memory_space<vmem>>
          %dma_start3A_157 = arith.constant 0 : i32
          %dma_start3A_158 = tpu.memref_slice %arg11[%rem3A_136, %dma_start3A_157, %multiple_of3A] : memref<3x64x4096xf32, #tpu.memory_space<vmem_shared>> -> memref<1x64x256xf32, #tpu.memory_space<vmem_shared>>
          %dma_start3A_159 = tpu.memref_squeeze %dma_start3A_158 : memref<1x64x256xf32, #tpu.memory_space<vmem_shared>> -> memref<64x256xf32, #tpu.memory_space<vmem_shared>>
          %dma_start3A_160 = arith.constant 0 : i32
          %dma_start3A_161 = arith.constant 0 : i32
          %dma_start3A_162 = tpu.memref_slice %arg7[%dma_start3A, %dma_start3A_160, %dma_start3A_161] : memref<2x64x256xf32, #tpu.memory_space<vmem>> -> memref<1x64x256xf32, #tpu.memory_space<vmem>>
          %dma_start3A_163 = tpu.memref_squeeze %dma_start3A_162 : memref<1x64x256xf32, #tpu.memory_space<vmem>> -> memref<64x256xf32, #tpu.memory_space<vmem>>
          %dma_start3A_164 = arith.constant 0 : i32
          %dma_start3A_165 = tpu.memref_slice %arg11[%rem3A_136, %dma_start3A_164, %multiple_of3A] : memref<3x64x4096xf32, #tpu.memory_space<vmem_shared>> -> memref<1x64x256xf32, #tpu.memory_space<vmem_shared>>
          %dma_start3A_166 = tpu.memref_squeeze %dma_start3A_165 : memref<1x64x256xf32, #tpu.memory_space<vmem_shared>> -> memref<64x256xf32, #tpu.memory_space<vmem_shared>>
          tpu.enqueue_dma source(%dma_start3A_166 : memref<64x256xf32, #tpu.memory_space<vmem_shared>>) target(%dma_start3A_163 : memref<64x256xf32, #tpu.memory_space<vmem>>) target_semaphore(%arg12 : memref<!tpu.dma_semaphore, #tpu.memory_space<semaphore_mem>>)
        } else {
        }
        %rem3A_146 = arith.constant 2 : i32
        %rem3A_147 = arith.remsi %scan3A_92, %rem3A_146 : i32
        %eq3A_148 = arith.constant 1 : i32
        %eq3A_149 = arith.cmpi eq, %rem3A_147, %eq3A_148 : i32
        %convert_element_type3A_150 = arith.extui %eq3A_149 : i1 to i32
        %cond3A_151 = arith.constant 0 : i32
        %cond3A_152 = arith.cmpi ne, %convert_element_type3A_150, %cond3A_151 : i32
        scf.if %cond3A_152 {
          %dma_start3A = arith.constant 1 : i32
          %dma_start3A_153 = arith.constant 0 : i32
          %dma_start3A_154 = arith.constant 0 : i32
          %dma_start3A_155 = tpu.memref_slice %arg7[%dma_start3A, %dma_start3A_153, %dma_start3A_154] : memref<2x64x256xf32, #tpu.memory_space<vmem>> -> memref<1x64x256xf32, #tpu.memory_space<vmem>>
          %dma_start3A_156 = tpu.memref_squeeze %dma_start3A_155 : memref<1x64x256xf32, #tpu.memory_space<vmem>> -> memref<64x256xf32, #tpu.memory_space<vmem>>
          %dma_start3A_157 = arith.constant 0 : i32
          %dma_start3A_158 = tpu.memref_slice %arg11[%rem3A_136, %dma_start3A_157, %multiple_of3A] : memref<3x64x4096xf32, #tpu.memory_space<vmem_shared>> -> memref<1x64x256xf32, #tpu.memory_space<vmem_shared>>
          %dma_start3A_159 = tpu.memref_squeeze %dma_start3A_158 : memref<1x64x256xf32, #tpu.memory_space<vmem_shared>> -> memref<64x256xf32, #tpu.memory_space<vmem_shared>>
          %dma_start3A_160 = arith.constant 0 : i32
          %dma_start3A_161 = arith.constant 0 : i32
          %dma_start3A_162 = tpu.memref_slice %arg7[%dma_start3A, %dma_start3A_160, %dma_start3A_161] : memref<2x64x256xf32, #tpu.memory_space<vmem>> -> memref<1x64x256xf32, #tpu.memory_space<vmem>>
          %dma_start3A_163 = tpu.memref_squeeze %dma_start3A_162 : memref<1x64x256xf32, #tpu.memory_space<vmem>> -> memref<64x256xf32, #tpu.memory_space<vmem>>
          %dma_start3A_164 = arith.constant 0 : i32
          %dma_start3A_165 = tpu.memref_slice %arg11[%rem3A_136, %dma_start3A_164, %multiple_of3A] : memref<3x64x4096xf32, #tpu.memory_space<vmem_shared>> -> memref<1x64x256xf32, #tpu.memory_space<vmem_shared>>
          %dma_start3A_166 = tpu.memref_squeeze %dma_start3A_165 : memref<1x64x256xf32, #tpu.memory_space<vmem_shared>> -> memref<64x256xf32, #tpu.memory_space<vmem_shared>>
          tpu.enqueue_dma source(%dma_start3A_166 : memref<64x256xf32, #tpu.memory_space<vmem_shared>>) target(%dma_start3A_163 : memref<64x256xf32, #tpu.memory_space<vmem>>) target_semaphore(%arg13 : memref<!tpu.dma_semaphore, #tpu.memory_space<semaphore_mem>>)
        } else {
        }
      } else {
      }
      %ge3A_108 = arith.constant 1 : i32
      %ge3A_109 = arith.cmpi sge, %scan3A_92, %ge3A_108 : i32
      %sub3A_110 = arith.constant 1 : i32
      %sub3A_111 = arith.subi %scan3A_92, %sub3A_110 : i32
      %mul3A_112 = arith.constant 256 : i32
      %mul3A_113 = arith.muli %sub3A_111, %mul3A_112 : i32
      %jit3A_114 = arith.constant 1048576 : i32
      %select_n3A_115 = arith.select %ge3A_109, %mul3A_113, %jit3A_114 : i32
      %broadcast_in_dim3A_116 = arith.constant 0 : i32
      %broadcast_in_dim3A_117 = vector.broadcast %broadcast_in_dim3A_116 : i32 to vector<16xi32>
      %add3A_118 = arith.constant 1 : i32
      %add3A_119 = arith.addi %scan3A_92, %add3A_118 : i32
      %rem3A_120 = arith.constant 2 : i32
      %rem3A_121 = arith.remsi %add3A_119, %rem3A_120 : i32
      %add3A_122 = vector.broadcast %rem3A_121 : i32 to vector<16xi32>
      %add3A_123 = arith.addi %broadcast_in_dim3A_117, %add3A_122 : vector<16xi32>
      %while3A_124 = arith.constant 0 : i32
      %while3A_125 = arith.subi %select_n3A, %while3A_124 : i32
      %while3A_126 = arith.addi %while3A_124, %while3A_125 : i32
      %while3A_127 = arith.constant 1 : i32
      %while3A_128 = arith.divsi %while3A_125, %while3A_127 : i32
      %while3A_129 = arith.muli %while3A_128, %while3A_127 : i32
      %while3A_130 = arith.addi %while3A_124, %while3A_129 : i32
      %while3A_131 = arith.constant 1 : i32
      %while3A_132 = scf.for %while3A_135 = %while3A_124 to %while3A_130 step %while3A_131 iter_args(%while3A_136 = %scan3A_93) -> (i32)  : i32 {
        %mul3A_137 = arith.constant 16 : i32
        %mul3A_138 = arith.muli %while3A_135, %mul3A_137 : i32
        %get3A = arith.index_cast %mul3A_138 : i32 to index
        %get3A_139 = tpu.vector_load %arg6[%get3A] {strides = array<i32>} : memref<16400xi32, #tpu.memory_space<vmem>>, vector<16xi32>,
        %shift_right_logical3A = arith.constant 14 : i32
        %shift_right_logical3A_140 = vector.broadcast %shift_right_logical3A : i32 to vector<16xi32>
        %shift_right_logical3A_141 = arith.shrui %get3A_139, %shift_right_logical3A_140 : vector<16xi32>
        %ge3A_142 = vector.broadcast %select_n3A_115 : i32 to vector<16xi32>
        %ge3A_143 = arith.cmpi sge, %shift_right_logical3A_141, %ge3A_142 : vector<16xi32>
        %add3A_144 = arith.constant 256 : i32
        %add3A_145 = arith.addi %select_n3A_115, %add3A_144 : i32
        %lt3A_146 = vector.broadcast %add3A_145 : i32 to vector<16xi32>
        %lt3A_147 = arith.cmpi slt, %shift_right_logical3A_141, %lt3A_146 : vector<16xi32>
        %and3A_148 = arith.andi %ge3A_143, %lt3A_147 : vector<16xi1>
        %swap3A = arith.constant 0 : index
        %swap3A_149 = tpu.vector_load %arg8[%swap3A] masked %and3A_148 {strides = array<i32>} : memref<16xi32, #tpu.memory_space<vmem>>, vector<16xi32>, vector<16xi1>
        tpu.vector_store %arg8[%swap3A], %get3A_139 masked %and3A_148 {strides = array<i32>} : memref<16xi32, #tpu.memory_space<vmem>>, vector<16xi32>, vector<16xi1>
        %all_reduce_population_count3A = tpu.all_reduce %and3A_148 {dim = 0 : i64, kind = #tpu.reduction_kind<sum>} : vector<16xi1> -> vector<16xi32>
        %slice3A = vector.extract_strided_slice %all_reduce_population_count3A {offsets = [0], sizes = [1], strides = [1]} : vector<16xi32> to vector<1xi32>
        %squeeze3A = vector.extract %slice3A[0] : i32 from vector<1xi32>
        %while3A_150 = arith.constant 0 : i32
        %while3A_151 = arith.subi %squeeze3A, %while3A_150 : i32
        %while3A_152 = arith.addi %while3A_150, %while3A_151 : i32
        %while3A_153 = arith.constant 1 : i32
        %while3A_154 = arith.divsi %while3A_151, %while3A_153 : i32
        %while3A_155 = arith.muli %while3A_154, %while3A_153 : i32
        %while3A_156 = arith.addi %while3A_150, %while3A_155 : i32
        %while3A_157 = arith.constant 1 : i32
        %while3A_158 = scf.for %while3A_161 = %while3A_150 to %while3A_156 step %while3A_157 iter_args(%while3A_162 = %while3A_136) -> (i32)  : i32 {
          %broadcast_in_dim3A_163 = arith.constant 0 : i32
          %broadcast_in_dim3A_164 = vector.broadcast %broadcast_in_dim3A_163 : i32 to vector<16xi32>
          %add3A_165 = vector.broadcast %while3A_161 : i32 to vector<16xi32>
          %add3A_166 = arith.addi %broadcast_in_dim3A_164, %add3A_165 : vector<16xi32>
          %gather3A = arith.constant 0 : i32
          %gather3A_167 = tpu.memref_slice %arg8[%gather3A] : memref<16xi32, #tpu.memory_space<vmem>> -> memref<16xi32, #tpu.memory_space<vmem>>
          %gather3A_168 = tpu.vector_load_idx %gather3A_167[%add3A_166] : memref<16xi32, #tpu.memory_space<vmem>>[vector<16xi32>], vector<16xi32>,
          %slice3A_169 = vector.extract_strided_slice %gather3A_168 {offsets = [0], sizes = [1], strides = [1]} : vector<16xi32> to vector<1xi32>
          %squeeze3A_170 = vector.extract %slice3A_169[0] : i32 from vector<1xi32>
          %and3A_171 = arith.constant 16383 : i32
          %and3A_172 = arith.andi %squeeze3A_170, %and3A_171 : i32
          %broadcast_in_dim3A_173 = arith.constant 0 : i32
          %broadcast_in_dim3A_174 = vector.broadcast %broadcast_in_dim3A_173 : i32 to vector<16xi32>
          %shift_right_logical3A_175 = arith.constant 14 : i32
          %shift_right_logical3A_176 = arith.shrui %squeeze3A_170, %shift_right_logical3A_175 : i32
          %sub3A_177 = arith.subi %shift_right_logical3A_176, %select_n3A_115 : i32
          %add3A_178 = vector.broadcast %sub3A_177 : i32 to vector<16xi32>
          %add3A_179 = arith.addi %broadcast_in_dim3A_174, %add3A_178 : vector<16xi32>
          %rem3A_180 = arith.constant 16 : i32
          %rem3A_181 = arith.remsi %while3A_162, %rem3A_180 : i32
          %ge3A_182 = arith.constant 16 : i32
          %ge3A_183 = arith.cmpi sge, %while3A_162, %ge3A_182 : i32
          %convert_element_type3A_184 = arith.extui %ge3A_183 : i1 to i32
          %cond3A_185 = arith.constant 0 : i32
          %cond3A_186 = arith.cmpi ne, %convert_element_type3A_184, %cond3A_185 : i32
          scf.if %cond3A_186 {
            %dma_wait3A = arith.constant 0 : i32
            %dma_wait3A_247 = arith.constant 0 : i32
            %dma_wait3A_248 = arith.constant 0 : i32
            %dma_wait3A_249 = tpu.memref_slice %arg9[%dma_wait3A_247, %dma_wait3A_248] : memref<16x64xf32, #tpu.memory_space<vmem>> -> memref<1x64xf32, #tpu.memory_space<vmem>>
            %dma_wait3A_250 = tpu.memref_squeeze %dma_wait3A_249 : memref<1x64xf32, #tpu.memory_space<vmem>> -> memref<64xf32, #tpu.memory_space<vmem>>
            %dma_wait3A_251 = arith.constant 0 : i32
            %dma_wait3A_252 = tpu.memref_slice %arg4[%dma_wait3A, %dma_wait3A_251] : memref<16384x64xf32, #tpu.memory_space<hbm>> -> memref<1x64xf32, #tpu.memory_space<hbm>>
            %dma_wait3A_253 = tpu.memref_squeeze %dma_wait3A_252 : memref<1x64xf32, #tpu.memory_space<hbm>> -> memref<64xf32, #tpu.memory_space<hbm>>
            %dma_wait3A_254 = arith.constant 0 : i32
            %dma_wait3A_255 = tpu.memref_slice %arg9[%dma_wait3A_247, %dma_wait3A_254] : memref<16x64xf32, #tpu.memory_space<vmem>> -> memref<1x64xf32, #tpu.memory_space<vmem>>
            %dma_wait3A_256 = tpu.memref_squeeze %dma_wait3A_255 : memref<1x64xf32, #tpu.memory_space<vmem>> -> memref<64xf32, #tpu.memory_space<vmem>>
            %dma_wait3A_257 = arith.constant 0 : i32
            %dma_wait3A_258 = tpu.memref_slice %arg4[%dma_wait3A, %dma_wait3A_257] : memref<16384x64xf32, #tpu.memory_space<hbm>> -> memref<1x64xf32, #tpu.memory_space<hbm>>
            %dma_wait3A_259 = tpu.memref_squeeze %dma_wait3A_258 : memref<1x64xf32, #tpu.memory_space<hbm>> -> memref<64xf32, #tpu.memory_space<hbm>>
            tpu.wait_dma2 semaphore(%arg17 : memref<!tpu.dma_semaphore, #tpu.memory_space<semaphore_mem>>) src(%dma_wait3A_259 : memref<64xf32, #tpu.memory_space<hbm>>) dst(%dma_wait3A_256 : memref<64xf32, #tpu.memory_space<vmem>>)
          } else {
          }
          %iota3A = tpu.iota {dimensions = array<i32: 0>} : vector<16xi32>
          %add3A_187 = arith.constant 0 : i32
          %add3A_188 = vector.broadcast %add3A_187 : i32 to vector<16xi32>
          %add3A_189 = arith.addi %iota3A, %add3A_188 : vector<16xi32>
          %gather3A_190 = arith.constant 0 : i32
          %gather3A_191 = arith.constant 0 : i32
          %gather3A_192 = arith.constant 0 : i32
          %gather3A_193 = tpu.memref_slice %arg7[%gather3A_190, %gather3A_191, %gather3A_192] : memref<2x64x256xf32, #tpu.memory_space<vmem>> -> memref<2x64x256xf32, #tpu.memory_space<vmem>>
          %gather3A_194 = tpu.vector_load_idx %gather3A_193[%add3A_123, %add3A_189, %add3A_179] : memref<2x64x256xf32, #tpu.memory_space<vmem>>[vector<16xi32>, vector<16xi32>, vector<16xi32>], vector<16xf32>,
          %swap3A_195 = arith.index_cast %rem3A_181 : i32 to index
          %swap3A_196 = arith.constant 0 : index
          %swap3A_197 = tpu.vector_load %arg9[%swap3A_195, %swap3A_196] {strides = array<i32>} : memref<16x64xf32, #tpu.memory_space<vmem>>, vector<16xf32>,
          tpu.vector_store %arg9[%swap3A_195, %swap3A_196], %gather3A_194 {strides = array<i32>} : memref<16x64xf32, #tpu.memory_space<vmem>>, vector<16xf32>,
          %iota3A_198 = tpu.iota {dimensions = array<i32: 0>} : vector<16xi32>
          %add3A_199 = arith.constant 16 : i32
          %add3A_200 = vector.broadcast %add3A_199 : i32 to vector<16xi32>
          %add3A_201 = arith.addi %iota3A_198, %add3A_200 : vector<16xi32>
          %gather3A_202 = arith.constant 0 : i32
          %gather3A_203 = arith.constant 0 : i32
          %gather3A_204 = arith.constant 0 : i32
          %gather3A_205 = tpu.memref_slice %arg7[%gather3A_202, %gather3A_203, %gather3A_204] : memref<2x64x256xf32, #tpu.memory_space<vmem>> -> memref<2x64x256xf32, #tpu.memory_space<vmem>>
          %gather3A_206 = tpu.vector_load_idx %gather3A_205[%add3A_123, %add3A_201, %add3A_179] : memref<2x64x256xf32, #tpu.memory_space<vmem>>[vector<16xi32>, vector<16xi32>, vector<16xi32>], vector<16xf32>,
          %swap3A_207 = arith.index_cast %rem3A_181 : i32 to index
          %swap3A_208 = arith.constant 16 : index
          %swap3A_209 = tpu.vector_load %arg9[%swap3A_207, %swap3A_208] {strides = array<i32>} : memref<16x64xf32, #tpu.memory_space<vmem>>, vector<16xf32>,
          tpu.vector_store %arg9[%swap3A_207, %swap3A_208], %gather3A_206 {strides = array<i32>} : memref<16x64xf32, #tpu.memory_space<vmem>>, vector<16xf32>,
          %iota3A_210 = tpu.iota {dimensions = array<i32: 0>} : vector<16xi32>
          %add3A_211 = arith.constant 32 : i32
          %add3A_212 = vector.broadcast %add3A_211 : i32 to vector<16xi32>
          %add3A_213 = arith.addi %iota3A_210, %add3A_212 : vector<16xi32>
          %gather3A_214 = arith.constant 0 : i32
          %gather3A_215 = arith.constant 0 : i32
          %gather3A_216 = arith.constant 0 : i32
          %gather3A_217 = tpu.memref_slice %arg7[%gather3A_214, %gather3A_215, %gather3A_216] : memref<2x64x256xf32, #tpu.memory_space<vmem>> -> memref<2x64x256xf32, #tpu.memory_space<vmem>>
          %gather3A_218 = tpu.vector_load_idx %gather3A_217[%add3A_123, %add3A_213, %add3A_179] : memref<2x64x256xf32, #tpu.memory_space<vmem>>[vector<16xi32>, vector<16xi32>, vector<16xi32>], vector<16xf32>,
          %swap3A_219 = arith.index_cast %rem3A_181 : i32 to index
          %swap3A_220 = arith.constant 32 : index
          %swap3A_221 = tpu.vector_load %arg9[%swap3A_219, %swap3A_220] {strides = array<i32>} : memref<16x64xf32, #tpu.memory_space<vmem>>, vector<16xf32>,
          tpu.vector_store %arg9[%swap3A_219, %swap3A_220], %gather3A_218 {strides = array<i32>} : memref<16x64xf32, #tpu.memory_space<vmem>>, vector<16xf32>,
          %iota3A_222 = tpu.iota {dimensions = array<i32: 0>} : vector<16xi32>
          %add3A_223 = arith.constant 48 : i32
          %add3A_224 = vector.broadcast %add3A_223 : i32 to vector<16xi32>
          %add3A_225 = arith.addi %iota3A_222, %add3A_224 : vector<16xi32>
          %gather3A_226 = arith.constant 0 : i32
          %gather3A_227 = arith.constant 0 : i32
          %gather3A_228 = arith.constant 0 : i32
          %gather3A_229 = tpu.memref_slice %arg7[%gather3A_226, %gather3A_227, %gather3A_228] : memref<2x64x256xf32, #tpu.memory_space<vmem>> -> memref<2x64x256xf32, #tpu.memory_space<vmem>>
          %gather3A_230 = tpu.vector_load_idx %gather3A_229[%add3A_123, %add3A_225, %add3A_179] : memref<2x64x256xf32, #tpu.memory_space<vmem>>[vector<16xi32>, vector<16xi32>, vector<16xi32>], vector<16xf32>,
          %swap3A_231 = arith.index_cast %rem3A_181 : i32 to index
          %swap3A_232 = arith.constant 48 : index
          %swap3A_233 = tpu.vector_load %arg9[%swap3A_231, %swap3A_232] {strides = array<i32>} : memref<16x64xf32, #tpu.memory_space<vmem>>, vector<16xf32>,
          tpu.vector_store %arg9[%swap3A_231, %swap3A_232], %gather3A_230 {strides = array<i32>} : memref<16x64xf32, #tpu.memory_space<vmem>>, vector<16xf32>,
          %dma_start3A = arith.constant 0 : i32
          %dma_start3A_234 = tpu.memref_slice %arg9[%rem3A_181, %dma_start3A] : memref<16x64xf32, #tpu.memory_space<vmem>> -> memref<1x64xf32, #tpu.memory_space<vmem>>
          %dma_start3A_235 = tpu.memref_squeeze %dma_start3A_234 : memref<1x64xf32, #tpu.memory_space<vmem>> -> memref<64xf32, #tpu.memory_space<vmem>>
          %dma_start3A_236 = arith.constant 0 : i32
          %dma_start3A_237 = tpu.memref_slice %arg4[%and3A_172, %dma_start3A_236] : memref<16384x64xf32, #tpu.memory_space<hbm>> -> memref<1x64xf32, #tpu.memory_space<hbm>>
          %dma_start3A_238 = tpu.memref_squeeze %dma_start3A_237 : memref<1x64xf32, #tpu.memory_space<hbm>> -> memref<64xf32, #tpu.memory_space<hbm>>
          %dma_start3A_239 = arith.constant 0 : i32
          %dma_start3A_240 = tpu.memref_slice %arg4[%and3A_172, %dma_start3A_239] : memref<16384x64xf32, #tpu.memory_space<hbm>> -> memref<1x64xf32, #tpu.memory_space<hbm>>
          %dma_start3A_241 = tpu.memref_squeeze %dma_start3A_240 : memref<1x64xf32, #tpu.memory_space<hbm>> -> memref<64xf32, #tpu.memory_space<hbm>>
          %dma_start3A_242 = arith.constant 0 : i32
          %dma_start3A_243 = tpu.memref_slice %arg9[%rem3A_181, %dma_start3A_242] : memref<16x64xf32, #tpu.memory_space<vmem>> -> memref<1x64xf32, #tpu.memory_space<vmem>>
          %dma_start3A_244 = tpu.memref_squeeze %dma_start3A_243 : memref<1x64xf32, #tpu.memory_space<vmem>> -> memref<64xf32, #tpu.memory_space<vmem>>
          tpu.enqueue_dma source(%dma_start3A_244 : memref<64xf32, #tpu.memory_space<vmem>>) target(%dma_start3A_241 : memref<64xf32, #tpu.memory_space<hbm>>) target_semaphore(%arg17 : memref<!tpu.dma_semaphore, #tpu.memory_space<semaphore_mem>>)
          %add3A_245 = arith.constant 1 : i32
          %add3A_246 = arith.addi %while3A_162, %add3A_245 : i32
          scf.yield %add3A_246 : i32
        }
        %while3A_159 = arith.constant 1 : i32
        %while3A_160 = scf.for %while3A_161 = %while3A_156 to %while3A_152 step %while3A_159 iter_args(%while3A_162 = %while3A_158) -> (i32)  : i32 {
          %broadcast_in_dim3A_163 = arith.constant 0 : i32
          %broadcast_in_dim3A_164 = vector.broadcast %broadcast_in_dim3A_163 : i32 to vector<16xi32>
          %add3A_165 = vector.broadcast %while3A_161 : i32 to vector<16xi32>
          %add3A_166 = arith.addi %broadcast_in_dim3A_164, %add3A_165 : vector<16xi32>
          %gather3A = arith.constant 0 : i32
          %gather3A_167 = tpu.memref_slice %arg8[%gather3A] : memref<16xi32, #tpu.memory_space<vmem>> -> memref<16xi32, #tpu.memory_space<vmem>>
          %gather3A_168 = tpu.vector_load_idx %gather3A_167[%add3A_166] : memref<16xi32, #tpu.memory_space<vmem>>[vector<16xi32>], vector<16xi32>,
          %slice3A_169 = vector.extract_strided_slice %gather3A_168 {offsets = [0], sizes = [1], strides = [1]} : vector<16xi32> to vector<1xi32>
          %squeeze3A_170 = vector.extract %slice3A_169[0] : i32 from vector<1xi32>
          %and3A_171 = arith.constant 16383 : i32
          %and3A_172 = arith.andi %squeeze3A_170, %and3A_171 : i32
          %broadcast_in_dim3A_173 = arith.constant 0 : i32
          %broadcast_in_dim3A_174 = vector.broadcast %broadcast_in_dim3A_173 : i32 to vector<16xi32>
          %shift_right_logical3A_175 = arith.constant 14 : i32
          %shift_right_logical3A_176 = arith.shrui %squeeze3A_170, %shift_right_logical3A_175 : i32
          %sub3A_177 = arith.subi %shift_right_logical3A_176, %select_n3A_115 : i32
          %add3A_178 = vector.broadcast %sub3A_177 : i32 to vector<16xi32>
          %add3A_179 = arith.addi %broadcast_in_dim3A_174, %add3A_178 : vector<16xi32>
          %rem3A_180 = arith.constant 16 : i32
          %rem3A_181 = arith.remsi %while3A_162, %rem3A_180 : i32
          %ge3A_182 = arith.constant 16 : i32
          %ge3A_183 = arith.cmpi sge, %while3A_162, %ge3A_182 : i32
          %convert_element_type3A_184 = arith.extui %ge3A_183 : i1 to i32
          %cond3A_185 = arith.constant 0 : i32
          %cond3A_186 = arith.cmpi ne, %convert_element_type3A_184, %cond3A_185 : i32
          scf.if %cond3A_186 {
            %dma_wait3A = arith.constant 0 : i32
            %dma_wait3A_247 = arith.constant 0 : i32
            %dma_wait3A_248 = arith.constant 0 : i32
            %dma_wait3A_249 = tpu.memref_slice %arg9[%dma_wait3A_247, %dma_wait3A_248] : memref<16x64xf32, #tpu.memory_space<vmem>> -> memref<1x64xf32, #tpu.memory_space<vmem>>
            %dma_wait3A_250 = tpu.memref_squeeze %dma_wait3A_249 : memref<1x64xf32, #tpu.memory_space<vmem>> -> memref<64xf32, #tpu.memory_space<vmem>>
            %dma_wait3A_251 = arith.constant 0 : i32
            %dma_wait3A_252 = tpu.memref_slice %arg4[%dma_wait3A, %dma_wait3A_251] : memref<16384x64xf32, #tpu.memory_space<hbm>> -> memref<1x64xf32, #tpu.memory_space<hbm>>
            %dma_wait3A_253 = tpu.memref_squeeze %dma_wait3A_252 : memref<1x64xf32, #tpu.memory_space<hbm>> -> memref<64xf32, #tpu.memory_space<hbm>>
            %dma_wait3A_254 = arith.constant 0 : i32
            %dma_wait3A_255 = tpu.memref_slice %arg9[%dma_wait3A_247, %dma_wait3A_254] : memref<16x64xf32, #tpu.memory_space<vmem>> -> memref<1x64xf32, #tpu.memory_space<vmem>>
            %dma_wait3A_256 = tpu.memref_squeeze %dma_wait3A_255 : memref<1x64xf32, #tpu.memory_space<vmem>> -> memref<64xf32, #tpu.memory_space<vmem>>
            %dma_wait3A_257 = arith.constant 0 : i32
            %dma_wait3A_258 = tpu.memref_slice %arg4[%dma_wait3A, %dma_wait3A_257] : memref<16384x64xf32, #tpu.memory_space<hbm>> -> memref<1x64xf32, #tpu.memory_space<hbm>>
            %dma_wait3A_259 = tpu.memref_squeeze %dma_wait3A_258 : memref<1x64xf32, #tpu.memory_space<hbm>> -> memref<64xf32, #tpu.memory_space<hbm>>
            tpu.wait_dma2 semaphore(%arg17 : memref<!tpu.dma_semaphore, #tpu.memory_space<semaphore_mem>>) src(%dma_wait3A_259 : memref<64xf32, #tpu.memory_space<hbm>>) dst(%dma_wait3A_256 : memref<64xf32, #tpu.memory_space<vmem>>)
          } else {
          }
          %iota3A = tpu.iota {dimensions = array<i32: 0>} : vector<16xi32>
          %add3A_187 = arith.constant 0 : i32
          %add3A_188 = vector.broadcast %add3A_187 : i32 to vector<16xi32>
          %add3A_189 = arith.addi %iota3A, %add3A_188 : vector<16xi32>
          %gather3A_190 = arith.constant 0 : i32
          %gather3A_191 = arith.constant 0 : i32
          %gather3A_192 = arith.constant 0 : i32
          %gather3A_193 = tpu.memref_slice %arg7[%gather3A_190, %gather3A_191, %gather3A_192] : memref<2x64x256xf32, #tpu.memory_space<vmem>> -> memref<2x64x256xf32, #tpu.memory_space<vmem>>
          %gather3A_194 = tpu.vector_load_idx %gather3A_193[%add3A_123, %add3A_189, %add3A_179] : memref<2x64x256xf32, #tpu.memory_space<vmem>>[vector<16xi32>, vector<16xi32>, vector<16xi32>], vector<16xf32>,
          %swap3A_195 = arith.index_cast %rem3A_181 : i32 to index
          %swap3A_196 = arith.constant 0 : index
          %swap3A_197 = tpu.vector_load %arg9[%swap3A_195, %swap3A_196] {strides = array<i32>} : memref<16x64xf32, #tpu.memory_space<vmem>>, vector<16xf32>,
          tpu.vector_store %arg9[%swap3A_195, %swap3A_196], %gather3A_194 {strides = array<i32>} : memref<16x64xf32, #tpu.memory_space<vmem>>, vector<16xf32>,
          %iota3A_198 = tpu.iota {dimensions = array<i32: 0>} : vector<16xi32>
          %add3A_199 = arith.constant 16 : i32
          %add3A_200 = vector.broadcast %add3A_199 : i32 to vector<16xi32>
          %add3A_201 = arith.addi %iota3A_198, %add3A_200 : vector<16xi32>
          %gather3A_202 = arith.constant 0 : i32
          %gather3A_203 = arith.constant 0 : i32
          %gather3A_204 = arith.constant 0 : i32
          %gather3A_205 = tpu.memref_slice %arg7[%gather3A_202, %gather3A_203, %gather3A_204] : memref<2x64x256xf32, #tpu.memory_space<vmem>> -> memref<2x64x256xf32, #tpu.memory_space<vmem>>
          %gather3A_206 = tpu.vector_load_idx %gather3A_205[%add3A_123, %add3A_201, %add3A_179] : memref<2x64x256xf32, #tpu.memory_space<vmem>>[vector<16xi32>, vector<16xi32>, vector<16xi32>], vector<16xf32>,
          %swap3A_207 = arith.index_cast %rem3A_181 : i32 to index
          %swap3A_208 = arith.constant 16 : index
          %swap3A_209 = tpu.vector_load %arg9[%swap3A_207, %swap3A_208] {strides = array<i32>} : memref<16x64xf32, #tpu.memory_space<vmem>>, vector<16xf32>,
          tpu.vector_store %arg9[%swap3A_207, %swap3A_208], %gather3A_206 {strides = array<i32>} : memref<16x64xf32, #tpu.memory_space<vmem>>, vector<16xf32>,
          %iota3A_210 = tpu.iota {dimensions = array<i32: 0>} : vector<16xi32>
          %add3A_211 = arith.constant 32 : i32
          %add3A_212 = vector.broadcast %add3A_211 : i32 to vector<16xi32>
          %add3A_213 = arith.addi %iota3A_210, %add3A_212 : vector<16xi32>
          %gather3A_214 = arith.constant 0 : i32
          %gather3A_215 = arith.constant 0 : i32
          %gather3A_216 = arith.constant 0 : i32
          %gather3A_217 = tpu.memref_slice %arg7[%gather3A_214, %gather3A_215, %gather3A_216] : memref<2x64x256xf32, #tpu.memory_space<vmem>> -> memref<2x64x256xf32, #tpu.memory_space<vmem>>
          %gather3A_218 = tpu.vector_load_idx %gather3A_217[%add3A_123, %add3A_213, %add3A_179] : memref<2x64x256xf32, #tpu.memory_space<vmem>>[vector<16xi32>, vector<16xi32>, vector<16xi32>], vector<16xf32>,
          %swap3A_219 = arith.index_cast %rem3A_181 : i32 to index
          %swap3A_220 = arith.constant 32 : index
          %swap3A_221 = tpu.vector_load %arg9[%swap3A_219, %swap3A_220] {strides = array<i32>} : memref<16x64xf32, #tpu.memory_space<vmem>>, vector<16xf32>,
          tpu.vector_store %arg9[%swap3A_219, %swap3A_220], %gather3A_218 {strides = array<i32>} : memref<16x64xf32, #tpu.memory_space<vmem>>, vector<16xf32>,
          %iota3A_222 = tpu.iota {dimensions = array<i32: 0>} : vector<16xi32>
          %add3A_223 = arith.constant 48 : i32
          %add3A_224 = vector.broadcast %add3A_223 : i32 to vector<16xi32>
          %add3A_225 = arith.addi %iota3A_222, %add3A_224 : vector<16xi32>
          %gather3A_226 = arith.constant 0 : i32
          %gather3A_227 = arith.constant 0 : i32
          %gather3A_228 = arith.constant 0 : i32
          %gather3A_229 = tpu.memref_slice %arg7[%gather3A_226, %gather3A_227, %gather3A_228] : memref<2x64x256xf32, #tpu.memory_space<vmem>> -> memref<2x64x256xf32, #tpu.memory_space<vmem>>
          %gather3A_230 = tpu.vector_load_idx %gather3A_229[%add3A_123, %add3A_225, %add3A_179] : memref<2x64x256xf32, #tpu.memory_space<vmem>>[vector<16xi32>, vector<16xi32>, vector<16xi32>], vector<16xf32>,
          %swap3A_231 = arith.index_cast %rem3A_181 : i32 to index
          %swap3A_232 = arith.constant 48 : index
          %swap3A_233 = tpu.vector_load %arg9[%swap3A_231, %swap3A_232] {strides = array<i32>} : memref<16x64xf32, #tpu.memory_space<vmem>>, vector<16xf32>,
          tpu.vector_store %arg9[%swap3A_231, %swap3A_232], %gather3A_230 {strides = array<i32>} : memref<16x64xf32, #tpu.memory_space<vmem>>, vector<16xf32>,
          %dma_start3A = arith.constant 0 : i32
          %dma_start3A_234 = tpu.memref_slice %arg9[%rem3A_181, %dma_start3A] : memref<16x64xf32, #tpu.memory_space<vmem>> -> memref<1x64xf32, #tpu.memory_space<vmem>>
          %dma_start3A_235 = tpu.memref_squeeze %dma_start3A_234 : memref<1x64xf32, #tpu.memory_space<vmem>> -> memref<64xf32, #tpu.memory_space<vmem>>
          %dma_start3A_236 = arith.constant 0 : i32
          %dma_start3A_237 = tpu.memref_slice %arg4[%and3A_172, %dma_start3A_236] : memref<16384x64xf32, #tpu.memory_space<hbm>> -> memref<1x64xf32, #tpu.memory_space<hbm>>
          %dma_start3A_238 = tpu.memref_squeeze %dma_start3A_237 : memref<1x64xf32, #tpu.memory_space<hbm>> -> memref<64xf32, #tpu.memory_space<hbm>>
          %dma_start3A_239 = arith.constant 0 : i32
          %dma_start3A_240 = tpu.memref_slice %arg4[%and3A_172, %dma_start3A_239] : memref<16384x64xf32, #tpu.memory_space<hbm>> -> memref<1x64xf32, #tpu.memory_space<hbm>>
          %dma_start3A_241 = tpu.memref_squeeze %dma_start3A_240 : memref<1x64xf32, #tpu.memory_space<hbm>> -> memref<64xf32, #tpu.memory_space<hbm>>
          %dma_start3A_242 = arith.constant 0 : i32
          %dma_start3A_243 = tpu.memref_slice %arg9[%rem3A_181, %dma_start3A_242] : memref<16x64xf32, #tpu.memory_space<vmem>> -> memref<1x64xf32, #tpu.memory_space<vmem>>
          %dma_start3A_244 = tpu.memref_squeeze %dma_start3A_243 : memref<1x64xf32, #tpu.memory_space<vmem>> -> memref<64xf32, #tpu.memory_space<vmem>>
          tpu.enqueue_dma source(%dma_start3A_244 : memref<64xf32, #tpu.memory_space<vmem>>) target(%dma_start3A_241 : memref<64xf32, #tpu.memory_space<hbm>>) target_semaphore(%arg17 : memref<!tpu.dma_semaphore, #tpu.memory_space<semaphore_mem>>)
          %add3A_245 = arith.constant 1 : i32
          %add3A_246 = arith.addi %while3A_162, %add3A_245 : i32
          scf.yield %add3A_246 : i32
        }
        scf.yield %while3A_160 : i32
      }
      %while3A_133 = arith.constant 1 : i32
      %while3A_134 = scf.for %while3A_135 = %while3A_130 to %while3A_126 step %while3A_133 iter_args(%while3A_136 = %while3A_132) -> (i32)  : i32 {
        %mul3A_137 = arith.constant 16 : i32
        %mul3A_138 = arith.muli %while3A_135, %mul3A_137 : i32
        %get3A = arith.index_cast %mul3A_138 : i32 to index
        %get3A_139 = tpu.vector_load %arg6[%get3A] {strides = array<i32>} : memref<16400xi32, #tpu.memory_space<vmem>>, vector<16xi32>,
        %shift_right_logical3A = arith.constant 14 : i32
        %shift_right_logical3A_140 = vector.broadcast %shift_right_logical3A : i32 to vector<16xi32>
        %shift_right_logical3A_141 = arith.shrui %get3A_139, %shift_right_logical3A_140 : vector<16xi32>
        %ge3A_142 = vector.broadcast %select_n3A_115 : i32 to vector<16xi32>
        %ge3A_143 = arith.cmpi sge, %shift_right_logical3A_141, %ge3A_142 : vector<16xi32>
        %add3A_144 = arith.constant 256 : i32
        %add3A_145 = arith.addi %select_n3A_115, %add3A_144 : i32
        %lt3A_146 = vector.broadcast %add3A_145 : i32 to vector<16xi32>
        %lt3A_147 = arith.cmpi slt, %shift_right_logical3A_141, %lt3A_146 : vector<16xi32>
        %and3A_148 = arith.andi %ge3A_143, %lt3A_147 : vector<16xi1>
        %swap3A = arith.constant 0 : index
        %swap3A_149 = tpu.vector_load %arg8[%swap3A] masked %and3A_148 {strides = array<i32>} : memref<16xi32, #tpu.memory_space<vmem>>, vector<16xi32>, vector<16xi1>
        tpu.vector_store %arg8[%swap3A], %get3A_139 masked %and3A_148 {strides = array<i32>} : memref<16xi32, #tpu.memory_space<vmem>>, vector<16xi32>, vector<16xi1>
        %all_reduce_population_count3A = tpu.all_reduce %and3A_148 {dim = 0 : i64, kind = #tpu.reduction_kind<sum>} : vector<16xi1> -> vector<16xi32>
        %slice3A = vector.extract_strided_slice %all_reduce_population_count3A {offsets = [0], sizes = [1], strides = [1]} : vector<16xi32> to vector<1xi32>
        %squeeze3A = vector.extract %slice3A[0] : i32 from vector<1xi32>
        %while3A_150 = arith.constant 0 : i32
        %while3A_151 = arith.subi %squeeze3A, %while3A_150 : i32
        %while3A_152 = arith.addi %while3A_150, %while3A_151 : i32
        %while3A_153 = arith.constant 1 : i32
        %while3A_154 = arith.divsi %while3A_151, %while3A_153 : i32
        %while3A_155 = arith.muli %while3A_154, %while3A_153 : i32
        %while3A_156 = arith.addi %while3A_150, %while3A_155 : i32
        %while3A_157 = arith.constant 1 : i32
        %while3A_158 = scf.for %while3A_161 = %while3A_150 to %while3A_156 step %while3A_157 iter_args(%while3A_162 = %while3A_136) -> (i32)  : i32 {
          %broadcast_in_dim3A_163 = arith.constant 0 : i32
          %broadcast_in_dim3A_164 = vector.broadcast %broadcast_in_dim3A_163 : i32 to vector<16xi32>
          %add3A_165 = vector.broadcast %while3A_161 : i32 to vector<16xi32>
          %add3A_166 = arith.addi %broadcast_in_dim3A_164, %add3A_165 : vector<16xi32>
          %gather3A = arith.constant 0 : i32
          %gather3A_167 = tpu.memref_slice %arg8[%gather3A] : memref<16xi32, #tpu.memory_space<vmem>> -> memref<16xi32, #tpu.memory_space<vmem>>
          %gather3A_168 = tpu.vector_load_idx %gather3A_167[%add3A_166] : memref<16xi32, #tpu.memory_space<vmem>>[vector<16xi32>], vector<16xi32>,
          %slice3A_169 = vector.extract_strided_slice %gather3A_168 {offsets = [0], sizes = [1], strides = [1]} : vector<16xi32> to vector<1xi32>
          %squeeze3A_170 = vector.extract %slice3A_169[0] : i32 from vector<1xi32>
          %and3A_171 = arith.constant 16383 : i32
          %and3A_172 = arith.andi %squeeze3A_170, %and3A_171 : i32
          %broadcast_in_dim3A_173 = arith.constant 0 : i32
          %broadcast_in_dim3A_174 = vector.broadcast %broadcast_in_dim3A_173 : i32 to vector<16xi32>
          %shift_right_logical3A_175 = arith.constant 14 : i32
          %shift_right_logical3A_176 = arith.shrui %squeeze3A_170, %shift_right_logical3A_175 : i32
          %sub3A_177 = arith.subi %shift_right_logical3A_176, %select_n3A_115 : i32
          %add3A_178 = vector.broadcast %sub3A_177 : i32 to vector<16xi32>
          %add3A_179 = arith.addi %broadcast_in_dim3A_174, %add3A_178 : vector<16xi32>
          %rem3A_180 = arith.constant 16 : i32
          %rem3A_181 = arith.remsi %while3A_162, %rem3A_180 : i32
          %ge3A_182 = arith.constant 16 : i32
          %ge3A_183 = arith.cmpi sge, %while3A_162, %ge3A_182 : i32
          %convert_element_type3A_184 = arith.extui %ge3A_183 : i1 to i32
          %cond3A_185 = arith.constant 0 : i32
          %cond3A_186 = arith.cmpi ne, %convert_element_type3A_184, %cond3A_185 : i32
          scf.if %cond3A_186 {
            %dma_wait3A = arith.constant 0 : i32
            %dma_wait3A_247 = arith.constant 0 : i32
            %dma_wait3A_248 = arith.constant 0 : i32
            %dma_wait3A_249 = tpu.memref_slice %arg9[%dma_wait3A_247, %dma_wait3A_248] : memref<16x64xf32, #tpu.memory_space<vmem>> -> memref<1x64xf32, #tpu.memory_space<vmem>>
            %dma_wait3A_250 = tpu.memref_squeeze %dma_wait3A_249 : memref<1x64xf32, #tpu.memory_space<vmem>> -> memref<64xf32, #tpu.memory_space<vmem>>
            %dma_wait3A_251 = arith.constant 0 : i32
            %dma_wait3A_252 = tpu.memref_slice %arg4[%dma_wait3A, %dma_wait3A_251] : memref<16384x64xf32, #tpu.memory_space<hbm>> -> memref<1x64xf32, #tpu.memory_space<hbm>>
            %dma_wait3A_253 = tpu.memref_squeeze %dma_wait3A_252 : memref<1x64xf32, #tpu.memory_space<hbm>> -> memref<64xf32, #tpu.memory_space<hbm>>
            %dma_wait3A_254 = arith.constant 0 : i32
            %dma_wait3A_255 = tpu.memref_slice %arg9[%dma_wait3A_247, %dma_wait3A_254] : memref<16x64xf32, #tpu.memory_space<vmem>> -> memref<1x64xf32, #tpu.memory_space<vmem>>
            %dma_wait3A_256 = tpu.memref_squeeze %dma_wait3A_255 : memref<1x64xf32, #tpu.memory_space<vmem>> -> memref<64xf32, #tpu.memory_space<vmem>>
            %dma_wait3A_257 = arith.constant 0 : i32
            %dma_wait3A_258 = tpu.memref_slice %arg4[%dma_wait3A, %dma_wait3A_257] : memref<16384x64xf32, #tpu.memory_space<hbm>> -> memref<1x64xf32, #tpu.memory_space<hbm>>
            %dma_wait3A_259 = tpu.memref_squeeze %dma_wait3A_258 : memref<1x64xf32, #tpu.memory_space<hbm>> -> memref<64xf32, #tpu.memory_space<hbm>>
            tpu.wait_dma2 semaphore(%arg17 : memref<!tpu.dma_semaphore, #tpu.memory_space<semaphore_mem>>) src(%dma_wait3A_259 : memref<64xf32, #tpu.memory_space<hbm>>) dst(%dma_wait3A_256 : memref<64xf32, #tpu.memory_space<vmem>>)
          } else {
          }
          %iota3A = tpu.iota {dimensions = array<i32: 0>} : vector<16xi32>
          %add3A_187 = arith.constant 0 : i32
          %add3A_188 = vector.broadcast %add3A_187 : i32 to vector<16xi32>
          %add3A_189 = arith.addi %iota3A, %add3A_188 : vector<16xi32>
          %gather3A_190 = arith.constant 0 : i32
          %gather3A_191 = arith.constant 0 : i32
          %gather3A_192 = arith.constant 0 : i32
          %gather3A_193 = tpu.memref_slice %arg7[%gather3A_190, %gather3A_191, %gather3A_192] : memref<2x64x256xf32, #tpu.memory_space<vmem>> -> memref<2x64x256xf32, #tpu.memory_space<vmem>>
          %gather3A_194 = tpu.vector_load_idx %gather3A_193[%add3A_123, %add3A_189, %add3A_179] : memref<2x64x256xf32, #tpu.memory_space<vmem>>[vector<16xi32>, vector<16xi32>, vector<16xi32>], vector<16xf32>,
          %swap3A_195 = arith.index_cast %rem3A_181 : i32 to index
          %swap3A_196 = arith.constant 0 : index
          %swap3A_197 = tpu.vector_load %arg9[%swap3A_195, %swap3A_196] {strides = array<i32>} : memref<16x64xf32, #tpu.memory_space<vmem>>, vector<16xf32>,
          tpu.vector_store %arg9[%swap3A_195, %swap3A_196], %gather3A_194 {strides = array<i32>} : memref<16x64xf32, #tpu.memory_space<vmem>>, vector<16xf32>,
          %iota3A_198 = tpu.iota {dimensions = array<i32: 0>} : vector<16xi32>
          %add3A_199 = arith.constant 16 : i32
          %add3A_200 = vector.broadcast %add3A_199 : i32 to vector<16xi32>
          %add3A_201 = arith.addi %iota3A_198, %add3A_200 : vector<16xi32>
          %gather3A_202 = arith.constant 0 : i32
          %gather3A_203 = arith.constant 0 : i32
          %gather3A_204 = arith.constant 0 : i32
          %gather3A_205 = tpu.memref_slice %arg7[%gather3A_202, %gather3A_203, %gather3A_204] : memref<2x64x256xf32, #tpu.memory_space<vmem>> -> memref<2x64x256xf32, #tpu.memory_space<vmem>>
          %gather3A_206 = tpu.vector_load_idx %gather3A_205[%add3A_123, %add3A_201, %add3A_179] : memref<2x64x256xf32, #tpu.memory_space<vmem>>[vector<16xi32>, vector<16xi32>, vector<16xi32>], vector<16xf32>,
          %swap3A_207 = arith.index_cast %rem3A_181 : i32 to index
          %swap3A_208 = arith.constant 16 : index
          %swap3A_209 = tpu.vector_load %arg9[%swap3A_207, %swap3A_208] {strides = array<i32>} : memref<16x64xf32, #tpu.memory_space<vmem>>, vector<16xf32>,
          tpu.vector_store %arg9[%swap3A_207, %swap3A_208], %gather3A_206 {strides = array<i32>} : memref<16x64xf32, #tpu.memory_space<vmem>>, vector<16xf32>,
          %iota3A_210 = tpu.iota {dimensions = array<i32: 0>} : vector<16xi32>
          %add3A_211 = arith.constant 32 : i32
          %add3A_212 = vector.broadcast %add3A_211 : i32 to vector<16xi32>
          %add3A_213 = arith.addi %iota3A_210, %add3A_212 : vector<16xi32>
          %gather3A_214 = arith.constant 0 : i32
          %gather3A_215 = arith.constant 0 : i32
          %gather3A_216 = arith.constant 0 : i32
          %gather3A_217 = tpu.memref_slice %arg7[%gather3A_214, %gather3A_215, %gather3A_216] : memref<2x64x256xf32, #tpu.memory_space<vmem>> -> memref<2x64x256xf32, #tpu.memory_space<vmem>>
          %gather3A_218 = tpu.vector_load_idx %gather3A_217[%add3A_123, %add3A_213, %add3A_179] : memref<2x64x256xf32, #tpu.memory_space<vmem>>[vector<16xi32>, vector<16xi32>, vector<16xi32>], vector<16xf32>,
          %swap3A_219 = arith.index_cast %rem3A_181 : i32 to index
          %swap3A_220 = arith.constant 32 : index
          %swap3A_221 = tpu.vector_load %arg9[%swap3A_219, %swap3A_220] {strides = array<i32>} : memref<16x64xf32, #tpu.memory_space<vmem>>, vector<16xf32>,
          tpu.vector_store %arg9[%swap3A_219, %swap3A_220], %gather3A_218 {strides = array<i32>} : memref<16x64xf32, #tpu.memory_space<vmem>>, vector<16xf32>,
          %iota3A_222 = tpu.iota {dimensions = array<i32: 0>} : vector<16xi32>
          %add3A_223 = arith.constant 48 : i32
          %add3A_224 = vector.broadcast %add3A_223 : i32 to vector<16xi32>
          %add3A_225 = arith.addi %iota3A_222, %add3A_224 : vector<16xi32>
          %gather3A_226 = arith.constant 0 : i32
          %gather3A_227 = arith.constant 0 : i32
          %gather3A_228 = arith.constant 0 : i32
          %gather3A_229 = tpu.memref_slice %arg7[%gather3A_226, %gather3A_227, %gather3A_228] : memref<2x64x256xf32, #tpu.memory_space<vmem>> -> memref<2x64x256xf32, #tpu.memory_space<vmem>>
          %gather3A_230 = tpu.vector_load_idx %gather3A_229[%add3A_123, %add3A_225, %add3A_179] : memref<2x64x256xf32, #tpu.memory_space<vmem>>[vector<16xi32>, vector<16xi32>, vector<16xi32>], vector<16xf32>,
          %swap3A_231 = arith.index_cast %rem3A_181 : i32 to index
          %swap3A_232 = arith.constant 48 : index
          %swap3A_233 = tpu.vector_load %arg9[%swap3A_231, %swap3A_232] {strides = array<i32>} : memref<16x64xf32, #tpu.memory_space<vmem>>, vector<16xf32>,
          tpu.vector_store %arg9[%swap3A_231, %swap3A_232], %gather3A_230 {strides = array<i32>} : memref<16x64xf32, #tpu.memory_space<vmem>>, vector<16xf32>,
          %dma_start3A = arith.constant 0 : i32
          %dma_start3A_234 = tpu.memref_slice %arg9[%rem3A_181, %dma_start3A] : memref<16x64xf32, #tpu.memory_space<vmem>> -> memref<1x64xf32, #tpu.memory_space<vmem>>
          %dma_start3A_235 = tpu.memref_squeeze %dma_start3A_234 : memref<1x64xf32, #tpu.memory_space<vmem>> -> memref<64xf32, #tpu.memory_space<vmem>>
          %dma_start3A_236 = arith.constant 0 : i32
          %dma_start3A_237 = tpu.memref_slice %arg4[%and3A_172, %dma_start3A_236] : memref<16384x64xf32, #tpu.memory_space<hbm>> -> memref<1x64xf32, #tpu.memory_space<hbm>>
          %dma_start3A_238 = tpu.memref_squeeze %dma_start3A_237 : memref<1x64xf32, #tpu.memory_space<hbm>> -> memref<64xf32, #tpu.memory_space<hbm>>
          %dma_start3A_239 = arith.constant 0 : i32
          %dma_start3A_240 = tpu.memref_slice %arg4[%and3A_172, %dma_start3A_239] : memref<16384x64xf32, #tpu.memory_space<hbm>> -> memref<1x64xf32, #tpu.memory_space<hbm>>
          %dma_start3A_241 = tpu.memref_squeeze %dma_start3A_240 : memref<1x64xf32, #tpu.memory_space<hbm>> -> memref<64xf32, #tpu.memory_space<hbm>>
          %dma_start3A_242 = arith.constant 0 : i32
          %dma_start3A_243 = tpu.memref_slice %arg9[%rem3A_181, %dma_start3A_242] : memref<16x64xf32, #tpu.memory_space<vmem>> -> memref<1x64xf32, #tpu.memory_space<vmem>>
          %dma_start3A_244 = tpu.memref_squeeze %dma_start3A_243 : memref<1x64xf32, #tpu.memory_space<vmem>> -> memref<64xf32, #tpu.memory_space<vmem>>
          tpu.enqueue_dma source(%dma_start3A_244 : memref<64xf32, #tpu.memory_space<vmem>>) target(%dma_start3A_241 : memref<64xf32, #tpu.memory_space<hbm>>) target_semaphore(%arg17 : memref<!tpu.dma_semaphore, #tpu.memory_space<semaphore_mem>>)
          %add3A_245 = arith.constant 1 : i32
          %add3A_246 = arith.addi %while3A_162, %add3A_245 : i32
          scf.yield %add3A_246 : i32
        }
        %while3A_159 = arith.constant 1 : i32
        %while3A_160 = scf.for %while3A_161 = %while3A_156 to %while3A_152 step %while3A_159 iter_args(%while3A_162 = %while3A_158) -> (i32)  : i32 {
          %broadcast_in_dim3A_163 = arith.constant 0 : i32
          %broadcast_in_dim3A_164 = vector.broadcast %broadcast_in_dim3A_163 : i32 to vector<16xi32>
          %add3A_165 = vector.broadcast %while3A_161 : i32 to vector<16xi32>
          %add3A_166 = arith.addi %broadcast_in_dim3A_164, %add3A_165 : vector<16xi32>
          %gather3A = arith.constant 0 : i32
          %gather3A_167 = tpu.memref_slice %arg8[%gather3A] : memref<16xi32, #tpu.memory_space<vmem>> -> memref<16xi32, #tpu.memory_space<vmem>>
          %gather3A_168 = tpu.vector_load_idx %gather3A_167[%add3A_166] : memref<16xi32, #tpu.memory_space<vmem>>[vector<16xi32>], vector<16xi32>,
          %slice3A_169 = vector.extract_strided_slice %gather3A_168 {offsets = [0], sizes = [1], strides = [1]} : vector<16xi32> to vector<1xi32>
          %squeeze3A_170 = vector.extract %slice3A_169[0] : i32 from vector<1xi32>
          %and3A_171 = arith.constant 16383 : i32
          %and3A_172 = arith.andi %squeeze3A_170, %and3A_171 : i32
          %broadcast_in_dim3A_173 = arith.constant 0 : i32
          %broadcast_in_dim3A_174 = vector.broadcast %broadcast_in_dim3A_173 : i32 to vector<16xi32>
          %shift_right_logical3A_175 = arith.constant 14 : i32
          %shift_right_logical3A_176 = arith.shrui %squeeze3A_170, %shift_right_logical3A_175 : i32
          %sub3A_177 = arith.subi %shift_right_logical3A_176, %select_n3A_115 : i32
          %add3A_178 = vector.broadcast %sub3A_177 : i32 to vector<16xi32>
          %add3A_179 = arith.addi %broadcast_in_dim3A_174, %add3A_178 : vector<16xi32>
          %rem3A_180 = arith.constant 16 : i32
          %rem3A_181 = arith.remsi %while3A_162, %rem3A_180 : i32
          %ge3A_182 = arith.constant 16 : i32
          %ge3A_183 = arith.cmpi sge, %while3A_162, %ge3A_182 : i32
          %convert_element_type3A_184 = arith.extui %ge3A_183 : i1 to i32
          %cond3A_185 = arith.constant 0 : i32
          %cond3A_186 = arith.cmpi ne, %convert_element_type3A_184, %cond3A_185 : i32
          scf.if %cond3A_186 {
            %dma_wait3A = arith.constant 0 : i32
            %dma_wait3A_247 = arith.constant 0 : i32
            %dma_wait3A_248 = arith.constant 0 : i32
            %dma_wait3A_249 = tpu.memref_slice %arg9[%dma_wait3A_247, %dma_wait3A_248] : memref<16x64xf32, #tpu.memory_space<vmem>> -> memref<1x64xf32, #tpu.memory_space<vmem>>
            %dma_wait3A_250 = tpu.memref_squeeze %dma_wait3A_249 : memref<1x64xf32, #tpu.memory_space<vmem>> -> memref<64xf32, #tpu.memory_space<vmem>>
            %dma_wait3A_251 = arith.constant 0 : i32
            %dma_wait3A_252 = tpu.memref_slice %arg4[%dma_wait3A, %dma_wait3A_251] : memref<16384x64xf32, #tpu.memory_space<hbm>> -> memref<1x64xf32, #tpu.memory_space<hbm>>
            %dma_wait3A_253 = tpu.memref_squeeze %dma_wait3A_252 : memref<1x64xf32, #tpu.memory_space<hbm>> -> memref<64xf32, #tpu.memory_space<hbm>>
            %dma_wait3A_254 = arith.constant 0 : i32
            %dma_wait3A_255 = tpu.memref_slice %arg9[%dma_wait3A_247, %dma_wait3A_254] : memref<16x64xf32, #tpu.memory_space<vmem>> -> memref<1x64xf32, #tpu.memory_space<vmem>>
            %dma_wait3A_256 = tpu.memref_squeeze %dma_wait3A_255 : memref<1x64xf32, #tpu.memory_space<vmem>> -> memref<64xf32, #tpu.memory_space<vmem>>
            %dma_wait3A_257 = arith.constant 0 : i32
            %dma_wait3A_258 = tpu.memref_slice %arg4[%dma_wait3A, %dma_wait3A_257] : memref<16384x64xf32, #tpu.memory_space<hbm>> -> memref<1x64xf32, #tpu.memory_space<hbm>>
            %dma_wait3A_259 = tpu.memref_squeeze %dma_wait3A_258 : memref<1x64xf32, #tpu.memory_space<hbm>> -> memref<64xf32, #tpu.memory_space<hbm>>
            tpu.wait_dma2 semaphore(%arg17 : memref<!tpu.dma_semaphore, #tpu.memory_space<semaphore_mem>>) src(%dma_wait3A_259 : memref<64xf32, #tpu.memory_space<hbm>>) dst(%dma_wait3A_256 : memref<64xf32, #tpu.memory_space<vmem>>)
          } else {
          }
          %iota3A = tpu.iota {dimensions = array<i32: 0>} : vector<16xi32>
          %add3A_187 = arith.constant 0 : i32
          %add3A_188 = vector.broadcast %add3A_187 : i32 to vector<16xi32>
          %add3A_189 = arith.addi %iota3A, %add3A_188 : vector<16xi32>
          %gather3A_190 = arith.constant 0 : i32
          %gather3A_191 = arith.constant 0 : i32
          %gather3A_192 = arith.constant 0 : i32
          %gather3A_193 = tpu.memref_slice %arg7[%gather3A_190, %gather3A_191, %gather3A_192] : memref<2x64x256xf32, #tpu.memory_space<vmem>> -> memref<2x64x256xf32, #tpu.memory_space<vmem>>
          %gather3A_194 = tpu.vector_load_idx %gather3A_193[%add3A_123, %add3A_189, %add3A_179] : memref<2x64x256xf32, #tpu.memory_space<vmem>>[vector<16xi32>, vector<16xi32>, vector<16xi32>], vector<16xf32>,
          %swap3A_195 = arith.index_cast %rem3A_181 : i32 to index
          %swap3A_196 = arith.constant 0 : index
          %swap3A_197 = tpu.vector_load %arg9[%swap3A_195, %swap3A_196] {strides = array<i32>} : memref<16x64xf32, #tpu.memory_space<vmem>>, vector<16xf32>,
          tpu.vector_store %arg9[%swap3A_195, %swap3A_196], %gather3A_194 {strides = array<i32>} : memref<16x64xf32, #tpu.memory_space<vmem>>, vector<16xf32>,
          %iota3A_198 = tpu.iota {dimensions = array<i32: 0>} : vector<16xi32>
          %add3A_199 = arith.constant 16 : i32
          %add3A_200 = vector.broadcast %add3A_199 : i32 to vector<16xi32>
          %add3A_201 = arith.addi %iota3A_198, %add3A_200 : vector<16xi32>
          %gather3A_202 = arith.constant 0 : i32
          %gather3A_203 = arith.constant 0 : i32
          %gather3A_204 = arith.constant 0 : i32
          %gather3A_205 = tpu.memref_slice %arg7[%gather3A_202, %gather3A_203, %gather3A_204] : memref<2x64x256xf32, #tpu.memory_space<vmem>> -> memref<2x64x256xf32, #tpu.memory_space<vmem>>
          %gather3A_206 = tpu.vector_load_idx %gather3A_205[%add3A_123, %add3A_201, %add3A_179] : memref<2x64x256xf32, #tpu.memory_space<vmem>>[vector<16xi32>, vector<16xi32>, vector<16xi32>], vector<16xf32>,
          %swap3A_207 = arith.index_cast %rem3A_181 : i32 to index
          %swap3A_208 = arith.constant 16 : index
          %swap3A_209 = tpu.vector_load %arg9[%swap3A_207, %swap3A_208] {strides = array<i32>} : memref<16x64xf32, #tpu.memory_space<vmem>>, vector<16xf32>,
          tpu.vector_store %arg9[%swap3A_207, %swap3A_208], %gather3A_206 {strides = array<i32>} : memref<16x64xf32, #tpu.memory_space<vmem>>, vector<16xf32>,
          %iota3A_210 = tpu.iota {dimensions = array<i32: 0>} : vector<16xi32>
          %add3A_211 = arith.constant 32 : i32
          %add3A_212 = vector.broadcast %add3A_211 : i32 to vector<16xi32>
          %add3A_213 = arith.addi %iota3A_210, %add3A_212 : vector<16xi32>
          %gather3A_214 = arith.constant 0 : i32
          %gather3A_215 = arith.constant 0 : i32
          %gather3A_216 = arith.constant 0 : i32
          %gather3A_217 = tpu.memref_slice %arg7[%gather3A_214, %gather3A_215, %gather3A_216] : memref<2x64x256xf32, #tpu.memory_space<vmem>> -> memref<2x64x256xf32, #tpu.memory_space<vmem>>
          %gather3A_218 = tpu.vector_load_idx %gather3A_217[%add3A_123, %add3A_213, %add3A_179] : memref<2x64x256xf32, #tpu.memory_space<vmem>>[vector<16xi32>, vector<16xi32>, vector<16xi32>], vector<16xf32>,
          %swap3A_219 = arith.index_cast %rem3A_181 : i32 to index
          %swap3A_220 = arith.constant 32 : index
          %swap3A_221 = tpu.vector_load %arg9[%swap3A_219, %swap3A_220] {strides = array<i32>} : memref<16x64xf32, #tpu.memory_space<vmem>>, vector<16xf32>,
          tpu.vector_store %arg9[%swap3A_219, %swap3A_220], %gather3A_218 {strides = array<i32>} : memref<16x64xf32, #tpu.memory_space<vmem>>, vector<16xf32>,
          %iota3A_222 = tpu.iota {dimensions = array<i32: 0>} : vector<16xi32>
          %add3A_223 = arith.constant 48 : i32
          %add3A_224 = vector.broadcast %add3A_223 : i32 to vector<16xi32>
          %add3A_225 = arith.addi %iota3A_222, %add3A_224 : vector<16xi32>
          %gather3A_226 = arith.constant 0 : i32
          %gather3A_227 = arith.constant 0 : i32
          %gather3A_228 = arith.constant 0 : i32
          %gather3A_229 = tpu.memref_slice %arg7[%gather3A_226, %gather3A_227, %gather3A_228] : memref<2x64x256xf32, #tpu.memory_space<vmem>> -> memref<2x64x256xf32, #tpu.memory_space<vmem>>
          %gather3A_230 = tpu.vector_load_idx %gather3A_229[%add3A_123, %add3A_225, %add3A_179] : memref<2x64x256xf32, #tpu.memory_space<vmem>>[vector<16xi32>, vector<16xi32>, vector<16xi32>], vector<16xf32>,
          %swap3A_231 = arith.index_cast %rem3A_181 : i32 to index
          %swap3A_232 = arith.constant 48 : index
          %swap3A_233 = tpu.vector_load %arg9[%swap3A_231, %swap3A_232] {strides = array<i32>} : memref<16x64xf32, #tpu.memory_space<vmem>>, vector<16xf32>,
          tpu.vector_store %arg9[%swap3A_231, %swap3A_232], %gather3A_230 {strides = array<i32>} : memref<16x64xf32, #tpu.memory_space<vmem>>, vector<16xf32>,
          %dma_start3A = arith.constant 0 : i32
          %dma_start3A_234 = tpu.memref_slice %arg9[%rem3A_181, %dma_start3A] : memref<16x64xf32, #tpu.memory_space<vmem>> -> memref<1x64xf32, #tpu.memory_space<vmem>>
          %dma_start3A_235 = tpu.memref_squeeze %dma_start3A_234 : memref<1x64xf32, #tpu.memory_space<vmem>> -> memref<64xf32, #tpu.memory_space<vmem>>
          %dma_start3A_236 = arith.constant 0 : i32
          %dma_start3A_237 = tpu.memref_slice %arg4[%and3A_172, %dma_start3A_236] : memref<16384x64xf32, #tpu.memory_space<hbm>> -> memref<1x64xf32, #tpu.memory_space<hbm>>
          %dma_start3A_238 = tpu.memref_squeeze %dma_start3A_237 : memref<1x64xf32, #tpu.memory_space<hbm>> -> memref<64xf32, #tpu.memory_space<hbm>>
          %dma_start3A_239 = arith.constant 0 : i32
          %dma_start3A_240 = tpu.memref_slice %arg4[%and3A_172, %dma_start3A_239] : memref<16384x64xf32, #tpu.memory_space<hbm>> -> memref<1x64xf32, #tpu.memory_space<hbm>>
          %dma_start3A_241 = tpu.memref_squeeze %dma_start3A_240 : memref<1x64xf32, #tpu.memory_space<hbm>> -> memref<64xf32, #tpu.memory_space<hbm>>
          %dma_start3A_242 = arith.constant 0 : i32
          %dma_start3A_243 = tpu.memref_slice %arg9[%rem3A_181, %dma_start3A_242] : memref<16x64xf32, #tpu.memory_space<vmem>> -> memref<1x64xf32, #tpu.memory_space<vmem>>
          %dma_start3A_244 = tpu.memref_squeeze %dma_start3A_243 : memref<1x64xf32, #tpu.memory_space<vmem>> -> memref<64xf32, #tpu.memory_space<vmem>>
          tpu.enqueue_dma source(%dma_start3A_244 : memref<64xf32, #tpu.memory_space<vmem>>) target(%dma_start3A_241 : memref<64xf32, #tpu.memory_space<hbm>>) target_semaphore(%arg17 : memref<!tpu.dma_semaphore, #tpu.memory_space<semaphore_mem>>)
          %add3A_245 = arith.constant 1 : i32
          %add3A_246 = arith.addi %while3A_162, %add3A_245 : i32
          scf.yield %add3A_246 : i32
        }
        scf.yield %while3A_160 : i32
      }
      scf.yield %while3A_134 : i32
    }
    %scan3A_37 = arith.constant 123 : i32
    %convert_element_type3A_38 = arith.extui %and3A : i1 to i32
    %cond3A_39 = arith.constant 0 : i32
    %cond3A_40 = arith.cmpi ne, %convert_element_type3A_38, %cond3A_39 : i32
    scf.if %cond3A_40 {
      %run_scoped3A = arith.constant 0 : i32
      "tpu.region"() ({
        %run_scoped3A_107 = tpu.sem_alloc : memref<!tpu.dma_semaphore, #tpu.memory_space<semaphore_mem>>
        %dma_start3A = arith.constant 0 : i32
        %dma_start3A_108 = arith.constant 0 : i32
        %dma_start3A_109 = tpu.memref_slice %arg7[%run_scoped3A, %dma_start3A, %dma_start3A_108] : memref<2x64x256xf32, #tpu.memory_space<vmem>> -> memref<1x8x256xf32, #tpu.memory_space<vmem>>
        %dma_start3A_110 = tpu.memref_squeeze %dma_start3A_109 : memref<1x8x256xf32, #tpu.memory_space<vmem>> -> memref<8x256xf32, #tpu.memory_space<vmem>>
        %dma_start3A_111 = arith.constant 0 : i32
        %dma_start3A_112 = arith.constant 999424 : i32
        %dma_start3A_113 = tpu.memref_slice %arg3[%dma_start3A_111, %dma_start3A_112] : memref<64x1000000xf32, #tpu.memory_space<hbm>> -> memref<8x256xf32, #tpu.memory_space<hbm>>
        %dma_start3A_114 = arith.constant 0 : i32
        %dma_start3A_115 = arith.constant 0 : i32
        %dma_start3A_116 = tpu.memref_slice %arg7[%run_scoped3A, %dma_start3A_114, %dma_start3A_115] : memref<2x64x256xf32, #tpu.memory_space<vmem>> -> memref<1x8x256xf32, #tpu.memory_space<vmem>>
        %dma_start3A_117 = tpu.memref_squeeze %dma_start3A_116 : memref<1x8x256xf32, #tpu.memory_space<vmem>> -> memref<8x256xf32, #tpu.memory_space<vmem>>
        %dma_start3A_118 = arith.constant 0 : i32
        %dma_start3A_119 = arith.constant 999424 : i32
        %dma_start3A_120 = tpu.memref_slice %arg3[%dma_start3A_118, %dma_start3A_119] : memref<64x1000000xf32, #tpu.memory_space<hbm>> -> memref<8x256xf32, #tpu.memory_space<hbm>>
        tpu.enqueue_dma source(%dma_start3A_120 : memref<8x256xf32, #tpu.memory_space<hbm>>) target(%dma_start3A_117 : memref<8x256xf32, #tpu.memory_space<vmem>>) target_semaphore(%run_scoped3A_107 : memref<!tpu.dma_semaphore, #tpu.memory_space<semaphore_mem>>)
        %dma_wait3A = arith.constant 0 : i32
        %dma_wait3A_121 = arith.constant 0 : i32
        %dma_wait3A_122 = tpu.memref_slice %arg7[%run_scoped3A, %dma_wait3A, %dma_wait3A_121] : memref<2x64x256xf32, #tpu.memory_space<vmem>> -> memref<1x8x256xf32, #tpu.memory_space<vmem>>
        %dma_wait3A_123 = tpu.memref_squeeze %dma_wait3A_122 : memref<1x8x256xf32, #tpu.memory_space<vmem>> -> memref<8x256xf32, #tpu.memory_space<vmem>>
        %dma_wait3A_124 = arith.constant 0 : i32
        %dma_wait3A_125 = arith.constant 999424 : i32
        %dma_wait3A_126 = tpu.memref_slice %arg3[%dma_wait3A_124, %dma_wait3A_125] : memref<64x1000000xf32, #tpu.memory_space<hbm>> -> memref<8x256xf32, #tpu.memory_space<hbm>>
        %dma_wait3A_127 = arith.constant 0 : i32
        %dma_wait3A_128 = arith.constant 0 : i32
        %dma_wait3A_129 = tpu.memref_slice %arg7[%run_scoped3A, %dma_wait3A_127, %dma_wait3A_128] : memref<2x64x256xf32, #tpu.memory_space<vmem>> -> memref<1x8x256xf32, #tpu.memory_space<vmem>>
        %dma_wait3A_130 = tpu.memref_squeeze %dma_wait3A_129 : memref<1x8x256xf32, #tpu.memory_space<vmem>> -> memref<8x256xf32, #tpu.memory_space<vmem>>
        %dma_wait3A_131 = arith.constant 0 : i32
        %dma_wait3A_132 = arith.constant 999424 : i32
        %dma_wait3A_133 = tpu.memref_slice %arg3[%dma_wait3A_131, %dma_wait3A_132] : memref<64x1000000xf32, #tpu.memory_space<hbm>> -> memref<8x256xf32, #tpu.memory_space<hbm>>
        tpu.wait_dma2 semaphore(%run_scoped3A_107 : memref<!tpu.dma_semaphore, #tpu.memory_space<semaphore_mem>>) src(%dma_wait3A_133 : memref<8x256xf32, #tpu.memory_space<hbm>>) dst(%dma_wait3A_130 : memref<8x256xf32, #tpu.memory_space<vmem>>)
        tpu.yield
      }) : () -> ()
      %run_scoped3A_92 = arith.constant 1 : i32
      "tpu.region"() ({
        %run_scoped3A_107 = tpu.sem_alloc : memref<!tpu.dma_semaphore, #tpu.memory_space<semaphore_mem>>
        %dma_start3A = arith.constant 0 : i32
        %dma_start3A_108 = arith.constant 0 : i32
        %dma_start3A_109 = tpu.memref_slice %arg7[%run_scoped3A_92, %dma_start3A, %dma_start3A_108] : memref<2x64x256xf32, #tpu.memory_space<vmem>> -> memref<1x8x256xf32, #tpu.memory_space<vmem>>
        %dma_start3A_110 = tpu.memref_squeeze %dma_start3A_109 : memref<1x8x256xf32, #tpu.memory_space<vmem>> -> memref<8x256xf32, #tpu.memory_space<vmem>>
        %dma_start3A_111 = arith.constant 0 : i32
        %dma_start3A_112 = arith.constant 999680 : i32
        %dma_start3A_113 = tpu.memref_slice %arg3[%dma_start3A_111, %dma_start3A_112] : memref<64x1000000xf32, #tpu.memory_space<hbm>> -> memref<8x256xf32, #tpu.memory_space<hbm>>
        %dma_start3A_114 = arith.constant 0 : i32
        %dma_start3A_115 = arith.constant 0 : i32
        %dma_start3A_116 = tpu.memref_slice %arg7[%run_scoped3A_92, %dma_start3A_114, %dma_start3A_115] : memref<2x64x256xf32, #tpu.memory_space<vmem>> -> memref<1x8x256xf32, #tpu.memory_space<vmem>>
        %dma_start3A_117 = tpu.memref_squeeze %dma_start3A_116 : memref<1x8x256xf32, #tpu.memory_space<vmem>> -> memref<8x256xf32, #tpu.memory_space<vmem>>
        %dma_start3A_118 = arith.constant 0 : i32
        %dma_start3A_119 = arith.constant 999680 : i32
        %dma_start3A_120 = tpu.memref_slice %arg3[%dma_start3A_118, %dma_start3A_119] : memref<64x1000000xf32, #tpu.memory_space<hbm>> -> memref<8x256xf32, #tpu.memory_space<hbm>>
        tpu.enqueue_dma source(%dma_start3A_120 : memref<8x256xf32, #tpu.memory_space<hbm>>) target(%dma_start3A_117 : memref<8x256xf32, #tpu.memory_space<vmem>>) target_semaphore(%run_scoped3A_107 : memref<!tpu.dma_semaphore, #tpu.memory_space<semaphore_mem>>)
        %dma_wait3A = arith.constant 0 : i32
        %dma_wait3A_121 = arith.constant 0 : i32
        %dma_wait3A_122 = tpu.memref_slice %arg7[%run_scoped3A_92, %dma_wait3A, %dma_wait3A_121] : memref<2x64x256xf32, #tpu.memory_space<vmem>> -> memref<1x8x256xf32, #tpu.memory_space<vmem>>
        %dma_wait3A_123 = tpu.memref_squeeze %dma_wait3A_122 : memref<1x8x256xf32, #tpu.memory_space<vmem>> -> memref<8x256xf32, #tpu.memory_space<vmem>>
        %dma_wait3A_124 = arith.constant 0 : i32
        %dma_wait3A_125 = arith.constant 999680 : i32
        %dma_wait3A_126 = tpu.memref_slice %arg3[%dma_wait3A_124, %dma_wait3A_125] : memref<64x1000000xf32, #tpu.memory_space<hbm>> -> memref<8x256xf32, #tpu.memory_space<hbm>>
        %dma_wait3A_127 = arith.constant 0 : i32
        %dma_wait3A_128 = arith.constant 0 : i32
        %dma_wait3A_129 = tpu.memref_slice %arg7[%run_scoped3A_92, %dma_wait3A_127, %dma_wait3A_128] : memref<2x64x256xf32, #tpu.memory_space<vmem>> -> memref<1x8x256xf32, #tpu.memory_space<vmem>>
        %dma_wait3A_130 = tpu.memref_squeeze %dma_wait3A_129 : memref<1x8x256xf32, #tpu.memory_space<vmem>> -> memref<8x256xf32, #tpu.memory_space<vmem>>
        %dma_wait3A_131 = arith.constant 0 : i32
        %dma_wait3A_132 = arith.constant 999680 : i32
        %dma_wait3A_133 = tpu.memref_slice %arg3[%dma_wait3A_131, %dma_wait3A_132] : memref<64x1000000xf32, #tpu.memory_space<hbm>> -> memref<8x256xf32, #tpu.memory_space<hbm>>
        tpu.wait_dma2 semaphore(%run_scoped3A_107 : memref<!tpu.dma_semaphore, #tpu.memory_space<semaphore_mem>>) src(%dma_wait3A_133 : memref<8x256xf32, #tpu.memory_space<hbm>>) dst(%dma_wait3A_130 : memref<8x256xf32, #tpu.memory_space<vmem>>)
        tpu.yield
      }) : () -> ()
      "tpu.region"() ({
        %run_scoped3A_107 = tpu.sem_alloc : memref<!tpu.dma_semaphore, #tpu.memory_space<semaphore_mem>>
        %dma_start3A = arith.constant 0 : i32
        %dma_start3A_108 = arith.constant 0 : i32
        %dma_start3A_109 = tpu.memref_slice %arg10[%dma_start3A, %dma_start3A_108] : memref<64x64xf32, #tpu.memory_space<vmem>> -> memref<8x64xf32, #tpu.memory_space<vmem>>
        %dma_start3A_110 = arith.constant 0 : i32
        %dma_start3A_111 = arith.constant 999936 : i32
        %dma_start3A_112 = tpu.memref_slice %arg3[%dma_start3A_110, %dma_start3A_111] : memref<64x1000000xf32, #tpu.memory_space<hbm>> -> memref<8x64xf32, #tpu.memory_space<hbm>>
        %dma_start3A_113 = arith.constant 0 : i32
        %dma_start3A_114 = arith.constant 0 : i32
        %dma_start3A_115 = tpu.memref_slice %arg10[%dma_start3A_113, %dma_start3A_114] : memref<64x64xf32, #tpu.memory_space<vmem>> -> memref<8x64xf32, #tpu.memory_space<vmem>>
        %dma_start3A_116 = arith.constant 0 : i32
        %dma_start3A_117 = arith.constant 999936 : i32
        %dma_start3A_118 = tpu.memref_slice %arg3[%dma_start3A_116, %dma_start3A_117] : memref<64x1000000xf32, #tpu.memory_space<hbm>> -> memref<8x64xf32, #tpu.memory_space<hbm>>
        tpu.enqueue_dma source(%dma_start3A_118 : memref<8x64xf32, #tpu.memory_space<hbm>>) target(%dma_start3A_115 : memref<8x64xf32, #tpu.memory_space<vmem>>) target_semaphore(%run_scoped3A_107 : memref<!tpu.dma_semaphore, #tpu.memory_space<semaphore_mem>>)
        %dma_wait3A = arith.constant 0 : i32
        %dma_wait3A_119 = arith.constant 0 : i32
        %dma_wait3A_120 = tpu.memref_slice %arg10[%dma_wait3A, %dma_wait3A_119] : memref<64x64xf32, #tpu.memory_space<vmem>> -> memref<8x64xf32, #tpu.memory_space<vmem>>
        %dma_wait3A_121 = arith.constant 0 : i32
        %dma_wait3A_122 = arith.constant 999936 : i32
        %dma_wait3A_123 = tpu.memref_slice %arg3[%dma_wait3A_121, %dma_wait3A_122] : memref<64x1000000xf32, #tpu.memory_space<hbm>> -> memref<8x64xf32, #tpu.memory_space<hbm>>
        %dma_wait3A_124 = arith.constant 0 : i32
        %dma_wait3A_125 = arith.constant 0 : i32
        %dma_wait3A_126 = tpu.memref_slice %arg10[%dma_wait3A_124, %dma_wait3A_125] : memref<64x64xf32, #tpu.memory_space<vmem>> -> memref<8x64xf32, #tpu.memory_space<vmem>>
        %dma_wait3A_127 = arith.constant 0 : i32
        %dma_wait3A_128 = arith.constant 999936 : i32
        %dma_wait3A_129 = tpu.memref_slice %arg3[%dma_wait3A_127, %dma_wait3A_128] : memref<64x1000000xf32, #tpu.memory_space<hbm>> -> memref<8x64xf32, #tpu.memory_space<hbm>>
        tpu.wait_dma2 semaphore(%run_scoped3A_107 : memref<!tpu.dma_semaphore, #tpu.memory_space<semaphore_mem>>) src(%dma_wait3A_129 : memref<8x64xf32, #tpu.memory_space<hbm>>) dst(%dma_wait3A_126 : memref<8x64xf32, #tpu.memory_space<vmem>>)
        tpu.yield
      }) : () -> ()
      %run_scoped3A_93 = arith.constant 0 : i32
      "tpu.region"() ({
        %run_scoped3A_107 = tpu.sem_alloc : memref<!tpu.dma_semaphore, #tpu.memory_space<semaphore_mem>>
        %dma_start3A = arith.constant 8 : i32
        %dma_start3A_108 = arith.constant 0 : i32
        %dma_start3A_109 = tpu.memref_slice %arg7[%run_scoped3A_93, %dma_start3A, %dma_start3A_108] : memref<2x64x256xf32, #tpu.memory_space<vmem>> -> memref<1x8x256xf32, #tpu.memory_space<vmem>>
        %dma_start3A_110 = tpu.memref_squeeze %dma_start3A_109 : memref<1x8x256xf32, #tpu.memory_space<vmem>> -> memref<8x256xf32, #tpu.memory_space<vmem>>
        %dma_start3A_111 = arith.constant 8 : i32
        %dma_start3A_112 = arith.constant 999424 : i32
        %dma_start3A_113 = tpu.memref_slice %arg3[%dma_start3A_111, %dma_start3A_112] : memref<64x1000000xf32, #tpu.memory_space<hbm>> -> memref<8x256xf32, #tpu.memory_space<hbm>>
        %dma_start3A_114 = arith.constant 8 : i32
        %dma_start3A_115 = arith.constant 0 : i32
        %dma_start3A_116 = tpu.memref_slice %arg7[%run_scoped3A_93, %dma_start3A_114, %dma_start3A_115] : memref<2x64x256xf32, #tpu.memory_space<vmem>> -> memref<1x8x256xf32, #tpu.memory_space<vmem>>
        %dma_start3A_117 = tpu.memref_squeeze %dma_start3A_116 : memref<1x8x256xf32, #tpu.memory_space<vmem>> -> memref<8x256xf32, #tpu.memory_space<vmem>>
        %dma_start3A_118 = arith.constant 8 : i32
        %dma_start3A_119 = arith.constant 999424 : i32
        %dma_start3A_120 = tpu.memref_slice %arg3[%dma_start3A_118, %dma_start3A_119] : memref<64x1000000xf32, #tpu.memory_space<hbm>> -> memref<8x256xf32, #tpu.memory_space<hbm>>
        tpu.enqueue_dma source(%dma_start3A_120 : memref<8x256xf32, #tpu.memory_space<hbm>>) target(%dma_start3A_117 : memref<8x256xf32, #tpu.memory_space<vmem>>) target_semaphore(%run_scoped3A_107 : memref<!tpu.dma_semaphore, #tpu.memory_space<semaphore_mem>>)
        %dma_wait3A = arith.constant 8 : i32
        %dma_wait3A_121 = arith.constant 0 : i32
        %dma_wait3A_122 = tpu.memref_slice %arg7[%run_scoped3A_93, %dma_wait3A, %dma_wait3A_121] : memref<2x64x256xf32, #tpu.memory_space<vmem>> -> memref<1x8x256xf32, #tpu.memory_space<vmem>>
        %dma_wait3A_123 = tpu.memref_squeeze %dma_wait3A_122 : memref<1x8x256xf32, #tpu.memory_space<vmem>> -> memref<8x256xf32, #tpu.memory_space<vmem>>
        %dma_wait3A_124 = arith.constant 8 : i32
        %dma_wait3A_125 = arith.constant 999424 : i32
        %dma_wait3A_126 = tpu.memref_slice %arg3[%dma_wait3A_124, %dma_wait3A_125] : memref<64x1000000xf32, #tpu.memory_space<hbm>> -> memref<8x256xf32, #tpu.memory_space<hbm>>
        %dma_wait3A_127 = arith.constant 8 : i32
        %dma_wait3A_128 = arith.constant 0 : i32
        %dma_wait3A_129 = tpu.memref_slice %arg7[%run_scoped3A_93, %dma_wait3A_127, %dma_wait3A_128] : memref<2x64x256xf32, #tpu.memory_space<vmem>> -> memref<1x8x256xf32, #tpu.memory_space<vmem>>
        %dma_wait3A_130 = tpu.memref_squeeze %dma_wait3A_129 : memref<1x8x256xf32, #tpu.memory_space<vmem>> -> memref<8x256xf32, #tpu.memory_space<vmem>>
        %dma_wait3A_131 = arith.constant 8 : i32
        %dma_wait3A_132 = arith.constant 999424 : i32
        %dma_wait3A_133 = tpu.memref_slice %arg3[%dma_wait3A_131, %dma_wait3A_132] : memref<64x1000000xf32, #tpu.memory_space<hbm>> -> memref<8x256xf32, #tpu.memory_space<hbm>>
        tpu.wait_dma2 semaphore(%run_scoped3A_107 : memref<!tpu.dma_semaphore, #tpu.memory_space<semaphore_mem>>) src(%dma_wait3A_133 : memref<8x256xf32, #tpu.memory_space<hbm>>) dst(%dma_wait3A_130 : memref<8x256xf32, #tpu.memory_space<vmem>>)
        tpu.yield
      }) : () -> ()
      %run_scoped3A_94 = arith.constant 1 : i32
      "tpu.region"() ({
        %run_scoped3A_107 = tpu.sem_alloc : memref<!tpu.dma_semaphore, #tpu.memory_space<semaphore_mem>>
        %dma_start3A = arith.constant 8 : i32
        %dma_start3A_108 = arith.constant 0 : i32
        %dma_start3A_109 = tpu.memref_slice %arg7[%run_scoped3A_94, %dma_start3A, %dma_start3A_108] : memref<2x64x256xf32, #tpu.memory_space<vmem>> -> memref<1x8x256xf32, #tpu.memory_space<vmem>>
        %dma_start3A_110 = tpu.memref_squeeze %dma_start3A_109 : memref<1x8x256xf32, #tpu.memory_space<vmem>> -> memref<8x256xf32, #tpu.memory_space<vmem>>
        %dma_start3A_111 = arith.constant 8 : i32
        %dma_start3A_112 = arith.constant 999680 : i32
        %dma_start3A_113 = tpu.memref_slice %arg3[%dma_start3A_111, %dma_start3A_112] : memref<64x1000000xf32, #tpu.memory_space<hbm>> -> memref<8x256xf32, #tpu.memory_space<hbm>>
        %dma_start3A_114 = arith.constant 8 : i32
        %dma_start3A_115 = arith.constant 0 : i32
        %dma_start3A_116 = tpu.memref_slice %arg7[%run_scoped3A_94, %dma_start3A_114, %dma_start3A_115] : memref<2x64x256xf32, #tpu.memory_space<vmem>> -> memref<1x8x256xf32, #tpu.memory_space<vmem>>
        %dma_start3A_117 = tpu.memref_squeeze %dma_start3A_116 : memref<1x8x256xf32, #tpu.memory_space<vmem>> -> memref<8x256xf32, #tpu.memory_space<vmem>>
        %dma_start3A_118 = arith.constant 8 : i32
        %dma_start3A_119 = arith.constant 999680 : i32
        %dma_start3A_120 = tpu.memref_slice %arg3[%dma_start3A_118, %dma_start3A_119] : memref<64x1000000xf32, #tpu.memory_space<hbm>> -> memref<8x256xf32, #tpu.memory_space<hbm>>
        tpu.enqueue_dma source(%dma_start3A_120 : memref<8x256xf32, #tpu.memory_space<hbm>>) target(%dma_start3A_117 : memref<8x256xf32, #tpu.memory_space<vmem>>) target_semaphore(%run_scoped3A_107 : memref<!tpu.dma_semaphore, #tpu.memory_space<semaphore_mem>>)
        %dma_wait3A = arith.constant 8 : i32
        %dma_wait3A_121 = arith.constant 0 : i32
        %dma_wait3A_122 = tpu.memref_slice %arg7[%run_scoped3A_94, %dma_wait3A, %dma_wait3A_121] : memref<2x64x256xf32, #tpu.memory_space<vmem>> -> memref<1x8x256xf32, #tpu.memory_space<vmem>>
        %dma_wait3A_123 = tpu.memref_squeeze %dma_wait3A_122 : memref<1x8x256xf32, #tpu.memory_space<vmem>> -> memref<8x256xf32, #tpu.memory_space<vmem>>
        %dma_wait3A_124 = arith.constant 8 : i32
        %dma_wait3A_125 = arith.constant 999680 : i32
        %dma_wait3A_126 = tpu.memref_slice %arg3[%dma_wait3A_124, %dma_wait3A_125] : memref<64x1000000xf32, #tpu.memory_space<hbm>> -> memref<8x256xf32, #tpu.memory_space<hbm>>
        %dma_wait3A_127 = arith.constant 8 : i32
        %dma_wait3A_128 = arith.constant 0 : i32
        %dma_wait3A_129 = tpu.memref_slice %arg7[%run_scoped3A_94, %dma_wait3A_127, %dma_wait3A_128] : memref<2x64x256xf32, #tpu.memory_space<vmem>> -> memref<1x8x256xf32, #tpu.memory_space<vmem>>
        %dma_wait3A_130 = tpu.memref_squeeze %dma_wait3A_129 : memref<1x8x256xf32, #tpu.memory_space<vmem>> -> memref<8x256xf32, #tpu.memory_space<vmem>>
        %dma_wait3A_131 = arith.constant 8 : i32
        %dma_wait3A_132 = arith.constant 999680 : i32
        %dma_wait3A_133 = tpu.memref_slice %arg3[%dma_wait3A_131, %dma_wait3A_132] : memref<64x1000000xf32, #tpu.memory_space<hbm>> -> memref<8x256xf32, #tpu.memory_space<hbm>>
        tpu.wait_dma2 semaphore(%run_scoped3A_107 : memref<!tpu.dma_semaphore, #tpu.memory_space<semaphore_mem>>) src(%dma_wait3A_133 : memref<8x256xf32, #tpu.memory_space<hbm>>) dst(%dma_wait3A_130 : memref<8x256xf32, #tpu.memory_space<vmem>>)
        tpu.yield
      }) : () -> ()
      "tpu.region"() ({
        %run_scoped3A_107 = tpu.sem_alloc : memref<!tpu.dma_semaphore, #tpu.memory_space<semaphore_mem>>
        %dma_start3A = arith.constant 8 : i32
        %dma_start3A_108 = arith.constant 0 : i32
        %dma_start3A_109 = tpu.memref_slice %arg10[%dma_start3A, %dma_start3A_108] : memref<64x64xf32, #tpu.memory_space<vmem>> -> memref<8x64xf32, #tpu.memory_space<vmem>>
        %dma_start3A_110 = arith.constant 8 : i32
        %dma_start3A_111 = arith.constant 999936 : i32
        %dma_start3A_112 = tpu.memref_slice %arg3[%dma_start3A_110, %dma_start3A_111] : memref<64x1000000xf32, #tpu.memory_space<hbm>> -> memref<8x64xf32, #tpu.memory_space<hbm>>
        %dma_start3A_113 = arith.constant 8 : i32
        %dma_start3A_114 = arith.constant 0 : i32
        %dma_start3A_115 = tpu.memref_slice %arg10[%dma_start3A_113, %dma_start3A_114] : memref<64x64xf32, #tpu.memory_space<vmem>> -> memref<8x64xf32, #tpu.memory_space<vmem>>
        %dma_start3A_116 = arith.constant 8 : i32
        %dma_start3A_117 = arith.constant 999936 : i32
        %dma_start3A_118 = tpu.memref_slice %arg3[%dma_start3A_116, %dma_start3A_117] : memref<64x1000000xf32, #tpu.memory_space<hbm>> -> memref<8x64xf32, #tpu.memory_space<hbm>>
        tpu.enqueue_dma source(%dma_start3A_118 : memref<8x64xf32, #tpu.memory_space<hbm>>) target(%dma_start3A_115 : memref<8x64xf32, #tpu.memory_space<vmem>>) target_semaphore(%run_scoped3A_107 : memref<!tpu.dma_semaphore, #tpu.memory_space<semaphore_mem>>)
        %dma_wait3A = arith.constant 8 : i32
        %dma_wait3A_119 = arith.constant 0 : i32
        %dma_wait3A_120 = tpu.memref_slice %arg10[%dma_wait3A, %dma_wait3A_119] : memref<64x64xf32, #tpu.memory_space<vmem>> -> memref<8x64xf32, #tpu.memory_space<vmem>>
        %dma_wait3A_121 = arith.constant 8 : i32
        %dma_wait3A_122 = arith.constant 999936 : i32
        %dma_wait3A_123 = tpu.memref_slice %arg3[%dma_wait3A_121, %dma_wait3A_122] : memref<64x1000000xf32, #tpu.memory_space<hbm>> -> memref<8x64xf32, #tpu.memory_space<hbm>>
        %dma_wait3A_124 = arith.constant 8 : i32
        %dma_wait3A_125 = arith.constant 0 : i32
        %dma_wait3A_126 = tpu.memref_slice %arg10[%dma_wait3A_124, %dma_wait3A_125] : memref<64x64xf32, #tpu.memory_space<vmem>> -> memref<8x64xf32, #tpu.memory_space<vmem>>
        %dma_wait3A_127 = arith.constant 8 : i32
        %dma_wait3A_128 = arith.constant 999936 : i32
        %dma_wait3A_129 = tpu.memref_slice %arg3[%dma_wait3A_127, %dma_wait3A_128] : memref<64x1000000xf32, #tpu.memory_space<hbm>> -> memref<8x64xf32, #tpu.memory_space<hbm>>
        tpu.wait_dma2 semaphore(%run_scoped3A_107 : memref<!tpu.dma_semaphore, #tpu.memory_space<semaphore_mem>>) src(%dma_wait3A_129 : memref<8x64xf32, #tpu.memory_space<hbm>>) dst(%dma_wait3A_126 : memref<8x64xf32, #tpu.memory_space<vmem>>)
        tpu.yield
      }) : () -> ()
      %run_scoped3A_95 = arith.constant 0 : i32
      "tpu.region"() ({
        %run_scoped3A_107 = tpu.sem_alloc : memref<!tpu.dma_semaphore, #tpu.memory_space<semaphore_mem>>
        %dma_start3A = arith.constant 16 : i32
        %dma_start3A_108 = arith.constant 0 : i32
        %dma_start3A_109 = tpu.memref_slice %arg7[%run_scoped3A_95, %dma_start3A, %dma_start3A_108] : memref<2x64x256xf32, #tpu.memory_space<vmem>> -> memref<1x8x256xf32, #tpu.memory_space<vmem>>
        %dma_start3A_110 = tpu.memref_squeeze %dma_start3A_109 : memref<1x8x256xf32, #tpu.memory_space<vmem>> -> memref<8x256xf32, #tpu.memory_space<vmem>>
        %dma_start3A_111 = arith.constant 16 : i32
        %dma_start3A_112 = arith.constant 999424 : i32
        %dma_start3A_113 = tpu.memref_slice %arg3[%dma_start3A_111, %dma_start3A_112] : memref<64x1000000xf32, #tpu.memory_space<hbm>> -> memref<8x256xf32, #tpu.memory_space<hbm>>
        %dma_start3A_114 = arith.constant 16 : i32
        %dma_start3A_115 = arith.constant 0 : i32
        %dma_start3A_116 = tpu.memref_slice %arg7[%run_scoped3A_95, %dma_start3A_114, %dma_start3A_115] : memref<2x64x256xf32, #tpu.memory_space<vmem>> -> memref<1x8x256xf32, #tpu.memory_space<vmem>>
        %dma_start3A_117 = tpu.memref_squeeze %dma_start3A_116 : memref<1x8x256xf32, #tpu.memory_space<vmem>> -> memref<8x256xf32, #tpu.memory_space<vmem>>
        %dma_start3A_118 = arith.constant 16 : i32
        %dma_start3A_119 = arith.constant 999424 : i32
        %dma_start3A_120 = tpu.memref_slice %arg3[%dma_start3A_118, %dma_start3A_119] : memref<64x1000000xf32, #tpu.memory_space<hbm>> -> memref<8x256xf32, #tpu.memory_space<hbm>>
        tpu.enqueue_dma source(%dma_start3A_120 : memref<8x256xf32, #tpu.memory_space<hbm>>) target(%dma_start3A_117 : memref<8x256xf32, #tpu.memory_space<vmem>>) target_semaphore(%run_scoped3A_107 : memref<!tpu.dma_semaphore, #tpu.memory_space<semaphore_mem>>)
        %dma_wait3A = arith.constant 16 : i32
        %dma_wait3A_121 = arith.constant 0 : i32
        %dma_wait3A_122 = tpu.memref_slice %arg7[%run_scoped3A_95, %dma_wait3A, %dma_wait3A_121] : memref<2x64x256xf32, #tpu.memory_space<vmem>> -> memref<1x8x256xf32, #tpu.memory_space<vmem>>
        %dma_wait3A_123 = tpu.memref_squeeze %dma_wait3A_122 : memref<1x8x256xf32, #tpu.memory_space<vmem>> -> memref<8x256xf32, #tpu.memory_space<vmem>>
        %dma_wait3A_124 = arith.constant 16 : i32
        %dma_wait3A_125 = arith.constant 999424 : i32
        %dma_wait3A_126 = tpu.memref_slice %arg3[%dma_wait3A_124, %dma_wait3A_125] : memref<64x1000000xf32, #tpu.memory_space<hbm>> -> memref<8x256xf32, #tpu.memory_space<hbm>>
        %dma_wait3A_127 = arith.constant 16 : i32
        %dma_wait3A_128 = arith.constant 0 : i32
        %dma_wait3A_129 = tpu.memref_slice %arg7[%run_scoped3A_95, %dma_wait3A_127, %dma_wait3A_128] : memref<2x64x256xf32, #tpu.memory_space<vmem>> -> memref<1x8x256xf32, #tpu.memory_space<vmem>>
        %dma_wait3A_130 = tpu.memref_squeeze %dma_wait3A_129 : memref<1x8x256xf32, #tpu.memory_space<vmem>> -> memref<8x256xf32, #tpu.memory_space<vmem>>
        %dma_wait3A_131 = arith.constant 16 : i32
        %dma_wait3A_132 = arith.constant 999424 : i32
        %dma_wait3A_133 = tpu.memref_slice %arg3[%dma_wait3A_131, %dma_wait3A_132] : memref<64x1000000xf32, #tpu.memory_space<hbm>> -> memref<8x256xf32, #tpu.memory_space<hbm>>
        tpu.wait_dma2 semaphore(%run_scoped3A_107 : memref<!tpu.dma_semaphore, #tpu.memory_space<semaphore_mem>>) src(%dma_wait3A_133 : memref<8x256xf32, #tpu.memory_space<hbm>>) dst(%dma_wait3A_130 : memref<8x256xf32, #tpu.memory_space<vmem>>)
        tpu.yield
      }) : () -> ()
      %run_scoped3A_96 = arith.constant 1 : i32
      "tpu.region"() ({
        %run_scoped3A_107 = tpu.sem_alloc : memref<!tpu.dma_semaphore, #tpu.memory_space<semaphore_mem>>
        %dma_start3A = arith.constant 16 : i32
        %dma_start3A_108 = arith.constant 0 : i32
        %dma_start3A_109 = tpu.memref_slice %arg7[%run_scoped3A_96, %dma_start3A, %dma_start3A_108] : memref<2x64x256xf32, #tpu.memory_space<vmem>> -> memref<1x8x256xf32, #tpu.memory_space<vmem>>
        %dma_start3A_110 = tpu.memref_squeeze %dma_start3A_109 : memref<1x8x256xf32, #tpu.memory_space<vmem>> -> memref<8x256xf32, #tpu.memory_space<vmem>>
        %dma_start3A_111 = arith.constant 16 : i32
        %dma_start3A_112 = arith.constant 999680 : i32
        %dma_start3A_113 = tpu.memref_slice %arg3[%dma_start3A_111, %dma_start3A_112] : memref<64x1000000xf32, #tpu.memory_space<hbm>> -> memref<8x256xf32, #tpu.memory_space<hbm>>
        %dma_start3A_114 = arith.constant 16 : i32
        %dma_start3A_115 = arith.constant 0 : i32
        %dma_start3A_116 = tpu.memref_slice %arg7[%run_scoped3A_96, %dma_start3A_114, %dma_start3A_115] : memref<2x64x256xf32, #tpu.memory_space<vmem>> -> memref<1x8x256xf32, #tpu.memory_space<vmem>>
        %dma_start3A_117 = tpu.memref_squeeze %dma_start3A_116 : memref<1x8x256xf32, #tpu.memory_space<vmem>> -> memref<8x256xf32, #tpu.memory_space<vmem>>
        %dma_start3A_118 = arith.constant 16 : i32
        %dma_start3A_119 = arith.constant 999680 : i32
        %dma_start3A_120 = tpu.memref_slice %arg3[%dma_start3A_118, %dma_start3A_119] : memref<64x1000000xf32, #tpu.memory_space<hbm>> -> memref<8x256xf32, #tpu.memory_space<hbm>>
        tpu.enqueue_dma source(%dma_start3A_120 : memref<8x256xf32, #tpu.memory_space<hbm>>) target(%dma_start3A_117 : memref<8x256xf32, #tpu.memory_space<vmem>>) target_semaphore(%run_scoped3A_107 : memref<!tpu.dma_semaphore, #tpu.memory_space<semaphore_mem>>)
        %dma_wait3A = arith.constant 16 : i32
        %dma_wait3A_121 = arith.constant 0 : i32
        %dma_wait3A_122 = tpu.memref_slice %arg7[%run_scoped3A_96, %dma_wait3A, %dma_wait3A_121] : memref<2x64x256xf32, #tpu.memory_space<vmem>> -> memref<1x8x256xf32, #tpu.memory_space<vmem>>
        %dma_wait3A_123 = tpu.memref_squeeze %dma_wait3A_122 : memref<1x8x256xf32, #tpu.memory_space<vmem>> -> memref<8x256xf32, #tpu.memory_space<vmem>>
        %dma_wait3A_124 = arith.constant 16 : i32
        %dma_wait3A_125 = arith.constant 999680 : i32
        %dma_wait3A_126 = tpu.memref_slice %arg3[%dma_wait3A_124, %dma_wait3A_125] : memref<64x1000000xf32, #tpu.memory_space<hbm>> -> memref<8x256xf32, #tpu.memory_space<hbm>>
        %dma_wait3A_127 = arith.constant 16 : i32
        %dma_wait3A_128 = arith.constant 0 : i32
        %dma_wait3A_129 = tpu.memref_slice %arg7[%run_scoped3A_96, %dma_wait3A_127, %dma_wait3A_128] : memref<2x64x256xf32, #tpu.memory_space<vmem>> -> memref<1x8x256xf32, #tpu.memory_space<vmem>>
        %dma_wait3A_130 = tpu.memref_squeeze %dma_wait3A_129 : memref<1x8x256xf32, #tpu.memory_space<vmem>> -> memref<8x256xf32, #tpu.memory_space<vmem>>
        %dma_wait3A_131 = arith.constant 16 : i32
        %dma_wait3A_132 = arith.constant 999680 : i32
        %dma_wait3A_133 = tpu.memref_slice %arg3[%dma_wait3A_131, %dma_wait3A_132] : memref<64x1000000xf32, #tpu.memory_space<hbm>> -> memref<8x256xf32, #tpu.memory_space<hbm>>
        tpu.wait_dma2 semaphore(%run_scoped3A_107 : memref<!tpu.dma_semaphore, #tpu.memory_space<semaphore_mem>>) src(%dma_wait3A_133 : memref<8x256xf32, #tpu.memory_space<hbm>>) dst(%dma_wait3A_130 : memref<8x256xf32, #tpu.memory_space<vmem>>)
        tpu.yield
      }) : () -> ()
      "tpu.region"() ({
        %run_scoped3A_107 = tpu.sem_alloc : memref<!tpu.dma_semaphore, #tpu.memory_space<semaphore_mem>>
        %dma_start3A = arith.constant 16 : i32
        %dma_start3A_108 = arith.constant 0 : i32
        %dma_start3A_109 = tpu.memref_slice %arg10[%dma_start3A, %dma_start3A_108] : memref<64x64xf32, #tpu.memory_space<vmem>> -> memref<8x64xf32, #tpu.memory_space<vmem>>
        %dma_start3A_110 = arith.constant 16 : i32
        %dma_start3A_111 = arith.constant 999936 : i32
        %dma_start3A_112 = tpu.memref_slice %arg3[%dma_start3A_110, %dma_start3A_111] : memref<64x1000000xf32, #tpu.memory_space<hbm>> -> memref<8x64xf32, #tpu.memory_space<hbm>>
        %dma_start3A_113 = arith.constant 16 : i32
        %dma_start3A_114 = arith.constant 0 : i32
        %dma_start3A_115 = tpu.memref_slice %arg10[%dma_start3A_113, %dma_start3A_114] : memref<64x64xf32, #tpu.memory_space<vmem>> -> memref<8x64xf32, #tpu.memory_space<vmem>>
        %dma_start3A_116 = arith.constant 16 : i32
        %dma_start3A_117 = arith.constant 999936 : i32
        %dma_start3A_118 = tpu.memref_slice %arg3[%dma_start3A_116, %dma_start3A_117] : memref<64x1000000xf32, #tpu.memory_space<hbm>> -> memref<8x64xf32, #tpu.memory_space<hbm>>
        tpu.enqueue_dma source(%dma_start3A_118 : memref<8x64xf32, #tpu.memory_space<hbm>>) target(%dma_start3A_115 : memref<8x64xf32, #tpu.memory_space<vmem>>) target_semaphore(%run_scoped3A_107 : memref<!tpu.dma_semaphore, #tpu.memory_space<semaphore_mem>>)
        %dma_wait3A = arith.constant 16 : i32
        %dma_wait3A_119 = arith.constant 0 : i32
        %dma_wait3A_120 = tpu.memref_slice %arg10[%dma_wait3A, %dma_wait3A_119] : memref<64x64xf32, #tpu.memory_space<vmem>> -> memref<8x64xf32, #tpu.memory_space<vmem>>
        %dma_wait3A_121 = arith.constant 16 : i32
        %dma_wait3A_122 = arith.constant 999936 : i32
        %dma_wait3A_123 = tpu.memref_slice %arg3[%dma_wait3A_121, %dma_wait3A_122] : memref<64x1000000xf32, #tpu.memory_space<hbm>> -> memref<8x64xf32, #tpu.memory_space<hbm>>
        %dma_wait3A_124 = arith.constant 16 : i32
        %dma_wait3A_125 = arith.constant 0 : i32
        %dma_wait3A_126 = tpu.memref_slice %arg10[%dma_wait3A_124, %dma_wait3A_125] : memref<64x64xf32, #tpu.memory_space<vmem>> -> memref<8x64xf32, #tpu.memory_space<vmem>>
        %dma_wait3A_127 = arith.constant 16 : i32
        %dma_wait3A_128 = arith.constant 999936 : i32
        %dma_wait3A_129 = tpu.memref_slice %arg3[%dma_wait3A_127, %dma_wait3A_128] : memref<64x1000000xf32, #tpu.memory_space<hbm>> -> memref<8x64xf32, #tpu.memory_space<hbm>>
        tpu.wait_dma2 semaphore(%run_scoped3A_107 : memref<!tpu.dma_semaphore, #tpu.memory_space<semaphore_mem>>) src(%dma_wait3A_129 : memref<8x64xf32, #tpu.memory_space<hbm>>) dst(%dma_wait3A_126 : memref<8x64xf32, #tpu.memory_space<vmem>>)
        tpu.yield
      }) : () -> ()
      %run_scoped3A_97 = arith.constant 0 : i32
      "tpu.region"() ({
        %run_scoped3A_107 = tpu.sem_alloc : memref<!tpu.dma_semaphore, #tpu.memory_space<semaphore_mem>>
        %dma_start3A = arith.constant 24 : i32
        %dma_start3A_108 = arith.constant 0 : i32
        %dma_start3A_109 = tpu.memref_slice %arg7[%run_scoped3A_97, %dma_start3A, %dma_start3A_108] : memref<2x64x256xf32, #tpu.memory_space<vmem>> -> memref<1x8x256xf32, #tpu.memory_space<vmem>>
        %dma_start3A_110 = tpu.memref_squeeze %dma_start3A_109 : memref<1x8x256xf32, #tpu.memory_space<vmem>> -> memref<8x256xf32, #tpu.memory_space<vmem>>
        %dma_start3A_111 = arith.constant 24 : i32
        %dma_start3A_112 = arith.constant 999424 : i32
        %dma_start3A_113 = tpu.memref_slice %arg3[%dma_start3A_111, %dma_start3A_112] : memref<64x1000000xf32, #tpu.memory_space<hbm>> -> memref<8x256xf32, #tpu.memory_space<hbm>>
        %dma_start3A_114 = arith.constant 24 : i32
        %dma_start3A_115 = arith.constant 0 : i32
        %dma_start3A_116 = tpu.memref_slice %arg7[%run_scoped3A_97, %dma_start3A_114, %dma_start3A_115] : memref<2x64x256xf32, #tpu.memory_space<vmem>> -> memref<1x8x256xf32, #tpu.memory_space<vmem>>
        %dma_start3A_117 = tpu.memref_squeeze %dma_start3A_116 : memref<1x8x256xf32, #tpu.memory_space<vmem>> -> memref<8x256xf32, #tpu.memory_space<vmem>>
        %dma_start3A_118 = arith.constant 24 : i32
        %dma_start3A_119 = arith.constant 999424 : i32
        %dma_start3A_120 = tpu.memref_slice %arg3[%dma_start3A_118, %dma_start3A_119] : memref<64x1000000xf32, #tpu.memory_space<hbm>> -> memref<8x256xf32, #tpu.memory_space<hbm>>
        tpu.enqueue_dma source(%dma_start3A_120 : memref<8x256xf32, #tpu.memory_space<hbm>>) target(%dma_start3A_117 : memref<8x256xf32, #tpu.memory_space<vmem>>) target_semaphore(%run_scoped3A_107 : memref<!tpu.dma_semaphore, #tpu.memory_space<semaphore_mem>>)
        %dma_wait3A = arith.constant 24 : i32
        %dma_wait3A_121 = arith.constant 0 : i32
        %dma_wait3A_122 = tpu.memref_slice %arg7[%run_scoped3A_97, %dma_wait3A, %dma_wait3A_121] : memref<2x64x256xf32, #tpu.memory_space<vmem>> -> memref<1x8x256xf32, #tpu.memory_space<vmem>>
        %dma_wait3A_123 = tpu.memref_squeeze %dma_wait3A_122 : memref<1x8x256xf32, #tpu.memory_space<vmem>> -> memref<8x256xf32, #tpu.memory_space<vmem>>
        %dma_wait3A_124 = arith.constant 24 : i32
        %dma_wait3A_125 = arith.constant 999424 : i32
        %dma_wait3A_126 = tpu.memref_slice %arg3[%dma_wait3A_124, %dma_wait3A_125] : memref<64x1000000xf32, #tpu.memory_space<hbm>> -> memref<8x256xf32, #tpu.memory_space<hbm>>
        %dma_wait3A_127 = arith.constant 24 : i32
        %dma_wait3A_128 = arith.constant 0 : i32
        %dma_wait3A_129 = tpu.memref_slice %arg7[%run_scoped3A_97, %dma_wait3A_127, %dma_wait3A_128] : memref<2x64x256xf32, #tpu.memory_space<vmem>> -> memref<1x8x256xf32, #tpu.memory_space<vmem>>
        %dma_wait3A_130 = tpu.memref_squeeze %dma_wait3A_129 : memref<1x8x256xf32, #tpu.memory_space<vmem>> -> memref<8x256xf32, #tpu.memory_space<vmem>>
        %dma_wait3A_131 = arith.constant 24 : i32
        %dma_wait3A_132 = arith.constant 999424 : i32
        %dma_wait3A_133 = tpu.memref_slice %arg3[%dma_wait3A_131, %dma_wait3A_132] : memref<64x1000000xf32, #tpu.memory_space<hbm>> -> memref<8x256xf32, #tpu.memory_space<hbm>>
        tpu.wait_dma2 semaphore(%run_scoped3A_107 : memref<!tpu.dma_semaphore, #tpu.memory_space<semaphore_mem>>) src(%dma_wait3A_133 : memref<8x256xf32, #tpu.memory_space<hbm>>) dst(%dma_wait3A_130 : memref<8x256xf32, #tpu.memory_space<vmem>>)
        tpu.yield
      }) : () -> ()
      %run_scoped3A_98 = arith.constant 1 : i32
      "tpu.region"() ({
        %run_scoped3A_107 = tpu.sem_alloc : memref<!tpu.dma_semaphore, #tpu.memory_space<semaphore_mem>>
        %dma_start3A = arith.constant 24 : i32
        %dma_start3A_108 = arith.constant 0 : i32
        %dma_start3A_109 = tpu.memref_slice %arg7[%run_scoped3A_98, %dma_start3A, %dma_start3A_108] : memref<2x64x256xf32, #tpu.memory_space<vmem>> -> memref<1x8x256xf32, #tpu.memory_space<vmem>>
        %dma_start3A_110 = tpu.memref_squeeze %dma_start3A_109 : memref<1x8x256xf32, #tpu.memory_space<vmem>> -> memref<8x256xf32, #tpu.memory_space<vmem>>
        %dma_start3A_111 = arith.constant 24 : i32
        %dma_start3A_112 = arith.constant 999680 : i32
        %dma_start3A_113 = tpu.memref_slice %arg3[%dma_start3A_111, %dma_start3A_112] : memref<64x1000000xf32, #tpu.memory_space<hbm>> -> memref<8x256xf32, #tpu.memory_space<hbm>>
        %dma_start3A_114 = arith.constant 24 : i32
        %dma_start3A_115 = arith.constant 0 : i32
        %dma_start3A_116 = tpu.memref_slice %arg7[%run_scoped3A_98, %dma_start3A_114, %dma_start3A_115] : memref<2x64x256xf32, #tpu.memory_space<vmem>> -> memref<1x8x256xf32, #tpu.memory_space<vmem>>
        %dma_start3A_117 = tpu.memref_squeeze %dma_start3A_116 : memref<1x8x256xf32, #tpu.memory_space<vmem>> -> memref<8x256xf32, #tpu.memory_space<vmem>>
        %dma_start3A_118 = arith.constant 24 : i32
        %dma_start3A_119 = arith.constant 999680 : i32
        %dma_start3A_120 = tpu.memref_slice %arg3[%dma_start3A_118, %dma_start3A_119] : memref<64x1000000xf32, #tpu.memory_space<hbm>> -> memref<8x256xf32, #tpu.memory_space<hbm>>
        tpu.enqueue_dma source(%dma_start3A_120 : memref<8x256xf32, #tpu.memory_space<hbm>>) target(%dma_start3A_117 : memref<8x256xf32, #tpu.memory_space<vmem>>) target_semaphore(%run_scoped3A_107 : memref<!tpu.dma_semaphore, #tpu.memory_space<semaphore_mem>>)
        %dma_wait3A = arith.constant 24 : i32
        %dma_wait3A_121 = arith.constant 0 : i32
        %dma_wait3A_122 = tpu.memref_slice %arg7[%run_scoped3A_98, %dma_wait3A, %dma_wait3A_121] : memref<2x64x256xf32, #tpu.memory_space<vmem>> -> memref<1x8x256xf32, #tpu.memory_space<vmem>>
        %dma_wait3A_123 = tpu.memref_squeeze %dma_wait3A_122 : memref<1x8x256xf32, #tpu.memory_space<vmem>> -> memref<8x256xf32, #tpu.memory_space<vmem>>
        %dma_wait3A_124 = arith.constant 24 : i32
        %dma_wait3A_125 = arith.constant 999680 : i32
        %dma_wait3A_126 = tpu.memref_slice %arg3[%dma_wait3A_124, %dma_wait3A_125] : memref<64x1000000xf32, #tpu.memory_space<hbm>> -> memref<8x256xf32, #tpu.memory_space<hbm>>
        %dma_wait3A_127 = arith.constant 24 : i32
        %dma_wait3A_128 = arith.constant 0 : i32
        %dma_wait3A_129 = tpu.memref_slice %arg7[%run_scoped3A_98, %dma_wait3A_127, %dma_wait3A_128] : memref<2x64x256xf32, #tpu.memory_space<vmem>> -> memref<1x8x256xf32, #tpu.memory_space<vmem>>
        %dma_wait3A_130 = tpu.memref_squeeze %dma_wait3A_129 : memref<1x8x256xf32, #tpu.memory_space<vmem>> -> memref<8x256xf32, #tpu.memory_space<vmem>>
        %dma_wait3A_131 = arith.constant 24 : i32
        %dma_wait3A_132 = arith.constant 999680 : i32
        %dma_wait3A_133 = tpu.memref_slice %arg3[%dma_wait3A_131, %dma_wait3A_132] : memref<64x1000000xf32, #tpu.memory_space<hbm>> -> memref<8x256xf32, #tpu.memory_space<hbm>>
        tpu.wait_dma2 semaphore(%run_scoped3A_107 : memref<!tpu.dma_semaphore, #tpu.memory_space<semaphore_mem>>) src(%dma_wait3A_133 : memref<8x256xf32, #tpu.memory_space<hbm>>) dst(%dma_wait3A_130 : memref<8x256xf32, #tpu.memory_space<vmem>>)
        tpu.yield
      }) : () -> ()
      "tpu.region"() ({
        %run_scoped3A_107 = tpu.sem_alloc : memref<!tpu.dma_semaphore, #tpu.memory_space<semaphore_mem>>
        %dma_start3A = arith.constant 24 : i32
        %dma_start3A_108 = arith.constant 0 : i32
        %dma_start3A_109 = tpu.memref_slice %arg10[%dma_start3A, %dma_start3A_108] : memref<64x64xf32, #tpu.memory_space<vmem>> -> memref<8x64xf32, #tpu.memory_space<vmem>>
        %dma_start3A_110 = arith.constant 24 : i32
        %dma_start3A_111 = arith.constant 999936 : i32
        %dma_start3A_112 = tpu.memref_slice %arg3[%dma_start3A_110, %dma_start3A_111] : memref<64x1000000xf32, #tpu.memory_space<hbm>> -> memref<8x64xf32, #tpu.memory_space<hbm>>
        %dma_start3A_113 = arith.constant 24 : i32
        %dma_start3A_114 = arith.constant 0 : i32
        %dma_start3A_115 = tpu.memref_slice %arg10[%dma_start3A_113, %dma_start3A_114] : memref<64x64xf32, #tpu.memory_space<vmem>> -> memref<8x64xf32, #tpu.memory_space<vmem>>
        %dma_start3A_116 = arith.constant 24 : i32
        %dma_start3A_117 = arith.constant 999936 : i32
        %dma_start3A_118 = tpu.memref_slice %arg3[%dma_start3A_116, %dma_start3A_117] : memref<64x1000000xf32, #tpu.memory_space<hbm>> -> memref<8x64xf32, #tpu.memory_space<hbm>>
        tpu.enqueue_dma source(%dma_start3A_118 : memref<8x64xf32, #tpu.memory_space<hbm>>) target(%dma_start3A_115 : memref<8x64xf32, #tpu.memory_space<vmem>>) target_semaphore(%run_scoped3A_107 : memref<!tpu.dma_semaphore, #tpu.memory_space<semaphore_mem>>)
        %dma_wait3A = arith.constant 24 : i32
        %dma_wait3A_119 = arith.constant 0 : i32
        %dma_wait3A_120 = tpu.memref_slice %arg10[%dma_wait3A, %dma_wait3A_119] : memref<64x64xf32, #tpu.memory_space<vmem>> -> memref<8x64xf32, #tpu.memory_space<vmem>>
        %dma_wait3A_121 = arith.constant 24 : i32
        %dma_wait3A_122 = arith.constant 999936 : i32
        %dma_wait3A_123 = tpu.memref_slice %arg3[%dma_wait3A_121, %dma_wait3A_122] : memref<64x1000000xf32, #tpu.memory_space<hbm>> -> memref<8x64xf32, #tpu.memory_space<hbm>>
        %dma_wait3A_124 = arith.constant 24 : i32
        %dma_wait3A_125 = arith.constant 0 : i32
        %dma_wait3A_126 = tpu.memref_slice %arg10[%dma_wait3A_124, %dma_wait3A_125] : memref<64x64xf32, #tpu.memory_space<vmem>> -> memref<8x64xf32, #tpu.memory_space<vmem>>
        %dma_wait3A_127 = arith.constant 24 : i32
        %dma_wait3A_128 = arith.constant 999936 : i32
        %dma_wait3A_129 = tpu.memref_slice %arg3[%dma_wait3A_127, %dma_wait3A_128] : memref<64x1000000xf32, #tpu.memory_space<hbm>> -> memref<8x64xf32, #tpu.memory_space<hbm>>
        tpu.wait_dma2 semaphore(%run_scoped3A_107 : memref<!tpu.dma_semaphore, #tpu.memory_space<semaphore_mem>>) src(%dma_wait3A_129 : memref<8x64xf32, #tpu.memory_space<hbm>>) dst(%dma_wait3A_126 : memref<8x64xf32, #tpu.memory_space<vmem>>)
        tpu.yield
      }) : () -> ()
      %run_scoped3A_99 = arith.constant 0 : i32
      "tpu.region"() ({
        %run_scoped3A_107 = tpu.sem_alloc : memref<!tpu.dma_semaphore, #tpu.memory_space<semaphore_mem>>
        %dma_start3A = arith.constant 32 : i32
        %dma_start3A_108 = arith.constant 0 : i32
        %dma_start3A_109 = tpu.memref_slice %arg7[%run_scoped3A_99, %dma_start3A, %dma_start3A_108] : memref<2x64x256xf32, #tpu.memory_space<vmem>> -> memref<1x8x256xf32, #tpu.memory_space<vmem>>
        %dma_start3A_110 = tpu.memref_squeeze %dma_start3A_109 : memref<1x8x256xf32, #tpu.memory_space<vmem>> -> memref<8x256xf32, #tpu.memory_space<vmem>>
        %dma_start3A_111 = arith.constant 32 : i32
        %dma_start3A_112 = arith.constant 999424 : i32
        %dma_start3A_113 = tpu.memref_slice %arg3[%dma_start3A_111, %dma_start3A_112] : memref<64x1000000xf32, #tpu.memory_space<hbm>> -> memref<8x256xf32, #tpu.memory_space<hbm>>
        %dma_start3A_114 = arith.constant 32 : i32
        %dma_start3A_115 = arith.constant 0 : i32
        %dma_start3A_116 = tpu.memref_slice %arg7[%run_scoped3A_99, %dma_start3A_114, %dma_start3A_115] : memref<2x64x256xf32, #tpu.memory_space<vmem>> -> memref<1x8x256xf32, #tpu.memory_space<vmem>>
        %dma_start3A_117 = tpu.memref_squeeze %dma_start3A_116 : memref<1x8x256xf32, #tpu.memory_space<vmem>> -> memref<8x256xf32, #tpu.memory_space<vmem>>
        %dma_start3A_118 = arith.constant 32 : i32
        %dma_start3A_119 = arith.constant 999424 : i32
        %dma_start3A_120 = tpu.memref_slice %arg3[%dma_start3A_118, %dma_start3A_119] : memref<64x1000000xf32, #tpu.memory_space<hbm>> -> memref<8x256xf32, #tpu.memory_space<hbm>>
        tpu.enqueue_dma source(%dma_start3A_120 : memref<8x256xf32, #tpu.memory_space<hbm>>) target(%dma_start3A_117 : memref<8x256xf32, #tpu.memory_space<vmem>>) target_semaphore(%run_scoped3A_107 : memref<!tpu.dma_semaphore, #tpu.memory_space<semaphore_mem>>)
        %dma_wait3A = arith.constant 32 : i32
        %dma_wait3A_121 = arith.constant 0 : i32
        %dma_wait3A_122 = tpu.memref_slice %arg7[%run_scoped3A_99, %dma_wait3A, %dma_wait3A_121] : memref<2x64x256xf32, #tpu.memory_space<vmem>> -> memref<1x8x256xf32, #tpu.memory_space<vmem>>
        %dma_wait3A_123 = tpu.memref_squeeze %dma_wait3A_122 : memref<1x8x256xf32, #tpu.memory_space<vmem>> -> memref<8x256xf32, #tpu.memory_space<vmem>>
        %dma_wait3A_124 = arith.constant 32 : i32
        %dma_wait3A_125 = arith.constant 999424 : i32
        %dma_wait3A_126 = tpu.memref_slice %arg3[%dma_wait3A_124, %dma_wait3A_125] : memref<64x1000000xf32, #tpu.memory_space<hbm>> -> memref<8x256xf32, #tpu.memory_space<hbm>>
        %dma_wait3A_127 = arith.constant 32 : i32
        %dma_wait3A_128 = arith.constant 0 : i32
        %dma_wait3A_129 = tpu.memref_slice %arg7[%run_scoped3A_99, %dma_wait3A_127, %dma_wait3A_128] : memref<2x64x256xf32, #tpu.memory_space<vmem>> -> memref<1x8x256xf32, #tpu.memory_space<vmem>>
        %dma_wait3A_130 = tpu.memref_squeeze %dma_wait3A_129 : memref<1x8x256xf32, #tpu.memory_space<vmem>> -> memref<8x256xf32, #tpu.memory_space<vmem>>
        %dma_wait3A_131 = arith.constant 32 : i32
        %dma_wait3A_132 = arith.constant 999424 : i32
        %dma_wait3A_133 = tpu.memref_slice %arg3[%dma_wait3A_131, %dma_wait3A_132] : memref<64x1000000xf32, #tpu.memory_space<hbm>> -> memref<8x256xf32, #tpu.memory_space<hbm>>
        tpu.wait_dma2 semaphore(%run_scoped3A_107 : memref<!tpu.dma_semaphore, #tpu.memory_space<semaphore_mem>>) src(%dma_wait3A_133 : memref<8x256xf32, #tpu.memory_space<hbm>>) dst(%dma_wait3A_130 : memref<8x256xf32, #tpu.memory_space<vmem>>)
        tpu.yield
      }) : () -> ()
      %run_scoped3A_100 = arith.constant 1 : i32
      "tpu.region"() ({
        %run_scoped3A_107 = tpu.sem_alloc : memref<!tpu.dma_semaphore, #tpu.memory_space<semaphore_mem>>
        %dma_start3A = arith.constant 32 : i32
        %dma_start3A_108 = arith.constant 0 : i32
        %dma_start3A_109 = tpu.memref_slice %arg7[%run_scoped3A_100, %dma_start3A, %dma_start3A_108] : memref<2x64x256xf32, #tpu.memory_space<vmem>> -> memref<1x8x256xf32, #tpu.memory_space<vmem>>
        %dma_start3A_110 = tpu.memref_squeeze %dma_start3A_109 : memref<1x8x256xf32, #tpu.memory_space<vmem>> -> memref<8x256xf32, #tpu.memory_space<vmem>>
        %dma_start3A_111 = arith.constant 32 : i32
        %dma_start3A_112 = arith.constant 999680 : i32
        %dma_start3A_113 = tpu.memref_slice %arg3[%dma_start3A_111, %dma_start3A_112] : memref<64x1000000xf32, #tpu.memory_space<hbm>> -> memref<8x256xf32, #tpu.memory_space<hbm>>
        %dma_start3A_114 = arith.constant 32 : i32
        %dma_start3A_115 = arith.constant 0 : i32
        %dma_start3A_116 = tpu.memref_slice %arg7[%run_scoped3A_100, %dma_start3A_114, %dma_start3A_115] : memref<2x64x256xf32, #tpu.memory_space<vmem>> -> memref<1x8x256xf32, #tpu.memory_space<vmem>>
        %dma_start3A_117 = tpu.memref_squeeze %dma_start3A_116 : memref<1x8x256xf32, #tpu.memory_space<vmem>> -> memref<8x256xf32, #tpu.memory_space<vmem>>
        %dma_start3A_118 = arith.constant 32 : i32
        %dma_start3A_119 = arith.constant 999680 : i32
        %dma_start3A_120 = tpu.memref_slice %arg3[%dma_start3A_118, %dma_start3A_119] : memref<64x1000000xf32, #tpu.memory_space<hbm>> -> memref<8x256xf32, #tpu.memory_space<hbm>>
        tpu.enqueue_dma source(%dma_start3A_120 : memref<8x256xf32, #tpu.memory_space<hbm>>) target(%dma_start3A_117 : memref<8x256xf32, #tpu.memory_space<vmem>>) target_semaphore(%run_scoped3A_107 : memref<!tpu.dma_semaphore, #tpu.memory_space<semaphore_mem>>)
        %dma_wait3A = arith.constant 32 : i32
        %dma_wait3A_121 = arith.constant 0 : i32
        %dma_wait3A_122 = tpu.memref_slice %arg7[%run_scoped3A_100, %dma_wait3A, %dma_wait3A_121] : memref<2x64x256xf32, #tpu.memory_space<vmem>> -> memref<1x8x256xf32, #tpu.memory_space<vmem>>
        %dma_wait3A_123 = tpu.memref_squeeze %dma_wait3A_122 : memref<1x8x256xf32, #tpu.memory_space<vmem>> -> memref<8x256xf32, #tpu.memory_space<vmem>>
        %dma_wait3A_124 = arith.constant 32 : i32
        %dma_wait3A_125 = arith.constant 999680 : i32
        %dma_wait3A_126 = tpu.memref_slice %arg3[%dma_wait3A_124, %dma_wait3A_125] : memref<64x1000000xf32, #tpu.memory_space<hbm>> -> memref<8x256xf32, #tpu.memory_space<hbm>>
        %dma_wait3A_127 = arith.constant 32 : i32
        %dma_wait3A_128 = arith.constant 0 : i32
        %dma_wait3A_129 = tpu.memref_slice %arg7[%run_scoped3A_100, %dma_wait3A_127, %dma_wait3A_128] : memref<2x64x256xf32, #tpu.memory_space<vmem>> -> memref<1x8x256xf32, #tpu.memory_space<vmem>>
        %dma_wait3A_130 = tpu.memref_squeeze %dma_wait3A_129 : memref<1x8x256xf32, #tpu.memory_space<vmem>> -> memref<8x256xf32, #tpu.memory_space<vmem>>
        %dma_wait3A_131 = arith.constant 32 : i32
        %dma_wait3A_132 = arith.constant 999680 : i32
        %dma_wait3A_133 = tpu.memref_slice %arg3[%dma_wait3A_131, %dma_wait3A_132] : memref<64x1000000xf32, #tpu.memory_space<hbm>> -> memref<8x256xf32, #tpu.memory_space<hbm>>
        tpu.wait_dma2 semaphore(%run_scoped3A_107 : memref<!tpu.dma_semaphore, #tpu.memory_space<semaphore_mem>>) src(%dma_wait3A_133 : memref<8x256xf32, #tpu.memory_space<hbm>>) dst(%dma_wait3A_130 : memref<8x256xf32, #tpu.memory_space<vmem>>)
        tpu.yield
      }) : () -> ()
      "tpu.region"() ({
        %run_scoped3A_107 = tpu.sem_alloc : memref<!tpu.dma_semaphore, #tpu.memory_space<semaphore_mem>>
        %dma_start3A = arith.constant 32 : i32
        %dma_start3A_108 = arith.constant 0 : i32
        %dma_start3A_109 = tpu.memref_slice %arg10[%dma_start3A, %dma_start3A_108] : memref<64x64xf32, #tpu.memory_space<vmem>> -> memref<8x64xf32, #tpu.memory_space<vmem>>
        %dma_start3A_110 = arith.constant 32 : i32
        %dma_start3A_111 = arith.constant 999936 : i32
        %dma_start3A_112 = tpu.memref_slice %arg3[%dma_start3A_110, %dma_start3A_111] : memref<64x1000000xf32, #tpu.memory_space<hbm>> -> memref<8x64xf32, #tpu.memory_space<hbm>>
        %dma_start3A_113 = arith.constant 32 : i32
        %dma_start3A_114 = arith.constant 0 : i32
        %dma_start3A_115 = tpu.memref_slice %arg10[%dma_start3A_113, %dma_start3A_114] : memref<64x64xf32, #tpu.memory_space<vmem>> -> memref<8x64xf32, #tpu.memory_space<vmem>>
        %dma_start3A_116 = arith.constant 32 : i32
        %dma_start3A_117 = arith.constant 999936 : i32
        %dma_start3A_118 = tpu.memref_slice %arg3[%dma_start3A_116, %dma_start3A_117] : memref<64x1000000xf32, #tpu.memory_space<hbm>> -> memref<8x64xf32, #tpu.memory_space<hbm>>
        tpu.enqueue_dma source(%dma_start3A_118 : memref<8x64xf32, #tpu.memory_space<hbm>>) target(%dma_start3A_115 : memref<8x64xf32, #tpu.memory_space<vmem>>) target_semaphore(%run_scoped3A_107 : memref<!tpu.dma_semaphore, #tpu.memory_space<semaphore_mem>>)
        %dma_wait3A = arith.constant 32 : i32
        %dma_wait3A_119 = arith.constant 0 : i32
        %dma_wait3A_120 = tpu.memref_slice %arg10[%dma_wait3A, %dma_wait3A_119] : memref<64x64xf32, #tpu.memory_space<vmem>> -> memref<8x64xf32, #tpu.memory_space<vmem>>
        %dma_wait3A_121 = arith.constant 32 : i32
        %dma_wait3A_122 = arith.constant 999936 : i32
        %dma_wait3A_123 = tpu.memref_slice %arg3[%dma_wait3A_121, %dma_wait3A_122] : memref<64x1000000xf32, #tpu.memory_space<hbm>> -> memref<8x64xf32, #tpu.memory_space<hbm>>
        %dma_wait3A_124 = arith.constant 32 : i32
        %dma_wait3A_125 = arith.constant 0 : i32
        %dma_wait3A_126 = tpu.memref_slice %arg10[%dma_wait3A_124, %dma_wait3A_125] : memref<64x64xf32, #tpu.memory_space<vmem>> -> memref<8x64xf32, #tpu.memory_space<vmem>>
        %dma_wait3A_127 = arith.constant 32 : i32
        %dma_wait3A_128 = arith.constant 999936 : i32
        %dma_wait3A_129 = tpu.memref_slice %arg3[%dma_wait3A_127, %dma_wait3A_128] : memref<64x1000000xf32, #tpu.memory_space<hbm>> -> memref<8x64xf32, #tpu.memory_space<hbm>>
        tpu.wait_dma2 semaphore(%run_scoped3A_107 : memref<!tpu.dma_semaphore, #tpu.memory_space<semaphore_mem>>) src(%dma_wait3A_129 : memref<8x64xf32, #tpu.memory_space<hbm>>) dst(%dma_wait3A_126 : memref<8x64xf32, #tpu.memory_space<vmem>>)
        tpu.yield
      }) : () -> ()
      %run_scoped3A_101 = arith.constant 0 : i32
      "tpu.region"() ({
        %run_scoped3A_107 = tpu.sem_alloc : memref<!tpu.dma_semaphore, #tpu.memory_space<semaphore_mem>>
        %dma_start3A = arith.constant 40 : i32
        %dma_start3A_108 = arith.constant 0 : i32
        %dma_start3A_109 = tpu.memref_slice %arg7[%run_scoped3A_101, %dma_start3A, %dma_start3A_108] : memref<2x64x256xf32, #tpu.memory_space<vmem>> -> memref<1x8x256xf32, #tpu.memory_space<vmem>>
        %dma_start3A_110 = tpu.memref_squeeze %dma_start3A_109 : memref<1x8x256xf32, #tpu.memory_space<vmem>> -> memref<8x256xf32, #tpu.memory_space<vmem>>
        %dma_start3A_111 = arith.constant 40 : i32
        %dma_start3A_112 = arith.constant 999424 : i32
        %dma_start3A_113 = tpu.memref_slice %arg3[%dma_start3A_111, %dma_start3A_112] : memref<64x1000000xf32, #tpu.memory_space<hbm>> -> memref<8x256xf32, #tpu.memory_space<hbm>>
        %dma_start3A_114 = arith.constant 40 : i32
        %dma_start3A_115 = arith.constant 0 : i32
        %dma_start3A_116 = tpu.memref_slice %arg7[%run_scoped3A_101, %dma_start3A_114, %dma_start3A_115] : memref<2x64x256xf32, #tpu.memory_space<vmem>> -> memref<1x8x256xf32, #tpu.memory_space<vmem>>
        %dma_start3A_117 = tpu.memref_squeeze %dma_start3A_116 : memref<1x8x256xf32, #tpu.memory_space<vmem>> -> memref<8x256xf32, #tpu.memory_space<vmem>>
        %dma_start3A_118 = arith.constant 40 : i32
        %dma_start3A_119 = arith.constant 999424 : i32
        %dma_start3A_120 = tpu.memref_slice %arg3[%dma_start3A_118, %dma_start3A_119] : memref<64x1000000xf32, #tpu.memory_space<hbm>> -> memref<8x256xf32, #tpu.memory_space<hbm>>
        tpu.enqueue_dma source(%dma_start3A_120 : memref<8x256xf32, #tpu.memory_space<hbm>>) target(%dma_start3A_117 : memref<8x256xf32, #tpu.memory_space<vmem>>) target_semaphore(%run_scoped3A_107 : memref<!tpu.dma_semaphore, #tpu.memory_space<semaphore_mem>>)
        %dma_wait3A = arith.constant 40 : i32
        %dma_wait3A_121 = arith.constant 0 : i32
        %dma_wait3A_122 = tpu.memref_slice %arg7[%run_scoped3A_101, %dma_wait3A, %dma_wait3A_121] : memref<2x64x256xf32, #tpu.memory_space<vmem>> -> memref<1x8x256xf32, #tpu.memory_space<vmem>>
        %dma_wait3A_123 = tpu.memref_squeeze %dma_wait3A_122 : memref<1x8x256xf32, #tpu.memory_space<vmem>> -> memref<8x256xf32, #tpu.memory_space<vmem>>
        %dma_wait3A_124 = arith.constant 40 : i32
        %dma_wait3A_125 = arith.constant 999424 : i32
        %dma_wait3A_126 = tpu.memref_slice %arg3[%dma_wait3A_124, %dma_wait3A_125] : memref<64x1000000xf32, #tpu.memory_space<hbm>> -> memref<8x256xf32, #tpu.memory_space<hbm>>
        %dma_wait3A_127 = arith.constant 40 : i32
        %dma_wait3A_128 = arith.constant 0 : i32
        %dma_wait3A_129 = tpu.memref_slice %arg7[%run_scoped3A_101, %dma_wait3A_127, %dma_wait3A_128] : memref<2x64x256xf32, #tpu.memory_space<vmem>> -> memref<1x8x256xf32, #tpu.memory_space<vmem>>
        %dma_wait3A_130 = tpu.memref_squeeze %dma_wait3A_129 : memref<1x8x256xf32, #tpu.memory_space<vmem>> -> memref<8x256xf32, #tpu.memory_space<vmem>>
        %dma_wait3A_131 = arith.constant 40 : i32
        %dma_wait3A_132 = arith.constant 999424 : i32
        %dma_wait3A_133 = tpu.memref_slice %arg3[%dma_wait3A_131, %dma_wait3A_132] : memref<64x1000000xf32, #tpu.memory_space<hbm>> -> memref<8x256xf32, #tpu.memory_space<hbm>>
        tpu.wait_dma2 semaphore(%run_scoped3A_107 : memref<!tpu.dma_semaphore, #tpu.memory_space<semaphore_mem>>) src(%dma_wait3A_133 : memref<8x256xf32, #tpu.memory_space<hbm>>) dst(%dma_wait3A_130 : memref<8x256xf32, #tpu.memory_space<vmem>>)
        tpu.yield
      }) : () -> ()
      %run_scoped3A_102 = arith.constant 1 : i32
      "tpu.region"() ({
        %run_scoped3A_107 = tpu.sem_alloc : memref<!tpu.dma_semaphore, #tpu.memory_space<semaphore_mem>>
        %dma_start3A = arith.constant 40 : i32
        %dma_start3A_108 = arith.constant 0 : i32
        %dma_start3A_109 = tpu.memref_slice %arg7[%run_scoped3A_102, %dma_start3A, %dma_start3A_108] : memref<2x64x256xf32, #tpu.memory_space<vmem>> -> memref<1x8x256xf32, #tpu.memory_space<vmem>>
        %dma_start3A_110 = tpu.memref_squeeze %dma_start3A_109 : memref<1x8x256xf32, #tpu.memory_space<vmem>> -> memref<8x256xf32, #tpu.memory_space<vmem>>
        %dma_start3A_111 = arith.constant 40 : i32
        %dma_start3A_112 = arith.constant 999680 : i32
        %dma_start3A_113 = tpu.memref_slice %arg3[%dma_start3A_111, %dma_start3A_112] : memref<64x1000000xf32, #tpu.memory_space<hbm>> -> memref<8x256xf32, #tpu.memory_space<hbm>>
        %dma_start3A_114 = arith.constant 40 : i32
        %dma_start3A_115 = arith.constant 0 : i32
        %dma_start3A_116 = tpu.memref_slice %arg7[%run_scoped3A_102, %dma_start3A_114, %dma_start3A_115] : memref<2x64x256xf32, #tpu.memory_space<vmem>> -> memref<1x8x256xf32, #tpu.memory_space<vmem>>
        %dma_start3A_117 = tpu.memref_squeeze %dma_start3A_116 : memref<1x8x256xf32, #tpu.memory_space<vmem>> -> memref<8x256xf32, #tpu.memory_space<vmem>>
        %dma_start3A_118 = arith.constant 40 : i32
        %dma_start3A_119 = arith.constant 999680 : i32
        %dma_start3A_120 = tpu.memref_slice %arg3[%dma_start3A_118, %dma_start3A_119] : memref<64x1000000xf32, #tpu.memory_space<hbm>> -> memref<8x256xf32, #tpu.memory_space<hbm>>
        tpu.enqueue_dma source(%dma_start3A_120 : memref<8x256xf32, #tpu.memory_space<hbm>>) target(%dma_start3A_117 : memref<8x256xf32, #tpu.memory_space<vmem>>) target_semaphore(%run_scoped3A_107 : memref<!tpu.dma_semaphore, #tpu.memory_space<semaphore_mem>>)
        %dma_wait3A = arith.constant 40 : i32
        %dma_wait3A_121 = arith.constant 0 : i32
        %dma_wait3A_122 = tpu.memref_slice %arg7[%run_scoped3A_102, %dma_wait3A, %dma_wait3A_121] : memref<2x64x256xf32, #tpu.memory_space<vmem>> -> memref<1x8x256xf32, #tpu.memory_space<vmem>>
        %dma_wait3A_123 = tpu.memref_squeeze %dma_wait3A_122 : memref<1x8x256xf32, #tpu.memory_space<vmem>> -> memref<8x256xf32, #tpu.memory_space<vmem>>
        %dma_wait3A_124 = arith.constant 40 : i32
        %dma_wait3A_125 = arith.constant 999680 : i32
        %dma_wait3A_126 = tpu.memref_slice %arg3[%dma_wait3A_124, %dma_wait3A_125] : memref<64x1000000xf32, #tpu.memory_space<hbm>> -> memref<8x256xf32, #tpu.memory_space<hbm>>
        %dma_wait3A_127 = arith.constant 40 : i32
        %dma_wait3A_128 = arith.constant 0 : i32
        %dma_wait3A_129 = tpu.memref_slice %arg7[%run_scoped3A_102, %dma_wait3A_127, %dma_wait3A_128] : memref<2x64x256xf32, #tpu.memory_space<vmem>> -> memref<1x8x256xf32, #tpu.memory_space<vmem>>
        %dma_wait3A_130 = tpu.memref_squeeze %dma_wait3A_129 : memref<1x8x256xf32, #tpu.memory_space<vmem>> -> memref<8x256xf32, #tpu.memory_space<vmem>>
        %dma_wait3A_131 = arith.constant 40 : i32
        %dma_wait3A_132 = arith.constant 999680 : i32
        %dma_wait3A_133 = tpu.memref_slice %arg3[%dma_wait3A_131, %dma_wait3A_132] : memref<64x1000000xf32, #tpu.memory_space<hbm>> -> memref<8x256xf32, #tpu.memory_space<hbm>>
        tpu.wait_dma2 semaphore(%run_scoped3A_107 : memref<!tpu.dma_semaphore, #tpu.memory_space<semaphore_mem>>) src(%dma_wait3A_133 : memref<8x256xf32, #tpu.memory_space<hbm>>) dst(%dma_wait3A_130 : memref<8x256xf32, #tpu.memory_space<vmem>>)
        tpu.yield
      }) : () -> ()
      "tpu.region"() ({
        %run_scoped3A_107 = tpu.sem_alloc : memref<!tpu.dma_semaphore, #tpu.memory_space<semaphore_mem>>
        %dma_start3A = arith.constant 40 : i32
        %dma_start3A_108 = arith.constant 0 : i32
        %dma_start3A_109 = tpu.memref_slice %arg10[%dma_start3A, %dma_start3A_108] : memref<64x64xf32, #tpu.memory_space<vmem>> -> memref<8x64xf32, #tpu.memory_space<vmem>>
        %dma_start3A_110 = arith.constant 40 : i32
        %dma_start3A_111 = arith.constant 999936 : i32
        %dma_start3A_112 = tpu.memref_slice %arg3[%dma_start3A_110, %dma_start3A_111] : memref<64x1000000xf32, #tpu.memory_space<hbm>> -> memref<8x64xf32, #tpu.memory_space<hbm>>
        %dma_start3A_113 = arith.constant 40 : i32
        %dma_start3A_114 = arith.constant 0 : i32
        %dma_start3A_115 = tpu.memref_slice %arg10[%dma_start3A_113, %dma_start3A_114] : memref<64x64xf32, #tpu.memory_space<vmem>> -> memref<8x64xf32, #tpu.memory_space<vmem>>
        %dma_start3A_116 = arith.constant 40 : i32
        %dma_start3A_117 = arith.constant 999936 : i32
        %dma_start3A_118 = tpu.memref_slice %arg3[%dma_start3A_116, %dma_start3A_117] : memref<64x1000000xf32, #tpu.memory_space<hbm>> -> memref<8x64xf32, #tpu.memory_space<hbm>>
        tpu.enqueue_dma source(%dma_start3A_118 : memref<8x64xf32, #tpu.memory_space<hbm>>) target(%dma_start3A_115 : memref<8x64xf32, #tpu.memory_space<vmem>>) target_semaphore(%run_scoped3A_107 : memref<!tpu.dma_semaphore, #tpu.memory_space<semaphore_mem>>)
        %dma_wait3A = arith.constant 40 : i32
        %dma_wait3A_119 = arith.constant 0 : i32
        %dma_wait3A_120 = tpu.memref_slice %arg10[%dma_wait3A, %dma_wait3A_119] : memref<64x64xf32, #tpu.memory_space<vmem>> -> memref<8x64xf32, #tpu.memory_space<vmem>>
        %dma_wait3A_121 = arith.constant 40 : i32
        %dma_wait3A_122 = arith.constant 999936 : i32
        %dma_wait3A_123 = tpu.memref_slice %arg3[%dma_wait3A_121, %dma_wait3A_122] : memref<64x1000000xf32, #tpu.memory_space<hbm>> -> memref<8x64xf32, #tpu.memory_space<hbm>>
        %dma_wait3A_124 = arith.constant 40 : i32
        %dma_wait3A_125 = arith.constant 0 : i32
        %dma_wait3A_126 = tpu.memref_slice %arg10[%dma_wait3A_124, %dma_wait3A_125] : memref<64x64xf32, #tpu.memory_space<vmem>> -> memref<8x64xf32, #tpu.memory_space<vmem>>
        %dma_wait3A_127 = arith.constant 40 : i32
        %dma_wait3A_128 = arith.constant 999936 : i32
        %dma_wait3A_129 = tpu.memref_slice %arg3[%dma_wait3A_127, %dma_wait3A_128] : memref<64x1000000xf32, #tpu.memory_space<hbm>> -> memref<8x64xf32, #tpu.memory_space<hbm>>
        tpu.wait_dma2 semaphore(%run_scoped3A_107 : memref<!tpu.dma_semaphore, #tpu.memory_space<semaphore_mem>>) src(%dma_wait3A_129 : memref<8x64xf32, #tpu.memory_space<hbm>>) dst(%dma_wait3A_126 : memref<8x64xf32, #tpu.memory_space<vmem>>)
        tpu.yield
      }) : () -> ()
      %run_scoped3A_103 = arith.constant 0 : i32
      "tpu.region"() ({
        %run_scoped3A_107 = tpu.sem_alloc : memref<!tpu.dma_semaphore, #tpu.memory_space<semaphore_mem>>
        %dma_start3A = arith.constant 48 : i32
        %dma_start3A_108 = arith.constant 0 : i32
        %dma_start3A_109 = tpu.memref_slice %arg7[%run_scoped3A_103, %dma_start3A, %dma_start3A_108] : memref<2x64x256xf32, #tpu.memory_space<vmem>> -> memref<1x8x256xf32, #tpu.memory_space<vmem>>
        %dma_start3A_110 = tpu.memref_squeeze %dma_start3A_109 : memref<1x8x256xf32, #tpu.memory_space<vmem>> -> memref<8x256xf32, #tpu.memory_space<vmem>>
        %dma_start3A_111 = arith.constant 48 : i32
        %dma_start3A_112 = arith.constant 999424 : i32
        %dma_start3A_113 = tpu.memref_slice %arg3[%dma_start3A_111, %dma_start3A_112] : memref<64x1000000xf32, #tpu.memory_space<hbm>> -> memref<8x256xf32, #tpu.memory_space<hbm>>
        %dma_start3A_114 = arith.constant 48 : i32
        %dma_start3A_115 = arith.constant 0 : i32
        %dma_start3A_116 = tpu.memref_slice %arg7[%run_scoped3A_103, %dma_start3A_114, %dma_start3A_115] : memref<2x64x256xf32, #tpu.memory_space<vmem>> -> memref<1x8x256xf32, #tpu.memory_space<vmem>>
        %dma_start3A_117 = tpu.memref_squeeze %dma_start3A_116 : memref<1x8x256xf32, #tpu.memory_space<vmem>> -> memref<8x256xf32, #tpu.memory_space<vmem>>
        %dma_start3A_118 = arith.constant 48 : i32
        %dma_start3A_119 = arith.constant 999424 : i32
        %dma_start3A_120 = tpu.memref_slice %arg3[%dma_start3A_118, %dma_start3A_119] : memref<64x1000000xf32, #tpu.memory_space<hbm>> -> memref<8x256xf32, #tpu.memory_space<hbm>>
        tpu.enqueue_dma source(%dma_start3A_120 : memref<8x256xf32, #tpu.memory_space<hbm>>) target(%dma_start3A_117 : memref<8x256xf32, #tpu.memory_space<vmem>>) target_semaphore(%run_scoped3A_107 : memref<!tpu.dma_semaphore, #tpu.memory_space<semaphore_mem>>)
        %dma_wait3A = arith.constant 48 : i32
        %dma_wait3A_121 = arith.constant 0 : i32
        %dma_wait3A_122 = tpu.memref_slice %arg7[%run_scoped3A_103, %dma_wait3A, %dma_wait3A_121] : memref<2x64x256xf32, #tpu.memory_space<vmem>> -> memref<1x8x256xf32, #tpu.memory_space<vmem>>
        %dma_wait3A_123 = tpu.memref_squeeze %dma_wait3A_122 : memref<1x8x256xf32, #tpu.memory_space<vmem>> -> memref<8x256xf32, #tpu.memory_space<vmem>>
        %dma_wait3A_124 = arith.constant 48 : i32
        %dma_wait3A_125 = arith.constant 999424 : i32
        %dma_wait3A_126 = tpu.memref_slice %arg3[%dma_wait3A_124, %dma_wait3A_125] : memref<64x1000000xf32, #tpu.memory_space<hbm>> -> memref<8x256xf32, #tpu.memory_space<hbm>>
        %dma_wait3A_127 = arith.constant 48 : i32
        %dma_wait3A_128 = arith.constant 0 : i32
        %dma_wait3A_129 = tpu.memref_slice %arg7[%run_scoped3A_103, %dma_wait3A_127, %dma_wait3A_128] : memref<2x64x256xf32, #tpu.memory_space<vmem>> -> memref<1x8x256xf32, #tpu.memory_space<vmem>>
        %dma_wait3A_130 = tpu.memref_squeeze %dma_wait3A_129 : memref<1x8x256xf32, #tpu.memory_space<vmem>> -> memref<8x256xf32, #tpu.memory_space<vmem>>
        %dma_wait3A_131 = arith.constant 48 : i32
        %dma_wait3A_132 = arith.constant 999424 : i32
        %dma_wait3A_133 = tpu.memref_slice %arg3[%dma_wait3A_131, %dma_wait3A_132] : memref<64x1000000xf32, #tpu.memory_space<hbm>> -> memref<8x256xf32, #tpu.memory_space<hbm>>
        tpu.wait_dma2 semaphore(%run_scoped3A_107 : memref<!tpu.dma_semaphore, #tpu.memory_space<semaphore_mem>>) src(%dma_wait3A_133 : memref<8x256xf32, #tpu.memory_space<hbm>>) dst(%dma_wait3A_130 : memref<8x256xf32, #tpu.memory_space<vmem>>)
        tpu.yield
      }) : () -> ()
      %run_scoped3A_104 = arith.constant 1 : i32
      "tpu.region"() ({
        %run_scoped3A_107 = tpu.sem_alloc : memref<!tpu.dma_semaphore, #tpu.memory_space<semaphore_mem>>
        %dma_start3A = arith.constant 48 : i32
        %dma_start3A_108 = arith.constant 0 : i32
        %dma_start3A_109 = tpu.memref_slice %arg7[%run_scoped3A_104, %dma_start3A, %dma_start3A_108] : memref<2x64x256xf32, #tpu.memory_space<vmem>> -> memref<1x8x256xf32, #tpu.memory_space<vmem>>
        %dma_start3A_110 = tpu.memref_squeeze %dma_start3A_109 : memref<1x8x256xf32, #tpu.memory_space<vmem>> -> memref<8x256xf32, #tpu.memory_space<vmem>>
        %dma_start3A_111 = arith.constant 48 : i32
        %dma_start3A_112 = arith.constant 999680 : i32
        %dma_start3A_113 = tpu.memref_slice %arg3[%dma_start3A_111, %dma_start3A_112] : memref<64x1000000xf32, #tpu.memory_space<hbm>> -> memref<8x256xf32, #tpu.memory_space<hbm>>
        %dma_start3A_114 = arith.constant 48 : i32
        %dma_start3A_115 = arith.constant 0 : i32
        %dma_start3A_116 = tpu.memref_slice %arg7[%run_scoped3A_104, %dma_start3A_114, %dma_start3A_115] : memref<2x64x256xf32, #tpu.memory_space<vmem>> -> memref<1x8x256xf32, #tpu.memory_space<vmem>>
        %dma_start3A_117 = tpu.memref_squeeze %dma_start3A_116 : memref<1x8x256xf32, #tpu.memory_space<vmem>> -> memref<8x256xf32, #tpu.memory_space<vmem>>
        %dma_start3A_118 = arith.constant 48 : i32
        %dma_start3A_119 = arith.constant 999680 : i32
        %dma_start3A_120 = tpu.memref_slice %arg3[%dma_start3A_118, %dma_start3A_119] : memref<64x1000000xf32, #tpu.memory_space<hbm>> -> memref<8x256xf32, #tpu.memory_space<hbm>>
        tpu.enqueue_dma source(%dma_start3A_120 : memref<8x256xf32, #tpu.memory_space<hbm>>) target(%dma_start3A_117 : memref<8x256xf32, #tpu.memory_space<vmem>>) target_semaphore(%run_scoped3A_107 : memref<!tpu.dma_semaphore, #tpu.memory_space<semaphore_mem>>)
        %dma_wait3A = arith.constant 48 : i32
        %dma_wait3A_121 = arith.constant 0 : i32
        %dma_wait3A_122 = tpu.memref_slice %arg7[%run_scoped3A_104, %dma_wait3A, %dma_wait3A_121] : memref<2x64x256xf32, #tpu.memory_space<vmem>> -> memref<1x8x256xf32, #tpu.memory_space<vmem>>
        %dma_wait3A_123 = tpu.memref_squeeze %dma_wait3A_122 : memref<1x8x256xf32, #tpu.memory_space<vmem>> -> memref<8x256xf32, #tpu.memory_space<vmem>>
        %dma_wait3A_124 = arith.constant 48 : i32
        %dma_wait3A_125 = arith.constant 999680 : i32
        %dma_wait3A_126 = tpu.memref_slice %arg3[%dma_wait3A_124, %dma_wait3A_125] : memref<64x1000000xf32, #tpu.memory_space<hbm>> -> memref<8x256xf32, #tpu.memory_space<hbm>>
        %dma_wait3A_127 = arith.constant 48 : i32
        %dma_wait3A_128 = arith.constant 0 : i32
        %dma_wait3A_129 = tpu.memref_slice %arg7[%run_scoped3A_104, %dma_wait3A_127, %dma_wait3A_128] : memref<2x64x256xf32, #tpu.memory_space<vmem>> -> memref<1x8x256xf32, #tpu.memory_space<vmem>>
        %dma_wait3A_130 = tpu.memref_squeeze %dma_wait3A_129 : memref<1x8x256xf32, #tpu.memory_space<vmem>> -> memref<8x256xf32, #tpu.memory_space<vmem>>
        %dma_wait3A_131 = arith.constant 48 : i32
        %dma_wait3A_132 = arith.constant 999680 : i32
        %dma_wait3A_133 = tpu.memref_slice %arg3[%dma_wait3A_131, %dma_wait3A_132] : memref<64x1000000xf32, #tpu.memory_space<hbm>> -> memref<8x256xf32, #tpu.memory_space<hbm>>
        tpu.wait_dma2 semaphore(%run_scoped3A_107 : memref<!tpu.dma_semaphore, #tpu.memory_space<semaphore_mem>>) src(%dma_wait3A_133 : memref<8x256xf32, #tpu.memory_space<hbm>>) dst(%dma_wait3A_130 : memref<8x256xf32, #tpu.memory_space<vmem>>)
        tpu.yield
      }) : () -> ()
      "tpu.region"() ({
        %run_scoped3A_107 = tpu.sem_alloc : memref<!tpu.dma_semaphore, #tpu.memory_space<semaphore_mem>>
        %dma_start3A = arith.constant 48 : i32
        %dma_start3A_108 = arith.constant 0 : i32
        %dma_start3A_109 = tpu.memref_slice %arg10[%dma_start3A, %dma_start3A_108] : memref<64x64xf32, #tpu.memory_space<vmem>> -> memref<8x64xf32, #tpu.memory_space<vmem>>
        %dma_start3A_110 = arith.constant 48 : i32
        %dma_start3A_111 = arith.constant 999936 : i32
        %dma_start3A_112 = tpu.memref_slice %arg3[%dma_start3A_110, %dma_start3A_111] : memref<64x1000000xf32, #tpu.memory_space<hbm>> -> memref<8x64xf32, #tpu.memory_space<hbm>>
        %dma_start3A_113 = arith.constant 48 : i32
        %dma_start3A_114 = arith.constant 0 : i32
        %dma_start3A_115 = tpu.memref_slice %arg10[%dma_start3A_113, %dma_start3A_114] : memref<64x64xf32, #tpu.memory_space<vmem>> -> memref<8x64xf32, #tpu.memory_space<vmem>>
        %dma_start3A_116 = arith.constant 48 : i32
        %dma_start3A_117 = arith.constant 999936 : i32
        %dma_start3A_118 = tpu.memref_slice %arg3[%dma_start3A_116, %dma_start3A_117] : memref<64x1000000xf32, #tpu.memory_space<hbm>> -> memref<8x64xf32, #tpu.memory_space<hbm>>
        tpu.enqueue_dma source(%dma_start3A_118 : memref<8x64xf32, #tpu.memory_space<hbm>>) target(%dma_start3A_115 : memref<8x64xf32, #tpu.memory_space<vmem>>) target_semaphore(%run_scoped3A_107 : memref<!tpu.dma_semaphore, #tpu.memory_space<semaphore_mem>>)
        %dma_wait3A = arith.constant 48 : i32
        %dma_wait3A_119 = arith.constant 0 : i32
        %dma_wait3A_120 = tpu.memref_slice %arg10[%dma_wait3A, %dma_wait3A_119] : memref<64x64xf32, #tpu.memory_space<vmem>> -> memref<8x64xf32, #tpu.memory_space<vmem>>
        %dma_wait3A_121 = arith.constant 48 : i32
        %dma_wait3A_122 = arith.constant 999936 : i32
        %dma_wait3A_123 = tpu.memref_slice %arg3[%dma_wait3A_121, %dma_wait3A_122] : memref<64x1000000xf32, #tpu.memory_space<hbm>> -> memref<8x64xf32, #tpu.memory_space<hbm>>
        %dma_wait3A_124 = arith.constant 48 : i32
        %dma_wait3A_125 = arith.constant 0 : i32
        %dma_wait3A_126 = tpu.memref_slice %arg10[%dma_wait3A_124, %dma_wait3A_125] : memref<64x64xf32, #tpu.memory_space<vmem>> -> memref<8x64xf32, #tpu.memory_space<vmem>>
        %dma_wait3A_127 = arith.constant 48 : i32
        %dma_wait3A_128 = arith.constant 999936 : i32
        %dma_wait3A_129 = tpu.memref_slice %arg3[%dma_wait3A_127, %dma_wait3A_128] : memref<64x1000000xf32, #tpu.memory_space<hbm>> -> memref<8x64xf32, #tpu.memory_space<hbm>>
        tpu.wait_dma2 semaphore(%run_scoped3A_107 : memref<!tpu.dma_semaphore, #tpu.memory_space<semaphore_mem>>) src(%dma_wait3A_129 : memref<8x64xf32, #tpu.memory_space<hbm>>) dst(%dma_wait3A_126 : memref<8x64xf32, #tpu.memory_space<vmem>>)
        tpu.yield
      }) : () -> ()
      %run_scoped3A_105 = arith.constant 0 : i32
      "tpu.region"() ({
        %run_scoped3A_107 = tpu.sem_alloc : memref<!tpu.dma_semaphore, #tpu.memory_space<semaphore_mem>>
        %dma_start3A = arith.constant 56 : i32
        %dma_start3A_108 = arith.constant 0 : i32
        %dma_start3A_109 = tpu.memref_slice %arg7[%run_scoped3A_105, %dma_start3A, %dma_start3A_108] : memref<2x64x256xf32, #tpu.memory_space<vmem>> -> memref<1x8x256xf32, #tpu.memory_space<vmem>>
        %dma_start3A_110 = tpu.memref_squeeze %dma_start3A_109 : memref<1x8x256xf32, #tpu.memory_space<vmem>> -> memref<8x256xf32, #tpu.memory_space<vmem>>
        %dma_start3A_111 = arith.constant 56 : i32
        %dma_start3A_112 = arith.constant 999424 : i32
        %dma_start3A_113 = tpu.memref_slice %arg3[%dma_start3A_111, %dma_start3A_112] : memref<64x1000000xf32, #tpu.memory_space<hbm>> -> memref<8x256xf32, #tpu.memory_space<hbm>>
        %dma_start3A_114 = arith.constant 56 : i32
        %dma_start3A_115 = arith.constant 0 : i32
        %dma_start3A_116 = tpu.memref_slice %arg7[%run_scoped3A_105, %dma_start3A_114, %dma_start3A_115] : memref<2x64x256xf32, #tpu.memory_space<vmem>> -> memref<1x8x256xf32, #tpu.memory_space<vmem>>
        %dma_start3A_117 = tpu.memref_squeeze %dma_start3A_116 : memref<1x8x256xf32, #tpu.memory_space<vmem>> -> memref<8x256xf32, #tpu.memory_space<vmem>>
        %dma_start3A_118 = arith.constant 56 : i32
        %dma_start3A_119 = arith.constant 999424 : i32
        %dma_start3A_120 = tpu.memref_slice %arg3[%dma_start3A_118, %dma_start3A_119] : memref<64x1000000xf32, #tpu.memory_space<hbm>> -> memref<8x256xf32, #tpu.memory_space<hbm>>
        tpu.enqueue_dma source(%dma_start3A_120 : memref<8x256xf32, #tpu.memory_space<hbm>>) target(%dma_start3A_117 : memref<8x256xf32, #tpu.memory_space<vmem>>) target_semaphore(%run_scoped3A_107 : memref<!tpu.dma_semaphore, #tpu.memory_space<semaphore_mem>>)
        %dma_wait3A = arith.constant 56 : i32
        %dma_wait3A_121 = arith.constant 0 : i32
        %dma_wait3A_122 = tpu.memref_slice %arg7[%run_scoped3A_105, %dma_wait3A, %dma_wait3A_121] : memref<2x64x256xf32, #tpu.memory_space<vmem>> -> memref<1x8x256xf32, #tpu.memory_space<vmem>>
        %dma_wait3A_123 = tpu.memref_squeeze %dma_wait3A_122 : memref<1x8x256xf32, #tpu.memory_space<vmem>> -> memref<8x256xf32, #tpu.memory_space<vmem>>
        %dma_wait3A_124 = arith.constant 56 : i32
        %dma_wait3A_125 = arith.constant 999424 : i32
        %dma_wait3A_126 = tpu.memref_slice %arg3[%dma_wait3A_124, %dma_wait3A_125] : memref<64x1000000xf32, #tpu.memory_space<hbm>> -> memref<8x256xf32, #tpu.memory_space<hbm>>
        %dma_wait3A_127 = arith.constant 56 : i32
        %dma_wait3A_128 = arith.constant 0 : i32
        %dma_wait3A_129 = tpu.memref_slice %arg7[%run_scoped3A_105, %dma_wait3A_127, %dma_wait3A_128] : memref<2x64x256xf32, #tpu.memory_space<vmem>> -> memref<1x8x256xf32, #tpu.memory_space<vmem>>
        %dma_wait3A_130 = tpu.memref_squeeze %dma_wait3A_129 : memref<1x8x256xf32, #tpu.memory_space<vmem>> -> memref<8x256xf32, #tpu.memory_space<vmem>>
        %dma_wait3A_131 = arith.constant 56 : i32
        %dma_wait3A_132 = arith.constant 999424 : i32
        %dma_wait3A_133 = tpu.memref_slice %arg3[%dma_wait3A_131, %dma_wait3A_132] : memref<64x1000000xf32, #tpu.memory_space<hbm>> -> memref<8x256xf32, #tpu.memory_space<hbm>>
        tpu.wait_dma2 semaphore(%run_scoped3A_107 : memref<!tpu.dma_semaphore, #tpu.memory_space<semaphore_mem>>) src(%dma_wait3A_133 : memref<8x256xf32, #tpu.memory_space<hbm>>) dst(%dma_wait3A_130 : memref<8x256xf32, #tpu.memory_space<vmem>>)
        tpu.yield
      }) : () -> ()
      %run_scoped3A_106 = arith.constant 1 : i32
      "tpu.region"() ({
        %run_scoped3A_107 = tpu.sem_alloc : memref<!tpu.dma_semaphore, #tpu.memory_space<semaphore_mem>>
        %dma_start3A = arith.constant 56 : i32
        %dma_start3A_108 = arith.constant 0 : i32
        %dma_start3A_109 = tpu.memref_slice %arg7[%run_scoped3A_106, %dma_start3A, %dma_start3A_108] : memref<2x64x256xf32, #tpu.memory_space<vmem>> -> memref<1x8x256xf32, #tpu.memory_space<vmem>>
        %dma_start3A_110 = tpu.memref_squeeze %dma_start3A_109 : memref<1x8x256xf32, #tpu.memory_space<vmem>> -> memref<8x256xf32, #tpu.memory_space<vmem>>
        %dma_start3A_111 = arith.constant 56 : i32
        %dma_start3A_112 = arith.constant 999680 : i32
        %dma_start3A_113 = tpu.memref_slice %arg3[%dma_start3A_111, %dma_start3A_112] : memref<64x1000000xf32, #tpu.memory_space<hbm>> -> memref<8x256xf32, #tpu.memory_space<hbm>>
        %dma_start3A_114 = arith.constant 56 : i32
        %dma_start3A_115 = arith.constant 0 : i32
        %dma_start3A_116 = tpu.memref_slice %arg7[%run_scoped3A_106, %dma_start3A_114, %dma_start3A_115] : memref<2x64x256xf32, #tpu.memory_space<vmem>> -> memref<1x8x256xf32, #tpu.memory_space<vmem>>
        %dma_start3A_117 = tpu.memref_squeeze %dma_start3A_116 : memref<1x8x256xf32, #tpu.memory_space<vmem>> -> memref<8x256xf32, #tpu.memory_space<vmem>>
        %dma_start3A_118 = arith.constant 56 : i32
        %dma_start3A_119 = arith.constant 999680 : i32
        %dma_start3A_120 = tpu.memref_slice %arg3[%dma_start3A_118, %dma_start3A_119] : memref<64x1000000xf32, #tpu.memory_space<hbm>> -> memref<8x256xf32, #tpu.memory_space<hbm>>
        tpu.enqueue_dma source(%dma_start3A_120 : memref<8x256xf32, #tpu.memory_space<hbm>>) target(%dma_start3A_117 : memref<8x256xf32, #tpu.memory_space<vmem>>) target_semaphore(%run_scoped3A_107 : memref<!tpu.dma_semaphore, #tpu.memory_space<semaphore_mem>>)
        %dma_wait3A = arith.constant 56 : i32
        %dma_wait3A_121 = arith.constant 0 : i32
        %dma_wait3A_122 = tpu.memref_slice %arg7[%run_scoped3A_106, %dma_wait3A, %dma_wait3A_121] : memref<2x64x256xf32, #tpu.memory_space<vmem>> -> memref<1x8x256xf32, #tpu.memory_space<vmem>>
        %dma_wait3A_123 = tpu.memref_squeeze %dma_wait3A_122 : memref<1x8x256xf32, #tpu.memory_space<vmem>> -> memref<8x256xf32, #tpu.memory_space<vmem>>
        %dma_wait3A_124 = arith.constant 56 : i32
        %dma_wait3A_125 = arith.constant 999680 : i32
        %dma_wait3A_126 = tpu.memref_slice %arg3[%dma_wait3A_124, %dma_wait3A_125] : memref<64x1000000xf32, #tpu.memory_space<hbm>> -> memref<8x256xf32, #tpu.memory_space<hbm>>
        %dma_wait3A_127 = arith.constant 56 : i32
        %dma_wait3A_128 = arith.constant 0 : i32
        %dma_wait3A_129 = tpu.memref_slice %arg7[%run_scoped3A_106, %dma_wait3A_127, %dma_wait3A_128] : memref<2x64x256xf32, #tpu.memory_space<vmem>> -> memref<1x8x256xf32, #tpu.memory_space<vmem>>
        %dma_wait3A_130 = tpu.memref_squeeze %dma_wait3A_129 : memref<1x8x256xf32, #tpu.memory_space<vmem>> -> memref<8x256xf32, #tpu.memory_space<vmem>>
        %dma_wait3A_131 = arith.constant 56 : i32
        %dma_wait3A_132 = arith.constant 999680 : i32
        %dma_wait3A_133 = tpu.memref_slice %arg3[%dma_wait3A_131, %dma_wait3A_132] : memref<64x1000000xf32, #tpu.memory_space<hbm>> -> memref<8x256xf32, #tpu.memory_space<hbm>>
        tpu.wait_dma2 semaphore(%run_scoped3A_107 : memref<!tpu.dma_semaphore, #tpu.memory_space<semaphore_mem>>) src(%dma_wait3A_133 : memref<8x256xf32, #tpu.memory_space<hbm>>) dst(%dma_wait3A_130 : memref<8x256xf32, #tpu.memory_space<vmem>>)
        tpu.yield
      }) : () -> ()
      "tpu.region"() ({
        %run_scoped3A_107 = tpu.sem_alloc : memref<!tpu.dma_semaphore, #tpu.memory_space<semaphore_mem>>
        %dma_start3A = arith.constant 56 : i32
        %dma_start3A_108 = arith.constant 0 : i32
        %dma_start3A_109 = tpu.memref_slice %arg10[%dma_start3A, %dma_start3A_108] : memref<64x64xf32, #tpu.memory_space<vmem>> -> memref<8x64xf32, #tpu.memory_space<vmem>>
        %dma_start3A_110 = arith.constant 56 : i32
        %dma_start3A_111 = arith.constant 999936 : i32
        %dma_start3A_112 = tpu.memref_slice %arg3[%dma_start3A_110, %dma_start3A_111] : memref<64x1000000xf32, #tpu.memory_space<hbm>> -> memref<8x64xf32, #tpu.memory_space<hbm>>
        %dma_start3A_113 = arith.constant 56 : i32
        %dma_start3A_114 = arith.constant 0 : i32
        %dma_start3A_115 = tpu.memref_slice %arg10[%dma_start3A_113, %dma_start3A_114] : memref<64x64xf32, #tpu.memory_space<vmem>> -> memref<8x64xf32, #tpu.memory_space<vmem>>
        %dma_start3A_116 = arith.constant 56 : i32
        %dma_start3A_117 = arith.constant 999936 : i32
        %dma_start3A_118 = tpu.memref_slice %arg3[%dma_start3A_116, %dma_start3A_117] : memref<64x1000000xf32, #tpu.memory_space<hbm>> -> memref<8x64xf32, #tpu.memory_space<hbm>>
        tpu.enqueue_dma source(%dma_start3A_118 : memref<8x64xf32, #tpu.memory_space<hbm>>) target(%dma_start3A_115 : memref<8x64xf32, #tpu.memory_space<vmem>>) target_semaphore(%run_scoped3A_107 : memref<!tpu.dma_semaphore, #tpu.memory_space<semaphore_mem>>)
        %dma_wait3A = arith.constant 56 : i32
        %dma_wait3A_119 = arith.constant 0 : i32
        %dma_wait3A_120 = tpu.memref_slice %arg10[%dma_wait3A, %dma_wait3A_119] : memref<64x64xf32, #tpu.memory_space<vmem>> -> memref<8x64xf32, #tpu.memory_space<vmem>>
        %dma_wait3A_121 = arith.constant 56 : i32
        %dma_wait3A_122 = arith.constant 999936 : i32
        %dma_wait3A_123 = tpu.memref_slice %arg3[%dma_wait3A_121, %dma_wait3A_122] : memref<64x1000000xf32, #tpu.memory_space<hbm>> -> memref<8x64xf32, #tpu.memory_space<hbm>>
        %dma_wait3A_124 = arith.constant 56 : i32
        %dma_wait3A_125 = arith.constant 0 : i32
        %dma_wait3A_126 = tpu.memref_slice %arg10[%dma_wait3A_124, %dma_wait3A_125] : memref<64x64xf32, #tpu.memory_space<vmem>> -> memref<8x64xf32, #tpu.memory_space<vmem>>
        %dma_wait3A_127 = arith.constant 56 : i32
        %dma_wait3A_128 = arith.constant 999936 : i32
        %dma_wait3A_129 = tpu.memref_slice %arg3[%dma_wait3A_127, %dma_wait3A_128] : memref<64x1000000xf32, #tpu.memory_space<hbm>> -> memref<8x64xf32, #tpu.memory_space<hbm>>
        tpu.wait_dma2 semaphore(%run_scoped3A_107 : memref<!tpu.dma_semaphore, #tpu.memory_space<semaphore_mem>>) src(%dma_wait3A_129 : memref<8x64xf32, #tpu.memory_space<hbm>>) dst(%dma_wait3A_126 : memref<8x64xf32, #tpu.memory_space<vmem>>)
        tpu.yield
      }) : () -> ()
    } else {
    }
    %broadcast_in_dim3A = arith.constant 0 : i32
    %broadcast_in_dim3A_41 = vector.broadcast %broadcast_in_dim3A : i32 to vector<16xi32>
    %while3A = arith.constant 31232 : i32
    %while3A_42 = arith.constant 0 : i32
    %while3A_43 = arith.subi %select_n3A, %while3A_42 : i32
    %while3A_44 = arith.addi %while3A_42, %while3A_43 : i32
    %while3A_45 = arith.constant 1 : i32
    %while3A_46 = arith.divsi %while3A_43, %while3A_45 : i32
    %while3A_47 = arith.muli %while3A_46, %while3A_45 : i32
    %while3A_48 = arith.addi %while3A_42, %while3A_47 : i32
    %while3A_49 = arith.constant 1 : i32
    %while3A_50 = scf.for %while3A_92 = %while3A_42 to %while3A_48 step %while3A_49 iter_args(%while3A_93 = %scan3A_36) -> (i32)  : i32 {
      %mul3A_94 = arith.constant 16 : i32
      %mul3A_95 = arith.muli %while3A_92, %mul3A_94 : i32
      %get3A = arith.index_cast %mul3A_95 : i32 to index
      %get3A_96 = tpu.vector_load %arg6[%get3A] {strides = array<i32>} : memref<16400xi32, #tpu.memory_space<vmem>>, vector<16xi32>,
      %shift_right_logical3A = arith.constant 14 : i32
      %shift_right_logical3A_97 = vector.broadcast %shift_right_logical3A : i32 to vector<16xi32>
      %shift_right_logical3A_98 = arith.shrui %get3A_96, %shift_right_logical3A_97 : vector<16xi32>
      %ge3A = vector.broadcast %while3A : i32 to vector<16xi32>
      %ge3A_99 = arith.cmpi sge, %shift_right_logical3A_98, %ge3A : vector<16xi32>
      %add3A_100 = arith.constant 256 : i32
      %add3A_101 = arith.addi %while3A, %add3A_100 : i32
      %lt3A = vector.broadcast %add3A_101 : i32 to vector<16xi32>
      %lt3A_102 = arith.cmpi slt, %shift_right_logical3A_98, %lt3A : vector<16xi32>
      %and3A_103 = arith.andi %ge3A_99, %lt3A_102 : vector<16xi1>
      %swap3A = arith.constant 0 : index
      %swap3A_104 = tpu.vector_load %arg8[%swap3A] masked %and3A_103 {strides = array<i32>} : memref<16xi32, #tpu.memory_space<vmem>>, vector<16xi32>, vector<16xi1>
      tpu.vector_store %arg8[%swap3A], %get3A_96 masked %and3A_103 {strides = array<i32>} : memref<16xi32, #tpu.memory_space<vmem>>, vector<16xi32>, vector<16xi1>
      %all_reduce_population_count3A = tpu.all_reduce %and3A_103 {dim = 0 : i64, kind = #tpu.reduction_kind<sum>} : vector<16xi1> -> vector<16xi32>
      %slice3A = vector.extract_strided_slice %all_reduce_population_count3A {offsets = [0], sizes = [1], strides = [1]} : vector<16xi32> to vector<1xi32>
      %squeeze3A = vector.extract %slice3A[0] : i32 from vector<1xi32>
      %while3A_105 = arith.constant 0 : i32
      %while3A_106 = arith.subi %squeeze3A, %while3A_105 : i32
      %while3A_107 = arith.addi %while3A_105, %while3A_106 : i32
      %while3A_108 = arith.constant 1 : i32
      %while3A_109 = arith.divsi %while3A_106, %while3A_108 : i32
      %while3A_110 = arith.muli %while3A_109, %while3A_108 : i32
      %while3A_111 = arith.addi %while3A_105, %while3A_110 : i32
      %while3A_112 = arith.constant 1 : i32
      %while3A_113 = scf.for %while3A_116 = %while3A_105 to %while3A_111 step %while3A_112 iter_args(%while3A_117 = %while3A_93) -> (i32)  : i32 {
        %broadcast_in_dim3A_118 = arith.constant 0 : i32
        %broadcast_in_dim3A_119 = vector.broadcast %broadcast_in_dim3A_118 : i32 to vector<16xi32>
        %add3A_120 = vector.broadcast %while3A_116 : i32 to vector<16xi32>
        %add3A_121 = arith.addi %broadcast_in_dim3A_119, %add3A_120 : vector<16xi32>
        %gather3A = arith.constant 0 : i32
        %gather3A_122 = tpu.memref_slice %arg8[%gather3A] : memref<16xi32, #tpu.memory_space<vmem>> -> memref<16xi32, #tpu.memory_space<vmem>>
        %gather3A_123 = tpu.vector_load_idx %gather3A_122[%add3A_121] : memref<16xi32, #tpu.memory_space<vmem>>[vector<16xi32>], vector<16xi32>,
        %slice3A_124 = vector.extract_strided_slice %gather3A_123 {offsets = [0], sizes = [1], strides = [1]} : vector<16xi32> to vector<1xi32>
        %squeeze3A_125 = vector.extract %slice3A_124[0] : i32 from vector<1xi32>
        %and3A_126 = arith.constant 16383 : i32
        %and3A_127 = arith.andi %squeeze3A_125, %and3A_126 : i32
        %broadcast_in_dim3A_128 = arith.constant 0 : i32
        %broadcast_in_dim3A_129 = vector.broadcast %broadcast_in_dim3A_128 : i32 to vector<16xi32>
        %shift_right_logical3A_130 = arith.constant 14 : i32
        %shift_right_logical3A_131 = arith.shrui %squeeze3A_125, %shift_right_logical3A_130 : i32
        %sub3A_132 = arith.subi %shift_right_logical3A_131, %while3A : i32
        %add3A_133 = vector.broadcast %sub3A_132 : i32 to vector<16xi32>
        %add3A_134 = arith.addi %broadcast_in_dim3A_129, %add3A_133 : vector<16xi32>
        %rem3A_135 = arith.constant 16 : i32
        %rem3A_136 = arith.remsi %while3A_117, %rem3A_135 : i32
        %ge3A_137 = arith.constant 16 : i32
        %ge3A_138 = arith.cmpi sge, %while3A_117, %ge3A_137 : i32
        %convert_element_type3A_139 = arith.extui %ge3A_138 : i1 to i32
        %cond3A_140 = arith.constant 0 : i32
        %cond3A_141 = arith.cmpi ne, %convert_element_type3A_139, %cond3A_140 : i32
        scf.if %cond3A_141 {
          %dma_wait3A = arith.constant 0 : i32
          %dma_wait3A_202 = arith.constant 0 : i32
          %dma_wait3A_203 = arith.constant 0 : i32
          %dma_wait3A_204 = tpu.memref_slice %arg9[%dma_wait3A_202, %dma_wait3A_203] : memref<16x64xf32, #tpu.memory_space<vmem>> -> memref<1x64xf32, #tpu.memory_space<vmem>>
          %dma_wait3A_205 = tpu.memref_squeeze %dma_wait3A_204 : memref<1x64xf32, #tpu.memory_space<vmem>> -> memref<64xf32, #tpu.memory_space<vmem>>
          %dma_wait3A_206 = arith.constant 0 : i32
          %dma_wait3A_207 = tpu.memref_slice %arg4[%dma_wait3A, %dma_wait3A_206] : memref<16384x64xf32, #tpu.memory_space<hbm>> -> memref<1x64xf32, #tpu.memory_space<hbm>>
          %dma_wait3A_208 = tpu.memref_squeeze %dma_wait3A_207 : memref<1x64xf32, #tpu.memory_space<hbm>> -> memref<64xf32, #tpu.memory_space<hbm>>
          %dma_wait3A_209 = arith.constant 0 : i32
          %dma_wait3A_210 = tpu.memref_slice %arg9[%dma_wait3A_202, %dma_wait3A_209] : memref<16x64xf32, #tpu.memory_space<vmem>> -> memref<1x64xf32, #tpu.memory_space<vmem>>
          %dma_wait3A_211 = tpu.memref_squeeze %dma_wait3A_210 : memref<1x64xf32, #tpu.memory_space<vmem>> -> memref<64xf32, #tpu.memory_space<vmem>>
          %dma_wait3A_212 = arith.constant 0 : i32
          %dma_wait3A_213 = tpu.memref_slice %arg4[%dma_wait3A, %dma_wait3A_212] : memref<16384x64xf32, #tpu.memory_space<hbm>> -> memref<1x64xf32, #tpu.memory_space<hbm>>
          %dma_wait3A_214 = tpu.memref_squeeze %dma_wait3A_213 : memref<1x64xf32, #tpu.memory_space<hbm>> -> memref<64xf32, #tpu.memory_space<hbm>>
          tpu.wait_dma2 semaphore(%arg17 : memref<!tpu.dma_semaphore, #tpu.memory_space<semaphore_mem>>) src(%dma_wait3A_214 : memref<64xf32, #tpu.memory_space<hbm>>) dst(%dma_wait3A_211 : memref<64xf32, #tpu.memory_space<vmem>>)
        } else {
        }
        %iota3A = tpu.iota {dimensions = array<i32: 0>} : vector<16xi32>
        %add3A_142 = arith.constant 0 : i32
        %add3A_143 = vector.broadcast %add3A_142 : i32 to vector<16xi32>
        %add3A_144 = arith.addi %iota3A, %add3A_143 : vector<16xi32>
        %gather3A_145 = arith.constant 0 : i32
        %gather3A_146 = arith.constant 0 : i32
        %gather3A_147 = arith.constant 0 : i32
        %gather3A_148 = tpu.memref_slice %arg7[%gather3A_145, %gather3A_146, %gather3A_147] : memref<2x64x256xf32, #tpu.memory_space<vmem>> -> memref<2x64x256xf32, #tpu.memory_space<vmem>>
        %gather3A_149 = tpu.vector_load_idx %gather3A_148[%broadcast_in_dim3A_41, %add3A_144, %add3A_134] : memref<2x64x256xf32, #tpu.memory_space<vmem>>[vector<16xi32>, vector<16xi32>, vector<16xi32>], vector<16xf32>,
        %swap3A_150 = arith.index_cast %rem3A_136 : i32 to index
        %swap3A_151 = arith.constant 0 : index
        %swap3A_152 = tpu.vector_load %arg9[%swap3A_150, %swap3A_151] {strides = array<i32>} : memref<16x64xf32, #tpu.memory_space<vmem>>, vector<16xf32>,
        tpu.vector_store %arg9[%swap3A_150, %swap3A_151], %gather3A_149 {strides = array<i32>} : memref<16x64xf32, #tpu.memory_space<vmem>>, vector<16xf32>,
        %iota3A_153 = tpu.iota {dimensions = array<i32: 0>} : vector<16xi32>
        %add3A_154 = arith.constant 16 : i32
        %add3A_155 = vector.broadcast %add3A_154 : i32 to vector<16xi32>
        %add3A_156 = arith.addi %iota3A_153, %add3A_155 : vector<16xi32>
        %gather3A_157 = arith.constant 0 : i32
        %gather3A_158 = arith.constant 0 : i32
        %gather3A_159 = arith.constant 0 : i32
        %gather3A_160 = tpu.memref_slice %arg7[%gather3A_157, %gather3A_158, %gather3A_159] : memref<2x64x256xf32, #tpu.memory_space<vmem>> -> memref<2x64x256xf32, #tpu.memory_space<vmem>>
        %gather3A_161 = tpu.vector_load_idx %gather3A_160[%broadcast_in_dim3A_41, %add3A_156, %add3A_134] : memref<2x64x256xf32, #tpu.memory_space<vmem>>[vector<16xi32>, vector<16xi32>, vector<16xi32>], vector<16xf32>,
        %swap3A_162 = arith.index_cast %rem3A_136 : i32 to index
        %swap3A_163 = arith.constant 16 : index
        %swap3A_164 = tpu.vector_load %arg9[%swap3A_162, %swap3A_163] {strides = array<i32>} : memref<16x64xf32, #tpu.memory_space<vmem>>, vector<16xf32>,
        tpu.vector_store %arg9[%swap3A_162, %swap3A_163], %gather3A_161 {strides = array<i32>} : memref<16x64xf32, #tpu.memory_space<vmem>>, vector<16xf32>,
        %iota3A_165 = tpu.iota {dimensions = array<i32: 0>} : vector<16xi32>
        %add3A_166 = arith.constant 32 : i32
        %add3A_167 = vector.broadcast %add3A_166 : i32 to vector<16xi32>
        %add3A_168 = arith.addi %iota3A_165, %add3A_167 : vector<16xi32>
        %gather3A_169 = arith.constant 0 : i32
        %gather3A_170 = arith.constant 0 : i32
        %gather3A_171 = arith.constant 0 : i32
        %gather3A_172 = tpu.memref_slice %arg7[%gather3A_169, %gather3A_170, %gather3A_171] : memref<2x64x256xf32, #tpu.memory_space<vmem>> -> memref<2x64x256xf32, #tpu.memory_space<vmem>>
        %gather3A_173 = tpu.vector_load_idx %gather3A_172[%broadcast_in_dim3A_41, %add3A_168, %add3A_134] : memref<2x64x256xf32, #tpu.memory_space<vmem>>[vector<16xi32>, vector<16xi32>, vector<16xi32>], vector<16xf32>,
        %swap3A_174 = arith.index_cast %rem3A_136 : i32 to index
        %swap3A_175 = arith.constant 32 : index
        %swap3A_176 = tpu.vector_load %arg9[%swap3A_174, %swap3A_175] {strides = array<i32>} : memref<16x64xf32, #tpu.memory_space<vmem>>, vector<16xf32>,
        tpu.vector_store %arg9[%swap3A_174, %swap3A_175], %gather3A_173 {strides = array<i32>} : memref<16x64xf32, #tpu.memory_space<vmem>>, vector<16xf32>,
        %iota3A_177 = tpu.iota {dimensions = array<i32: 0>} : vector<16xi32>
        %add3A_178 = arith.constant 48 : i32
        %add3A_179 = vector.broadcast %add3A_178 : i32 to vector<16xi32>
        %add3A_180 = arith.addi %iota3A_177, %add3A_179 : vector<16xi32>
        %gather3A_181 = arith.constant 0 : i32
        %gather3A_182 = arith.constant 0 : i32
        %gather3A_183 = arith.constant 0 : i32
        %gather3A_184 = tpu.memref_slice %arg7[%gather3A_181, %gather3A_182, %gather3A_183] : memref<2x64x256xf32, #tpu.memory_space<vmem>> -> memref<2x64x256xf32, #tpu.memory_space<vmem>>
        %gather3A_185 = tpu.vector_load_idx %gather3A_184[%broadcast_in_dim3A_41, %add3A_180, %add3A_134] : memref<2x64x256xf32, #tpu.memory_space<vmem>>[vector<16xi32>, vector<16xi32>, vector<16xi32>], vector<16xf32>,
        %swap3A_186 = arith.index_cast %rem3A_136 : i32 to index
        %swap3A_187 = arith.constant 48 : index
        %swap3A_188 = tpu.vector_load %arg9[%swap3A_186, %swap3A_187] {strides = array<i32>} : memref<16x64xf32, #tpu.memory_space<vmem>>, vector<16xf32>,
        tpu.vector_store %arg9[%swap3A_186, %swap3A_187], %gather3A_185 {strides = array<i32>} : memref<16x64xf32, #tpu.memory_space<vmem>>, vector<16xf32>,
        %dma_start3A = arith.constant 0 : i32
        %dma_start3A_189 = tpu.memref_slice %arg9[%rem3A_136, %dma_start3A] : memref<16x64xf32, #tpu.memory_space<vmem>> -> memref<1x64xf32, #tpu.memory_space<vmem>>
        %dma_start3A_190 = tpu.memref_squeeze %dma_start3A_189 : memref<1x64xf32, #tpu.memory_space<vmem>> -> memref<64xf32, #tpu.memory_space<vmem>>
        %dma_start3A_191 = arith.constant 0 : i32
        %dma_start3A_192 = tpu.memref_slice %arg4[%and3A_127, %dma_start3A_191] : memref<16384x64xf32, #tpu.memory_space<hbm>> -> memref<1x64xf32, #tpu.memory_space<hbm>>
        %dma_start3A_193 = tpu.memref_squeeze %dma_start3A_192 : memref<1x64xf32, #tpu.memory_space<hbm>> -> memref<64xf32, #tpu.memory_space<hbm>>
        %dma_start3A_194 = arith.constant 0 : i32
        %dma_start3A_195 = tpu.memref_slice %arg4[%and3A_127, %dma_start3A_194] : memref<16384x64xf32, #tpu.memory_space<hbm>> -> memref<1x64xf32, #tpu.memory_space<hbm>>
        %dma_start3A_196 = tpu.memref_squeeze %dma_start3A_195 : memref<1x64xf32, #tpu.memory_space<hbm>> -> memref<64xf32, #tpu.memory_space<hbm>>
        %dma_start3A_197 = arith.constant 0 : i32
        %dma_start3A_198 = tpu.memref_slice %arg9[%rem3A_136, %dma_start3A_197] : memref<16x64xf32, #tpu.memory_space<vmem>> -> memref<1x64xf32, #tpu.memory_space<vmem>>
        %dma_start3A_199 = tpu.memref_squeeze %dma_start3A_198 : memref<1x64xf32, #tpu.memory_space<vmem>> -> memref<64xf32, #tpu.memory_space<vmem>>
        tpu.enqueue_dma source(%dma_start3A_199 : memref<64xf32, #tpu.memory_space<vmem>>) target(%dma_start3A_196 : memref<64xf32, #tpu.memory_space<hbm>>) target_semaphore(%arg17 : memref<!tpu.dma_semaphore, #tpu.memory_space<semaphore_mem>>)
        %add3A_200 = arith.constant 1 : i32
        %add3A_201 = arith.addi %while3A_117, %add3A_200 : i32
        scf.yield %add3A_201 : i32
      }
      %while3A_114 = arith.constant 1 : i32
      %while3A_115 = scf.for %while3A_116 = %while3A_111 to %while3A_107 step %while3A_114 iter_args(%while3A_117 = %while3A_113) -> (i32)  : i32 {
        %broadcast_in_dim3A_118 = arith.constant 0 : i32
        %broadcast_in_dim3A_119 = vector.broadcast %broadcast_in_dim3A_118 : i32 to vector<16xi32>
        %add3A_120 = vector.broadcast %while3A_116 : i32 to vector<16xi32>
        %add3A_121 = arith.addi %broadcast_in_dim3A_119, %add3A_120 : vector<16xi32>
        %gather3A = arith.constant 0 : i32
        %gather3A_122 = tpu.memref_slice %arg8[%gather3A] : memref<16xi32, #tpu.memory_space<vmem>> -> memref<16xi32, #tpu.memory_space<vmem>>
        %gather3A_123 = tpu.vector_load_idx %gather3A_122[%add3A_121] : memref<16xi32, #tpu.memory_space<vmem>>[vector<16xi32>], vector<16xi32>,
        %slice3A_124 = vector.extract_strided_slice %gather3A_123 {offsets = [0], sizes = [1], strides = [1]} : vector<16xi32> to vector<1xi32>
        %squeeze3A_125 = vector.extract %slice3A_124[0] : i32 from vector<1xi32>
        %and3A_126 = arith.constant 16383 : i32
        %and3A_127 = arith.andi %squeeze3A_125, %and3A_126 : i32
        %broadcast_in_dim3A_128 = arith.constant 0 : i32
        %broadcast_in_dim3A_129 = vector.broadcast %broadcast_in_dim3A_128 : i32 to vector<16xi32>
        %shift_right_logical3A_130 = arith.constant 14 : i32
        %shift_right_logical3A_131 = arith.shrui %squeeze3A_125, %shift_right_logical3A_130 : i32
        %sub3A_132 = arith.subi %shift_right_logical3A_131, %while3A : i32
        %add3A_133 = vector.broadcast %sub3A_132 : i32 to vector<16xi32>
        %add3A_134 = arith.addi %broadcast_in_dim3A_129, %add3A_133 : vector<16xi32>
        %rem3A_135 = arith.constant 16 : i32
        %rem3A_136 = arith.remsi %while3A_117, %rem3A_135 : i32
        %ge3A_137 = arith.constant 16 : i32
        %ge3A_138 = arith.cmpi sge, %while3A_117, %ge3A_137 : i32
        %convert_element_type3A_139 = arith.extui %ge3A_138 : i1 to i32
        %cond3A_140 = arith.constant 0 : i32
        %cond3A_141 = arith.cmpi ne, %convert_element_type3A_139, %cond3A_140 : i32
        scf.if %cond3A_141 {
          %dma_wait3A = arith.constant 0 : i32
          %dma_wait3A_202 = arith.constant 0 : i32
          %dma_wait3A_203 = arith.constant 0 : i32
          %dma_wait3A_204 = tpu.memref_slice %arg9[%dma_wait3A_202, %dma_wait3A_203] : memref<16x64xf32, #tpu.memory_space<vmem>> -> memref<1x64xf32, #tpu.memory_space<vmem>>
          %dma_wait3A_205 = tpu.memref_squeeze %dma_wait3A_204 : memref<1x64xf32, #tpu.memory_space<vmem>> -> memref<64xf32, #tpu.memory_space<vmem>>
          %dma_wait3A_206 = arith.constant 0 : i32
          %dma_wait3A_207 = tpu.memref_slice %arg4[%dma_wait3A, %dma_wait3A_206] : memref<16384x64xf32, #tpu.memory_space<hbm>> -> memref<1x64xf32, #tpu.memory_space<hbm>>
          %dma_wait3A_208 = tpu.memref_squeeze %dma_wait3A_207 : memref<1x64xf32, #tpu.memory_space<hbm>> -> memref<64xf32, #tpu.memory_space<hbm>>
          %dma_wait3A_209 = arith.constant 0 : i32
          %dma_wait3A_210 = tpu.memref_slice %arg9[%dma_wait3A_202, %dma_wait3A_209] : memref<16x64xf32, #tpu.memory_space<vmem>> -> memref<1x64xf32, #tpu.memory_space<vmem>>
          %dma_wait3A_211 = tpu.memref_squeeze %dma_wait3A_210 : memref<1x64xf32, #tpu.memory_space<vmem>> -> memref<64xf32, #tpu.memory_space<vmem>>
          %dma_wait3A_212 = arith.constant 0 : i32
          %dma_wait3A_213 = tpu.memref_slice %arg4[%dma_wait3A, %dma_wait3A_212] : memref<16384x64xf32, #tpu.memory_space<hbm>> -> memref<1x64xf32, #tpu.memory_space<hbm>>
          %dma_wait3A_214 = tpu.memref_squeeze %dma_wait3A_213 : memref<1x64xf32, #tpu.memory_space<hbm>> -> memref<64xf32, #tpu.memory_space<hbm>>
          tpu.wait_dma2 semaphore(%arg17 : memref<!tpu.dma_semaphore, #tpu.memory_space<semaphore_mem>>) src(%dma_wait3A_214 : memref<64xf32, #tpu.memory_space<hbm>>) dst(%dma_wait3A_211 : memref<64xf32, #tpu.memory_space<vmem>>)
        } else {
        }
        %iota3A = tpu.iota {dimensions = array<i32: 0>} : vector<16xi32>
        %add3A_142 = arith.constant 0 : i32
        %add3A_143 = vector.broadcast %add3A_142 : i32 to vector<16xi32>
        %add3A_144 = arith.addi %iota3A, %add3A_143 : vector<16xi32>
        %gather3A_145 = arith.constant 0 : i32
        %gather3A_146 = arith.constant 0 : i32
        %gather3A_147 = arith.constant 0 : i32
        %gather3A_148 = tpu.memref_slice %arg7[%gather3A_145, %gather3A_146, %gather3A_147] : memref<2x64x256xf32, #tpu.memory_space<vmem>> -> memref<2x64x256xf32, #tpu.memory_space<vmem>>
        %gather3A_149 = tpu.vector_load_idx %gather3A_148[%broadcast_in_dim3A_41, %add3A_144, %add3A_134] : memref<2x64x256xf32, #tpu.memory_space<vmem>>[vector<16xi32>, vector<16xi32>, vector<16xi32>], vector<16xf32>,
        %swap3A_150 = arith.index_cast %rem3A_136 : i32 to index
        %swap3A_151 = arith.constant 0 : index
        %swap3A_152 = tpu.vector_load %arg9[%swap3A_150, %swap3A_151] {strides = array<i32>} : memref<16x64xf32, #tpu.memory_space<vmem>>, vector<16xf32>,
        tpu.vector_store %arg9[%swap3A_150, %swap3A_151], %gather3A_149 {strides = array<i32>} : memref<16x64xf32, #tpu.memory_space<vmem>>, vector<16xf32>,
        %iota3A_153 = tpu.iota {dimensions = array<i32: 0>} : vector<16xi32>
        %add3A_154 = arith.constant 16 : i32
        %add3A_155 = vector.broadcast %add3A_154 : i32 to vector<16xi32>
        %add3A_156 = arith.addi %iota3A_153, %add3A_155 : vector<16xi32>
        %gather3A_157 = arith.constant 0 : i32
        %gather3A_158 = arith.constant 0 : i32
        %gather3A_159 = arith.constant 0 : i32
        %gather3A_160 = tpu.memref_slice %arg7[%gather3A_157, %gather3A_158, %gather3A_159] : memref<2x64x256xf32, #tpu.memory_space<vmem>> -> memref<2x64x256xf32, #tpu.memory_space<vmem>>
        %gather3A_161 = tpu.vector_load_idx %gather3A_160[%broadcast_in_dim3A_41, %add3A_156, %add3A_134] : memref<2x64x256xf32, #tpu.memory_space<vmem>>[vector<16xi32>, vector<16xi32>, vector<16xi32>], vector<16xf32>,
        %swap3A_162 = arith.index_cast %rem3A_136 : i32 to index
        %swap3A_163 = arith.constant 16 : index
        %swap3A_164 = tpu.vector_load %arg9[%swap3A_162, %swap3A_163] {strides = array<i32>} : memref<16x64xf32, #tpu.memory_space<vmem>>, vector<16xf32>,
        tpu.vector_store %arg9[%swap3A_162, %swap3A_163], %gather3A_161 {strides = array<i32>} : memref<16x64xf32, #tpu.memory_space<vmem>>, vector<16xf32>,
        %iota3A_165 = tpu.iota {dimensions = array<i32: 0>} : vector<16xi32>
        %add3A_166 = arith.constant 32 : i32
        %add3A_167 = vector.broadcast %add3A_166 : i32 to vector<16xi32>
        %add3A_168 = arith.addi %iota3A_165, %add3A_167 : vector<16xi32>
        %gather3A_169 = arith.constant 0 : i32
        %gather3A_170 = arith.constant 0 : i32
        %gather3A_171 = arith.constant 0 : i32
        %gather3A_172 = tpu.memref_slice %arg7[%gather3A_169, %gather3A_170, %gather3A_171] : memref<2x64x256xf32, #tpu.memory_space<vmem>> -> memref<2x64x256xf32, #tpu.memory_space<vmem>>
        %gather3A_173 = tpu.vector_load_idx %gather3A_172[%broadcast_in_dim3A_41, %add3A_168, %add3A_134] : memref<2x64x256xf32, #tpu.memory_space<vmem>>[vector<16xi32>, vector<16xi32>, vector<16xi32>], vector<16xf32>,
        %swap3A_174 = arith.index_cast %rem3A_136 : i32 to index
        %swap3A_175 = arith.constant 32 : index
        %swap3A_176 = tpu.vector_load %arg9[%swap3A_174, %swap3A_175] {strides = array<i32>} : memref<16x64xf32, #tpu.memory_space<vmem>>, vector<16xf32>,
        tpu.vector_store %arg9[%swap3A_174, %swap3A_175], %gather3A_173 {strides = array<i32>} : memref<16x64xf32, #tpu.memory_space<vmem>>, vector<16xf32>,
        %iota3A_177 = tpu.iota {dimensions = array<i32: 0>} : vector<16xi32>
        %add3A_178 = arith.constant 48 : i32
        %add3A_179 = vector.broadcast %add3A_178 : i32 to vector<16xi32>
        %add3A_180 = arith.addi %iota3A_177, %add3A_179 : vector<16xi32>
        %gather3A_181 = arith.constant 0 : i32
        %gather3A_182 = arith.constant 0 : i32
        %gather3A_183 = arith.constant 0 : i32
        %gather3A_184 = tpu.memref_slice %arg7[%gather3A_181, %gather3A_182, %gather3A_183] : memref<2x64x256xf32, #tpu.memory_space<vmem>> -> memref<2x64x256xf32, #tpu.memory_space<vmem>>
        %gather3A_185 = tpu.vector_load_idx %gather3A_184[%broadcast_in_dim3A_41, %add3A_180, %add3A_134] : memref<2x64x256xf32, #tpu.memory_space<vmem>>[vector<16xi32>, vector<16xi32>, vector<16xi32>], vector<16xf32>,
        %swap3A_186 = arith.index_cast %rem3A_136 : i32 to index
        %swap3A_187 = arith.constant 48 : index
        %swap3A_188 = tpu.vector_load %arg9[%swap3A_186, %swap3A_187] {strides = array<i32>} : memref<16x64xf32, #tpu.memory_space<vmem>>, vector<16xf32>,
        tpu.vector_store %arg9[%swap3A_186, %swap3A_187], %gather3A_185 {strides = array<i32>} : memref<16x64xf32, #tpu.memory_space<vmem>>, vector<16xf32>,
        %dma_start3A = arith.constant 0 : i32
        %dma_start3A_189 = tpu.memref_slice %arg9[%rem3A_136, %dma_start3A] : memref<16x64xf32, #tpu.memory_space<vmem>> -> memref<1x64xf32, #tpu.memory_space<vmem>>
        %dma_start3A_190 = tpu.memref_squeeze %dma_start3A_189 : memref<1x64xf32, #tpu.memory_space<vmem>> -> memref<64xf32, #tpu.memory_space<vmem>>
        %dma_start3A_191 = arith.constant 0 : i32
        %dma_start3A_192 = tpu.memref_slice %arg4[%and3A_127, %dma_start3A_191] : memref<16384x64xf32, #tpu.memory_space<hbm>> -> memref<1x64xf32, #tpu.memory_space<hbm>>
        %dma_start3A_193 = tpu.memref_squeeze %dma_start3A_192 : memref<1x64xf32, #tpu.memory_space<hbm>> -> memref<64xf32, #tpu.memory_space<hbm>>
        %dma_start3A_194 = arith.constant 0 : i32
        %dma_start3A_195 = tpu.memref_slice %arg4[%and3A_127, %dma_start3A_194] : memref<16384x64xf32, #tpu.memory_space<hbm>> -> memref<1x64xf32, #tpu.memory_space<hbm>>
        %dma_start3A_196 = tpu.memref_squeeze %dma_start3A_195 : memref<1x64xf32, #tpu.memory_space<hbm>> -> memref<64xf32, #tpu.memory_space<hbm>>
        %dma_start3A_197 = arith.constant 0 : i32
        %dma_start3A_198 = tpu.memref_slice %arg9[%rem3A_136, %dma_start3A_197] : memref<16x64xf32, #tpu.memory_space<vmem>> -> memref<1x64xf32, #tpu.memory_space<vmem>>
        %dma_start3A_199 = tpu.memref_squeeze %dma_start3A_198 : memref<1x64xf32, #tpu.memory_space<vmem>> -> memref<64xf32, #tpu.memory_space<vmem>>
        tpu.enqueue_dma source(%dma_start3A_199 : memref<64xf32, #tpu.memory_space<vmem>>) target(%dma_start3A_196 : memref<64xf32, #tpu.memory_space<hbm>>) target_semaphore(%arg17 : memref<!tpu.dma_semaphore, #tpu.memory_space<semaphore_mem>>)
        %add3A_200 = arith.constant 1 : i32
        %add3A_201 = arith.addi %while3A_117, %add3A_200 : i32
        scf.yield %add3A_201 : i32
      }
      scf.yield %while3A_115 : i32
    }
    %while3A_51 = arith.constant 1 : i32
    %while3A_52 = scf.for %while3A_92 = %while3A_48 to %while3A_44 step %while3A_51 iter_args(%while3A_93 = %while3A_50) -> (i32)  : i32 {
      %mul3A_94 = arith.constant 16 : i32
      %mul3A_95 = arith.muli %while3A_92, %mul3A_94 : i32
      %get3A = arith.index_cast %mul3A_95 : i32 to index
      %get3A_96 = tpu.vector_load %arg6[%get3A] {strides = array<i32>} : memref<16400xi32, #tpu.memory_space<vmem>>, vector<16xi32>,
      %shift_right_logical3A = arith.constant 14 : i32
      %shift_right_logical3A_97 = vector.broadcast %shift_right_logical3A : i32 to vector<16xi32>
      %shift_right_logical3A_98 = arith.shrui %get3A_96, %shift_right_logical3A_97 : vector<16xi32>
      %ge3A = vector.broadcast %while3A : i32 to vector<16xi32>
      %ge3A_99 = arith.cmpi sge, %shift_right_logical3A_98, %ge3A : vector<16xi32>
      %add3A_100 = arith.constant 256 : i32
      %add3A_101 = arith.addi %while3A, %add3A_100 : i32
      %lt3A = vector.broadcast %add3A_101 : i32 to vector<16xi32>
      %lt3A_102 = arith.cmpi slt, %shift_right_logical3A_98, %lt3A : vector<16xi32>
      %and3A_103 = arith.andi %ge3A_99, %lt3A_102 : vector<16xi1>
      %swap3A = arith.constant 0 : index
      %swap3A_104 = tpu.vector_load %arg8[%swap3A] masked %and3A_103 {strides = array<i32>} : memref<16xi32, #tpu.memory_space<vmem>>, vector<16xi32>, vector<16xi1>
      tpu.vector_store %arg8[%swap3A], %get3A_96 masked %and3A_103 {strides = array<i32>} : memref<16xi32, #tpu.memory_space<vmem>>, vector<16xi32>, vector<16xi1>
      %all_reduce_population_count3A = tpu.all_reduce %and3A_103 {dim = 0 : i64, kind = #tpu.reduction_kind<sum>} : vector<16xi1> -> vector<16xi32>
      %slice3A = vector.extract_strided_slice %all_reduce_population_count3A {offsets = [0], sizes = [1], strides = [1]} : vector<16xi32> to vector<1xi32>
      %squeeze3A = vector.extract %slice3A[0] : i32 from vector<1xi32>
      %while3A_105 = arith.constant 0 : i32
      %while3A_106 = arith.subi %squeeze3A, %while3A_105 : i32
      %while3A_107 = arith.addi %while3A_105, %while3A_106 : i32
      %while3A_108 = arith.constant 1 : i32
      %while3A_109 = arith.divsi %while3A_106, %while3A_108 : i32
      %while3A_110 = arith.muli %while3A_109, %while3A_108 : i32
      %while3A_111 = arith.addi %while3A_105, %while3A_110 : i32
      %while3A_112 = arith.constant 1 : i32
      %while3A_113 = scf.for %while3A_116 = %while3A_105 to %while3A_111 step %while3A_112 iter_args(%while3A_117 = %while3A_93) -> (i32)  : i32 {
        %broadcast_in_dim3A_118 = arith.constant 0 : i32
        %broadcast_in_dim3A_119 = vector.broadcast %broadcast_in_dim3A_118 : i32 to vector<16xi32>
        %add3A_120 = vector.broadcast %while3A_116 : i32 to vector<16xi32>
        %add3A_121 = arith.addi %broadcast_in_dim3A_119, %add3A_120 : vector<16xi32>
        %gather3A = arith.constant 0 : i32
        %gather3A_122 = tpu.memref_slice %arg8[%gather3A] : memref<16xi32, #tpu.memory_space<vmem>> -> memref<16xi32, #tpu.memory_space<vmem>>
        %gather3A_123 = tpu.vector_load_idx %gather3A_122[%add3A_121] : memref<16xi32, #tpu.memory_space<vmem>>[vector<16xi32>], vector<16xi32>,
        %slice3A_124 = vector.extract_strided_slice %gather3A_123 {offsets = [0], sizes = [1], strides = [1]} : vector<16xi32> to vector<1xi32>
        %squeeze3A_125 = vector.extract %slice3A_124[0] : i32 from vector<1xi32>
        %and3A_126 = arith.constant 16383 : i32
        %and3A_127 = arith.andi %squeeze3A_125, %and3A_126 : i32
        %broadcast_in_dim3A_128 = arith.constant 0 : i32
        %broadcast_in_dim3A_129 = vector.broadcast %broadcast_in_dim3A_128 : i32 to vector<16xi32>
        %shift_right_logical3A_130 = arith.constant 14 : i32
        %shift_right_logical3A_131 = arith.shrui %squeeze3A_125, %shift_right_logical3A_130 : i32
        %sub3A_132 = arith.subi %shift_right_logical3A_131, %while3A : i32
        %add3A_133 = vector.broadcast %sub3A_132 : i32 to vector<16xi32>
        %add3A_134 = arith.addi %broadcast_in_dim3A_129, %add3A_133 : vector<16xi32>
        %rem3A_135 = arith.constant 16 : i32
        %rem3A_136 = arith.remsi %while3A_117, %rem3A_135 : i32
        %ge3A_137 = arith.constant 16 : i32
        %ge3A_138 = arith.cmpi sge, %while3A_117, %ge3A_137 : i32
        %convert_element_type3A_139 = arith.extui %ge3A_138 : i1 to i32
        %cond3A_140 = arith.constant 0 : i32
        %cond3A_141 = arith.cmpi ne, %convert_element_type3A_139, %cond3A_140 : i32
        scf.if %cond3A_141 {
          %dma_wait3A = arith.constant 0 : i32
          %dma_wait3A_202 = arith.constant 0 : i32
          %dma_wait3A_203 = arith.constant 0 : i32
          %dma_wait3A_204 = tpu.memref_slice %arg9[%dma_wait3A_202, %dma_wait3A_203] : memref<16x64xf32, #tpu.memory_space<vmem>> -> memref<1x64xf32, #tpu.memory_space<vmem>>
          %dma_wait3A_205 = tpu.memref_squeeze %dma_wait3A_204 : memref<1x64xf32, #tpu.memory_space<vmem>> -> memref<64xf32, #tpu.memory_space<vmem>>
          %dma_wait3A_206 = arith.constant 0 : i32
          %dma_wait3A_207 = tpu.memref_slice %arg4[%dma_wait3A, %dma_wait3A_206] : memref<16384x64xf32, #tpu.memory_space<hbm>> -> memref<1x64xf32, #tpu.memory_space<hbm>>
          %dma_wait3A_208 = tpu.memref_squeeze %dma_wait3A_207 : memref<1x64xf32, #tpu.memory_space<hbm>> -> memref<64xf32, #tpu.memory_space<hbm>>
          %dma_wait3A_209 = arith.constant 0 : i32
          %dma_wait3A_210 = tpu.memref_slice %arg9[%dma_wait3A_202, %dma_wait3A_209] : memref<16x64xf32, #tpu.memory_space<vmem>> -> memref<1x64xf32, #tpu.memory_space<vmem>>
          %dma_wait3A_211 = tpu.memref_squeeze %dma_wait3A_210 : memref<1x64xf32, #tpu.memory_space<vmem>> -> memref<64xf32, #tpu.memory_space<vmem>>
          %dma_wait3A_212 = arith.constant 0 : i32
          %dma_wait3A_213 = tpu.memref_slice %arg4[%dma_wait3A, %dma_wait3A_212] : memref<16384x64xf32, #tpu.memory_space<hbm>> -> memref<1x64xf32, #tpu.memory_space<hbm>>
          %dma_wait3A_214 = tpu.memref_squeeze %dma_wait3A_213 : memref<1x64xf32, #tpu.memory_space<hbm>> -> memref<64xf32, #tpu.memory_space<hbm>>
          tpu.wait_dma2 semaphore(%arg17 : memref<!tpu.dma_semaphore, #tpu.memory_space<semaphore_mem>>) src(%dma_wait3A_214 : memref<64xf32, #tpu.memory_space<hbm>>) dst(%dma_wait3A_211 : memref<64xf32, #tpu.memory_space<vmem>>)
        } else {
        }
        %iota3A = tpu.iota {dimensions = array<i32: 0>} : vector<16xi32>
        %add3A_142 = arith.constant 0 : i32
        %add3A_143 = vector.broadcast %add3A_142 : i32 to vector<16xi32>
        %add3A_144 = arith.addi %iota3A, %add3A_143 : vector<16xi32>
        %gather3A_145 = arith.constant 0 : i32
        %gather3A_146 = arith.constant 0 : i32
        %gather3A_147 = arith.constant 0 : i32
        %gather3A_148 = tpu.memref_slice %arg7[%gather3A_145, %gather3A_146, %gather3A_147] : memref<2x64x256xf32, #tpu.memory_space<vmem>> -> memref<2x64x256xf32, #tpu.memory_space<vmem>>
        %gather3A_149 = tpu.vector_load_idx %gather3A_148[%broadcast_in_dim3A_41, %add3A_144, %add3A_134] : memref<2x64x256xf32, #tpu.memory_space<vmem>>[vector<16xi32>, vector<16xi32>, vector<16xi32>], vector<16xf32>,
        %swap3A_150 = arith.index_cast %rem3A_136 : i32 to index
        %swap3A_151 = arith.constant 0 : index
        %swap3A_152 = tpu.vector_load %arg9[%swap3A_150, %swap3A_151] {strides = array<i32>} : memref<16x64xf32, #tpu.memory_space<vmem>>, vector<16xf32>,
        tpu.vector_store %arg9[%swap3A_150, %swap3A_151], %gather3A_149 {strides = array<i32>} : memref<16x64xf32, #tpu.memory_space<vmem>>, vector<16xf32>,
        %iota3A_153 = tpu.iota {dimensions = array<i32: 0>} : vector<16xi32>
        %add3A_154 = arith.constant 16 : i32
        %add3A_155 = vector.broadcast %add3A_154 : i32 to vector<16xi32>
        %add3A_156 = arith.addi %iota3A_153, %add3A_155 : vector<16xi32>
        %gather3A_157 = arith.constant 0 : i32
        %gather3A_158 = arith.constant 0 : i32
        %gather3A_159 = arith.constant 0 : i32
        %gather3A_160 = tpu.memref_slice %arg7[%gather3A_157, %gather3A_158, %gather3A_159] : memref<2x64x256xf32, #tpu.memory_space<vmem>> -> memref<2x64x256xf32, #tpu.memory_space<vmem>>
        %gather3A_161 = tpu.vector_load_idx %gather3A_160[%broadcast_in_dim3A_41, %add3A_156, %add3A_134] : memref<2x64x256xf32, #tpu.memory_space<vmem>>[vector<16xi32>, vector<16xi32>, vector<16xi32>], vector<16xf32>,
        %swap3A_162 = arith.index_cast %rem3A_136 : i32 to index
        %swap3A_163 = arith.constant 16 : index
        %swap3A_164 = tpu.vector_load %arg9[%swap3A_162, %swap3A_163] {strides = array<i32>} : memref<16x64xf32, #tpu.memory_space<vmem>>, vector<16xf32>,
        tpu.vector_store %arg9[%swap3A_162, %swap3A_163], %gather3A_161 {strides = array<i32>} : memref<16x64xf32, #tpu.memory_space<vmem>>, vector<16xf32>,
        %iota3A_165 = tpu.iota {dimensions = array<i32: 0>} : vector<16xi32>
        %add3A_166 = arith.constant 32 : i32
        %add3A_167 = vector.broadcast %add3A_166 : i32 to vector<16xi32>
        %add3A_168 = arith.addi %iota3A_165, %add3A_167 : vector<16xi32>
        %gather3A_169 = arith.constant 0 : i32
        %gather3A_170 = arith.constant 0 : i32
        %gather3A_171 = arith.constant 0 : i32
        %gather3A_172 = tpu.memref_slice %arg7[%gather3A_169, %gather3A_170, %gather3A_171] : memref<2x64x256xf32, #tpu.memory_space<vmem>> -> memref<2x64x256xf32, #tpu.memory_space<vmem>>
        %gather3A_173 = tpu.vector_load_idx %gather3A_172[%broadcast_in_dim3A_41, %add3A_168, %add3A_134] : memref<2x64x256xf32, #tpu.memory_space<vmem>>[vector<16xi32>, vector<16xi32>, vector<16xi32>], vector<16xf32>,
        %swap3A_174 = arith.index_cast %rem3A_136 : i32 to index
        %swap3A_175 = arith.constant 32 : index
        %swap3A_176 = tpu.vector_load %arg9[%swap3A_174, %swap3A_175] {strides = array<i32>} : memref<16x64xf32, #tpu.memory_space<vmem>>, vector<16xf32>,
        tpu.vector_store %arg9[%swap3A_174, %swap3A_175], %gather3A_173 {strides = array<i32>} : memref<16x64xf32, #tpu.memory_space<vmem>>, vector<16xf32>,
        %iota3A_177 = tpu.iota {dimensions = array<i32: 0>} : vector<16xi32>
        %add3A_178 = arith.constant 48 : i32
        %add3A_179 = vector.broadcast %add3A_178 : i32 to vector<16xi32>
        %add3A_180 = arith.addi %iota3A_177, %add3A_179 : vector<16xi32>
        %gather3A_181 = arith.constant 0 : i32
        %gather3A_182 = arith.constant 0 : i32
        %gather3A_183 = arith.constant 0 : i32
        %gather3A_184 = tpu.memref_slice %arg7[%gather3A_181, %gather3A_182, %gather3A_183] : memref<2x64x256xf32, #tpu.memory_space<vmem>> -> memref<2x64x256xf32, #tpu.memory_space<vmem>>
        %gather3A_185 = tpu.vector_load_idx %gather3A_184[%broadcast_in_dim3A_41, %add3A_180, %add3A_134] : memref<2x64x256xf32, #tpu.memory_space<vmem>>[vector<16xi32>, vector<16xi32>, vector<16xi32>], vector<16xf32>,
        %swap3A_186 = arith.index_cast %rem3A_136 : i32 to index
        %swap3A_187 = arith.constant 48 : index
        %swap3A_188 = tpu.vector_load %arg9[%swap3A_186, %swap3A_187] {strides = array<i32>} : memref<16x64xf32, #tpu.memory_space<vmem>>, vector<16xf32>,
        tpu.vector_store %arg9[%swap3A_186, %swap3A_187], %gather3A_185 {strides = array<i32>} : memref<16x64xf32, #tpu.memory_space<vmem>>, vector<16xf32>,
        %dma_start3A = arith.constant 0 : i32
        %dma_start3A_189 = tpu.memref_slice %arg9[%rem3A_136, %dma_start3A] : memref<16x64xf32, #tpu.memory_space<vmem>> -> memref<1x64xf32, #tpu.memory_space<vmem>>
        %dma_start3A_190 = tpu.memref_squeeze %dma_start3A_189 : memref<1x64xf32, #tpu.memory_space<vmem>> -> memref<64xf32, #tpu.memory_space<vmem>>
        %dma_start3A_191 = arith.constant 0 : i32
        %dma_start3A_192 = tpu.memref_slice %arg4[%and3A_127, %dma_start3A_191] : memref<16384x64xf32, #tpu.memory_space<hbm>> -> memref<1x64xf32, #tpu.memory_space<hbm>>
        %dma_start3A_193 = tpu.memref_squeeze %dma_start3A_192 : memref<1x64xf32, #tpu.memory_space<hbm>> -> memref<64xf32, #tpu.memory_space<hbm>>
        %dma_start3A_194 = arith.constant 0 : i32
        %dma_start3A_195 = tpu.memref_slice %arg4[%and3A_127, %dma_start3A_194] : memref<16384x64xf32, #tpu.memory_space<hbm>> -> memref<1x64xf32, #tpu.memory_space<hbm>>
        %dma_start3A_196 = tpu.memref_squeeze %dma_start3A_195 : memref<1x64xf32, #tpu.memory_space<hbm>> -> memref<64xf32, #tpu.memory_space<hbm>>
        %dma_start3A_197 = arith.constant 0 : i32
        %dma_start3A_198 = tpu.memref_slice %arg9[%rem3A_136, %dma_start3A_197] : memref<16x64xf32, #tpu.memory_space<vmem>> -> memref<1x64xf32, #tpu.memory_space<vmem>>
        %dma_start3A_199 = tpu.memref_squeeze %dma_start3A_198 : memref<1x64xf32, #tpu.memory_space<vmem>> -> memref<64xf32, #tpu.memory_space<vmem>>
        tpu.enqueue_dma source(%dma_start3A_199 : memref<64xf32, #tpu.memory_space<vmem>>) target(%dma_start3A_196 : memref<64xf32, #tpu.memory_space<hbm>>) target_semaphore(%arg17 : memref<!tpu.dma_semaphore, #tpu.memory_space<semaphore_mem>>)
        %add3A_200 = arith.constant 1 : i32
        %add3A_201 = arith.addi %while3A_117, %add3A_200 : i32
        scf.yield %add3A_201 : i32
      }
      %while3A_114 = arith.constant 1 : i32
      %while3A_115 = scf.for %while3A_116 = %while3A_111 to %while3A_107 step %while3A_114 iter_args(%while3A_117 = %while3A_113) -> (i32)  : i32 {
        %broadcast_in_dim3A_118 = arith.constant 0 : i32
        %broadcast_in_dim3A_119 = vector.broadcast %broadcast_in_dim3A_118 : i32 to vector<16xi32>
        %add3A_120 = vector.broadcast %while3A_116 : i32 to vector<16xi32>
        %add3A_121 = arith.addi %broadcast_in_dim3A_119, %add3A_120 : vector<16xi32>
        %gather3A = arith.constant 0 : i32
        %gather3A_122 = tpu.memref_slice %arg8[%gather3A] : memref<16xi32, #tpu.memory_space<vmem>> -> memref<16xi32, #tpu.memory_space<vmem>>
        %gather3A_123 = tpu.vector_load_idx %gather3A_122[%add3A_121] : memref<16xi32, #tpu.memory_space<vmem>>[vector<16xi32>], vector<16xi32>,
        %slice3A_124 = vector.extract_strided_slice %gather3A_123 {offsets = [0], sizes = [1], strides = [1]} : vector<16xi32> to vector<1xi32>
        %squeeze3A_125 = vector.extract %slice3A_124[0] : i32 from vector<1xi32>
        %and3A_126 = arith.constant 16383 : i32
        %and3A_127 = arith.andi %squeeze3A_125, %and3A_126 : i32
        %broadcast_in_dim3A_128 = arith.constant 0 : i32
        %broadcast_in_dim3A_129 = vector.broadcast %broadcast_in_dim3A_128 : i32 to vector<16xi32>
        %shift_right_logical3A_130 = arith.constant 14 : i32
        %shift_right_logical3A_131 = arith.shrui %squeeze3A_125, %shift_right_logical3A_130 : i32
        %sub3A_132 = arith.subi %shift_right_logical3A_131, %while3A : i32
        %add3A_133 = vector.broadcast %sub3A_132 : i32 to vector<16xi32>
        %add3A_134 = arith.addi %broadcast_in_dim3A_129, %add3A_133 : vector<16xi32>
        %rem3A_135 = arith.constant 16 : i32
        %rem3A_136 = arith.remsi %while3A_117, %rem3A_135 : i32
        %ge3A_137 = arith.constant 16 : i32
        %ge3A_138 = arith.cmpi sge, %while3A_117, %ge3A_137 : i32
        %convert_element_type3A_139 = arith.extui %ge3A_138 : i1 to i32
        %cond3A_140 = arith.constant 0 : i32
        %cond3A_141 = arith.cmpi ne, %convert_element_type3A_139, %cond3A_140 : i32
        scf.if %cond3A_141 {
          %dma_wait3A = arith.constant 0 : i32
          %dma_wait3A_202 = arith.constant 0 : i32
          %dma_wait3A_203 = arith.constant 0 : i32
          %dma_wait3A_204 = tpu.memref_slice %arg9[%dma_wait3A_202, %dma_wait3A_203] : memref<16x64xf32, #tpu.memory_space<vmem>> -> memref<1x64xf32, #tpu.memory_space<vmem>>
          %dma_wait3A_205 = tpu.memref_squeeze %dma_wait3A_204 : memref<1x64xf32, #tpu.memory_space<vmem>> -> memref<64xf32, #tpu.memory_space<vmem>>
          %dma_wait3A_206 = arith.constant 0 : i32
          %dma_wait3A_207 = tpu.memref_slice %arg4[%dma_wait3A, %dma_wait3A_206] : memref<16384x64xf32, #tpu.memory_space<hbm>> -> memref<1x64xf32, #tpu.memory_space<hbm>>
          %dma_wait3A_208 = tpu.memref_squeeze %dma_wait3A_207 : memref<1x64xf32, #tpu.memory_space<hbm>> -> memref<64xf32, #tpu.memory_space<hbm>>
          %dma_wait3A_209 = arith.constant 0 : i32
          %dma_wait3A_210 = tpu.memref_slice %arg9[%dma_wait3A_202, %dma_wait3A_209] : memref<16x64xf32, #tpu.memory_space<vmem>> -> memref<1x64xf32, #tpu.memory_space<vmem>>
          %dma_wait3A_211 = tpu.memref_squeeze %dma_wait3A_210 : memref<1x64xf32, #tpu.memory_space<vmem>> -> memref<64xf32, #tpu.memory_space<vmem>>
          %dma_wait3A_212 = arith.constant 0 : i32
          %dma_wait3A_213 = tpu.memref_slice %arg4[%dma_wait3A, %dma_wait3A_212] : memref<16384x64xf32, #tpu.memory_space<hbm>> -> memref<1x64xf32, #tpu.memory_space<hbm>>
          %dma_wait3A_214 = tpu.memref_squeeze %dma_wait3A_213 : memref<1x64xf32, #tpu.memory_space<hbm>> -> memref<64xf32, #tpu.memory_space<hbm>>
          tpu.wait_dma2 semaphore(%arg17 : memref<!tpu.dma_semaphore, #tpu.memory_space<semaphore_mem>>) src(%dma_wait3A_214 : memref<64xf32, #tpu.memory_space<hbm>>) dst(%dma_wait3A_211 : memref<64xf32, #tpu.memory_space<vmem>>)
        } else {
        }
        %iota3A = tpu.iota {dimensions = array<i32: 0>} : vector<16xi32>
        %add3A_142 = arith.constant 0 : i32
        %add3A_143 = vector.broadcast %add3A_142 : i32 to vector<16xi32>
        %add3A_144 = arith.addi %iota3A, %add3A_143 : vector<16xi32>
        %gather3A_145 = arith.constant 0 : i32
        %gather3A_146 = arith.constant 0 : i32
        %gather3A_147 = arith.constant 0 : i32
        %gather3A_148 = tpu.memref_slice %arg7[%gather3A_145, %gather3A_146, %gather3A_147] : memref<2x64x256xf32, #tpu.memory_space<vmem>> -> memref<2x64x256xf32, #tpu.memory_space<vmem>>
        %gather3A_149 = tpu.vector_load_idx %gather3A_148[%broadcast_in_dim3A_41, %add3A_144, %add3A_134] : memref<2x64x256xf32, #tpu.memory_space<vmem>>[vector<16xi32>, vector<16xi32>, vector<16xi32>], vector<16xf32>,
        %swap3A_150 = arith.index_cast %rem3A_136 : i32 to index
        %swap3A_151 = arith.constant 0 : index
        %swap3A_152 = tpu.vector_load %arg9[%swap3A_150, %swap3A_151] {strides = array<i32>} : memref<16x64xf32, #tpu.memory_space<vmem>>, vector<16xf32>,
        tpu.vector_store %arg9[%swap3A_150, %swap3A_151], %gather3A_149 {strides = array<i32>} : memref<16x64xf32, #tpu.memory_space<vmem>>, vector<16xf32>,
        %iota3A_153 = tpu.iota {dimensions = array<i32: 0>} : vector<16xi32>
        %add3A_154 = arith.constant 16 : i32
        %add3A_155 = vector.broadcast %add3A_154 : i32 to vector<16xi32>
        %add3A_156 = arith.addi %iota3A_153, %add3A_155 : vector<16xi32>
        %gather3A_157 = arith.constant 0 : i32
        %gather3A_158 = arith.constant 0 : i32
        %gather3A_159 = arith.constant 0 : i32
        %gather3A_160 = tpu.memref_slice %arg7[%gather3A_157, %gather3A_158, %gather3A_159] : memref<2x64x256xf32, #tpu.memory_space<vmem>> -> memref<2x64x256xf32, #tpu.memory_space<vmem>>
        %gather3A_161 = tpu.vector_load_idx %gather3A_160[%broadcast_in_dim3A_41, %add3A_156, %add3A_134] : memref<2x64x256xf32, #tpu.memory_space<vmem>>[vector<16xi32>, vector<16xi32>, vector<16xi32>], vector<16xf32>,
        %swap3A_162 = arith.index_cast %rem3A_136 : i32 to index
        %swap3A_163 = arith.constant 16 : index
        %swap3A_164 = tpu.vector_load %arg9[%swap3A_162, %swap3A_163] {strides = array<i32>} : memref<16x64xf32, #tpu.memory_space<vmem>>, vector<16xf32>,
        tpu.vector_store %arg9[%swap3A_162, %swap3A_163], %gather3A_161 {strides = array<i32>} : memref<16x64xf32, #tpu.memory_space<vmem>>, vector<16xf32>,
        %iota3A_165 = tpu.iota {dimensions = array<i32: 0>} : vector<16xi32>
        %add3A_166 = arith.constant 32 : i32
        %add3A_167 = vector.broadcast %add3A_166 : i32 to vector<16xi32>
        %add3A_168 = arith.addi %iota3A_165, %add3A_167 : vector<16xi32>
        %gather3A_169 = arith.constant 0 : i32
        %gather3A_170 = arith.constant 0 : i32
        %gather3A_171 = arith.constant 0 : i32
        %gather3A_172 = tpu.memref_slice %arg7[%gather3A_169, %gather3A_170, %gather3A_171] : memref<2x64x256xf32, #tpu.memory_space<vmem>> -> memref<2x64x256xf32, #tpu.memory_space<vmem>>
        %gather3A_173 = tpu.vector_load_idx %gather3A_172[%broadcast_in_dim3A_41, %add3A_168, %add3A_134] : memref<2x64x256xf32, #tpu.memory_space<vmem>>[vector<16xi32>, vector<16xi32>, vector<16xi32>], vector<16xf32>,
        %swap3A_174 = arith.index_cast %rem3A_136 : i32 to index
        %swap3A_175 = arith.constant 32 : index
        %swap3A_176 = tpu.vector_load %arg9[%swap3A_174, %swap3A_175] {strides = array<i32>} : memref<16x64xf32, #tpu.memory_space<vmem>>, vector<16xf32>,
        tpu.vector_store %arg9[%swap3A_174, %swap3A_175], %gather3A_173 {strides = array<i32>} : memref<16x64xf32, #tpu.memory_space<vmem>>, vector<16xf32>,
        %iota3A_177 = tpu.iota {dimensions = array<i32: 0>} : vector<16xi32>
        %add3A_178 = arith.constant 48 : i32
        %add3A_179 = vector.broadcast %add3A_178 : i32 to vector<16xi32>
        %add3A_180 = arith.addi %iota3A_177, %add3A_179 : vector<16xi32>
        %gather3A_181 = arith.constant 0 : i32
        %gather3A_182 = arith.constant 0 : i32
        %gather3A_183 = arith.constant 0 : i32
        %gather3A_184 = tpu.memref_slice %arg7[%gather3A_181, %gather3A_182, %gather3A_183] : memref<2x64x256xf32, #tpu.memory_space<vmem>> -> memref<2x64x256xf32, #tpu.memory_space<vmem>>
        %gather3A_185 = tpu.vector_load_idx %gather3A_184[%broadcast_in_dim3A_41, %add3A_180, %add3A_134] : memref<2x64x256xf32, #tpu.memory_space<vmem>>[vector<16xi32>, vector<16xi32>, vector<16xi32>], vector<16xf32>,
        %swap3A_186 = arith.index_cast %rem3A_136 : i32 to index
        %swap3A_187 = arith.constant 48 : index
        %swap3A_188 = tpu.vector_load %arg9[%swap3A_186, %swap3A_187] {strides = array<i32>} : memref<16x64xf32, #tpu.memory_space<vmem>>, vector<16xf32>,
        tpu.vector_store %arg9[%swap3A_186, %swap3A_187], %gather3A_185 {strides = array<i32>} : memref<16x64xf32, #tpu.memory_space<vmem>>, vector<16xf32>,
        %dma_start3A = arith.constant 0 : i32
        %dma_start3A_189 = tpu.memref_slice %arg9[%rem3A_136, %dma_start3A] : memref<16x64xf32, #tpu.memory_space<vmem>> -> memref<1x64xf32, #tpu.memory_space<vmem>>
        %dma_start3A_190 = tpu.memref_squeeze %dma_start3A_189 : memref<1x64xf32, #tpu.memory_space<vmem>> -> memref<64xf32, #tpu.memory_space<vmem>>
        %dma_start3A_191 = arith.constant 0 : i32
        %dma_start3A_192 = tpu.memref_slice %arg4[%and3A_127, %dma_start3A_191] : memref<16384x64xf32, #tpu.memory_space<hbm>> -> memref<1x64xf32, #tpu.memory_space<hbm>>
        %dma_start3A_193 = tpu.memref_squeeze %dma_start3A_192 : memref<1x64xf32, #tpu.memory_space<hbm>> -> memref<64xf32, #tpu.memory_space<hbm>>
        %dma_start3A_194 = arith.constant 0 : i32
        %dma_start3A_195 = tpu.memref_slice %arg4[%and3A_127, %dma_start3A_194] : memref<16384x64xf32, #tpu.memory_space<hbm>> -> memref<1x64xf32, #tpu.memory_space<hbm>>
        %dma_start3A_196 = tpu.memref_squeeze %dma_start3A_195 : memref<1x64xf32, #tpu.memory_space<hbm>> -> memref<64xf32, #tpu.memory_space<hbm>>
        %dma_start3A_197 = arith.constant 0 : i32
        %dma_start3A_198 = tpu.memref_slice %arg9[%rem3A_136, %dma_start3A_197] : memref<16x64xf32, #tpu.memory_space<vmem>> -> memref<1x64xf32, #tpu.memory_space<vmem>>
        %dma_start3A_199 = tpu.memref_squeeze %dma_start3A_198 : memref<1x64xf32, #tpu.memory_space<vmem>> -> memref<64xf32, #tpu.memory_space<vmem>>
        tpu.enqueue_dma source(%dma_start3A_199 : memref<64xf32, #tpu.memory_space<vmem>>) target(%dma_start3A_196 : memref<64xf32, #tpu.memory_space<hbm>>) target_semaphore(%arg17 : memref<!tpu.dma_semaphore, #tpu.memory_space<semaphore_mem>>)
        %add3A_200 = arith.constant 1 : i32
        %add3A_201 = arith.addi %while3A_117, %add3A_200 : i32
        scf.yield %add3A_201 : i32
      }
      scf.yield %while3A_115 : i32
    }
    %broadcast_in_dim3A_53 = arith.constant 1 : i32
    %broadcast_in_dim3A_54 = vector.broadcast %broadcast_in_dim3A_53 : i32 to vector<16xi32>
    %while3A_55 = arith.constant 31488 : i32
    %while3A_56 = arith.constant 0 : i32
    %while3A_57 = arith.subi %select_n3A, %while3A_56 : i32
    %while3A_58 = arith.addi %while3A_56, %while3A_57 : i32
    %while3A_59 = arith.constant 1 : i32
    %while3A_60 = arith.divsi %while3A_57, %while3A_59 : i32
    %while3A_61 = arith.muli %while3A_60, %while3A_59 : i32
    %while3A_62 = arith.addi %while3A_56, %while3A_61 : i32
    %while3A_63 = arith.constant 1 : i32
    %while3A_64 = scf.for %while3A_92 = %while3A_56 to %while3A_62 step %while3A_63 iter_args(%while3A_93 = %while3A_52) -> (i32)  : i32 {
      %mul3A_94 = arith.constant 16 : i32
      %mul3A_95 = arith.muli %while3A_92, %mul3A_94 : i32
      %get3A = arith.index_cast %mul3A_95 : i32 to index
      %get3A_96 = tpu.vector_load %arg6[%get3A] {strides = array<i32>} : memref<16400xi32, #tpu.memory_space<vmem>>, vector<16xi32>,
      %shift_right_logical3A = arith.constant 14 : i32
      %shift_right_logical3A_97 = vector.broadcast %shift_right_logical3A : i32 to vector<16xi32>
      %shift_right_logical3A_98 = arith.shrui %get3A_96, %shift_right_logical3A_97 : vector<16xi32>
      %ge3A = vector.broadcast %while3A_55 : i32 to vector<16xi32>
      %ge3A_99 = arith.cmpi sge, %shift_right_logical3A_98, %ge3A : vector<16xi32>
      %add3A_100 = arith.constant 256 : i32
      %add3A_101 = arith.addi %while3A_55, %add3A_100 : i32
      %lt3A = vector.broadcast %add3A_101 : i32 to vector<16xi32>
      %lt3A_102 = arith.cmpi slt, %shift_right_logical3A_98, %lt3A : vector<16xi32>
      %and3A_103 = arith.andi %ge3A_99, %lt3A_102 : vector<16xi1>
      %swap3A = arith.constant 0 : index
      %swap3A_104 = tpu.vector_load %arg8[%swap3A] masked %and3A_103 {strides = array<i32>} : memref<16xi32, #tpu.memory_space<vmem>>, vector<16xi32>, vector<16xi1>
      tpu.vector_store %arg8[%swap3A], %get3A_96 masked %and3A_103 {strides = array<i32>} : memref<16xi32, #tpu.memory_space<vmem>>, vector<16xi32>, vector<16xi1>
      %all_reduce_population_count3A = tpu.all_reduce %and3A_103 {dim = 0 : i64, kind = #tpu.reduction_kind<sum>} : vector<16xi1> -> vector<16xi32>
      %slice3A = vector.extract_strided_slice %all_reduce_population_count3A {offsets = [0], sizes = [1], strides = [1]} : vector<16xi32> to vector<1xi32>
      %squeeze3A = vector.extract %slice3A[0] : i32 from vector<1xi32>
      %while3A_105 = arith.constant 0 : i32
      %while3A_106 = arith.subi %squeeze3A, %while3A_105 : i32
      %while3A_107 = arith.addi %while3A_105, %while3A_106 : i32
      %while3A_108 = arith.constant 1 : i32
      %while3A_109 = arith.divsi %while3A_106, %while3A_108 : i32
      %while3A_110 = arith.muli %while3A_109, %while3A_108 : i32
      %while3A_111 = arith.addi %while3A_105, %while3A_110 : i32
      %while3A_112 = arith.constant 1 : i32
      %while3A_113 = scf.for %while3A_116 = %while3A_105 to %while3A_111 step %while3A_112 iter_args(%while3A_117 = %while3A_93) -> (i32)  : i32 {
        %broadcast_in_dim3A_118 = arith.constant 0 : i32
        %broadcast_in_dim3A_119 = vector.broadcast %broadcast_in_dim3A_118 : i32 to vector<16xi32>
        %add3A_120 = vector.broadcast %while3A_116 : i32 to vector<16xi32>
        %add3A_121 = arith.addi %broadcast_in_dim3A_119, %add3A_120 : vector<16xi32>
        %gather3A = arith.constant 0 : i32
        %gather3A_122 = tpu.memref_slice %arg8[%gather3A] : memref<16xi32, #tpu.memory_space<vmem>> -> memref<16xi32, #tpu.memory_space<vmem>>
        %gather3A_123 = tpu.vector_load_idx %gather3A_122[%add3A_121] : memref<16xi32, #tpu.memory_space<vmem>>[vector<16xi32>], vector<16xi32>,
        %slice3A_124 = vector.extract_strided_slice %gather3A_123 {offsets = [0], sizes = [1], strides = [1]} : vector<16xi32> to vector<1xi32>
        %squeeze3A_125 = vector.extract %slice3A_124[0] : i32 from vector<1xi32>
        %and3A_126 = arith.constant 16383 : i32
        %and3A_127 = arith.andi %squeeze3A_125, %and3A_126 : i32
        %broadcast_in_dim3A_128 = arith.constant 0 : i32
        %broadcast_in_dim3A_129 = vector.broadcast %broadcast_in_dim3A_128 : i32 to vector<16xi32>
        %shift_right_logical3A_130 = arith.constant 14 : i32
        %shift_right_logical3A_131 = arith.shrui %squeeze3A_125, %shift_right_logical3A_130 : i32
        %sub3A_132 = arith.subi %shift_right_logical3A_131, %while3A_55 : i32
        %add3A_133 = vector.broadcast %sub3A_132 : i32 to vector<16xi32>
        %add3A_134 = arith.addi %broadcast_in_dim3A_129, %add3A_133 : vector<16xi32>
        %rem3A_135 = arith.constant 16 : i32
        %rem3A_136 = arith.remsi %while3A_117, %rem3A_135 : i32
        %ge3A_137 = arith.constant 16 : i32
        %ge3A_138 = arith.cmpi sge, %while3A_117, %ge3A_137 : i32
        %convert_element_type3A_139 = arith.extui %ge3A_138 : i1 to i32
        %cond3A_140 = arith.constant 0 : i32
        %cond3A_141 = arith.cmpi ne, %convert_element_type3A_139, %cond3A_140 : i32
        scf.if %cond3A_141 {
          %dma_wait3A = arith.constant 0 : i32
          %dma_wait3A_202 = arith.constant 0 : i32
          %dma_wait3A_203 = arith.constant 0 : i32
          %dma_wait3A_204 = tpu.memref_slice %arg9[%dma_wait3A_202, %dma_wait3A_203] : memref<16x64xf32, #tpu.memory_space<vmem>> -> memref<1x64xf32, #tpu.memory_space<vmem>>
          %dma_wait3A_205 = tpu.memref_squeeze %dma_wait3A_204 : memref<1x64xf32, #tpu.memory_space<vmem>> -> memref<64xf32, #tpu.memory_space<vmem>>
          %dma_wait3A_206 = arith.constant 0 : i32
          %dma_wait3A_207 = tpu.memref_slice %arg4[%dma_wait3A, %dma_wait3A_206] : memref<16384x64xf32, #tpu.memory_space<hbm>> -> memref<1x64xf32, #tpu.memory_space<hbm>>
          %dma_wait3A_208 = tpu.memref_squeeze %dma_wait3A_207 : memref<1x64xf32, #tpu.memory_space<hbm>> -> memref<64xf32, #tpu.memory_space<hbm>>
          %dma_wait3A_209 = arith.constant 0 : i32
          %dma_wait3A_210 = tpu.memref_slice %arg9[%dma_wait3A_202, %dma_wait3A_209] : memref<16x64xf32, #tpu.memory_space<vmem>> -> memref<1x64xf32, #tpu.memory_space<vmem>>
          %dma_wait3A_211 = tpu.memref_squeeze %dma_wait3A_210 : memref<1x64xf32, #tpu.memory_space<vmem>> -> memref<64xf32, #tpu.memory_space<vmem>>
          %dma_wait3A_212 = arith.constant 0 : i32
          %dma_wait3A_213 = tpu.memref_slice %arg4[%dma_wait3A, %dma_wait3A_212] : memref<16384x64xf32, #tpu.memory_space<hbm>> -> memref<1x64xf32, #tpu.memory_space<hbm>>
          %dma_wait3A_214 = tpu.memref_squeeze %dma_wait3A_213 : memref<1x64xf32, #tpu.memory_space<hbm>> -> memref<64xf32, #tpu.memory_space<hbm>>
          tpu.wait_dma2 semaphore(%arg17 : memref<!tpu.dma_semaphore, #tpu.memory_space<semaphore_mem>>) src(%dma_wait3A_214 : memref<64xf32, #tpu.memory_space<hbm>>) dst(%dma_wait3A_211 : memref<64xf32, #tpu.memory_space<vmem>>)
        } else {
        }
        %iota3A = tpu.iota {dimensions = array<i32: 0>} : vector<16xi32>
        %add3A_142 = arith.constant 0 : i32
        %add3A_143 = vector.broadcast %add3A_142 : i32 to vector<16xi32>
        %add3A_144 = arith.addi %iota3A, %add3A_143 : vector<16xi32>
        %gather3A_145 = arith.constant 0 : i32
        %gather3A_146 = arith.constant 0 : i32
        %gather3A_147 = arith.constant 0 : i32
        %gather3A_148 = tpu.memref_slice %arg7[%gather3A_145, %gather3A_146, %gather3A_147] : memref<2x64x256xf32, #tpu.memory_space<vmem>> -> memref<2x64x256xf32, #tpu.memory_space<vmem>>
        %gather3A_149 = tpu.vector_load_idx %gather3A_148[%broadcast_in_dim3A_54, %add3A_144, %add3A_134] : memref<2x64x256xf32, #tpu.memory_space<vmem>>[vector<16xi32>, vector<16xi32>, vector<16xi32>], vector<16xf32>,
        %swap3A_150 = arith.index_cast %rem3A_136 : i32 to index
        %swap3A_151 = arith.constant 0 : index
        %swap3A_152 = tpu.vector_load %arg9[%swap3A_150, %swap3A_151] {strides = array<i32>} : memref<16x64xf32, #tpu.memory_space<vmem>>, vector<16xf32>,
        tpu.vector_store %arg9[%swap3A_150, %swap3A_151], %gather3A_149 {strides = array<i32>} : memref<16x64xf32, #tpu.memory_space<vmem>>, vector<16xf32>,
        %iota3A_153 = tpu.iota {dimensions = array<i32: 0>} : vector<16xi32>
        %add3A_154 = arith.constant 16 : i32
        %add3A_155 = vector.broadcast %add3A_154 : i32 to vector<16xi32>
        %add3A_156 = arith.addi %iota3A_153, %add3A_155 : vector<16xi32>
        %gather3A_157 = arith.constant 0 : i32
        %gather3A_158 = arith.constant 0 : i32
        %gather3A_159 = arith.constant 0 : i32
        %gather3A_160 = tpu.memref_slice %arg7[%gather3A_157, %gather3A_158, %gather3A_159] : memref<2x64x256xf32, #tpu.memory_space<vmem>> -> memref<2x64x256xf32, #tpu.memory_space<vmem>>
        %gather3A_161 = tpu.vector_load_idx %gather3A_160[%broadcast_in_dim3A_54, %add3A_156, %add3A_134] : memref<2x64x256xf32, #tpu.memory_space<vmem>>[vector<16xi32>, vector<16xi32>, vector<16xi32>], vector<16xf32>,
        %swap3A_162 = arith.index_cast %rem3A_136 : i32 to index
        %swap3A_163 = arith.constant 16 : index
        %swap3A_164 = tpu.vector_load %arg9[%swap3A_162, %swap3A_163] {strides = array<i32>} : memref<16x64xf32, #tpu.memory_space<vmem>>, vector<16xf32>,
        tpu.vector_store %arg9[%swap3A_162, %swap3A_163], %gather3A_161 {strides = array<i32>} : memref<16x64xf32, #tpu.memory_space<vmem>>, vector<16xf32>,
        %iota3A_165 = tpu.iota {dimensions = array<i32: 0>} : vector<16xi32>
        %add3A_166 = arith.constant 32 : i32
        %add3A_167 = vector.broadcast %add3A_166 : i32 to vector<16xi32>
        %add3A_168 = arith.addi %iota3A_165, %add3A_167 : vector<16xi32>
        %gather3A_169 = arith.constant 0 : i32
        %gather3A_170 = arith.constant 0 : i32
        %gather3A_171 = arith.constant 0 : i32
        %gather3A_172 = tpu.memref_slice %arg7[%gather3A_169, %gather3A_170, %gather3A_171] : memref<2x64x256xf32, #tpu.memory_space<vmem>> -> memref<2x64x256xf32, #tpu.memory_space<vmem>>
        %gather3A_173 = tpu.vector_load_idx %gather3A_172[%broadcast_in_dim3A_54, %add3A_168, %add3A_134] : memref<2x64x256xf32, #tpu.memory_space<vmem>>[vector<16xi32>, vector<16xi32>, vector<16xi32>], vector<16xf32>,
        %swap3A_174 = arith.index_cast %rem3A_136 : i32 to index
        %swap3A_175 = arith.constant 32 : index
        %swap3A_176 = tpu.vector_load %arg9[%swap3A_174, %swap3A_175] {strides = array<i32>} : memref<16x64xf32, #tpu.memory_space<vmem>>, vector<16xf32>,
        tpu.vector_store %arg9[%swap3A_174, %swap3A_175], %gather3A_173 {strides = array<i32>} : memref<16x64xf32, #tpu.memory_space<vmem>>, vector<16xf32>,
        %iota3A_177 = tpu.iota {dimensions = array<i32: 0>} : vector<16xi32>
        %add3A_178 = arith.constant 48 : i32
        %add3A_179 = vector.broadcast %add3A_178 : i32 to vector<16xi32>
        %add3A_180 = arith.addi %iota3A_177, %add3A_179 : vector<16xi32>
        %gather3A_181 = arith.constant 0 : i32
        %gather3A_182 = arith.constant 0 : i32
        %gather3A_183 = arith.constant 0 : i32
        %gather3A_184 = tpu.memref_slice %arg7[%gather3A_181, %gather3A_182, %gather3A_183] : memref<2x64x256xf32, #tpu.memory_space<vmem>> -> memref<2x64x256xf32, #tpu.memory_space<vmem>>
        %gather3A_185 = tpu.vector_load_idx %gather3A_184[%broadcast_in_dim3A_54, %add3A_180, %add3A_134] : memref<2x64x256xf32, #tpu.memory_space<vmem>>[vector<16xi32>, vector<16xi32>, vector<16xi32>], vector<16xf32>,
        %swap3A_186 = arith.index_cast %rem3A_136 : i32 to index
        %swap3A_187 = arith.constant 48 : index
        %swap3A_188 = tpu.vector_load %arg9[%swap3A_186, %swap3A_187] {strides = array<i32>} : memref<16x64xf32, #tpu.memory_space<vmem>>, vector<16xf32>,
        tpu.vector_store %arg9[%swap3A_186, %swap3A_187], %gather3A_185 {strides = array<i32>} : memref<16x64xf32, #tpu.memory_space<vmem>>, vector<16xf32>,
        %dma_start3A = arith.constant 0 : i32
        %dma_start3A_189 = tpu.memref_slice %arg9[%rem3A_136, %dma_start3A] : memref<16x64xf32, #tpu.memory_space<vmem>> -> memref<1x64xf32, #tpu.memory_space<vmem>>
        %dma_start3A_190 = tpu.memref_squeeze %dma_start3A_189 : memref<1x64xf32, #tpu.memory_space<vmem>> -> memref<64xf32, #tpu.memory_space<vmem>>
        %dma_start3A_191 = arith.constant 0 : i32
        %dma_start3A_192 = tpu.memref_slice %arg4[%and3A_127, %dma_start3A_191] : memref<16384x64xf32, #tpu.memory_space<hbm>> -> memref<1x64xf32, #tpu.memory_space<hbm>>
        %dma_start3A_193 = tpu.memref_squeeze %dma_start3A_192 : memref<1x64xf32, #tpu.memory_space<hbm>> -> memref<64xf32, #tpu.memory_space<hbm>>
        %dma_start3A_194 = arith.constant 0 : i32
        %dma_start3A_195 = tpu.memref_slice %arg4[%and3A_127, %dma_start3A_194] : memref<16384x64xf32, #tpu.memory_space<hbm>> -> memref<1x64xf32, #tpu.memory_space<hbm>>
        %dma_start3A_196 = tpu.memref_squeeze %dma_start3A_195 : memref<1x64xf32, #tpu.memory_space<hbm>> -> memref<64xf32, #tpu.memory_space<hbm>>
        %dma_start3A_197 = arith.constant 0 : i32
        %dma_start3A_198 = tpu.memref_slice %arg9[%rem3A_136, %dma_start3A_197] : memref<16x64xf32, #tpu.memory_space<vmem>> -> memref<1x64xf32, #tpu.memory_space<vmem>>
        %dma_start3A_199 = tpu.memref_squeeze %dma_start3A_198 : memref<1x64xf32, #tpu.memory_space<vmem>> -> memref<64xf32, #tpu.memory_space<vmem>>
        tpu.enqueue_dma source(%dma_start3A_199 : memref<64xf32, #tpu.memory_space<vmem>>) target(%dma_start3A_196 : memref<64xf32, #tpu.memory_space<hbm>>) target_semaphore(%arg17 : memref<!tpu.dma_semaphore, #tpu.memory_space<semaphore_mem>>)
        %add3A_200 = arith.constant 1 : i32
        %add3A_201 = arith.addi %while3A_117, %add3A_200 : i32
        scf.yield %add3A_201 : i32
      }
      %while3A_114 = arith.constant 1 : i32
      %while3A_115 = scf.for %while3A_116 = %while3A_111 to %while3A_107 step %while3A_114 iter_args(%while3A_117 = %while3A_113) -> (i32)  : i32 {
        %broadcast_in_dim3A_118 = arith.constant 0 : i32
        %broadcast_in_dim3A_119 = vector.broadcast %broadcast_in_dim3A_118 : i32 to vector<16xi32>
        %add3A_120 = vector.broadcast %while3A_116 : i32 to vector<16xi32>
        %add3A_121 = arith.addi %broadcast_in_dim3A_119, %add3A_120 : vector<16xi32>
        %gather3A = arith.constant 0 : i32
        %gather3A_122 = tpu.memref_slice %arg8[%gather3A] : memref<16xi32, #tpu.memory_space<vmem>> -> memref<16xi32, #tpu.memory_space<vmem>>
        %gather3A_123 = tpu.vector_load_idx %gather3A_122[%add3A_121] : memref<16xi32, #tpu.memory_space<vmem>>[vector<16xi32>], vector<16xi32>,
        %slice3A_124 = vector.extract_strided_slice %gather3A_123 {offsets = [0], sizes = [1], strides = [1]} : vector<16xi32> to vector<1xi32>
        %squeeze3A_125 = vector.extract %slice3A_124[0] : i32 from vector<1xi32>
        %and3A_126 = arith.constant 16383 : i32
        %and3A_127 = arith.andi %squeeze3A_125, %and3A_126 : i32
        %broadcast_in_dim3A_128 = arith.constant 0 : i32
        %broadcast_in_dim3A_129 = vector.broadcast %broadcast_in_dim3A_128 : i32 to vector<16xi32>
        %shift_right_logical3A_130 = arith.constant 14 : i32
        %shift_right_logical3A_131 = arith.shrui %squeeze3A_125, %shift_right_logical3A_130 : i32
        %sub3A_132 = arith.subi %shift_right_logical3A_131, %while3A_55 : i32
        %add3A_133 = vector.broadcast %sub3A_132 : i32 to vector<16xi32>
        %add3A_134 = arith.addi %broadcast_in_dim3A_129, %add3A_133 : vector<16xi32>
        %rem3A_135 = arith.constant 16 : i32
        %rem3A_136 = arith.remsi %while3A_117, %rem3A_135 : i32
        %ge3A_137 = arith.constant 16 : i32
        %ge3A_138 = arith.cmpi sge, %while3A_117, %ge3A_137 : i32
        %convert_element_type3A_139 = arith.extui %ge3A_138 : i1 to i32
        %cond3A_140 = arith.constant 0 : i32
        %cond3A_141 = arith.cmpi ne, %convert_element_type3A_139, %cond3A_140 : i32
        scf.if %cond3A_141 {
          %dma_wait3A = arith.constant 0 : i32
          %dma_wait3A_202 = arith.constant 0 : i32
          %dma_wait3A_203 = arith.constant 0 : i32
          %dma_wait3A_204 = tpu.memref_slice %arg9[%dma_wait3A_202, %dma_wait3A_203] : memref<16x64xf32, #tpu.memory_space<vmem>> -> memref<1x64xf32, #tpu.memory_space<vmem>>
          %dma_wait3A_205 = tpu.memref_squeeze %dma_wait3A_204 : memref<1x64xf32, #tpu.memory_space<vmem>> -> memref<64xf32, #tpu.memory_space<vmem>>
          %dma_wait3A_206 = arith.constant 0 : i32
          %dma_wait3A_207 = tpu.memref_slice %arg4[%dma_wait3A, %dma_wait3A_206] : memref<16384x64xf32, #tpu.memory_space<hbm>> -> memref<1x64xf32, #tpu.memory_space<hbm>>
          %dma_wait3A_208 = tpu.memref_squeeze %dma_wait3A_207 : memref<1x64xf32, #tpu.memory_space<hbm>> -> memref<64xf32, #tpu.memory_space<hbm>>
          %dma_wait3A_209 = arith.constant 0 : i32
          %dma_wait3A_210 = tpu.memref_slice %arg9[%dma_wait3A_202, %dma_wait3A_209] : memref<16x64xf32, #tpu.memory_space<vmem>> -> memref<1x64xf32, #tpu.memory_space<vmem>>
          %dma_wait3A_211 = tpu.memref_squeeze %dma_wait3A_210 : memref<1x64xf32, #tpu.memory_space<vmem>> -> memref<64xf32, #tpu.memory_space<vmem>>
          %dma_wait3A_212 = arith.constant 0 : i32
          %dma_wait3A_213 = tpu.memref_slice %arg4[%dma_wait3A, %dma_wait3A_212] : memref<16384x64xf32, #tpu.memory_space<hbm>> -> memref<1x64xf32, #tpu.memory_space<hbm>>
          %dma_wait3A_214 = tpu.memref_squeeze %dma_wait3A_213 : memref<1x64xf32, #tpu.memory_space<hbm>> -> memref<64xf32, #tpu.memory_space<hbm>>
          tpu.wait_dma2 semaphore(%arg17 : memref<!tpu.dma_semaphore, #tpu.memory_space<semaphore_mem>>) src(%dma_wait3A_214 : memref<64xf32, #tpu.memory_space<hbm>>) dst(%dma_wait3A_211 : memref<64xf32, #tpu.memory_space<vmem>>)
        } else {
        }
        %iota3A = tpu.iota {dimensions = array<i32: 0>} : vector<16xi32>
        %add3A_142 = arith.constant 0 : i32
        %add3A_143 = vector.broadcast %add3A_142 : i32 to vector<16xi32>
        %add3A_144 = arith.addi %iota3A, %add3A_143 : vector<16xi32>
        %gather3A_145 = arith.constant 0 : i32
        %gather3A_146 = arith.constant 0 : i32
        %gather3A_147 = arith.constant 0 : i32
        %gather3A_148 = tpu.memref_slice %arg7[%gather3A_145, %gather3A_146, %gather3A_147] : memref<2x64x256xf32, #tpu.memory_space<vmem>> -> memref<2x64x256xf32, #tpu.memory_space<vmem>>
        %gather3A_149 = tpu.vector_load_idx %gather3A_148[%broadcast_in_dim3A_54, %add3A_144, %add3A_134] : memref<2x64x256xf32, #tpu.memory_space<vmem>>[vector<16xi32>, vector<16xi32>, vector<16xi32>], vector<16xf32>,
        %swap3A_150 = arith.index_cast %rem3A_136 : i32 to index
        %swap3A_151 = arith.constant 0 : index
        %swap3A_152 = tpu.vector_load %arg9[%swap3A_150, %swap3A_151] {strides = array<i32>} : memref<16x64xf32, #tpu.memory_space<vmem>>, vector<16xf32>,
        tpu.vector_store %arg9[%swap3A_150, %swap3A_151], %gather3A_149 {strides = array<i32>} : memref<16x64xf32, #tpu.memory_space<vmem>>, vector<16xf32>,
        %iota3A_153 = tpu.iota {dimensions = array<i32: 0>} : vector<16xi32>
        %add3A_154 = arith.constant 16 : i32
        %add3A_155 = vector.broadcast %add3A_154 : i32 to vector<16xi32>
        %add3A_156 = arith.addi %iota3A_153, %add3A_155 : vector<16xi32>
        %gather3A_157 = arith.constant 0 : i32
        %gather3A_158 = arith.constant 0 : i32
        %gather3A_159 = arith.constant 0 : i32
        %gather3A_160 = tpu.memref_slice %arg7[%gather3A_157, %gather3A_158, %gather3A_159] : memref<2x64x256xf32, #tpu.memory_space<vmem>> -> memref<2x64x256xf32, #tpu.memory_space<vmem>>
        %gather3A_161 = tpu.vector_load_idx %gather3A_160[%broadcast_in_dim3A_54, %add3A_156, %add3A_134] : memref<2x64x256xf32, #tpu.memory_space<vmem>>[vector<16xi32>, vector<16xi32>, vector<16xi32>], vector<16xf32>,
        %swap3A_162 = arith.index_cast %rem3A_136 : i32 to index
        %swap3A_163 = arith.constant 16 : index
        %swap3A_164 = tpu.vector_load %arg9[%swap3A_162, %swap3A_163] {strides = array<i32>} : memref<16x64xf32, #tpu.memory_space<vmem>>, vector<16xf32>,
        tpu.vector_store %arg9[%swap3A_162, %swap3A_163], %gather3A_161 {strides = array<i32>} : memref<16x64xf32, #tpu.memory_space<vmem>>, vector<16xf32>,
        %iota3A_165 = tpu.iota {dimensions = array<i32: 0>} : vector<16xi32>
        %add3A_166 = arith.constant 32 : i32
        %add3A_167 = vector.broadcast %add3A_166 : i32 to vector<16xi32>
        %add3A_168 = arith.addi %iota3A_165, %add3A_167 : vector<16xi32>
        %gather3A_169 = arith.constant 0 : i32
        %gather3A_170 = arith.constant 0 : i32
        %gather3A_171 = arith.constant 0 : i32
        %gather3A_172 = tpu.memref_slice %arg7[%gather3A_169, %gather3A_170, %gather3A_171] : memref<2x64x256xf32, #tpu.memory_space<vmem>> -> memref<2x64x256xf32, #tpu.memory_space<vmem>>
        %gather3A_173 = tpu.vector_load_idx %gather3A_172[%broadcast_in_dim3A_54, %add3A_168, %add3A_134] : memref<2x64x256xf32, #tpu.memory_space<vmem>>[vector<16xi32>, vector<16xi32>, vector<16xi32>], vector<16xf32>,
        %swap3A_174 = arith.index_cast %rem3A_136 : i32 to index
        %swap3A_175 = arith.constant 32 : index
        %swap3A_176 = tpu.vector_load %arg9[%swap3A_174, %swap3A_175] {strides = array<i32>} : memref<16x64xf32, #tpu.memory_space<vmem>>, vector<16xf32>,
        tpu.vector_store %arg9[%swap3A_174, %swap3A_175], %gather3A_173 {strides = array<i32>} : memref<16x64xf32, #tpu.memory_space<vmem>>, vector<16xf32>,
        %iota3A_177 = tpu.iota {dimensions = array<i32: 0>} : vector<16xi32>
        %add3A_178 = arith.constant 48 : i32
        %add3A_179 = vector.broadcast %add3A_178 : i32 to vector<16xi32>
        %add3A_180 = arith.addi %iota3A_177, %add3A_179 : vector<16xi32>
        %gather3A_181 = arith.constant 0 : i32
        %gather3A_182 = arith.constant 0 : i32
        %gather3A_183 = arith.constant 0 : i32
        %gather3A_184 = tpu.memref_slice %arg7[%gather3A_181, %gather3A_182, %gather3A_183] : memref<2x64x256xf32, #tpu.memory_space<vmem>> -> memref<2x64x256xf32, #tpu.memory_space<vmem>>
        %gather3A_185 = tpu.vector_load_idx %gather3A_184[%broadcast_in_dim3A_54, %add3A_180, %add3A_134] : memref<2x64x256xf32, #tpu.memory_space<vmem>>[vector<16xi32>, vector<16xi32>, vector<16xi32>], vector<16xf32>,
        %swap3A_186 = arith.index_cast %rem3A_136 : i32 to index
        %swap3A_187 = arith.constant 48 : index
        %swap3A_188 = tpu.vector_load %arg9[%swap3A_186, %swap3A_187] {strides = array<i32>} : memref<16x64xf32, #tpu.memory_space<vmem>>, vector<16xf32>,
        tpu.vector_store %arg9[%swap3A_186, %swap3A_187], %gather3A_185 {strides = array<i32>} : memref<16x64xf32, #tpu.memory_space<vmem>>, vector<16xf32>,
        %dma_start3A = arith.constant 0 : i32
        %dma_start3A_189 = tpu.memref_slice %arg9[%rem3A_136, %dma_start3A] : memref<16x64xf32, #tpu.memory_space<vmem>> -> memref<1x64xf32, #tpu.memory_space<vmem>>
        %dma_start3A_190 = tpu.memref_squeeze %dma_start3A_189 : memref<1x64xf32, #tpu.memory_space<vmem>> -> memref<64xf32, #tpu.memory_space<vmem>>
        %dma_start3A_191 = arith.constant 0 : i32
        %dma_start3A_192 = tpu.memref_slice %arg4[%and3A_127, %dma_start3A_191] : memref<16384x64xf32, #tpu.memory_space<hbm>> -> memref<1x64xf32, #tpu.memory_space<hbm>>
        %dma_start3A_193 = tpu.memref_squeeze %dma_start3A_192 : memref<1x64xf32, #tpu.memory_space<hbm>> -> memref<64xf32, #tpu.memory_space<hbm>>
        %dma_start3A_194 = arith.constant 0 : i32
        %dma_start3A_195 = tpu.memref_slice %arg4[%and3A_127, %dma_start3A_194] : memref<16384x64xf32, #tpu.memory_space<hbm>> -> memref<1x64xf32, #tpu.memory_space<hbm>>
        %dma_start3A_196 = tpu.memref_squeeze %dma_start3A_195 : memref<1x64xf32, #tpu.memory_space<hbm>> -> memref<64xf32, #tpu.memory_space<hbm>>
        %dma_start3A_197 = arith.constant 0 : i32
        %dma_start3A_198 = tpu.memref_slice %arg9[%rem3A_136, %dma_start3A_197] : memref<16x64xf32, #tpu.memory_space<vmem>> -> memref<1x64xf32, #tpu.memory_space<vmem>>
        %dma_start3A_199 = tpu.memref_squeeze %dma_start3A_198 : memref<1x64xf32, #tpu.memory_space<vmem>> -> memref<64xf32, #tpu.memory_space<vmem>>
        tpu.enqueue_dma source(%dma_start3A_199 : memref<64xf32, #tpu.memory_space<vmem>>) target(%dma_start3A_196 : memref<64xf32, #tpu.memory_space<hbm>>) target_semaphore(%arg17 : memref<!tpu.dma_semaphore, #tpu.memory_space<semaphore_mem>>)
        %add3A_200 = arith.constant 1 : i32
        %add3A_201 = arith.addi %while3A_117, %add3A_200 : i32
        scf.yield %add3A_201 : i32
      }
      scf.yield %while3A_115 : i32
    }
    %while3A_65 = arith.constant 1 : i32
    %while3A_66 = scf.for %while3A_92 = %while3A_62 to %while3A_58 step %while3A_65 iter_args(%while3A_93 = %while3A_64) -> (i32)  : i32 {
      %mul3A_94 = arith.constant 16 : i32
      %mul3A_95 = arith.muli %while3A_92, %mul3A_94 : i32
      %get3A = arith.index_cast %mul3A_95 : i32 to index
      %get3A_96 = tpu.vector_load %arg6[%get3A] {strides = array<i32>} : memref<16400xi32, #tpu.memory_space<vmem>>, vector<16xi32>,
      %shift_right_logical3A = arith.constant 14 : i32
      %shift_right_logical3A_97 = vector.broadcast %shift_right_logical3A : i32 to vector<16xi32>
      %shift_right_logical3A_98 = arith.shrui %get3A_96, %shift_right_logical3A_97 : vector<16xi32>
      %ge3A = vector.broadcast %while3A_55 : i32 to vector<16xi32>
      %ge3A_99 = arith.cmpi sge, %shift_right_logical3A_98, %ge3A : vector<16xi32>
      %add3A_100 = arith.constant 256 : i32
      %add3A_101 = arith.addi %while3A_55, %add3A_100 : i32
      %lt3A = vector.broadcast %add3A_101 : i32 to vector<16xi32>
      %lt3A_102 = arith.cmpi slt, %shift_right_logical3A_98, %lt3A : vector<16xi32>
      %and3A_103 = arith.andi %ge3A_99, %lt3A_102 : vector<16xi1>
      %swap3A = arith.constant 0 : index
      %swap3A_104 = tpu.vector_load %arg8[%swap3A] masked %and3A_103 {strides = array<i32>} : memref<16xi32, #tpu.memory_space<vmem>>, vector<16xi32>, vector<16xi1>
      tpu.vector_store %arg8[%swap3A], %get3A_96 masked %and3A_103 {strides = array<i32>} : memref<16xi32, #tpu.memory_space<vmem>>, vector<16xi32>, vector<16xi1>
      %all_reduce_population_count3A = tpu.all_reduce %and3A_103 {dim = 0 : i64, kind = #tpu.reduction_kind<sum>} : vector<16xi1> -> vector<16xi32>
      %slice3A = vector.extract_strided_slice %all_reduce_population_count3A {offsets = [0], sizes = [1], strides = [1]} : vector<16xi32> to vector<1xi32>
      %squeeze3A = vector.extract %slice3A[0] : i32 from vector<1xi32>
      %while3A_105 = arith.constant 0 : i32
      %while3A_106 = arith.subi %squeeze3A, %while3A_105 : i32
      %while3A_107 = arith.addi %while3A_105, %while3A_106 : i32
      %while3A_108 = arith.constant 1 : i32
      %while3A_109 = arith.divsi %while3A_106, %while3A_108 : i32
      %while3A_110 = arith.muli %while3A_109, %while3A_108 : i32
      %while3A_111 = arith.addi %while3A_105, %while3A_110 : i32
      %while3A_112 = arith.constant 1 : i32
      %while3A_113 = scf.for %while3A_116 = %while3A_105 to %while3A_111 step %while3A_112 iter_args(%while3A_117 = %while3A_93) -> (i32)  : i32 {
        %broadcast_in_dim3A_118 = arith.constant 0 : i32
        %broadcast_in_dim3A_119 = vector.broadcast %broadcast_in_dim3A_118 : i32 to vector<16xi32>
        %add3A_120 = vector.broadcast %while3A_116 : i32 to vector<16xi32>
        %add3A_121 = arith.addi %broadcast_in_dim3A_119, %add3A_120 : vector<16xi32>
        %gather3A = arith.constant 0 : i32
        %gather3A_122 = tpu.memref_slice %arg8[%gather3A] : memref<16xi32, #tpu.memory_space<vmem>> -> memref<16xi32, #tpu.memory_space<vmem>>
        %gather3A_123 = tpu.vector_load_idx %gather3A_122[%add3A_121] : memref<16xi32, #tpu.memory_space<vmem>>[vector<16xi32>], vector<16xi32>,
        %slice3A_124 = vector.extract_strided_slice %gather3A_123 {offsets = [0], sizes = [1], strides = [1]} : vector<16xi32> to vector<1xi32>
        %squeeze3A_125 = vector.extract %slice3A_124[0] : i32 from vector<1xi32>
        %and3A_126 = arith.constant 16383 : i32
        %and3A_127 = arith.andi %squeeze3A_125, %and3A_126 : i32
        %broadcast_in_dim3A_128 = arith.constant 0 : i32
        %broadcast_in_dim3A_129 = vector.broadcast %broadcast_in_dim3A_128 : i32 to vector<16xi32>
        %shift_right_logical3A_130 = arith.constant 14 : i32
        %shift_right_logical3A_131 = arith.shrui %squeeze3A_125, %shift_right_logical3A_130 : i32
        %sub3A_132 = arith.subi %shift_right_logical3A_131, %while3A_55 : i32
        %add3A_133 = vector.broadcast %sub3A_132 : i32 to vector<16xi32>
        %add3A_134 = arith.addi %broadcast_in_dim3A_129, %add3A_133 : vector<16xi32>
        %rem3A_135 = arith.constant 16 : i32
        %rem3A_136 = arith.remsi %while3A_117, %rem3A_135 : i32
        %ge3A_137 = arith.constant 16 : i32
        %ge3A_138 = arith.cmpi sge, %while3A_117, %ge3A_137 : i32
        %convert_element_type3A_139 = arith.extui %ge3A_138 : i1 to i32
        %cond3A_140 = arith.constant 0 : i32
        %cond3A_141 = arith.cmpi ne, %convert_element_type3A_139, %cond3A_140 : i32
        scf.if %cond3A_141 {
          %dma_wait3A = arith.constant 0 : i32
          %dma_wait3A_202 = arith.constant 0 : i32
          %dma_wait3A_203 = arith.constant 0 : i32
          %dma_wait3A_204 = tpu.memref_slice %arg9[%dma_wait3A_202, %dma_wait3A_203] : memref<16x64xf32, #tpu.memory_space<vmem>> -> memref<1x64xf32, #tpu.memory_space<vmem>>
          %dma_wait3A_205 = tpu.memref_squeeze %dma_wait3A_204 : memref<1x64xf32, #tpu.memory_space<vmem>> -> memref<64xf32, #tpu.memory_space<vmem>>
          %dma_wait3A_206 = arith.constant 0 : i32
          %dma_wait3A_207 = tpu.memref_slice %arg4[%dma_wait3A, %dma_wait3A_206] : memref<16384x64xf32, #tpu.memory_space<hbm>> -> memref<1x64xf32, #tpu.memory_space<hbm>>
          %dma_wait3A_208 = tpu.memref_squeeze %dma_wait3A_207 : memref<1x64xf32, #tpu.memory_space<hbm>> -> memref<64xf32, #tpu.memory_space<hbm>>
          %dma_wait3A_209 = arith.constant 0 : i32
          %dma_wait3A_210 = tpu.memref_slice %arg9[%dma_wait3A_202, %dma_wait3A_209] : memref<16x64xf32, #tpu.memory_space<vmem>> -> memref<1x64xf32, #tpu.memory_space<vmem>>
          %dma_wait3A_211 = tpu.memref_squeeze %dma_wait3A_210 : memref<1x64xf32, #tpu.memory_space<vmem>> -> memref<64xf32, #tpu.memory_space<vmem>>
          %dma_wait3A_212 = arith.constant 0 : i32
          %dma_wait3A_213 = tpu.memref_slice %arg4[%dma_wait3A, %dma_wait3A_212] : memref<16384x64xf32, #tpu.memory_space<hbm>> -> memref<1x64xf32, #tpu.memory_space<hbm>>
          %dma_wait3A_214 = tpu.memref_squeeze %dma_wait3A_213 : memref<1x64xf32, #tpu.memory_space<hbm>> -> memref<64xf32, #tpu.memory_space<hbm>>
          tpu.wait_dma2 semaphore(%arg17 : memref<!tpu.dma_semaphore, #tpu.memory_space<semaphore_mem>>) src(%dma_wait3A_214 : memref<64xf32, #tpu.memory_space<hbm>>) dst(%dma_wait3A_211 : memref<64xf32, #tpu.memory_space<vmem>>)
        } else {
        }
        %iota3A = tpu.iota {dimensions = array<i32: 0>} : vector<16xi32>
        %add3A_142 = arith.constant 0 : i32
        %add3A_143 = vector.broadcast %add3A_142 : i32 to vector<16xi32>
        %add3A_144 = arith.addi %iota3A, %add3A_143 : vector<16xi32>
        %gather3A_145 = arith.constant 0 : i32
        %gather3A_146 = arith.constant 0 : i32
        %gather3A_147 = arith.constant 0 : i32
        %gather3A_148 = tpu.memref_slice %arg7[%gather3A_145, %gather3A_146, %gather3A_147] : memref<2x64x256xf32, #tpu.memory_space<vmem>> -> memref<2x64x256xf32, #tpu.memory_space<vmem>>
        %gather3A_149 = tpu.vector_load_idx %gather3A_148[%broadcast_in_dim3A_54, %add3A_144, %add3A_134] : memref<2x64x256xf32, #tpu.memory_space<vmem>>[vector<16xi32>, vector<16xi32>, vector<16xi32>], vector<16xf32>,
        %swap3A_150 = arith.index_cast %rem3A_136 : i32 to index
        %swap3A_151 = arith.constant 0 : index
        %swap3A_152 = tpu.vector_load %arg9[%swap3A_150, %swap3A_151] {strides = array<i32>} : memref<16x64xf32, #tpu.memory_space<vmem>>, vector<16xf32>,
        tpu.vector_store %arg9[%swap3A_150, %swap3A_151], %gather3A_149 {strides = array<i32>} : memref<16x64xf32, #tpu.memory_space<vmem>>, vector<16xf32>,
        %iota3A_153 = tpu.iota {dimensions = array<i32: 0>} : vector<16xi32>
        %add3A_154 = arith.constant 16 : i32
        %add3A_155 = vector.broadcast %add3A_154 : i32 to vector<16xi32>
        %add3A_156 = arith.addi %iota3A_153, %add3A_155 : vector<16xi32>
        %gather3A_157 = arith.constant 0 : i32
        %gather3A_158 = arith.constant 0 : i32
        %gather3A_159 = arith.constant 0 : i32
        %gather3A_160 = tpu.memref_slice %arg7[%gather3A_157, %gather3A_158, %gather3A_159] : memref<2x64x256xf32, #tpu.memory_space<vmem>> -> memref<2x64x256xf32, #tpu.memory_space<vmem>>
        %gather3A_161 = tpu.vector_load_idx %gather3A_160[%broadcast_in_dim3A_54, %add3A_156, %add3A_134] : memref<2x64x256xf32, #tpu.memory_space<vmem>>[vector<16xi32>, vector<16xi32>, vector<16xi32>], vector<16xf32>,
        %swap3A_162 = arith.index_cast %rem3A_136 : i32 to index
        %swap3A_163 = arith.constant 16 : index
        %swap3A_164 = tpu.vector_load %arg9[%swap3A_162, %swap3A_163] {strides = array<i32>} : memref<16x64xf32, #tpu.memory_space<vmem>>, vector<16xf32>,
        tpu.vector_store %arg9[%swap3A_162, %swap3A_163], %gather3A_161 {strides = array<i32>} : memref<16x64xf32, #tpu.memory_space<vmem>>, vector<16xf32>,
        %iota3A_165 = tpu.iota {dimensions = array<i32: 0>} : vector<16xi32>
        %add3A_166 = arith.constant 32 : i32
        %add3A_167 = vector.broadcast %add3A_166 : i32 to vector<16xi32>
        %add3A_168 = arith.addi %iota3A_165, %add3A_167 : vector<16xi32>
        %gather3A_169 = arith.constant 0 : i32
        %gather3A_170 = arith.constant 0 : i32
        %gather3A_171 = arith.constant 0 : i32
        %gather3A_172 = tpu.memref_slice %arg7[%gather3A_169, %gather3A_170, %gather3A_171] : memref<2x64x256xf32, #tpu.memory_space<vmem>> -> memref<2x64x256xf32, #tpu.memory_space<vmem>>
        %gather3A_173 = tpu.vector_load_idx %gather3A_172[%broadcast_in_dim3A_54, %add3A_168, %add3A_134] : memref<2x64x256xf32, #tpu.memory_space<vmem>>[vector<16xi32>, vector<16xi32>, vector<16xi32>], vector<16xf32>,
        %swap3A_174 = arith.index_cast %rem3A_136 : i32 to index
        %swap3A_175 = arith.constant 32 : index
        %swap3A_176 = tpu.vector_load %arg9[%swap3A_174, %swap3A_175] {strides = array<i32>} : memref<16x64xf32, #tpu.memory_space<vmem>>, vector<16xf32>,
        tpu.vector_store %arg9[%swap3A_174, %swap3A_175], %gather3A_173 {strides = array<i32>} : memref<16x64xf32, #tpu.memory_space<vmem>>, vector<16xf32>,
        %iota3A_177 = tpu.iota {dimensions = array<i32: 0>} : vector<16xi32>
        %add3A_178 = arith.constant 48 : i32
        %add3A_179 = vector.broadcast %add3A_178 : i32 to vector<16xi32>
        %add3A_180 = arith.addi %iota3A_177, %add3A_179 : vector<16xi32>
        %gather3A_181 = arith.constant 0 : i32
        %gather3A_182 = arith.constant 0 : i32
        %gather3A_183 = arith.constant 0 : i32
        %gather3A_184 = tpu.memref_slice %arg7[%gather3A_181, %gather3A_182, %gather3A_183] : memref<2x64x256xf32, #tpu.memory_space<vmem>> -> memref<2x64x256xf32, #tpu.memory_space<vmem>>
        %gather3A_185 = tpu.vector_load_idx %gather3A_184[%broadcast_in_dim3A_54, %add3A_180, %add3A_134] : memref<2x64x256xf32, #tpu.memory_space<vmem>>[vector<16xi32>, vector<16xi32>, vector<16xi32>], vector<16xf32>,
        %swap3A_186 = arith.index_cast %rem3A_136 : i32 to index
        %swap3A_187 = arith.constant 48 : index
        %swap3A_188 = tpu.vector_load %arg9[%swap3A_186, %swap3A_187] {strides = array<i32>} : memref<16x64xf32, #tpu.memory_space<vmem>>, vector<16xf32>,
        tpu.vector_store %arg9[%swap3A_186, %swap3A_187], %gather3A_185 {strides = array<i32>} : memref<16x64xf32, #tpu.memory_space<vmem>>, vector<16xf32>,
        %dma_start3A = arith.constant 0 : i32
        %dma_start3A_189 = tpu.memref_slice %arg9[%rem3A_136, %dma_start3A] : memref<16x64xf32, #tpu.memory_space<vmem>> -> memref<1x64xf32, #tpu.memory_space<vmem>>
        %dma_start3A_190 = tpu.memref_squeeze %dma_start3A_189 : memref<1x64xf32, #tpu.memory_space<vmem>> -> memref<64xf32, #tpu.memory_space<vmem>>
        %dma_start3A_191 = arith.constant 0 : i32
        %dma_start3A_192 = tpu.memref_slice %arg4[%and3A_127, %dma_start3A_191] : memref<16384x64xf32, #tpu.memory_space<hbm>> -> memref<1x64xf32, #tpu.memory_space<hbm>>
        %dma_start3A_193 = tpu.memref_squeeze %dma_start3A_192 : memref<1x64xf32, #tpu.memory_space<hbm>> -> memref<64xf32, #tpu.memory_space<hbm>>
        %dma_start3A_194 = arith.constant 0 : i32
        %dma_start3A_195 = tpu.memref_slice %arg4[%and3A_127, %dma_start3A_194] : memref<16384x64xf32, #tpu.memory_space<hbm>> -> memref<1x64xf32, #tpu.memory_space<hbm>>
        %dma_start3A_196 = tpu.memref_squeeze %dma_start3A_195 : memref<1x64xf32, #tpu.memory_space<hbm>> -> memref<64xf32, #tpu.memory_space<hbm>>
        %dma_start3A_197 = arith.constant 0 : i32
        %dma_start3A_198 = tpu.memref_slice %arg9[%rem3A_136, %dma_start3A_197] : memref<16x64xf32, #tpu.memory_space<vmem>> -> memref<1x64xf32, #tpu.memory_space<vmem>>
        %dma_start3A_199 = tpu.memref_squeeze %dma_start3A_198 : memref<1x64xf32, #tpu.memory_space<vmem>> -> memref<64xf32, #tpu.memory_space<vmem>>
        tpu.enqueue_dma source(%dma_start3A_199 : memref<64xf32, #tpu.memory_space<vmem>>) target(%dma_start3A_196 : memref<64xf32, #tpu.memory_space<hbm>>) target_semaphore(%arg17 : memref<!tpu.dma_semaphore, #tpu.memory_space<semaphore_mem>>)
        %add3A_200 = arith.constant 1 : i32
        %add3A_201 = arith.addi %while3A_117, %add3A_200 : i32
        scf.yield %add3A_201 : i32
      }
      %while3A_114 = arith.constant 1 : i32
      %while3A_115 = scf.for %while3A_116 = %while3A_111 to %while3A_107 step %while3A_114 iter_args(%while3A_117 = %while3A_113) -> (i32)  : i32 {
        %broadcast_in_dim3A_118 = arith.constant 0 : i32
        %broadcast_in_dim3A_119 = vector.broadcast %broadcast_in_dim3A_118 : i32 to vector<16xi32>
        %add3A_120 = vector.broadcast %while3A_116 : i32 to vector<16xi32>
        %add3A_121 = arith.addi %broadcast_in_dim3A_119, %add3A_120 : vector<16xi32>
        %gather3A = arith.constant 0 : i32
        %gather3A_122 = tpu.memref_slice %arg8[%gather3A] : memref<16xi32, #tpu.memory_space<vmem>> -> memref<16xi32, #tpu.memory_space<vmem>>
        %gather3A_123 = tpu.vector_load_idx %gather3A_122[%add3A_121] : memref<16xi32, #tpu.memory_space<vmem>>[vector<16xi32>], vector<16xi32>,
        %slice3A_124 = vector.extract_strided_slice %gather3A_123 {offsets = [0], sizes = [1], strides = [1]} : vector<16xi32> to vector<1xi32>
        %squeeze3A_125 = vector.extract %slice3A_124[0] : i32 from vector<1xi32>
        %and3A_126 = arith.constant 16383 : i32
        %and3A_127 = arith.andi %squeeze3A_125, %and3A_126 : i32
        %broadcast_in_dim3A_128 = arith.constant 0 : i32
        %broadcast_in_dim3A_129 = vector.broadcast %broadcast_in_dim3A_128 : i32 to vector<16xi32>
        %shift_right_logical3A_130 = arith.constant 14 : i32
        %shift_right_logical3A_131 = arith.shrui %squeeze3A_125, %shift_right_logical3A_130 : i32
        %sub3A_132 = arith.subi %shift_right_logical3A_131, %while3A_55 : i32
        %add3A_133 = vector.broadcast %sub3A_132 : i32 to vector<16xi32>
        %add3A_134 = arith.addi %broadcast_in_dim3A_129, %add3A_133 : vector<16xi32>
        %rem3A_135 = arith.constant 16 : i32
        %rem3A_136 = arith.remsi %while3A_117, %rem3A_135 : i32
        %ge3A_137 = arith.constant 16 : i32
        %ge3A_138 = arith.cmpi sge, %while3A_117, %ge3A_137 : i32
        %convert_element_type3A_139 = arith.extui %ge3A_138 : i1 to i32
        %cond3A_140 = arith.constant 0 : i32
        %cond3A_141 = arith.cmpi ne, %convert_element_type3A_139, %cond3A_140 : i32
        scf.if %cond3A_141 {
          %dma_wait3A = arith.constant 0 : i32
          %dma_wait3A_202 = arith.constant 0 : i32
          %dma_wait3A_203 = arith.constant 0 : i32
          %dma_wait3A_204 = tpu.memref_slice %arg9[%dma_wait3A_202, %dma_wait3A_203] : memref<16x64xf32, #tpu.memory_space<vmem>> -> memref<1x64xf32, #tpu.memory_space<vmem>>
          %dma_wait3A_205 = tpu.memref_squeeze %dma_wait3A_204 : memref<1x64xf32, #tpu.memory_space<vmem>> -> memref<64xf32, #tpu.memory_space<vmem>>
          %dma_wait3A_206 = arith.constant 0 : i32
          %dma_wait3A_207 = tpu.memref_slice %arg4[%dma_wait3A, %dma_wait3A_206] : memref<16384x64xf32, #tpu.memory_space<hbm>> -> memref<1x64xf32, #tpu.memory_space<hbm>>
          %dma_wait3A_208 = tpu.memref_squeeze %dma_wait3A_207 : memref<1x64xf32, #tpu.memory_space<hbm>> -> memref<64xf32, #tpu.memory_space<hbm>>
          %dma_wait3A_209 = arith.constant 0 : i32
          %dma_wait3A_210 = tpu.memref_slice %arg9[%dma_wait3A_202, %dma_wait3A_209] : memref<16x64xf32, #tpu.memory_space<vmem>> -> memref<1x64xf32, #tpu.memory_space<vmem>>
          %dma_wait3A_211 = tpu.memref_squeeze %dma_wait3A_210 : memref<1x64xf32, #tpu.memory_space<vmem>> -> memref<64xf32, #tpu.memory_space<vmem>>
          %dma_wait3A_212 = arith.constant 0 : i32
          %dma_wait3A_213 = tpu.memref_slice %arg4[%dma_wait3A, %dma_wait3A_212] : memref<16384x64xf32, #tpu.memory_space<hbm>> -> memref<1x64xf32, #tpu.memory_space<hbm>>
          %dma_wait3A_214 = tpu.memref_squeeze %dma_wait3A_213 : memref<1x64xf32, #tpu.memory_space<hbm>> -> memref<64xf32, #tpu.memory_space<hbm>>
          tpu.wait_dma2 semaphore(%arg17 : memref<!tpu.dma_semaphore, #tpu.memory_space<semaphore_mem>>) src(%dma_wait3A_214 : memref<64xf32, #tpu.memory_space<hbm>>) dst(%dma_wait3A_211 : memref<64xf32, #tpu.memory_space<vmem>>)
        } else {
        }
        %iota3A = tpu.iota {dimensions = array<i32: 0>} : vector<16xi32>
        %add3A_142 = arith.constant 0 : i32
        %add3A_143 = vector.broadcast %add3A_142 : i32 to vector<16xi32>
        %add3A_144 = arith.addi %iota3A, %add3A_143 : vector<16xi32>
        %gather3A_145 = arith.constant 0 : i32
        %gather3A_146 = arith.constant 0 : i32
        %gather3A_147 = arith.constant 0 : i32
        %gather3A_148 = tpu.memref_slice %arg7[%gather3A_145, %gather3A_146, %gather3A_147] : memref<2x64x256xf32, #tpu.memory_space<vmem>> -> memref<2x64x256xf32, #tpu.memory_space<vmem>>
        %gather3A_149 = tpu.vector_load_idx %gather3A_148[%broadcast_in_dim3A_54, %add3A_144, %add3A_134] : memref<2x64x256xf32, #tpu.memory_space<vmem>>[vector<16xi32>, vector<16xi32>, vector<16xi32>], vector<16xf32>,
        %swap3A_150 = arith.index_cast %rem3A_136 : i32 to index
        %swap3A_151 = arith.constant 0 : index
        %swap3A_152 = tpu.vector_load %arg9[%swap3A_150, %swap3A_151] {strides = array<i32>} : memref<16x64xf32, #tpu.memory_space<vmem>>, vector<16xf32>,
        tpu.vector_store %arg9[%swap3A_150, %swap3A_151], %gather3A_149 {strides = array<i32>} : memref<16x64xf32, #tpu.memory_space<vmem>>, vector<16xf32>,
        %iota3A_153 = tpu.iota {dimensions = array<i32: 0>} : vector<16xi32>
        %add3A_154 = arith.constant 16 : i32
        %add3A_155 = vector.broadcast %add3A_154 : i32 to vector<16xi32>
        %add3A_156 = arith.addi %iota3A_153, %add3A_155 : vector<16xi32>
        %gather3A_157 = arith.constant 0 : i32
        %gather3A_158 = arith.constant 0 : i32
        %gather3A_159 = arith.constant 0 : i32
        %gather3A_160 = tpu.memref_slice %arg7[%gather3A_157, %gather3A_158, %gather3A_159] : memref<2x64x256xf32, #tpu.memory_space<vmem>> -> memref<2x64x256xf32, #tpu.memory_space<vmem>>
        %gather3A_161 = tpu.vector_load_idx %gather3A_160[%broadcast_in_dim3A_54, %add3A_156, %add3A_134] : memref<2x64x256xf32, #tpu.memory_space<vmem>>[vector<16xi32>, vector<16xi32>, vector<16xi32>], vector<16xf32>,
        %swap3A_162 = arith.index_cast %rem3A_136 : i32 to index
        %swap3A_163 = arith.constant 16 : index
        %swap3A_164 = tpu.vector_load %arg9[%swap3A_162, %swap3A_163] {strides = array<i32>} : memref<16x64xf32, #tpu.memory_space<vmem>>, vector<16xf32>,
        tpu.vector_store %arg9[%swap3A_162, %swap3A_163], %gather3A_161 {strides = array<i32>} : memref<16x64xf32, #tpu.memory_space<vmem>>, vector<16xf32>,
        %iota3A_165 = tpu.iota {dimensions = array<i32: 0>} : vector<16xi32>
        %add3A_166 = arith.constant 32 : i32
        %add3A_167 = vector.broadcast %add3A_166 : i32 to vector<16xi32>
        %add3A_168 = arith.addi %iota3A_165, %add3A_167 : vector<16xi32>
        %gather3A_169 = arith.constant 0 : i32
        %gather3A_170 = arith.constant 0 : i32
        %gather3A_171 = arith.constant 0 : i32
        %gather3A_172 = tpu.memref_slice %arg7[%gather3A_169, %gather3A_170, %gather3A_171] : memref<2x64x256xf32, #tpu.memory_space<vmem>> -> memref<2x64x256xf32, #tpu.memory_space<vmem>>
        %gather3A_173 = tpu.vector_load_idx %gather3A_172[%broadcast_in_dim3A_54, %add3A_168, %add3A_134] : memref<2x64x256xf32, #tpu.memory_space<vmem>>[vector<16xi32>, vector<16xi32>, vector<16xi32>], vector<16xf32>,
        %swap3A_174 = arith.index_cast %rem3A_136 : i32 to index
        %swap3A_175 = arith.constant 32 : index
        %swap3A_176 = tpu.vector_load %arg9[%swap3A_174, %swap3A_175] {strides = array<i32>} : memref<16x64xf32, #tpu.memory_space<vmem>>, vector<16xf32>,
        tpu.vector_store %arg9[%swap3A_174, %swap3A_175], %gather3A_173 {strides = array<i32>} : memref<16x64xf32, #tpu.memory_space<vmem>>, vector<16xf32>,
        %iota3A_177 = tpu.iota {dimensions = array<i32: 0>} : vector<16xi32>
        %add3A_178 = arith.constant 48 : i32
        %add3A_179 = vector.broadcast %add3A_178 : i32 to vector<16xi32>
        %add3A_180 = arith.addi %iota3A_177, %add3A_179 : vector<16xi32>
        %gather3A_181 = arith.constant 0 : i32
        %gather3A_182 = arith.constant 0 : i32
        %gather3A_183 = arith.constant 0 : i32
        %gather3A_184 = tpu.memref_slice %arg7[%gather3A_181, %gather3A_182, %gather3A_183] : memref<2x64x256xf32, #tpu.memory_space<vmem>> -> memref<2x64x256xf32, #tpu.memory_space<vmem>>
        %gather3A_185 = tpu.vector_load_idx %gather3A_184[%broadcast_in_dim3A_54, %add3A_180, %add3A_134] : memref<2x64x256xf32, #tpu.memory_space<vmem>>[vector<16xi32>, vector<16xi32>, vector<16xi32>], vector<16xf32>,
        %swap3A_186 = arith.index_cast %rem3A_136 : i32 to index
        %swap3A_187 = arith.constant 48 : index
        %swap3A_188 = tpu.vector_load %arg9[%swap3A_186, %swap3A_187] {strides = array<i32>} : memref<16x64xf32, #tpu.memory_space<vmem>>, vector<16xf32>,
        tpu.vector_store %arg9[%swap3A_186, %swap3A_187], %gather3A_185 {strides = array<i32>} : memref<16x64xf32, #tpu.memory_space<vmem>>, vector<16xf32>,
        %dma_start3A = arith.constant 0 : i32
        %dma_start3A_189 = tpu.memref_slice %arg9[%rem3A_136, %dma_start3A] : memref<16x64xf32, #tpu.memory_space<vmem>> -> memref<1x64xf32, #tpu.memory_space<vmem>>
        %dma_start3A_190 = tpu.memref_squeeze %dma_start3A_189 : memref<1x64xf32, #tpu.memory_space<vmem>> -> memref<64xf32, #tpu.memory_space<vmem>>
        %dma_start3A_191 = arith.constant 0 : i32
        %dma_start3A_192 = tpu.memref_slice %arg4[%and3A_127, %dma_start3A_191] : memref<16384x64xf32, #tpu.memory_space<hbm>> -> memref<1x64xf32, #tpu.memory_space<hbm>>
        %dma_start3A_193 = tpu.memref_squeeze %dma_start3A_192 : memref<1x64xf32, #tpu.memory_space<hbm>> -> memref<64xf32, #tpu.memory_space<hbm>>
        %dma_start3A_194 = arith.constant 0 : i32
        %dma_start3A_195 = tpu.memref_slice %arg4[%and3A_127, %dma_start3A_194] : memref<16384x64xf32, #tpu.memory_space<hbm>> -> memref<1x64xf32, #tpu.memory_space<hbm>>
        %dma_start3A_196 = tpu.memref_squeeze %dma_start3A_195 : memref<1x64xf32, #tpu.memory_space<hbm>> -> memref<64xf32, #tpu.memory_space<hbm>>
        %dma_start3A_197 = arith.constant 0 : i32
        %dma_start3A_198 = tpu.memref_slice %arg9[%rem3A_136, %dma_start3A_197] : memref<16x64xf32, #tpu.memory_space<vmem>> -> memref<1x64xf32, #tpu.memory_space<vmem>>
        %dma_start3A_199 = tpu.memref_squeeze %dma_start3A_198 : memref<1x64xf32, #tpu.memory_space<vmem>> -> memref<64xf32, #tpu.memory_space<vmem>>
        tpu.enqueue_dma source(%dma_start3A_199 : memref<64xf32, #tpu.memory_space<vmem>>) target(%dma_start3A_196 : memref<64xf32, #tpu.memory_space<hbm>>) target_semaphore(%arg17 : memref<!tpu.dma_semaphore, #tpu.memory_space<semaphore_mem>>)
        %add3A_200 = arith.constant 1 : i32
        %add3A_201 = arith.addi %while3A_117, %add3A_200 : i32
        scf.yield %add3A_201 : i32
      }
      scf.yield %while3A_115 : i32
    }
    %while3A_67 = arith.constant 31744 : i32
    %while3A_68 = arith.constant 0 : i32
    %while3A_69 = arith.subi %select_n3A, %while3A_68 : i32
    %while3A_70 = arith.addi %while3A_68, %while3A_69 : i32
    %while3A_71 = arith.constant 1 : i32
    %while3A_72 = arith.divsi %while3A_69, %while3A_71 : i32
    %while3A_73 = arith.muli %while3A_72, %while3A_71 : i32
    %while3A_74 = arith.addi %while3A_68, %while3A_73 : i32
    %while3A_75 = arith.constant 1 : i32
    %while3A_76 = scf.for %while3A_92 = %while3A_68 to %while3A_74 step %while3A_75 iter_args(%while3A_93 = %while3A_66) -> (i32)  : i32 {
      %mul3A_94 = arith.constant 16 : i32
      %mul3A_95 = arith.muli %while3A_92, %mul3A_94 : i32
      %get3A = arith.index_cast %mul3A_95 : i32 to index
      %get3A_96 = tpu.vector_load %arg6[%get3A] {strides = array<i32>} : memref<16400xi32, #tpu.memory_space<vmem>>, vector<16xi32>,
      %shift_right_logical3A = arith.constant 14 : i32
      %shift_right_logical3A_97 = vector.broadcast %shift_right_logical3A : i32 to vector<16xi32>
      %shift_right_logical3A_98 = arith.shrui %get3A_96, %shift_right_logical3A_97 : vector<16xi32>
      %ge3A = vector.broadcast %while3A_67 : i32 to vector<16xi32>
      %ge3A_99 = arith.cmpi sge, %shift_right_logical3A_98, %ge3A : vector<16xi32>
      %add3A_100 = arith.constant 256 : i32
      %add3A_101 = arith.addi %while3A_67, %add3A_100 : i32
      %lt3A = vector.broadcast %add3A_101 : i32 to vector<16xi32>
      %lt3A_102 = arith.cmpi slt, %shift_right_logical3A_98, %lt3A : vector<16xi32>
      %and3A_103 = arith.andi %ge3A_99, %lt3A_102 : vector<16xi1>
      %swap3A = arith.constant 0 : index
      %swap3A_104 = tpu.vector_load %arg8[%swap3A] masked %and3A_103 {strides = array<i32>} : memref<16xi32, #tpu.memory_space<vmem>>, vector<16xi32>, vector<16xi1>
      tpu.vector_store %arg8[%swap3A], %get3A_96 masked %and3A_103 {strides = array<i32>} : memref<16xi32, #tpu.memory_space<vmem>>, vector<16xi32>, vector<16xi1>
      %all_reduce_population_count3A = tpu.all_reduce %and3A_103 {dim = 0 : i64, kind = #tpu.reduction_kind<sum>} : vector<16xi1> -> vector<16xi32>
      %slice3A = vector.extract_strided_slice %all_reduce_population_count3A {offsets = [0], sizes = [1], strides = [1]} : vector<16xi32> to vector<1xi32>
      %squeeze3A = vector.extract %slice3A[0] : i32 from vector<1xi32>
      %while3A_105 = arith.constant 0 : i32
      %while3A_106 = arith.subi %squeeze3A, %while3A_105 : i32
      %while3A_107 = arith.addi %while3A_105, %while3A_106 : i32
      %while3A_108 = arith.constant 1 : i32
      %while3A_109 = arith.divsi %while3A_106, %while3A_108 : i32
      %while3A_110 = arith.muli %while3A_109, %while3A_108 : i32
      %while3A_111 = arith.addi %while3A_105, %while3A_110 : i32
      %while3A_112 = arith.constant 1 : i32
      %while3A_113 = scf.for %while3A_116 = %while3A_105 to %while3A_111 step %while3A_112 iter_args(%while3A_117 = %while3A_93) -> (i32)  : i32 {
        %broadcast_in_dim3A_118 = arith.constant 0 : i32
        %broadcast_in_dim3A_119 = vector.broadcast %broadcast_in_dim3A_118 : i32 to vector<16xi32>
        %add3A_120 = vector.broadcast %while3A_116 : i32 to vector<16xi32>
        %add3A_121 = arith.addi %broadcast_in_dim3A_119, %add3A_120 : vector<16xi32>
        %gather3A = arith.constant 0 : i32
        %gather3A_122 = tpu.memref_slice %arg8[%gather3A] : memref<16xi32, #tpu.memory_space<vmem>> -> memref<16xi32, #tpu.memory_space<vmem>>
        %gather3A_123 = tpu.vector_load_idx %gather3A_122[%add3A_121] : memref<16xi32, #tpu.memory_space<vmem>>[vector<16xi32>], vector<16xi32>,
        %slice3A_124 = vector.extract_strided_slice %gather3A_123 {offsets = [0], sizes = [1], strides = [1]} : vector<16xi32> to vector<1xi32>
        %squeeze3A_125 = vector.extract %slice3A_124[0] : i32 from vector<1xi32>
        %and3A_126 = arith.constant 16383 : i32
        %and3A_127 = arith.andi %squeeze3A_125, %and3A_126 : i32
        %broadcast_in_dim3A_128 = arith.constant 0 : i32
        %broadcast_in_dim3A_129 = vector.broadcast %broadcast_in_dim3A_128 : i32 to vector<16xi32>
        %shift_right_logical3A_130 = arith.constant 14 : i32
        %shift_right_logical3A_131 = arith.shrui %squeeze3A_125, %shift_right_logical3A_130 : i32
        %sub3A_132 = arith.subi %shift_right_logical3A_131, %while3A_67 : i32
        %add3A_133 = vector.broadcast %sub3A_132 : i32 to vector<16xi32>
        %add3A_134 = arith.addi %broadcast_in_dim3A_129, %add3A_133 : vector<16xi32>
        %rem3A_135 = arith.constant 16 : i32
        %rem3A_136 = arith.remsi %while3A_117, %rem3A_135 : i32
        %ge3A_137 = arith.constant 16 : i32
        %ge3A_138 = arith.cmpi sge, %while3A_117, %ge3A_137 : i32
        %convert_element_type3A_139 = arith.extui %ge3A_138 : i1 to i32
        %cond3A_140 = arith.constant 0 : i32
        %cond3A_141 = arith.cmpi ne, %convert_element_type3A_139, %cond3A_140 : i32
        scf.if %cond3A_141 {
          %dma_wait3A = arith.constant 0 : i32
          %dma_wait3A_198 = arith.constant 0 : i32
          %dma_wait3A_199 = arith.constant 0 : i32
          %dma_wait3A_200 = tpu.memref_slice %arg9[%dma_wait3A_198, %dma_wait3A_199] : memref<16x64xf32, #tpu.memory_space<vmem>> -> memref<1x64xf32, #tpu.memory_space<vmem>>
          %dma_wait3A_201 = tpu.memref_squeeze %dma_wait3A_200 : memref<1x64xf32, #tpu.memory_space<vmem>> -> memref<64xf32, #tpu.memory_space<vmem>>
          %dma_wait3A_202 = arith.constant 0 : i32
          %dma_wait3A_203 = tpu.memref_slice %arg4[%dma_wait3A, %dma_wait3A_202] : memref<16384x64xf32, #tpu.memory_space<hbm>> -> memref<1x64xf32, #tpu.memory_space<hbm>>
          %dma_wait3A_204 = tpu.memref_squeeze %dma_wait3A_203 : memref<1x64xf32, #tpu.memory_space<hbm>> -> memref<64xf32, #tpu.memory_space<hbm>>
          %dma_wait3A_205 = arith.constant 0 : i32
          %dma_wait3A_206 = tpu.memref_slice %arg9[%dma_wait3A_198, %dma_wait3A_205] : memref<16x64xf32, #tpu.memory_space<vmem>> -> memref<1x64xf32, #tpu.memory_space<vmem>>
          %dma_wait3A_207 = tpu.memref_squeeze %dma_wait3A_206 : memref<1x64xf32, #tpu.memory_space<vmem>> -> memref<64xf32, #tpu.memory_space<vmem>>
          %dma_wait3A_208 = arith.constant 0 : i32
          %dma_wait3A_209 = tpu.memref_slice %arg4[%dma_wait3A, %dma_wait3A_208] : memref<16384x64xf32, #tpu.memory_space<hbm>> -> memref<1x64xf32, #tpu.memory_space<hbm>>
          %dma_wait3A_210 = tpu.memref_squeeze %dma_wait3A_209 : memref<1x64xf32, #tpu.memory_space<hbm>> -> memref<64xf32, #tpu.memory_space<hbm>>
          tpu.wait_dma2 semaphore(%arg17 : memref<!tpu.dma_semaphore, #tpu.memory_space<semaphore_mem>>) src(%dma_wait3A_210 : memref<64xf32, #tpu.memory_space<hbm>>) dst(%dma_wait3A_207 : memref<64xf32, #tpu.memory_space<vmem>>)
        } else {
        }
        %iota3A = tpu.iota {dimensions = array<i32: 0>} : vector<16xi32>
        %add3A_142 = arith.constant 0 : i32
        %add3A_143 = vector.broadcast %add3A_142 : i32 to vector<16xi32>
        %add3A_144 = arith.addi %iota3A, %add3A_143 : vector<16xi32>
        %gather3A_145 = arith.constant 0 : i32
        %gather3A_146 = arith.constant 0 : i32
        %gather3A_147 = tpu.memref_slice %arg10[%gather3A_145, %gather3A_146] : memref<64x64xf32, #tpu.memory_space<vmem>> -> memref<64x64xf32, #tpu.memory_space<vmem>>
        %gather3A_148 = tpu.vector_load_idx %gather3A_147[%add3A_144, %add3A_134] : memref<64x64xf32, #tpu.memory_space<vmem>>[vector<16xi32>, vector<16xi32>], vector<16xf32>,
        %swap3A_149 = arith.index_cast %rem3A_136 : i32 to index
        %swap3A_150 = arith.constant 0 : index
        %swap3A_151 = tpu.vector_load %arg9[%swap3A_149, %swap3A_150] {strides = array<i32>} : memref<16x64xf32, #tpu.memory_space<vmem>>, vector<16xf32>,
        tpu.vector_store %arg9[%swap3A_149, %swap3A_150], %gather3A_148 {strides = array<i32>} : memref<16x64xf32, #tpu.memory_space<vmem>>, vector<16xf32>,
        %iota3A_152 = tpu.iota {dimensions = array<i32: 0>} : vector<16xi32>
        %add3A_153 = arith.constant 16 : i32
        %add3A_154 = vector.broadcast %add3A_153 : i32 to vector<16xi32>
        %add3A_155 = arith.addi %iota3A_152, %add3A_154 : vector<16xi32>
        %gather3A_156 = arith.constant 0 : i32
        %gather3A_157 = arith.constant 0 : i32
        %gather3A_158 = tpu.memref_slice %arg10[%gather3A_156, %gather3A_157] : memref<64x64xf32, #tpu.memory_space<vmem>> -> memref<64x64xf32, #tpu.memory_space<vmem>>
        %gather3A_159 = tpu.vector_load_idx %gather3A_158[%add3A_155, %add3A_134] : memref<64x64xf32, #tpu.memory_space<vmem>>[vector<16xi32>, vector<16xi32>], vector<16xf32>,
        %swap3A_160 = arith.index_cast %rem3A_136 : i32 to index
        %swap3A_161 = arith.constant 16 : index
        %swap3A_162 = tpu.vector_load %arg9[%swap3A_160, %swap3A_161] {strides = array<i32>} : memref<16x64xf32, #tpu.memory_space<vmem>>, vector<16xf32>,
        tpu.vector_store %arg9[%swap3A_160, %swap3A_161], %gather3A_159 {strides = array<i32>} : memref<16x64xf32, #tpu.memory_space<vmem>>, vector<16xf32>,
        %iota3A_163 = tpu.iota {dimensions = array<i32: 0>} : vector<16xi32>
        %add3A_164 = arith.constant 32 : i32
        %add3A_165 = vector.broadcast %add3A_164 : i32 to vector<16xi32>
        %add3A_166 = arith.addi %iota3A_163, %add3A_165 : vector<16xi32>
        %gather3A_167 = arith.constant 0 : i32
        %gather3A_168 = arith.constant 0 : i32
        %gather3A_169 = tpu.memref_slice %arg10[%gather3A_167, %gather3A_168] : memref<64x64xf32, #tpu.memory_space<vmem>> -> memref<64x64xf32, #tpu.memory_space<vmem>>
        %gather3A_170 = tpu.vector_load_idx %gather3A_169[%add3A_166, %add3A_134] : memref<64x64xf32, #tpu.memory_space<vmem>>[vector<16xi32>, vector<16xi32>], vector<16xf32>,
        %swap3A_171 = arith.index_cast %rem3A_136 : i32 to index
        %swap3A_172 = arith.constant 32 : index
        %swap3A_173 = tpu.vector_load %arg9[%swap3A_171, %swap3A_172] {strides = array<i32>} : memref<16x64xf32, #tpu.memory_space<vmem>>, vector<16xf32>,
        tpu.vector_store %arg9[%swap3A_171, %swap3A_172], %gather3A_170 {strides = array<i32>} : memref<16x64xf32, #tpu.memory_space<vmem>>, vector<16xf32>,
        %iota3A_174 = tpu.iota {dimensions = array<i32: 0>} : vector<16xi32>
        %add3A_175 = arith.constant 48 : i32
        %add3A_176 = vector.broadcast %add3A_175 : i32 to vector<16xi32>
        %add3A_177 = arith.addi %iota3A_174, %add3A_176 : vector<16xi32>
        %gather3A_178 = arith.constant 0 : i32
        %gather3A_179 = arith.constant 0 : i32
        %gather3A_180 = tpu.memref_slice %arg10[%gather3A_178, %gather3A_179] : memref<64x64xf32, #tpu.memory_space<vmem>> -> memref<64x64xf32, #tpu.memory_space<vmem>>
        %gather3A_181 = tpu.vector_load_idx %gather3A_180[%add3A_177, %add3A_134] : memref<64x64xf32, #tpu.memory_space<vmem>>[vector<16xi32>, vector<16xi32>], vector<16xf32>,
        %swap3A_182 = arith.index_cast %rem3A_136 : i32 to index
        %swap3A_183 = arith.constant 48 : index
        %swap3A_184 = tpu.vector_load %arg9[%swap3A_182, %swap3A_183] {strides = array<i32>} : memref<16x64xf32, #tpu.memory_space<vmem>>, vector<16xf32>,
        tpu.vector_store %arg9[%swap3A_182, %swap3A_183], %gather3A_181 {strides = array<i32>} : memref<16x64xf32, #tpu.memory_space<vmem>>, vector<16xf32>,
        %dma_start3A = arith.constant 0 : i32
        %dma_start3A_185 = tpu.memref_slice %arg9[%rem3A_136, %dma_start3A] : memref<16x64xf32, #tpu.memory_space<vmem>> -> memref<1x64xf32, #tpu.memory_space<vmem>>
        %dma_start3A_186 = tpu.memref_squeeze %dma_start3A_185 : memref<1x64xf32, #tpu.memory_space<vmem>> -> memref<64xf32, #tpu.memory_space<vmem>>
        %dma_start3A_187 = arith.constant 0 : i32
        %dma_start3A_188 = tpu.memref_slice %arg4[%and3A_127, %dma_start3A_187] : memref<16384x64xf32, #tpu.memory_space<hbm>> -> memref<1x64xf32, #tpu.memory_space<hbm>>
        %dma_start3A_189 = tpu.memref_squeeze %dma_start3A_188 : memref<1x64xf32, #tpu.memory_space<hbm>> -> memref<64xf32, #tpu.memory_space<hbm>>
        %dma_start3A_190 = arith.constant 0 : i32
        %dma_start3A_191 = tpu.memref_slice %arg4[%and3A_127, %dma_start3A_190] : memref<16384x64xf32, #tpu.memory_space<hbm>> -> memref<1x64xf32, #tpu.memory_space<hbm>>
        %dma_start3A_192 = tpu.memref_squeeze %dma_start3A_191 : memref<1x64xf32, #tpu.memory_space<hbm>> -> memref<64xf32, #tpu.memory_space<hbm>>
        %dma_start3A_193 = arith.constant 0 : i32
        %dma_start3A_194 = tpu.memref_slice %arg9[%rem3A_136, %dma_start3A_193] : memref<16x64xf32, #tpu.memory_space<vmem>> -> memref<1x64xf32, #tpu.memory_space<vmem>>
        %dma_start3A_195 = tpu.memref_squeeze %dma_start3A_194 : memref<1x64xf32, #tpu.memory_space<vmem>> -> memref<64xf32, #tpu.memory_space<vmem>>
        tpu.enqueue_dma source(%dma_start3A_195 : memref<64xf32, #tpu.memory_space<vmem>>) target(%dma_start3A_192 : memref<64xf32, #tpu.memory_space<hbm>>) target_semaphore(%arg17 : memref<!tpu.dma_semaphore, #tpu.memory_space<semaphore_mem>>)
        %add3A_196 = arith.constant 1 : i32
        %add3A_197 = arith.addi %while3A_117, %add3A_196 : i32
        scf.yield %add3A_197 : i32
      }
      %while3A_114 = arith.constant 1 : i32
      %while3A_115 = scf.for %while3A_116 = %while3A_111 to %while3A_107 step %while3A_114 iter_args(%while3A_117 = %while3A_113) -> (i32)  : i32 {
        %broadcast_in_dim3A_118 = arith.constant 0 : i32
        %broadcast_in_dim3A_119 = vector.broadcast %broadcast_in_dim3A_118 : i32 to vector<16xi32>
        %add3A_120 = vector.broadcast %while3A_116 : i32 to vector<16xi32>
        %add3A_121 = arith.addi %broadcast_in_dim3A_119, %add3A_120 : vector<16xi32>
        %gather3A = arith.constant 0 : i32
        %gather3A_122 = tpu.memref_slice %arg8[%gather3A] : memref<16xi32, #tpu.memory_space<vmem>> -> memref<16xi32, #tpu.memory_space<vmem>>
        %gather3A_123 = tpu.vector_load_idx %gather3A_122[%add3A_121] : memref<16xi32, #tpu.memory_space<vmem>>[vector<16xi32>], vector<16xi32>,
        %slice3A_124 = vector.extract_strided_slice %gather3A_123 {offsets = [0], sizes = [1], strides = [1]} : vector<16xi32> to vector<1xi32>
        %squeeze3A_125 = vector.extract %slice3A_124[0] : i32 from vector<1xi32>
        %and3A_126 = arith.constant 16383 : i32
        %and3A_127 = arith.andi %squeeze3A_125, %and3A_126 : i32
        %broadcast_in_dim3A_128 = arith.constant 0 : i32
        %broadcast_in_dim3A_129 = vector.broadcast %broadcast_in_dim3A_128 : i32 to vector<16xi32>
        %shift_right_logical3A_130 = arith.constant 14 : i32
        %shift_right_logical3A_131 = arith.shrui %squeeze3A_125, %shift_right_logical3A_130 : i32
        %sub3A_132 = arith.subi %shift_right_logical3A_131, %while3A_67 : i32
        %add3A_133 = vector.broadcast %sub3A_132 : i32 to vector<16xi32>
        %add3A_134 = arith.addi %broadcast_in_dim3A_129, %add3A_133 : vector<16xi32>
        %rem3A_135 = arith.constant 16 : i32
        %rem3A_136 = arith.remsi %while3A_117, %rem3A_135 : i32
        %ge3A_137 = arith.constant 16 : i32
        %ge3A_138 = arith.cmpi sge, %while3A_117, %ge3A_137 : i32
        %convert_element_type3A_139 = arith.extui %ge3A_138 : i1 to i32
        %cond3A_140 = arith.constant 0 : i32
        %cond3A_141 = arith.cmpi ne, %convert_element_type3A_139, %cond3A_140 : i32
        scf.if %cond3A_141 {
          %dma_wait3A = arith.constant 0 : i32
          %dma_wait3A_198 = arith.constant 0 : i32
          %dma_wait3A_199 = arith.constant 0 : i32
          %dma_wait3A_200 = tpu.memref_slice %arg9[%dma_wait3A_198, %dma_wait3A_199] : memref<16x64xf32, #tpu.memory_space<vmem>> -> memref<1x64xf32, #tpu.memory_space<vmem>>
          %dma_wait3A_201 = tpu.memref_squeeze %dma_wait3A_200 : memref<1x64xf32, #tpu.memory_space<vmem>> -> memref<64xf32, #tpu.memory_space<vmem>>
          %dma_wait3A_202 = arith.constant 0 : i32
          %dma_wait3A_203 = tpu.memref_slice %arg4[%dma_wait3A, %dma_wait3A_202] : memref<16384x64xf32, #tpu.memory_space<hbm>> -> memref<1x64xf32, #tpu.memory_space<hbm>>
          %dma_wait3A_204 = tpu.memref_squeeze %dma_wait3A_203 : memref<1x64xf32, #tpu.memory_space<hbm>> -> memref<64xf32, #tpu.memory_space<hbm>>
          %dma_wait3A_205 = arith.constant 0 : i32
          %dma_wait3A_206 = tpu.memref_slice %arg9[%dma_wait3A_198, %dma_wait3A_205] : memref<16x64xf32, #tpu.memory_space<vmem>> -> memref<1x64xf32, #tpu.memory_space<vmem>>
          %dma_wait3A_207 = tpu.memref_squeeze %dma_wait3A_206 : memref<1x64xf32, #tpu.memory_space<vmem>> -> memref<64xf32, #tpu.memory_space<vmem>>
          %dma_wait3A_208 = arith.constant 0 : i32
          %dma_wait3A_209 = tpu.memref_slice %arg4[%dma_wait3A, %dma_wait3A_208] : memref<16384x64xf32, #tpu.memory_space<hbm>> -> memref<1x64xf32, #tpu.memory_space<hbm>>
          %dma_wait3A_210 = tpu.memref_squeeze %dma_wait3A_209 : memref<1x64xf32, #tpu.memory_space<hbm>> -> memref<64xf32, #tpu.memory_space<hbm>>
          tpu.wait_dma2 semaphore(%arg17 : memref<!tpu.dma_semaphore, #tpu.memory_space<semaphore_mem>>) src(%dma_wait3A_210 : memref<64xf32, #tpu.memory_space<hbm>>) dst(%dma_wait3A_207 : memref<64xf32, #tpu.memory_space<vmem>>)
        } else {
        }
        %iota3A = tpu.iota {dimensions = array<i32: 0>} : vector<16xi32>
        %add3A_142 = arith.constant 0 : i32
        %add3A_143 = vector.broadcast %add3A_142 : i32 to vector<16xi32>
        %add3A_144 = arith.addi %iota3A, %add3A_143 : vector<16xi32>
        %gather3A_145 = arith.constant 0 : i32
        %gather3A_146 = arith.constant 0 : i32
        %gather3A_147 = tpu.memref_slice %arg10[%gather3A_145, %gather3A_146] : memref<64x64xf32, #tpu.memory_space<vmem>> -> memref<64x64xf32, #tpu.memory_space<vmem>>
        %gather3A_148 = tpu.vector_load_idx %gather3A_147[%add3A_144, %add3A_134] : memref<64x64xf32, #tpu.memory_space<vmem>>[vector<16xi32>, vector<16xi32>], vector<16xf32>,
        %swap3A_149 = arith.index_cast %rem3A_136 : i32 to index
        %swap3A_150 = arith.constant 0 : index
        %swap3A_151 = tpu.vector_load %arg9[%swap3A_149, %swap3A_150] {strides = array<i32>} : memref<16x64xf32, #tpu.memory_space<vmem>>, vector<16xf32>,
        tpu.vector_store %arg9[%swap3A_149, %swap3A_150], %gather3A_148 {strides = array<i32>} : memref<16x64xf32, #tpu.memory_space<vmem>>, vector<16xf32>,
        %iota3A_152 = tpu.iota {dimensions = array<i32: 0>} : vector<16xi32>
        %add3A_153 = arith.constant 16 : i32
        %add3A_154 = vector.broadcast %add3A_153 : i32 to vector<16xi32>
        %add3A_155 = arith.addi %iota3A_152, %add3A_154 : vector<16xi32>
        %gather3A_156 = arith.constant 0 : i32
        %gather3A_157 = arith.constant 0 : i32
        %gather3A_158 = tpu.memref_slice %arg10[%gather3A_156, %gather3A_157] : memref<64x64xf32, #tpu.memory_space<vmem>> -> memref<64x64xf32, #tpu.memory_space<vmem>>
        %gather3A_159 = tpu.vector_load_idx %gather3A_158[%add3A_155, %add3A_134] : memref<64x64xf32, #tpu.memory_space<vmem>>[vector<16xi32>, vector<16xi32>], vector<16xf32>,
        %swap3A_160 = arith.index_cast %rem3A_136 : i32 to index
        %swap3A_161 = arith.constant 16 : index
        %swap3A_162 = tpu.vector_load %arg9[%swap3A_160, %swap3A_161] {strides = array<i32>} : memref<16x64xf32, #tpu.memory_space<vmem>>, vector<16xf32>,
        tpu.vector_store %arg9[%swap3A_160, %swap3A_161], %gather3A_159 {strides = array<i32>} : memref<16x64xf32, #tpu.memory_space<vmem>>, vector<16xf32>,
        %iota3A_163 = tpu.iota {dimensions = array<i32: 0>} : vector<16xi32>
        %add3A_164 = arith.constant 32 : i32
        %add3A_165 = vector.broadcast %add3A_164 : i32 to vector<16xi32>
        %add3A_166 = arith.addi %iota3A_163, %add3A_165 : vector<16xi32>
        %gather3A_167 = arith.constant 0 : i32
        %gather3A_168 = arith.constant 0 : i32
        %gather3A_169 = tpu.memref_slice %arg10[%gather3A_167, %gather3A_168] : memref<64x64xf32, #tpu.memory_space<vmem>> -> memref<64x64xf32, #tpu.memory_space<vmem>>
        %gather3A_170 = tpu.vector_load_idx %gather3A_169[%add3A_166, %add3A_134] : memref<64x64xf32, #tpu.memory_space<vmem>>[vector<16xi32>, vector<16xi32>], vector<16xf32>,
        %swap3A_171 = arith.index_cast %rem3A_136 : i32 to index
        %swap3A_172 = arith.constant 32 : index
        %swap3A_173 = tpu.vector_load %arg9[%swap3A_171, %swap3A_172] {strides = array<i32>} : memref<16x64xf32, #tpu.memory_space<vmem>>, vector<16xf32>,
        tpu.vector_store %arg9[%swap3A_171, %swap3A_172], %gather3A_170 {strides = array<i32>} : memref<16x64xf32, #tpu.memory_space<vmem>>, vector<16xf32>,
        %iota3A_174 = tpu.iota {dimensions = array<i32: 0>} : vector<16xi32>
        %add3A_175 = arith.constant 48 : i32
        %add3A_176 = vector.broadcast %add3A_175 : i32 to vector<16xi32>
        %add3A_177 = arith.addi %iota3A_174, %add3A_176 : vector<16xi32>
        %gather3A_178 = arith.constant 0 : i32
        %gather3A_179 = arith.constant 0 : i32
        %gather3A_180 = tpu.memref_slice %arg10[%gather3A_178, %gather3A_179] : memref<64x64xf32, #tpu.memory_space<vmem>> -> memref<64x64xf32, #tpu.memory_space<vmem>>
        %gather3A_181 = tpu.vector_load_idx %gather3A_180[%add3A_177, %add3A_134] : memref<64x64xf32, #tpu.memory_space<vmem>>[vector<16xi32>, vector<16xi32>], vector<16xf32>,
        %swap3A_182 = arith.index_cast %rem3A_136 : i32 to index
        %swap3A_183 = arith.constant 48 : index
        %swap3A_184 = tpu.vector_load %arg9[%swap3A_182, %swap3A_183] {strides = array<i32>} : memref<16x64xf32, #tpu.memory_space<vmem>>, vector<16xf32>,
        tpu.vector_store %arg9[%swap3A_182, %swap3A_183], %gather3A_181 {strides = array<i32>} : memref<16x64xf32, #tpu.memory_space<vmem>>, vector<16xf32>,
        %dma_start3A = arith.constant 0 : i32
        %dma_start3A_185 = tpu.memref_slice %arg9[%rem3A_136, %dma_start3A] : memref<16x64xf32, #tpu.memory_space<vmem>> -> memref<1x64xf32, #tpu.memory_space<vmem>>
        %dma_start3A_186 = tpu.memref_squeeze %dma_start3A_185 : memref<1x64xf32, #tpu.memory_space<vmem>> -> memref<64xf32, #tpu.memory_space<vmem>>
        %dma_start3A_187 = arith.constant 0 : i32
        %dma_start3A_188 = tpu.memref_slice %arg4[%and3A_127, %dma_start3A_187] : memref<16384x64xf32, #tpu.memory_space<hbm>> -> memref<1x64xf32, #tpu.memory_space<hbm>>
        %dma_start3A_189 = tpu.memref_squeeze %dma_start3A_188 : memref<1x64xf32, #tpu.memory_space<hbm>> -> memref<64xf32, #tpu.memory_space<hbm>>
        %dma_start3A_190 = arith.constant 0 : i32
        %dma_start3A_191 = tpu.memref_slice %arg4[%and3A_127, %dma_start3A_190] : memref<16384x64xf32, #tpu.memory_space<hbm>> -> memref<1x64xf32, #tpu.memory_space<hbm>>
        %dma_start3A_192 = tpu.memref_squeeze %dma_start3A_191 : memref<1x64xf32, #tpu.memory_space<hbm>> -> memref<64xf32, #tpu.memory_space<hbm>>
        %dma_start3A_193 = arith.constant 0 : i32
        %dma_start3A_194 = tpu.memref_slice %arg9[%rem3A_136, %dma_start3A_193] : memref<16x64xf32, #tpu.memory_space<vmem>> -> memref<1x64xf32, #tpu.memory_space<vmem>>
        %dma_start3A_195 = tpu.memref_squeeze %dma_start3A_194 : memref<1x64xf32, #tpu.memory_space<vmem>> -> memref<64xf32, #tpu.memory_space<vmem>>
        tpu.enqueue_dma source(%dma_start3A_195 : memref<64xf32, #tpu.memory_space<vmem>>) target(%dma_start3A_192 : memref<64xf32, #tpu.memory_space<hbm>>) target_semaphore(%arg17 : memref<!tpu.dma_semaphore, #tpu.memory_space<semaphore_mem>>)
        %add3A_196 = arith.constant 1 : i32
        %add3A_197 = arith.addi %while3A_117, %add3A_196 : i32
        scf.yield %add3A_197 : i32
      }
      scf.yield %while3A_115 : i32
    }
    %while3A_77 = arith.constant 1 : i32
    %while3A_78 = scf.for %while3A_92 = %while3A_74 to %while3A_70 step %while3A_77 iter_args(%while3A_93 = %while3A_76) -> (i32)  : i32 {
      %mul3A_94 = arith.constant 16 : i32
      %mul3A_95 = arith.muli %while3A_92, %mul3A_94 : i32
      %get3A = arith.index_cast %mul3A_95 : i32 to index
      %get3A_96 = tpu.vector_load %arg6[%get3A] {strides = array<i32>} : memref<16400xi32, #tpu.memory_space<vmem>>, vector<16xi32>,
      %shift_right_logical3A = arith.constant 14 : i32
      %shift_right_logical3A_97 = vector.broadcast %shift_right_logical3A : i32 to vector<16xi32>
      %shift_right_logical3A_98 = arith.shrui %get3A_96, %shift_right_logical3A_97 : vector<16xi32>
      %ge3A = vector.broadcast %while3A_67 : i32 to vector<16xi32>
      %ge3A_99 = arith.cmpi sge, %shift_right_logical3A_98, %ge3A : vector<16xi32>
      %add3A_100 = arith.constant 256 : i32
      %add3A_101 = arith.addi %while3A_67, %add3A_100 : i32
      %lt3A = vector.broadcast %add3A_101 : i32 to vector<16xi32>
      %lt3A_102 = arith.cmpi slt, %shift_right_logical3A_98, %lt3A : vector<16xi32>
      %and3A_103 = arith.andi %ge3A_99, %lt3A_102 : vector<16xi1>
      %swap3A = arith.constant 0 : index
      %swap3A_104 = tpu.vector_load %arg8[%swap3A] masked %and3A_103 {strides = array<i32>} : memref<16xi32, #tpu.memory_space<vmem>>, vector<16xi32>, vector<16xi1>
      tpu.vector_store %arg8[%swap3A], %get3A_96 masked %and3A_103 {strides = array<i32>} : memref<16xi32, #tpu.memory_space<vmem>>, vector<16xi32>, vector<16xi1>
      %all_reduce_population_count3A = tpu.all_reduce %and3A_103 {dim = 0 : i64, kind = #tpu.reduction_kind<sum>} : vector<16xi1> -> vector<16xi32>
      %slice3A = vector.extract_strided_slice %all_reduce_population_count3A {offsets = [0], sizes = [1], strides = [1]} : vector<16xi32> to vector<1xi32>
      %squeeze3A = vector.extract %slice3A[0] : i32 from vector<1xi32>
      %while3A_105 = arith.constant 0 : i32
      %while3A_106 = arith.subi %squeeze3A, %while3A_105 : i32
      %while3A_107 = arith.addi %while3A_105, %while3A_106 : i32
      %while3A_108 = arith.constant 1 : i32
      %while3A_109 = arith.divsi %while3A_106, %while3A_108 : i32
      %while3A_110 = arith.muli %while3A_109, %while3A_108 : i32
      %while3A_111 = arith.addi %while3A_105, %while3A_110 : i32
      %while3A_112 = arith.constant 1 : i32
      %while3A_113 = scf.for %while3A_116 = %while3A_105 to %while3A_111 step %while3A_112 iter_args(%while3A_117 = %while3A_93) -> (i32)  : i32 {
        %broadcast_in_dim3A_118 = arith.constant 0 : i32
        %broadcast_in_dim3A_119 = vector.broadcast %broadcast_in_dim3A_118 : i32 to vector<16xi32>
        %add3A_120 = vector.broadcast %while3A_116 : i32 to vector<16xi32>
        %add3A_121 = arith.addi %broadcast_in_dim3A_119, %add3A_120 : vector<16xi32>
        %gather3A = arith.constant 0 : i32
        %gather3A_122 = tpu.memref_slice %arg8[%gather3A] : memref<16xi32, #tpu.memory_space<vmem>> -> memref<16xi32, #tpu.memory_space<vmem>>
        %gather3A_123 = tpu.vector_load_idx %gather3A_122[%add3A_121] : memref<16xi32, #tpu.memory_space<vmem>>[vector<16xi32>], vector<16xi32>,
        %slice3A_124 = vector.extract_strided_slice %gather3A_123 {offsets = [0], sizes = [1], strides = [1]} : vector<16xi32> to vector<1xi32>
        %squeeze3A_125 = vector.extract %slice3A_124[0] : i32 from vector<1xi32>
        %and3A_126 = arith.constant 16383 : i32
        %and3A_127 = arith.andi %squeeze3A_125, %and3A_126 : i32
        %broadcast_in_dim3A_128 = arith.constant 0 : i32
        %broadcast_in_dim3A_129 = vector.broadcast %broadcast_in_dim3A_128 : i32 to vector<16xi32>
        %shift_right_logical3A_130 = arith.constant 14 : i32
        %shift_right_logical3A_131 = arith.shrui %squeeze3A_125, %shift_right_logical3A_130 : i32
        %sub3A_132 = arith.subi %shift_right_logical3A_131, %while3A_67 : i32
        %add3A_133 = vector.broadcast %sub3A_132 : i32 to vector<16xi32>
        %add3A_134 = arith.addi %broadcast_in_dim3A_129, %add3A_133 : vector<16xi32>
        %rem3A_135 = arith.constant 16 : i32
        %rem3A_136 = arith.remsi %while3A_117, %rem3A_135 : i32
        %ge3A_137 = arith.constant 16 : i32
        %ge3A_138 = arith.cmpi sge, %while3A_117, %ge3A_137 : i32
        %convert_element_type3A_139 = arith.extui %ge3A_138 : i1 to i32
        %cond3A_140 = arith.constant 0 : i32
        %cond3A_141 = arith.cmpi ne, %convert_element_type3A_139, %cond3A_140 : i32
        scf.if %cond3A_141 {
          %dma_wait3A = arith.constant 0 : i32
          %dma_wait3A_198 = arith.constant 0 : i32
          %dma_wait3A_199 = arith.constant 0 : i32
          %dma_wait3A_200 = tpu.memref_slice %arg9[%dma_wait3A_198, %dma_wait3A_199] : memref<16x64xf32, #tpu.memory_space<vmem>> -> memref<1x64xf32, #tpu.memory_space<vmem>>
          %dma_wait3A_201 = tpu.memref_squeeze %dma_wait3A_200 : memref<1x64xf32, #tpu.memory_space<vmem>> -> memref<64xf32, #tpu.memory_space<vmem>>
          %dma_wait3A_202 = arith.constant 0 : i32
          %dma_wait3A_203 = tpu.memref_slice %arg4[%dma_wait3A, %dma_wait3A_202] : memref<16384x64xf32, #tpu.memory_space<hbm>> -> memref<1x64xf32, #tpu.memory_space<hbm>>
          %dma_wait3A_204 = tpu.memref_squeeze %dma_wait3A_203 : memref<1x64xf32, #tpu.memory_space<hbm>> -> memref<64xf32, #tpu.memory_space<hbm>>
          %dma_wait3A_205 = arith.constant 0 : i32
          %dma_wait3A_206 = tpu.memref_slice %arg9[%dma_wait3A_198, %dma_wait3A_205] : memref<16x64xf32, #tpu.memory_space<vmem>> -> memref<1x64xf32, #tpu.memory_space<vmem>>
          %dma_wait3A_207 = tpu.memref_squeeze %dma_wait3A_206 : memref<1x64xf32, #tpu.memory_space<vmem>> -> memref<64xf32, #tpu.memory_space<vmem>>
          %dma_wait3A_208 = arith.constant 0 : i32
          %dma_wait3A_209 = tpu.memref_slice %arg4[%dma_wait3A, %dma_wait3A_208] : memref<16384x64xf32, #tpu.memory_space<hbm>> -> memref<1x64xf32, #tpu.memory_space<hbm>>
          %dma_wait3A_210 = tpu.memref_squeeze %dma_wait3A_209 : memref<1x64xf32, #tpu.memory_space<hbm>> -> memref<64xf32, #tpu.memory_space<hbm>>
          tpu.wait_dma2 semaphore(%arg17 : memref<!tpu.dma_semaphore, #tpu.memory_space<semaphore_mem>>) src(%dma_wait3A_210 : memref<64xf32, #tpu.memory_space<hbm>>) dst(%dma_wait3A_207 : memref<64xf32, #tpu.memory_space<vmem>>)
        } else {
        }
        %iota3A = tpu.iota {dimensions = array<i32: 0>} : vector<16xi32>
        %add3A_142 = arith.constant 0 : i32
        %add3A_143 = vector.broadcast %add3A_142 : i32 to vector<16xi32>
        %add3A_144 = arith.addi %iota3A, %add3A_143 : vector<16xi32>
        %gather3A_145 = arith.constant 0 : i32
        %gather3A_146 = arith.constant 0 : i32
        %gather3A_147 = tpu.memref_slice %arg10[%gather3A_145, %gather3A_146] : memref<64x64xf32, #tpu.memory_space<vmem>> -> memref<64x64xf32, #tpu.memory_space<vmem>>
        %gather3A_148 = tpu.vector_load_idx %gather3A_147[%add3A_144, %add3A_134] : memref<64x64xf32, #tpu.memory_space<vmem>>[vector<16xi32>, vector<16xi32>], vector<16xf32>,
        %swap3A_149 = arith.index_cast %rem3A_136 : i32 to index
        %swap3A_150 = arith.constant 0 : index
        %swap3A_151 = tpu.vector_load %arg9[%swap3A_149, %swap3A_150] {strides = array<i32>} : memref<16x64xf32, #tpu.memory_space<vmem>>, vector<16xf32>,
        tpu.vector_store %arg9[%swap3A_149, %swap3A_150], %gather3A_148 {strides = array<i32>} : memref<16x64xf32, #tpu.memory_space<vmem>>, vector<16xf32>,
        %iota3A_152 = tpu.iota {dimensions = array<i32: 0>} : vector<16xi32>
        %add3A_153 = arith.constant 16 : i32
        %add3A_154 = vector.broadcast %add3A_153 : i32 to vector<16xi32>
        %add3A_155 = arith.addi %iota3A_152, %add3A_154 : vector<16xi32>
        %gather3A_156 = arith.constant 0 : i32
        %gather3A_157 = arith.constant 0 : i32
        %gather3A_158 = tpu.memref_slice %arg10[%gather3A_156, %gather3A_157] : memref<64x64xf32, #tpu.memory_space<vmem>> -> memref<64x64xf32, #tpu.memory_space<vmem>>
        %gather3A_159 = tpu.vector_load_idx %gather3A_158[%add3A_155, %add3A_134] : memref<64x64xf32, #tpu.memory_space<vmem>>[vector<16xi32>, vector<16xi32>], vector<16xf32>,
        %swap3A_160 = arith.index_cast %rem3A_136 : i32 to index
        %swap3A_161 = arith.constant 16 : index
        %swap3A_162 = tpu.vector_load %arg9[%swap3A_160, %swap3A_161] {strides = array<i32>} : memref<16x64xf32, #tpu.memory_space<vmem>>, vector<16xf32>,
        tpu.vector_store %arg9[%swap3A_160, %swap3A_161], %gather3A_159 {strides = array<i32>} : memref<16x64xf32, #tpu.memory_space<vmem>>, vector<16xf32>,
        %iota3A_163 = tpu.iota {dimensions = array<i32: 0>} : vector<16xi32>
        %add3A_164 = arith.constant 32 : i32
        %add3A_165 = vector.broadcast %add3A_164 : i32 to vector<16xi32>
        %add3A_166 = arith.addi %iota3A_163, %add3A_165 : vector<16xi32>
        %gather3A_167 = arith.constant 0 : i32
        %gather3A_168 = arith.constant 0 : i32
        %gather3A_169 = tpu.memref_slice %arg10[%gather3A_167, %gather3A_168] : memref<64x64xf32, #tpu.memory_space<vmem>> -> memref<64x64xf32, #tpu.memory_space<vmem>>
        %gather3A_170 = tpu.vector_load_idx %gather3A_169[%add3A_166, %add3A_134] : memref<64x64xf32, #tpu.memory_space<vmem>>[vector<16xi32>, vector<16xi32>], vector<16xf32>,
        %swap3A_171 = arith.index_cast %rem3A_136 : i32 to index
        %swap3A_172 = arith.constant 32 : index
        %swap3A_173 = tpu.vector_load %arg9[%swap3A_171, %swap3A_172] {strides = array<i32>} : memref<16x64xf32, #tpu.memory_space<vmem>>, vector<16xf32>,
        tpu.vector_store %arg9[%swap3A_171, %swap3A_172], %gather3A_170 {strides = array<i32>} : memref<16x64xf32, #tpu.memory_space<vmem>>, vector<16xf32>,
        %iota3A_174 = tpu.iota {dimensions = array<i32: 0>} : vector<16xi32>
        %add3A_175 = arith.constant 48 : i32
        %add3A_176 = vector.broadcast %add3A_175 : i32 to vector<16xi32>
        %add3A_177 = arith.addi %iota3A_174, %add3A_176 : vector<16xi32>
        %gather3A_178 = arith.constant 0 : i32
        %gather3A_179 = arith.constant 0 : i32
        %gather3A_180 = tpu.memref_slice %arg10[%gather3A_178, %gather3A_179] : memref<64x64xf32, #tpu.memory_space<vmem>> -> memref<64x64xf32, #tpu.memory_space<vmem>>
        %gather3A_181 = tpu.vector_load_idx %gather3A_180[%add3A_177, %add3A_134] : memref<64x64xf32, #tpu.memory_space<vmem>>[vector<16xi32>, vector<16xi32>], vector<16xf32>,
        %swap3A_182 = arith.index_cast %rem3A_136 : i32 to index
        %swap3A_183 = arith.constant 48 : index
        %swap3A_184 = tpu.vector_load %arg9[%swap3A_182, %swap3A_183] {strides = array<i32>} : memref<16x64xf32, #tpu.memory_space<vmem>>, vector<16xf32>,
        tpu.vector_store %arg9[%swap3A_182, %swap3A_183], %gather3A_181 {strides = array<i32>} : memref<16x64xf32, #tpu.memory_space<vmem>>, vector<16xf32>,
        %dma_start3A = arith.constant 0 : i32
        %dma_start3A_185 = tpu.memref_slice %arg9[%rem3A_136, %dma_start3A] : memref<16x64xf32, #tpu.memory_space<vmem>> -> memref<1x64xf32, #tpu.memory_space<vmem>>
        %dma_start3A_186 = tpu.memref_squeeze %dma_start3A_185 : memref<1x64xf32, #tpu.memory_space<vmem>> -> memref<64xf32, #tpu.memory_space<vmem>>
        %dma_start3A_187 = arith.constant 0 : i32
        %dma_start3A_188 = tpu.memref_slice %arg4[%and3A_127, %dma_start3A_187] : memref<16384x64xf32, #tpu.memory_space<hbm>> -> memref<1x64xf32, #tpu.memory_space<hbm>>
        %dma_start3A_189 = tpu.memref_squeeze %dma_start3A_188 : memref<1x64xf32, #tpu.memory_space<hbm>> -> memref<64xf32, #tpu.memory_space<hbm>>
        %dma_start3A_190 = arith.constant 0 : i32
        %dma_start3A_191 = tpu.memref_slice %arg4[%and3A_127, %dma_start3A_190] : memref<16384x64xf32, #tpu.memory_space<hbm>> -> memref<1x64xf32, #tpu.memory_space<hbm>>
        %dma_start3A_192 = tpu.memref_squeeze %dma_start3A_191 : memref<1x64xf32, #tpu.memory_space<hbm>> -> memref<64xf32, #tpu.memory_space<hbm>>
        %dma_start3A_193 = arith.constant 0 : i32
        %dma_start3A_194 = tpu.memref_slice %arg9[%rem3A_136, %dma_start3A_193] : memref<16x64xf32, #tpu.memory_space<vmem>> -> memref<1x64xf32, #tpu.memory_space<vmem>>
        %dma_start3A_195 = tpu.memref_squeeze %dma_start3A_194 : memref<1x64xf32, #tpu.memory_space<vmem>> -> memref<64xf32, #tpu.memory_space<vmem>>
        tpu.enqueue_dma source(%dma_start3A_195 : memref<64xf32, #tpu.memory_space<vmem>>) target(%dma_start3A_192 : memref<64xf32, #tpu.memory_space<hbm>>) target_semaphore(%arg17 : memref<!tpu.dma_semaphore, #tpu.memory_space<semaphore_mem>>)
        %add3A_196 = arith.constant 1 : i32
        %add3A_197 = arith.addi %while3A_117, %add3A_196 : i32
        scf.yield %add3A_197 : i32
      }
      %while3A_114 = arith.constant 1 : i32
      %while3A_115 = scf.for %while3A_116 = %while3A_111 to %while3A_107 step %while3A_114 iter_args(%while3A_117 = %while3A_113) -> (i32)  : i32 {
        %broadcast_in_dim3A_118 = arith.constant 0 : i32
        %broadcast_in_dim3A_119 = vector.broadcast %broadcast_in_dim3A_118 : i32 to vector<16xi32>
        %add3A_120 = vector.broadcast %while3A_116 : i32 to vector<16xi32>
        %add3A_121 = arith.addi %broadcast_in_dim3A_119, %add3A_120 : vector<16xi32>
        %gather3A = arith.constant 0 : i32
        %gather3A_122 = tpu.memref_slice %arg8[%gather3A] : memref<16xi32, #tpu.memory_space<vmem>> -> memref<16xi32, #tpu.memory_space<vmem>>
        %gather3A_123 = tpu.vector_load_idx %gather3A_122[%add3A_121] : memref<16xi32, #tpu.memory_space<vmem>>[vector<16xi32>], vector<16xi32>,
        %slice3A_124 = vector.extract_strided_slice %gather3A_123 {offsets = [0], sizes = [1], strides = [1]} : vector<16xi32> to vector<1xi32>
        %squeeze3A_125 = vector.extract %slice3A_124[0] : i32 from vector<1xi32>
        %and3A_126 = arith.constant 16383 : i32
        %and3A_127 = arith.andi %squeeze3A_125, %and3A_126 : i32
        %broadcast_in_dim3A_128 = arith.constant 0 : i32
        %broadcast_in_dim3A_129 = vector.broadcast %broadcast_in_dim3A_128 : i32 to vector<16xi32>
        %shift_right_logical3A_130 = arith.constant 14 : i32
        %shift_right_logical3A_131 = arith.shrui %squeeze3A_125, %shift_right_logical3A_130 : i32
        %sub3A_132 = arith.subi %shift_right_logical3A_131, %while3A_67 : i32
        %add3A_133 = vector.broadcast %sub3A_132 : i32 to vector<16xi32>
        %add3A_134 = arith.addi %broadcast_in_dim3A_129, %add3A_133 : vector<16xi32>
        %rem3A_135 = arith.constant 16 : i32
        %rem3A_136 = arith.remsi %while3A_117, %rem3A_135 : i32
        %ge3A_137 = arith.constant 16 : i32
        %ge3A_138 = arith.cmpi sge, %while3A_117, %ge3A_137 : i32
        %convert_element_type3A_139 = arith.extui %ge3A_138 : i1 to i32
        %cond3A_140 = arith.constant 0 : i32
        %cond3A_141 = arith.cmpi ne, %convert_element_type3A_139, %cond3A_140 : i32
        scf.if %cond3A_141 {
          %dma_wait3A = arith.constant 0 : i32
          %dma_wait3A_198 = arith.constant 0 : i32
          %dma_wait3A_199 = arith.constant 0 : i32
          %dma_wait3A_200 = tpu.memref_slice %arg9[%dma_wait3A_198, %dma_wait3A_199] : memref<16x64xf32, #tpu.memory_space<vmem>> -> memref<1x64xf32, #tpu.memory_space<vmem>>
          %dma_wait3A_201 = tpu.memref_squeeze %dma_wait3A_200 : memref<1x64xf32, #tpu.memory_space<vmem>> -> memref<64xf32, #tpu.memory_space<vmem>>
          %dma_wait3A_202 = arith.constant 0 : i32
          %dma_wait3A_203 = tpu.memref_slice %arg4[%dma_wait3A, %dma_wait3A_202] : memref<16384x64xf32, #tpu.memory_space<hbm>> -> memref<1x64xf32, #tpu.memory_space<hbm>>
          %dma_wait3A_204 = tpu.memref_squeeze %dma_wait3A_203 : memref<1x64xf32, #tpu.memory_space<hbm>> -> memref<64xf32, #tpu.memory_space<hbm>>
          %dma_wait3A_205 = arith.constant 0 : i32
          %dma_wait3A_206 = tpu.memref_slice %arg9[%dma_wait3A_198, %dma_wait3A_205] : memref<16x64xf32, #tpu.memory_space<vmem>> -> memref<1x64xf32, #tpu.memory_space<vmem>>
          %dma_wait3A_207 = tpu.memref_squeeze %dma_wait3A_206 : memref<1x64xf32, #tpu.memory_space<vmem>> -> memref<64xf32, #tpu.memory_space<vmem>>
          %dma_wait3A_208 = arith.constant 0 : i32
          %dma_wait3A_209 = tpu.memref_slice %arg4[%dma_wait3A, %dma_wait3A_208] : memref<16384x64xf32, #tpu.memory_space<hbm>> -> memref<1x64xf32, #tpu.memory_space<hbm>>
          %dma_wait3A_210 = tpu.memref_squeeze %dma_wait3A_209 : memref<1x64xf32, #tpu.memory_space<hbm>> -> memref<64xf32, #tpu.memory_space<hbm>>
          tpu.wait_dma2 semaphore(%arg17 : memref<!tpu.dma_semaphore, #tpu.memory_space<semaphore_mem>>) src(%dma_wait3A_210 : memref<64xf32, #tpu.memory_space<hbm>>) dst(%dma_wait3A_207 : memref<64xf32, #tpu.memory_space<vmem>>)
        } else {
        }
        %iota3A = tpu.iota {dimensions = array<i32: 0>} : vector<16xi32>
        %add3A_142 = arith.constant 0 : i32
        %add3A_143 = vector.broadcast %add3A_142 : i32 to vector<16xi32>
        %add3A_144 = arith.addi %iota3A, %add3A_143 : vector<16xi32>
        %gather3A_145 = arith.constant 0 : i32
        %gather3A_146 = arith.constant 0 : i32
        %gather3A_147 = tpu.memref_slice %arg10[%gather3A_145, %gather3A_146] : memref<64x64xf32, #tpu.memory_space<vmem>> -> memref<64x64xf32, #tpu.memory_space<vmem>>
        %gather3A_148 = tpu.vector_load_idx %gather3A_147[%add3A_144, %add3A_134] : memref<64x64xf32, #tpu.memory_space<vmem>>[vector<16xi32>, vector<16xi32>], vector<16xf32>,
        %swap3A_149 = arith.index_cast %rem3A_136 : i32 to index
        %swap3A_150 = arith.constant 0 : index
        %swap3A_151 = tpu.vector_load %arg9[%swap3A_149, %swap3A_150] {strides = array<i32>} : memref<16x64xf32, #tpu.memory_space<vmem>>, vector<16xf32>,
        tpu.vector_store %arg9[%swap3A_149, %swap3A_150], %gather3A_148 {strides = array<i32>} : memref<16x64xf32, #tpu.memory_space<vmem>>, vector<16xf32>,
        %iota3A_152 = tpu.iota {dimensions = array<i32: 0>} : vector<16xi32>
        %add3A_153 = arith.constant 16 : i32
        %add3A_154 = vector.broadcast %add3A_153 : i32 to vector<16xi32>
        %add3A_155 = arith.addi %iota3A_152, %add3A_154 : vector<16xi32>
        %gather3A_156 = arith.constant 0 : i32
        %gather3A_157 = arith.constant 0 : i32
        %gather3A_158 = tpu.memref_slice %arg10[%gather3A_156, %gather3A_157] : memref<64x64xf32, #tpu.memory_space<vmem>> -> memref<64x64xf32, #tpu.memory_space<vmem>>
        %gather3A_159 = tpu.vector_load_idx %gather3A_158[%add3A_155, %add3A_134] : memref<64x64xf32, #tpu.memory_space<vmem>>[vector<16xi32>, vector<16xi32>], vector<16xf32>,
        %swap3A_160 = arith.index_cast %rem3A_136 : i32 to index
        %swap3A_161 = arith.constant 16 : index
        %swap3A_162 = tpu.vector_load %arg9[%swap3A_160, %swap3A_161] {strides = array<i32>} : memref<16x64xf32, #tpu.memory_space<vmem>>, vector<16xf32>,
        tpu.vector_store %arg9[%swap3A_160, %swap3A_161], %gather3A_159 {strides = array<i32>} : memref<16x64xf32, #tpu.memory_space<vmem>>, vector<16xf32>,
        %iota3A_163 = tpu.iota {dimensions = array<i32: 0>} : vector<16xi32>
        %add3A_164 = arith.constant 32 : i32
        %add3A_165 = vector.broadcast %add3A_164 : i32 to vector<16xi32>
        %add3A_166 = arith.addi %iota3A_163, %add3A_165 : vector<16xi32>
        %gather3A_167 = arith.constant 0 : i32
        %gather3A_168 = arith.constant 0 : i32
        %gather3A_169 = tpu.memref_slice %arg10[%gather3A_167, %gather3A_168] : memref<64x64xf32, #tpu.memory_space<vmem>> -> memref<64x64xf32, #tpu.memory_space<vmem>>
        %gather3A_170 = tpu.vector_load_idx %gather3A_169[%add3A_166, %add3A_134] : memref<64x64xf32, #tpu.memory_space<vmem>>[vector<16xi32>, vector<16xi32>], vector<16xf32>,
        %swap3A_171 = arith.index_cast %rem3A_136 : i32 to index
        %swap3A_172 = arith.constant 32 : index
        %swap3A_173 = tpu.vector_load %arg9[%swap3A_171, %swap3A_172] {strides = array<i32>} : memref<16x64xf32, #tpu.memory_space<vmem>>, vector<16xf32>,
        tpu.vector_store %arg9[%swap3A_171, %swap3A_172], %gather3A_170 {strides = array<i32>} : memref<16x64xf32, #tpu.memory_space<vmem>>, vector<16xf32>,
        %iota3A_174 = tpu.iota {dimensions = array<i32: 0>} : vector<16xi32>
        %add3A_175 = arith.constant 48 : i32
        %add3A_176 = vector.broadcast %add3A_175 : i32 to vector<16xi32>
        %add3A_177 = arith.addi %iota3A_174, %add3A_176 : vector<16xi32>
        %gather3A_178 = arith.constant 0 : i32
        %gather3A_179 = arith.constant 0 : i32
        %gather3A_180 = tpu.memref_slice %arg10[%gather3A_178, %gather3A_179] : memref<64x64xf32, #tpu.memory_space<vmem>> -> memref<64x64xf32, #tpu.memory_space<vmem>>
        %gather3A_181 = tpu.vector_load_idx %gather3A_180[%add3A_177, %add3A_134] : memref<64x64xf32, #tpu.memory_space<vmem>>[vector<16xi32>, vector<16xi32>], vector<16xf32>,
        %swap3A_182 = arith.index_cast %rem3A_136 : i32 to index
        %swap3A_183 = arith.constant 48 : index
        %swap3A_184 = tpu.vector_load %arg9[%swap3A_182, %swap3A_183] {strides = array<i32>} : memref<16x64xf32, #tpu.memory_space<vmem>>, vector<16xf32>,
        tpu.vector_store %arg9[%swap3A_182, %swap3A_183], %gather3A_181 {strides = array<i32>} : memref<16x64xf32, #tpu.memory_space<vmem>>, vector<16xf32>,
        %dma_start3A = arith.constant 0 : i32
        %dma_start3A_185 = tpu.memref_slice %arg9[%rem3A_136, %dma_start3A] : memref<16x64xf32, #tpu.memory_space<vmem>> -> memref<1x64xf32, #tpu.memory_space<vmem>>
        %dma_start3A_186 = tpu.memref_squeeze %dma_start3A_185 : memref<1x64xf32, #tpu.memory_space<vmem>> -> memref<64xf32, #tpu.memory_space<vmem>>
        %dma_start3A_187 = arith.constant 0 : i32
        %dma_start3A_188 = tpu.memref_slice %arg4[%and3A_127, %dma_start3A_187] : memref<16384x64xf32, #tpu.memory_space<hbm>> -> memref<1x64xf32, #tpu.memory_space<hbm>>
        %dma_start3A_189 = tpu.memref_squeeze %dma_start3A_188 : memref<1x64xf32, #tpu.memory_space<hbm>> -> memref<64xf32, #tpu.memory_space<hbm>>
        %dma_start3A_190 = arith.constant 0 : i32
        %dma_start3A_191 = tpu.memref_slice %arg4[%and3A_127, %dma_start3A_190] : memref<16384x64xf32, #tpu.memory_space<hbm>> -> memref<1x64xf32, #tpu.memory_space<hbm>>
        %dma_start3A_192 = tpu.memref_squeeze %dma_start3A_191 : memref<1x64xf32, #tpu.memory_space<hbm>> -> memref<64xf32, #tpu.memory_space<hbm>>
        %dma_start3A_193 = arith.constant 0 : i32
        %dma_start3A_194 = tpu.memref_slice %arg9[%rem3A_136, %dma_start3A_193] : memref<16x64xf32, #tpu.memory_space<vmem>> -> memref<1x64xf32, #tpu.memory_space<vmem>>
        %dma_start3A_195 = tpu.memref_squeeze %dma_start3A_194 : memref<1x64xf32, #tpu.memory_space<vmem>> -> memref<64xf32, #tpu.memory_space<vmem>>
        tpu.enqueue_dma source(%dma_start3A_195 : memref<64xf32, #tpu.memory_space<vmem>>) target(%dma_start3A_192 : memref<64xf32, #tpu.memory_space<hbm>>) target_semaphore(%arg17 : memref<!tpu.dma_semaphore, #tpu.memory_space<semaphore_mem>>)
        %add3A_196 = arith.constant 1 : i32
        %add3A_197 = arith.addi %while3A_117, %add3A_196 : i32
        scf.yield %add3A_197 : i32
      }
      scf.yield %while3A_115 : i32
    }
    %min3A = arith.constant 16 : i32
    %min3A_79 = arith.minsi %while3A_78, %min3A : i32
    %while3A_80 = arith.constant 0 : i32
    %while3A_81 = arith.constant 0 : i32
    %while3A_82 = arith.subi %min3A_79, %while3A_80 : i32
    %while3A_83 = arith.addi %while3A_80, %while3A_82 : i32
    %while3A_84 = arith.constant 1 : i32
    %while3A_85 = arith.divsi %while3A_82, %while3A_84 : i32
    %while3A_86 = arith.muli %while3A_85, %while3A_84 : i32
    %while3A_87 = arith.addi %while3A_80, %while3A_86 : i32
    %while3A_88 = arith.constant 1 : i32
    %while3A_89 = scf.for %while3A_92 = %while3A_80 to %while3A_87 step %while3A_88 iter_args(%while3A_93 = %while3A_81) -> (i32)  : i32 {
      %dma_wait3A = arith.constant 0 : i32
      %dma_wait3A_94 = arith.constant 0 : i32
      %dma_wait3A_95 = arith.constant 0 : i32
      %dma_wait3A_96 = tpu.memref_slice %arg9[%dma_wait3A_94, %dma_wait3A_95] : memref<16x64xf32, #tpu.memory_space<vmem>> -> memref<1x64xf32, #tpu.memory_space<vmem>>
      %dma_wait3A_97 = tpu.memref_squeeze %dma_wait3A_96 : memref<1x64xf32, #tpu.memory_space<vmem>> -> memref<64xf32, #tpu.memory_space<vmem>>
      %dma_wait3A_98 = arith.constant 0 : i32
      %dma_wait3A_99 = tpu.memref_slice %arg4[%dma_wait3A, %dma_wait3A_98] : memref<16384x64xf32, #tpu.memory_space<hbm>> -> memref<1x64xf32, #tpu.memory_space<hbm>>
      %dma_wait3A_100 = tpu.memref_squeeze %dma_wait3A_99 : memref<1x64xf32, #tpu.memory_space<hbm>> -> memref<64xf32, #tpu.memory_space<hbm>>
      %dma_wait3A_101 = arith.constant 0 : i32
      %dma_wait3A_102 = tpu.memref_slice %arg9[%dma_wait3A_94, %dma_wait3A_101] : memref<16x64xf32, #tpu.memory_space<vmem>> -> memref<1x64xf32, #tpu.memory_space<vmem>>
      %dma_wait3A_103 = tpu.memref_squeeze %dma_wait3A_102 : memref<1x64xf32, #tpu.memory_space<vmem>> -> memref<64xf32, #tpu.memory_space<vmem>>
      %dma_wait3A_104 = arith.constant 0 : i32
      %dma_wait3A_105 = tpu.memref_slice %arg4[%dma_wait3A, %dma_wait3A_104] : memref<16384x64xf32, #tpu.memory_space<hbm>> -> memref<1x64xf32, #tpu.memory_space<hbm>>
      %dma_wait3A_106 = tpu.memref_squeeze %dma_wait3A_105 : memref<1x64xf32, #tpu.memory_space<hbm>> -> memref<64xf32, #tpu.memory_space<hbm>>
      tpu.wait_dma2 semaphore(%arg17 : memref<!tpu.dma_semaphore, #tpu.memory_space<semaphore_mem>>) src(%dma_wait3A_106 : memref<64xf32, #tpu.memory_space<hbm>>) dst(%dma_wait3A_103 : memref<64xf32, #tpu.memory_space<vmem>>)
      %while3A_107 = arith.constant 0 : i32
      scf.yield %while3A_107 : i32
    }
    %while3A_90 = arith.constant 1 : i32
    %while3A_91 = scf.for %while3A_92 = %while3A_87 to %while3A_83 step %while3A_90 iter_args(%while3A_93 = %while3A_89) -> (i32)  : i32 {
      %dma_wait3A = arith.constant 0 : i32
      %dma_wait3A_94 = arith.constant 0 : i32
      %dma_wait3A_95 = arith.constant 0 : i32
      %dma_wait3A_96 = tpu.memref_slice %arg9[%dma_wait3A_94, %dma_wait3A_95] : memref<16x64xf32, #tpu.memory_space<vmem>> -> memref<1x64xf32, #tpu.memory_space<vmem>>
      %dma_wait3A_97 = tpu.memref_squeeze %dma_wait3A_96 : memref<1x64xf32, #tpu.memory_space<vmem>> -> memref<64xf32, #tpu.memory_space<vmem>>
      %dma_wait3A_98 = arith.constant 0 : i32
      %dma_wait3A_99 = tpu.memref_slice %arg4[%dma_wait3A, %dma_wait3A_98] : memref<16384x64xf32, #tpu.memory_space<hbm>> -> memref<1x64xf32, #tpu.memory_space<hbm>>
      %dma_wait3A_100 = tpu.memref_squeeze %dma_wait3A_99 : memref<1x64xf32, #tpu.memory_space<hbm>> -> memref<64xf32, #tpu.memory_space<hbm>>
      %dma_wait3A_101 = arith.constant 0 : i32
      %dma_wait3A_102 = tpu.memref_slice %arg9[%dma_wait3A_94, %dma_wait3A_101] : memref<16x64xf32, #tpu.memory_space<vmem>> -> memref<1x64xf32, #tpu.memory_space<vmem>>
      %dma_wait3A_103 = tpu.memref_squeeze %dma_wait3A_102 : memref<1x64xf32, #tpu.memory_space<vmem>> -> memref<64xf32, #tpu.memory_space<vmem>>
      %dma_wait3A_104 = arith.constant 0 : i32
      %dma_wait3A_105 = tpu.memref_slice %arg4[%dma_wait3A, %dma_wait3A_104] : memref<16384x64xf32, #tpu.memory_space<hbm>> -> memref<1x64xf32, #tpu.memory_space<hbm>>
      %dma_wait3A_106 = tpu.memref_squeeze %dma_wait3A_105 : memref<1x64xf32, #tpu.memory_space<hbm>> -> memref<64xf32, #tpu.memory_space<hbm>>
      tpu.wait_dma2 semaphore(%arg17 : memref<!tpu.dma_semaphore, #tpu.memory_space<semaphore_mem>>) src(%dma_wait3A_106 : memref<64xf32, #tpu.memory_space<hbm>>) dst(%dma_wait3A_103 : memref<64xf32, #tpu.memory_space<vmem>>)
      %while3A_107 = arith.constant 0 : i32
      scf.yield %while3A_107 : i32
    }
    return
  }
}

</mosaic_0001>

<sc_bundles>
// kernel: kernel.3.cloned.1.call-start
scs
__scs_entry_jumppad:
0x0: {  	(pc) =	sbr.rel $0x88, $3  }
0x1: {  	(tag) =	ssettag $0x0;
	lr =	simm.s32 $0x1  }
0x2: {  	[smem:$0x3F9F] =	sst lr;
	_ =	strace $0xD0000000  }
0x3: {  	_ = 	snop  }
0x4: {  	_ = 	snop  }
0x5: {  	_ = 	snop  }
0x6: {  	_ = 	snop  }
0x7: {  	_ = 	snop  }
__scs_overlays_trampoline_lowered:
0x8: {  	[smem:$0x3FAE] =	sst s0  }
0x9: {  	[smem:$0x3FAF] =	sst s1  }
0xa: {  	[smem:$0x3FB0] =	sst s2  }
0xb: {  	[smem:$0x3FB1] =	sst s3  }
0xc: {  	[smem:$0x3FB2] =	sst s4  }
0xd: {  	[smem:$0x3FB3] =	sst s5  }
0xe: {  	[smem:$0x3FB4] =	sst s6  }
0xf: {  	[smem:$0x3FB5] =	sst s7  }
0x10: {  	[smem:$0x3FB6] =	sst s8  }
0x11: {  	[smem:$0x3FB7] =	sst s9;
	s0 =	simm.s32 @!p0 $0x0  }
0x12: {  	s1 =	sld [smem:$0x3F9D];
	s0 =	simm.s32 @p0 $0x1  }
0x13: {  	[smem:$0x3FB8] =	sst s0;
	s0 =	simm.s32 @!p1 $0x0  }
0x14: {  	s2 =	sld [smem:$0x3F9C];
	s0 =	simm.s32 @p1 $0x1  }
0x15: {  	[smem:$0x3FB9] =	sst s0;
	s0 =	simm.s32 @!p2 $0x0  }
0x16: {  	s3 =	sld [smem:$0x3FDB];
	s0 =	simm.s32 @p2 $0x1  }
0x17: {  	s4 =	simm.s32 $0x1BF5;
	[smem:$0x3FBB] =	sst s0  }
0x18: {  	s0 =	sld [smem:$0x3F9E];
	_ =	swait.ge [sflag:s4], $0x0  }
0x19: {  	s7 =	sld [smem:$0x3F9F]  }
0x1a: {  	s8 =	sadd.s32 $0xFFFFE003, lr  }
0x1b: {  	s9 =	sadd.s32 $0xFFFFFEF7, lr;
	s5 =	simm.s32 $0xFFFFFFFF;
	p2 =	slt.u32 s8, $0xFFFFF086  }
0x1c: {  	p1 =	slt.u32 s9, $0xF7A;
	s5 =	simm.s32 @!p2 $0x0  }
0x1d: {  	s5 =	simm.s32 @p1 $0x1;
	p0 =	seq.s32 s7, s2  }
0x1e: {  	s7 =	smul.u32 @!p0 $0xF7A, s2;
	p2 =	seq.s32 @!p0 s5, $0x0  }
0x1f: {  	s9 =	smul.u32 $0xF7A, s1;
	s8 =	simm.s32 @!p0 $0x1BF5;
	p2 =	por !p2, p0  }
0x20: {  	[sflag:s8] =	ssyncset.s32 @!p0 $0xFFFFF086;
	s6 =	sadd.s32 @!p0 s3, s7;
	s7 =	simm.s32 @!p0 $0x108  }
0x21: {  	s3 =	sadd.s32 s3, s9;
	s6 =	sadd.s32 @!p0 $0x88, s6;
	s7 =	simm.s32 @p2 $0x1082  }
0x22: {  	[simem:s7], [sflag:s8] =	dma.local @!p0 [hbm:s6], $0xF7A  }
0x23: {  	s9 =	sor.u32 $0xD0000000, s2;
	s6 =	simm.s32 $0x108;
	_ =	swait.ge @!p0 [sflag:s8], $0x0  }
0x24: {  	s3 =	sadd.s32 $0x88, s3;
	s6 =	simm.s32 @!p1 $0x1082;
	[sflag:s4] =	ssyncset.s32 $0xFFFFF086  }
0x25: {  	[simem:s6], [sflag:s4] =	dma.local [hbm:s3], $0xF7A  }
0x26: {  	[smem:$0x3F9F] =	sst s1;
	(tag) =	ssettag s2;
	_ =	strace s9  }
0x27: {  	s1 =	sld [smem:$0x3FAF]  }
0x28: {  	s2 =	sld [smem:$0x3FB0]  }
0x29: {  	s4 =	sld [smem:$0x3FB2]  }
0x2a: {  	p0 =	seq.s32 s5, $0x0;
	s5 =	sld [smem:$0x3FB3]  }
0x2b: {  	s6 =	sld [smem:$0x3FB4]  }
0x2c: {  	s7 =	sld [smem:$0x3FB5]  }
0x2d: {  	s3 =	simm.s32 $0x108;
	s8 =	sld [smem:$0x3FB6]  }
0x2e: {  	s3 =	simm.s32 @!p0 $0x1082;
	s9 =	sld [smem:$0x3FB7]  }
0x2f: {  	lr =	sadd.s32 s0, s3;
	s0 =	sld [smem:$0x3FAE]  }
0x30: {  	s3 =	sld [smem:$0x3FB1]  }
0x31: {  	[smem:$0x3FBA] =	sst s10  }
0x32: {  	s10 =	sld [smem:$0x3FB8];
	_ =	sdelay $0x3  }
0x33: {  	p0 =	seq.s32 s10, $0x1;
	s10 =	sld [smem:$0x3FBA];
	_ =	sdelay $0x3  }
0x34: {  	[smem:$0x3FBA] =	sst s10  }
0x35: {  	s10 =	sld [smem:$0x3FB9];
	_ =	sdelay $0x3  }
0x36: {  	p1 =	seq.s32 s10, $0x1;
	s10 =	sld [smem:$0x3FBA];
	_ =	sdelay $0x3  }
0x37: {  	[smem:$0x3FBA] =	sst s10  }
0x38: {  	s10 =	sld [smem:$0x3FBB]  }
0x39: {  	_ = 	snop;
	(pc) =	sbr.ind lr, $3  }
0x3a: {  	_ = 	snop  }
0x3b: {  	_ = 	snop  }
0x3c: {  	p2 =	seq.s32 s10, $0x1;
	s10 =	sld [smem:$0x3FBA]  }
0x3d: {  	_ =	shalt  }
0x3e: {  	_ =	shalt  }
0x3f: {  	_ =	shalt  }
0x40: {  	_ =	shalt  }
0x41: {  	_ =	shalt  }
0x42: {  	_ =	shalt  }
0x43: {  	_ =	shalt  }
0x44: {  	_ =	shalt  }
0x45: {  	_ =	shalt  }
0x46: {  	_ =	shalt  }
0x47: {  	_ =	shalt  }
0x48: {  	_ =	shalt  }
0x49: {  	_ =	shalt  }
0x4a: {  	_ =	shalt  }
0x4b: {  	_ =	shalt  }
0x4c: {  	_ =	shalt  }
0x4d: {  	_ =	shalt  }
0x4e: {  	_ =	shalt  }
0x4f: {  	_ =	shalt  }
0x50: {  	_ =	shalt  }
0x51: {  	_ =	shalt  }
0x52: {  	_ =	shalt  }
0x53: {  	_ =	shalt  }
0x54: {  	_ =	shalt  }
0x55: {  	_ =	shalt  }
0x56: {  	_ =	shalt  }
0x57: {  	_ =	shalt  }
0x58: {  	_ =	shalt  }
0x59: {  	_ =	shalt  }
0x5a: {  	_ =	shalt  }
0x5b: {  	_ =	shalt  }
0x5c: {  	_ =	shalt  }
0x5d: {  	_ =	shalt  }
0x5e: {  	_ =	shalt  }
0x5f: {  	_ =	shalt  }
0x60: {  	_ =	shalt  }
0x61: {  	_ =	shalt  }
0x62: {  	_ =	shalt  }
0x63: {  	_ =	shalt  }
0x64: {  	_ =	shalt  }
0x65: {  	_ =	shalt  }
0x66: {  	_ =	shalt  }
0x67: {  	_ =	shalt  }
0x68: {  	_ =	shalt  }
0x69: {  	_ =	shalt  }
0x6a: {  	_ =	shalt  }
0x6b: {  	_ =	shalt  }
0x6c: {  	_ =	shalt  }
0x6d: {  	_ =	shalt  }
0x6e: {  	_ =	shalt  }
0x6f: {  	_ =	shalt  }
0x70: {  	_ =	shalt  }
0x71: {  	_ =	shalt  }
0x72: {  	_ =	shalt  }
0x73: {  	_ =	shalt  }
0x74: {  	_ =	shalt  }
0x75: {  	_ =	shalt  }
0x76: {  	_ =	shalt  }
0x77: {  	_ =	shalt  }
0x78: {  	_ =	shalt  }
0x79: {  	_ =	shalt  }
0x7a: {  	_ =	shalt  }
0x7b: {  	_ =	shalt  }
0x7c: {  	_ =	shalt  }
0x7d: {  	_ =	shalt  }
0x7e: {  	_ =	shalt  }
0x7f: {  	_ =	shalt  }
0x80: {  	_ =	shalt  }
0x81: {  	_ =	shalt  }
0x82: {  	_ =	shalt  }
0x83: {  	_ =	shalt  }
0x84: {  	_ =	shalt  }
0x85: {  	_ =	shalt  }
0x86: {  	_ =	shalt  }
0x87: {  	_ =	shalt  }
.Lfunc_end0:
.L_simem_size_0:
called_computation_lowered:
.L_overlay_start_0:
0x88: {  	s2 =	sld [smem:$0x3FD9]  }
0x89: {  	s3 =	sld [smem:$0x3FFE];
	_ =	sdelay $0x1  }
0x8a: {  	s1 =	srdreg.scid  }
0x8b: {  	s0 =	sand.u32 $0x1, s1  }
0x8c: {  	s17 =	sshll.u32 s0, $0xA;
	s2 =	sadd.s32 s3, s2  }
0x8d: {  	s2 =	sadd.s32 s2, s17  }
0x8e: {  	[smem:$0x3FC6] =	sst s2  }
0x8f: {  	_ = 	snop  }
0x90: {  	s2 =	sld [smem:$0x3FC9]  }
0x91: {  	s18 =	sld [smem:$0x3FC8];
	(tm) =	ssettm $0x1  }
0x92: {  	s4 =	sld [smem:$0x3FFB];
	_ =	sdelay $0x3  }
0x93: {  	_ =	strace s4  }
0x94: {  	s4 =	sld [smem:$0x3FFC];
	_ =	sdelay $0x3  }
0x95: {  	_ =	strace s4  }
0x96: {  	s4 =	sld [smem:$0x3FFD];
	_ =	sdelay $0x3  }
0x97: {  	_ =	strace s4  }
0x98: {  	_ =	strace $0x8FFFFFFF  }
0x99: {  	s19 =	sld [smem:$0x3FDB];
	_ =	sdelay $0x1  }
0x9a: {  	s5 =	simm.s32 $_scs_section_size  }
0x9b: {  	s6 =	simm.s32 $_size__tile_overlayer_lowered;
	s7 =	simm.s32 $_tile_overlayer_lowered  }
0x9c: {  	s22 =	simm.s32 $0x1BFF;
	s21 =	sshll.u32 s7, $0x1;
	s4 =	sadd.s32 s5, s19  }
0x9d: {  	s8 =	simm.s32 $0x0;
	s20 =	sshll.u32 s6, $0x1;
	s6 =	sadd.s32 s21, s4  }
0x9e: {  	[timem:s8], [sflag:s22] =	dma.local [hbm:s6], s20  }
0x9f: {  	_ =	swait.ge [sflag:s22], s20  }
0xa0: {  	s5 =	ssub.s32 $0x0, s20;
	[sflag:s22] =	ssyncset.done $0x0  }
0xa1: {  	[sflag:s22] =	ssyncadd.s32 s5;
	_ =	sdelay $0x1  }
0xa2: {  	s23 =	simm.s32 $0x1B8B  }
0xa3: {  	_ =	swait.ge [sflag:s23], $0x1  }
0xa4: {  	[sflag:s23] =	ssyncset.done $0x0  }
0xa5: {  	s25 =	simm.s32 $0x1B8E;
	s24 =	sld [smem:$0x3FFE];
	[sflag:s23] =	ssyncadd.s32 $0xFFFFFFFF  }
0xa6: {  	s26 =	simm.s32 $execute0_lowered;
	[smem:$0x3FD2] =	sst s25  }
0xa7: {  	s6 =	sshll.u32 s26, $0x1;
	_ =	strace $0x80000046;
	[dreg:$0x1] =	wrdreg $0xFFFFFFFF  }
0xa8: {  	s28 =	simm.s32 $_size_execute0_lowered;
	s4 =	sadd.s32 s4, s6;
	[dreg:$0x0] =	wrdreg $0x0  }
0xa9: {  	s6 =	sshll.u32 s28, $0x1;
	[dreg:$0x2] =	wrdreg s4  }
0xaa: {  	[dreg:$0x3] =	wrdreg s6  }
0xab: {  	[dreg:$0x4] =	wrdreg $0xC0  }
0xac: {  	_ =	task [dreg:s8], $0x5FFFF  }
0xad: {  	[dreg:$0x1] =	wrdreg $0xFFFFFFFF  }
0xae: {  	[dreg:$0x0] =	wrdreg $0x60  }
0xaf: {  	[dreg:$0x2] =	wrdreg s2  }
0xb0: {  	[dreg:$0x3] =	wrdreg s18  }
0xb1: {  	[dreg:$0x4] =	wrdreg s24  }
0xb2: {  	[dreg:$0x5] =	wrdreg $0xF9000  }
0xb3: {  	[dreg:$0x6] =	wrdreg $0x9  }
0xb4: {  	_ =	task.clear_ibuf [dreg:s8], $0x7FFFF;
	_ =	strace $0x90000046  }
0xb5: {  	s29 =	simm.s32 $0x9;
	_ =	strace $0x80000048  }
0xb6: {  	_ =	swait.ge [sflag:s29], $0x1  }
0xb7: {  	[sflag:s29] =	ssyncadd.s32 $0xFFFFFFFF  }
0xb8: {  	_ =	strace $0x90000048  }
0xb9: {  	_ =	sfence  }
0xba: {  	s30 =	sld [smem:$0x0];
	_ =	sdelay $0x2  }
0xbb: {  	s31 =	sshll.u32 s1, $0xD;
	s1 =	sshrl.u32 s1, $0x2  }
0xbc: {  	s3 =	sand.u32 $0x4000, s31;
	s1 =	sadd.s32 s1, s30  }
0xbd: {  	s0 =	sor.u32 s3, s0;
	s1 =	sshll.u32 s1, $0x11  }
0xbe: {  	s0 =	sor.u32 s1, s0  }
0xbf: {  	s0 =	sadd.s32 $0x8F2B, s0  }
0xc0: {  	[sflag:s0] =	ssyncadd.remote.s32 $0x1  }
0xc1: {  	_ =	sfence.sel $0xFFFF  }
0xc2: {  	[dreg:$0x0] =	wrdreg $0xFFFFFFFF;
	(pc) =	sbr.abs _section_cstart, $3  }
0xc3: {  	[dreg:$0x1] =	wrdreg $0xFFFFFFFF  }
0xc4: {  	_ =	task.clear_ibuf [dreg:s8], $0x2FFFF;
	_ =	strace $0x9FFFFFFF  }
0xc5: {  	(tm) =	ssettm $0x7FFFFFFF  }
tec
execute0_lowered:
.L_overlay_start_1:
0x0: {  	(tag) =	ssettag $0x1  }
0x1: {  	s0 =	rddreg [dreg:$0x0]  }
0x2: {  	s15 =	rddreg [dreg:$0x1]  }
0x3: {  	s1 =	rddreg [dreg:$0x2]  }
0x4: {  	s13 =	rddreg [dreg:$0x3];
	s4 =	simm.s32 $0x0  }
0x5: {  	[smem:$0x7FF] =	sst s4;
	s7 =	sadd.s32 $0x8000, s13  }
0x6: {  	s10 =	sadd.s32 $0x10000, s13;
	_ =	strace $0x80000047;
	[dreg:$0x7] =	wrdreg s7  }
0x7: {  	s12 =	sadd.s32 $0x18000, s13;
	[dreg:$0x9] =	wrdreg s10  }
0x8: {  	s17 =	sadd.s32 $0x20000, s13;
	[dreg:$0xb] =	wrdreg s12  }
0x9: {  	s2 =	srdreg.scid;
	s19 =	sadd.s32 $0x28000, s13;
	[dreg:$0xd] =	wrdreg s17  }
0xa: {  	s16 =	stileid.u32;
	s21 =	sadd.s32 $0x30000, s13;
	[dreg:$0xe] =	wrdreg s19  }
0xb: {  	s2 =	sand.u32 $0x1, s2;
	s23 =	sadd.s32 $0x38000, s13;
	[dreg:$0x10] =	wrdreg s21  }
0xc: {  	s5 =	sadd.s32 $0x400, s1;
	s24 =	sadd.s32 $0x40000, s13;
	[dreg:$0x12] =	wrdreg s23  }
0xd: {  	p0 =	seq.s32 s16, $0xF;
	s30 =	sadd.s32 $0x48000, s13;
	[dreg:$0x13] =	wrdreg s24  }
0xe: {  	s25 =	sshll.u32 s16, $0xB;
	[dreg:$0x15] =	wrdreg s30;
	s7 =	sadd.s32 $0x50000, s13  }
0xf: {  	p2 =	seq.s32 s16, $0x0;
	s10 =	sadd.s32 $0x60000, s13;
	[dreg:$0x19] =	wrdreg s7  }
0x10: {  	s8 =	ssub.s32 $0x2, s2;
	s12 =	sadd.s32 $0x68000, s13;
	[dreg:$0x1c] =	wrdreg s10  }
0x11: {  	s18 =	smul.u32 $0x7A000, s2;
	s19 =	sadd.s32 $0x70000, s13;
	[dreg:$0x1e] =	wrdreg s12  }
0x12: {  	s30 =	sadd.s32 $0x88000, s13;
	[smem:$0x7D8] =	sst s19;
	s19 =	sadd.s32 $0xF4000, s15  }
0x13: {  	p1 =	seq.s32 s2, $0x1;
	s30 =	sshrl.u32 s30, $0x3;
	[smem:$0x7DE] =	sst s19  }
0x14: {  	vm14 =	vcmask $0x300;
	v7 =	vimm.s32 $0x6B80;
	s6 =	sshrl.u32 s8, $0x1;
	p0 =	por !p0, !p1;
	[smem:$0x7E5] =	sst s30  }
0x15: {  	v10 =	vsel vm14, $0x6000, v7;
	v7 =	vmov s16;
	p1 =	sne.s32 s16, $0x0;
	s16 =	sadd.s32 $0x5B8E80, s15;
	[dreg:$0x5] =	wrdreg s18  }
0x16: {  	v0 =	vimm.s32 $0xB80;
	vm0 =	vcmask $0x704;
	vm13 =	vcmask $0xB08;
	s1 =	ssub.s32 s8, s6;
	s8 =	sadd.s32 $0x58000, s13;
	[smem:$0x7F5] =	sst s16  }
0x17: {  	vm12 =	vcmask $0xF0C;
	vm10 =	vcmask $0x1310;
	vm8 =	vcmask $0x1714;
	s3 =	smul.u32 $0x3D0000, s2;
	s19 =	sadd.s32 $0x2DC700, s15;
	[dreg:$0x1a] =	wrdreg s8  }
0x18: {  	vm7 =	vcmask $0x1B18;
	vm5 =	vcmask $0x1F1C;
	s12 =	sadd.s32 $0xB0000, s13;
	s30 =	sadd.s32 $0x4C4A00, s15;
	[smem:$0x7E7] =	sst s19  }
0x19: {  	vm3 =	vcmask $0x2320;
	vm1 =	vcmask $0x2724;
	v1 =	vimm.s32 $0x1B80;
	s12 =	sshrl.u32 s12, $0x3;
	[smem:$0x7ED] =	sst s30  }
0x1a: {  	v2 =	vimm.s32 $0x2B80;
	vm2 =	vcmask $0x2B28;
	vm4 =	vcmask $0x2F2C;
	s3 =	sshrl.u32 s3, $0x3;
	s1 =	smax.u32 s1, $0x1;
	[smem:$0x7F4] =	sst s12  }
0x1b: {  	vm6 =	vcmask $0x3330;
	vm9 =	vcmask $0x3734;
	vm11 =	vcmask $0x3B38;
	s3 =	sadd.s32 s15, s3;
	[dreg:$0x16] =	wrdreg s1  }
0x1c: {  	v3 =	vimm.s32 $0x3B80;
	v4 =	vimm.s32 $0x4B80;
	v5 =	vimm.s32 $0x5B80;
	s19 =	sadd.s32 $0xF4200, s15;
	[dreg:$0x6] =	wrdreg s3  }
0x1d: {  	v8 =	vimm.s32 $0x7B80;
	v0 =	vsel vm14, $0x0, v0;
	v1 =	vsel vm14, $0x1000, v1;
	s30 =	sadd.s32 $0x7A1380, s15;
	[smem:$0x7F7] =	sst s19  }
0x1e: {  	v2 =	vsel vm14, $0x2000, v2;
	v3 =	vsel vm14, $0x3000, v3;
	v4 =	vsel vm14, $0x4000, v4;
	s9 =	sadd.s32 $0xF4280, s3;
	[smem:$0x7FD] =	sst s30  }
0x1f: {  	v5 =	vsel vm14, $0x5000, v5;
	v8 =	vsel vm14, $0x7000, v8;
	v0 =	vsel vm0, $0x80, v0;
	s11 =	sadd.s32 $0x1E8500, s3;
	[dreg:$0x8] =	wrdreg s9  }
0x20: {  	v1 =	vsel vm0, $0x1080, v1;
	v2 =	vsel vm0, $0x2080, v2;
	v3 =	vsel vm0, $0x3080, v3;
	s14 =	sadd.s32 $0x2DC780, s3;
	[dreg:$0xa] =	wrdreg s11  }
0x21: {  	v4 =	vsel vm0, $0x4080, v4;
	v5 =	vsel vm0, $0x5080, v5;
	v10 =	vsel vm0, $0x6080, v10;
	s20 =	sadd.s32 $0x4C4C80, s3;
	[dreg:$0xc] =	wrdreg s14  }
0x22: {  	s28 =	sadd.s32 $0x1E8500, s15;
	v8 =	vsel vm0, $0x7080, v8;
	vm0 =	vmxor vm0, vm0;
	v0 =	vsel vm13, $0x100, v0;
	s22 =	sadd.s32 $0x6AD180, s3;
	[dreg:$0xf] =	wrdreg s20  }
0x23: {  	s31 =	sadd.s32 $0x5B8F00, s15;
	v1 =	vsel vm13, $0x1100, v1;
	v2 =	vsel vm13, $0x2100, v2;
	v3 =	vsel vm13, $0x3100, v3;
	s26 =	sadd.s32 $0x1000, s3;
	[dreg:$0x11] =	wrdreg s22  }
0x24: {  	v4 =	vsel vm13, $0x4100, v4;
	s10 =	sadd.s32 $0x2DC780, s15;
	v5 =	vsel vm13, $0x5100, v5;
	v10 =	vsel vm13, $0x6100, v10;
	s2 =	sadd.s32 $0xF5280, s3;
	[dreg:$0x14] =	wrdreg s26  }
0x25: {  	v8 =	vsel vm13, $0x7100, v8;
	v0 =	vsel vm12, $0x180, v0;
	v1 =	vsel vm12, $0x1180, v1;
	s6 =	sadd.s32 $0x1E9500, s3;
	[dreg:$0x17] =	wrdreg s2  }
0x26: {  	s29 =	simm.s32 $0x8000;
	v2 =	vsel vm12, $0x2180, v2;
	v3 =	vsel vm12, $0x3180, v3;
	v4 =	vsel vm12, $0x4180, v4;
	s17 =	sadd.s32 $0x5B9F00, s3;
	[dreg:$0x18] =	wrdreg s6  }
0x27: {  	v5 =	vsel vm12, $0x5180, v5;
	v10 =	vsel vm12, $0x6180, v10;
	v11 =	vsel vm12, $0x7180, v8;
	s21 =	sadd.s32 $0x6AE180, s3;
	[smem:$0x7D7] =	sst s17  }
0x28: {  	s7 =	sadd.s32 $0x90000, s13;
	v8 =	vlaneseq.u32;
	v0 =	vsel vm10, $0x200, v0;
	v1 =	vsel vm10, $0x1200, v1;
	s23 =	sadd.s32 $0x3D0A00, s3;
	[smem:$0x7DA] =	sst s21  }
0x29: {  	s24 =	sadd.s32 s25, s13;
	v2 =	vsel vm10, $0x2200, v2;
	v3 =	vsel vm10, $0x3200, v3;
	v4 =	vsel vm10, $0x4200, v4;
	s25 =	sadd.s32 $0x5B8F00, s3;
	[smem:$0x7DC] =	sst s23  }
0x2a: {  	p0 =	por !p0, !p0;
	v5 =	vsel vm10, $0x5200, v5;
	v10 =	vsel vm10, $0x6200, v10;
	v11 =	vsel vm10, $0x7200, v11;
	s9 =	sadd.s32 $0x2DD780, s3;
	[smem:$0x7DD] =	sst s25  }
0x2b: {  	s8 =	sadd.s32 $0x98000, s13;
	v0 =	vsel vm8, $0x280, v0;
	v1 =	vsel vm8, $0x1280, v1;
	v2 =	vsel vm8, $0x2280, v2;
	s11 =	sadd.s32 $0x3D1A00, s3;
	[dreg:$0x1b] =	wrdreg s9  }
0x2c: {  	s12 =	simm.s32 $0x5080;
	v3 =	vsel vm8, $0x3280, v3;
	v4 =	vsel vm8, $0x4280, v4;
	v9 =	vsel vm8, $0x5280, v5;
	s14 =	sadd.s32 $0x4C5C80, s3;
	[dreg:$0x1d] =	wrdreg s11  }
0x2d: {  	s1 =	sadd.s32 $0x7A000, s18;
	v10 =	vsel vm8, $0x6280, v10;
	v11 =	vsel vm8, $0x7280, v11;
	v0 =	vsel vm7, $0x300, v0;
	s20 =	sadd.s32 $0x78000, s13;
	[dreg:$0x1f] =	wrdreg s14  }
0x2e: {  	vm0 =	vmneg @p0 vm0;
	v1 =	vsel vm7, $0x1300, v1;
	v2 =	vsel vm7, $0x2300, v2;
	s22 =	sadd.s32 $0xF4280, s15;
	s25 =	sadd.s32 $0x4C4C80, s15;
	[smem:$0x7D9] =	sst s20  }
0x2f: {  	v5 =	vmov s18;
	v3 =	vsel vm7, $0x3300, v3;
	v4 =	vsel vm7, $0x4300, v4;
	s3 =	sadd.s32 $0x2000, s18;
	s21 =	sadd.s32 $0x1E8280, s15;
	[smem:$0x7DB] =	sst s22  }
0x30: {  	s23 =	sadd.s32 $0x1E8480, s15;
	v9 =	vsel vm7, $0x5300, v9;
	v10 =	vsel vm7, $0x6300, v10;
	v11 =	vsel vm7, $0x7300, v11;
	[smem:$0x7E0] =	sst s21  }
0x31: {  	s6 =	sadd.s32 $0x2DC600, s15;
	v0 =	vsel vm5, $0x380, v0;
	v1 =	vsel vm5, $0x1380, v1;
	v2 =	vsel vm5, $0x2380, v2;
	[smem:$0x7E3] =	sst s23  }
0x32: {  	s18 =	sadd.s32 $0x6ACF00, s15;
	v3 =	vsel vm5, $0x3380, v3;
	v4 =	vsel vm5, $0x4380, v4;
	[smem:$0x7E6] =	sst s6;
	v9 =	vsel vm5, $0x5380, v9  }
0x33: {  	s26 =	sadd.s32 $0x80000, s13;
	s20 =	sadd.s32 $0xF4100, s15;
	[smem:$0x7F6] =	sst s18;
	v10 =	vsel vm5, $0x6380, v10;
	v11 =	vsel vm5, $0x7380, v11;
	v0 =	vsel vm3, $0x800, v0  }
0x34: {  	s22 =	sadd.s32 $0x1E8380, s15;
	v1 =	vsel vm3, $0x1800, v1;
	v2 =	vsel vm3, $0x2800, v2;
	v3 =	vsel vm3, $0x3800, v3;
	[smem:$0x7DF] =	sst s20  }
0x35: {  	s17 =	sadd.s32 $0x6AD180, s15;
	s2 =	sshrl.u32 s26, $0x3;
	v4 =	vsel vm3, $0x4800, v4;
	[smem:$0x7E1] =	sst s22;
	v9 =	vsel vm3, $0x5800, v9;
	v10 =	vsel vm3, $0x6800, v10  }
0x36: {  	s26 =	sadd.s32 $0x2DC500, s15;
	[smem:$0x7E2] =	sst s2;
	v11 =	vsel vm3, $0x7800, v11;
	v0 =	vsel vm1, $0x880, v0;
	v1 =	vsel vm1, $0x1880, v1  }
0x37: {  	s21 =	sadd.s32 $0x3D0780, s15;
	[smem:$0x7E4] =	sst s26;
	v2 =	vsel vm1, $0x2880, v2;
	v3 =	vsel vm1, $0x3880, v3;
	v4 =	vsel vm1, $0x4880, v4  }
0x38: {  	s14 =	sadd.s32 $0x3D0A00, s15;
	s23 =	sshrl.u32 s8, $0x3;
	[smem:$0x7E9] =	sst s21;
	v9 =	vsel vm1, $0x5880, v9;
	v10 =	vsel vm1, $0x6880, v10;
	v11 =	vsel vm1, $0x7880, v11  }
0x39: {  	s6 =	sadd.s32 $0x4C4B00, s15;
	[smem:$0x7EB] =	sst s23;
	v0 =	vsel vm2, $0x900, v0;
	v1 =	vsel vm2, $0x1900, v1;
	v2 =	vsel vm2, $0x2900, v2  }
0x3a: {  	s9 =	sadd.s32 $0xA0000, s13;
	s20 =	sshrl.u32 s7, $0x3;
	[smem:$0x7EF] =	sst s6;
	v3 =	vsel vm2, $0x3900, v3;
	v4 =	vsel vm2, $0x4900, v4;
	v9 =	vsel vm2, $0x5900, v9  }
0x3b: {  	s22 =	sadd.s32 $0x3D0880, s15;
	[smem:$0x7E8] =	sst s20;
	v10 =	vsel vm2, $0x6900, v10;
	v11 =	vsel vm2, $0x7900, v11;
	v0 =	vsel vm4, $0x980, v0  }
0x3c: {  	s26 =	sadd.s32 $0x3D0980, s15;
	[smem:$0x7EA] =	sst s22;
	v1 =	vsel vm4, $0x1980, v1;
	v2 =	vsel vm4, $0x2980, v2;
	v3 =	vsel vm4, $0x3980, v3  }
0x3d: {  	s11 =	sadd.s32 $0xA8000, s13;
	s2 =	sshrl.u32 s9, $0x3;
	[smem:$0x7EC] =	sst s26;
	v4 =	vsel vm4, $0x4980, v4;
	v9 =	vsel vm4, $0x5980, v9;
	v10 =	vsel vm4, $0x6980, v10  }
0x3e: {  	s7 =	sadd.s32 $0x4C4C00, s15;
	[smem:$0x7EE] =	sst s2;
	v11 =	vsel vm4, $0x7980, v11;
	v0 =	vsel vm6, $0xA00, v0;
	v1 =	vsel vm6, $0x1A00, v1  }
0x3f: {  	s8 =	sshrl.u32 s11, $0x3;
	s9 =	sadd.s32 $0x5B8C80, s15;
	[smem:$0x7F0] =	sst s7;
	v2 =	vsel vm6, $0x2A00, v2;
	v3 =	vsel vm6, $0x3A00, v3;
	v6 =	vsel vm6, $0x4A00, v4  }
0x40: {  	s19 =	simm.s32 $0xD900;
	s11 =	sadd.s32 $0x5B8D80, s15;
	[smem:$0x7F1] =	sst s8;
	v4 =	vmov s1;
	v9 =	vsel vm6, $0x5A00, v9;
	v0 =	vsel vm9, $0xA80, v0  }
0x41: {  	s21 =	sadd.s32 $0x6AD100, s15;
	[smem:$0x7F2] =	sst s9;
	v1 =	vsel vm9, $0x1A80, v1;
	v2 =	vsel vm9, $0x2A80, v2;
	v3 =	vsel vm9, $0x3A80, v3  }
0x42: {  	s23 =	sadd.s32 $0x7A1180, s15;
	[smem:$0x7F3] =	sst s11;
	v6 =	vsel vm9, $0x4A80, v6;
	v12 =	vsel vm9, $0x5A80, v9;
	v9 =	vsel vm6, $0x6A00, v10  }
.Ltmp0:
0x43: {  	s13 =	sadd.s32 $0xB8000, s13;
	[smem:$0x7F9] =	sst s21;
	v10 =	vsel vm6, $0x7A00, v11;
	v0 =	vsel vm11, $0xB00, v0;
	v1 =	vsel vm11, $0x1B00, v1;
	(pc) =	sbr.rel .LBB2_1-.Ltmp0, $4  }
0x44: {  	s6 =	simm.s32 $0x0;
	s20 =	sadd.s32 $0x6AD000, s15;
	[smem:$0x7FB] =	sst s23;
	v2 =	vsel vm11, $0x2B00, v2;
	v3 =	vsel vm11, $0x3B00, v3;
	v6 =	vsel vm11, $0x4B00, v6  }
0x45: {  	s22 =	sshrl.u32 s13, $0x3;
	s26 =	sadd.s32 $0x7A1280, s15;
	[smem:$0x7F8] =	sst s20;
	v11 =	vsel vm9, $0x6A80, v9;
	v13 =	vsel vm9, $0x7A80, v10;
	v9 =	vmul.u32 $0x80, v8  }
0x46: {  	s21 =	simm.s32 $0x7;
	s23 =	simm.s32 $0x800;
	[smem:$0x7FA] =	sst s22;
	v10 =	vsel vm11, $0x5B00, v12;
	v11 =	vsel vm11, $0x6B00, v11;
	v12 =	vsel vm11, $0x7B00, v13  }
0x47: {  	s2 =	simm.s32 $0xD080;
	[smem:$0x7FC] =	sst s26;
	s22 =	simm.s32 $0x6;
	v13 =	vor.u32 $0x800, v9;
	v14 =	vor.u32 $0x1000, v9;
	v15 =	vor.u32 $0x1800, v9  }
.LBB2_62:
0x48: {  	[sflag:s22] =	ssyncadd.s32 $0xFFFFFF80;
	s6 =	sld [smem:$0x7D6]  }
.LBB2_63:
0x49: {  	_ =	sdelay $0x1  }
0x4a: {  	s1 =	rddreg [dreg:$0x16];
	s6 =	sadd.s32 $0x1, s6  }
0x4b: {  	p3 =	sne.s32 s6, s1  }
.Ltmp1:
0x4c: {  	_ = 	snop;
	(pc) =	sbr.rel @!p3 .LBB2_64-.Ltmp1, $1  }
0x4d: {  	_ =	sdelay $0x3  }
.LBB2_1:
0x4e: {  	[smem:$0x7D6] =	sst s6  }
0x4f: {  	s1 =	rddreg [dreg:$0x3]  }
0x50: {  	s7 =	simm.s32 @!p1 $0x1C03;
	s6 =	sshrl.u32 @!p1 s1, $0x3;
	s1 =	rddreg [dreg:$0x6]  }
0x51: {  	[spmem:s6], [sflag:s7] =	dma.local @!p1 [hbm:s1], $0x1000  }
0x52: {  	s1 =	rddreg [dreg:$0x7]  }
0x53: {  	s6 =	sshrl.u32 @!p1 s1, $0x3;
	s1 =	rddreg [dreg:$0x8]  }
0x54: {  	[spmem:s6], [sflag:s7] =	dma.local @!p1 [hbm:s1], $0x1000  }
0x55: {  	s1 =	rddreg [dreg:$0x9]  }
0x56: {  	s6 =	sshrl.u32 @!p1 s1, $0x3;
	s1 =	rddreg [dreg:$0xa]  }
0x57: {  	[spmem:s6], [sflag:s7] =	dma.local @!p1 [hbm:s1], $0x1000  }
0x58: {  	s1 =	rddreg [dreg:$0xb]  }
0x59: {  	s6 =	sshrl.u32 @!p1 s1, $0x3;
	s1 =	rddreg [dreg:$0xc]  }
0x5a: {  	[spmem:s6], [sflag:s7] =	dma.local @!p1 [hbm:s1], $0x1000  }
0x5b: {  	s1 =	rddreg [dreg:$0xd]  }
0x5c: {  	s6 =	sshrl.u32 @!p1 s1, $0x3;
	s1 =	sld [smem:$0x7DC];
	_ =	sdelay $0x2  }
0x5d: {  	[spmem:s6], [sflag:s7] =	dma.local @!p1 [hbm:s1], $0x1000  }
0x5e: {  	s1 =	rddreg [dreg:$0xe]  }
0x5f: {  	s6 =	sshrl.u32 @!p1 s1, $0x3;
	s1 =	rddreg [dreg:$0xf]  }
0x60: {  	[spmem:s6], [sflag:s7] =	dma.local @!p1 [hbm:s1], $0x1000  }
0x61: {  	s1 =	rddreg [dreg:$0x10]  }
0x62: {  	s6 =	sshrl.u32 @!p1 s1, $0x3;
	s1 =	sld [smem:$0x7DD];
	_ =	sdelay $0x2  }
0x63: {  	[spmem:s6], [sflag:s7] =	dma.local @!p1 [hbm:s1], $0x1000  }
0x64: {  	s1 =	rddreg [dreg:$0x12]  }
0x65: {  	s6 =	sshrl.u32 @!p1 s1, $0x3;
	s1 =	rddreg [dreg:$0x11]  }
0x66: {  	[spmem:s6], [sflag:s7] =	dma.local @!p1 [hbm:s1], $0x1000  }
0x67: {  	s1 =	rddreg [dreg:$0x13]  }
0x68: {  	s7 =	simm.s32 @!p1 $0x1C04;
	s6 =	sshrl.u32 @!p1 s1, $0x3;
	s1 =	rddreg [dreg:$0x14]  }
0x69: {  	[spmem:s6], [sflag:s7] =	dma.local @!p1 [hbm:s1], $0x1000  }
0x6a: {  	s1 =	rddreg [dreg:$0x15]  }
0x6b: {  	s6 =	sshrl.u32 @!p1 s1, $0x3;
	s1 =	rddreg [dreg:$0x17]  }
0x6c: {  	[spmem:s6], [sflag:s7] =	dma.local @!p1 [hbm:s1], $0x1000  }
0x6d: {  	s1 =	rddreg [dreg:$0x19]  }
0x6e: {  	s6 =	sshrl.u32 @!p1 s1, $0x3;
	s1 =	rddreg [dreg:$0x18]  }
0x6f: {  	[spmem:s6], [sflag:s7] =	dma.local @!p1 [hbm:s1], $0x1000  }
0x70: {  	s1 =	rddreg [dreg:$0x1a]  }
0x71: {  	s6 =	sshrl.u32 @!p1 s1, $0x3;
	s1 =	rddreg [dreg:$0x1b]  }
0x72: {  	[spmem:s6], [sflag:s7] =	dma.local @!p1 [hbm:s1], $0x1000  }
0x73: {  	s1 =	rddreg [dreg:$0x1c]  }
0x74: {  	s6 =	sshrl.u32 @!p1 s1, $0x3;
	s1 =	rddreg [dreg:$0x1d]  }
0x75: {  	[spmem:s6], [sflag:s7] =	dma.local @!p1 [hbm:s1], $0x1000  }
0x76: {  	s1 =	rddreg [dreg:$0x1e]  }
0x77: {  	s6 =	sshrl.u32 @!p1 s1, $0x3;
	s1 =	rddreg [dreg:$0x1f]  }
0x78: {  	[spmem:s6], [sflag:s7] =	dma.local @!p1 [hbm:s1], $0x1000  }
0x79: {  	s1 =	sld [smem:$0x7D8];
	_ =	sdelay $0x2  }
0x7a: {  	s6 =	sshrl.u32 @!p1 s1, $0x3;
	s1 =	sld [smem:$0x7D7];
	_ =	sdelay $0x2  }
0x7b: {  	[spmem:s6], [sflag:s7] =	dma.local @!p1 [hbm:s1], $0x1000  }
0x7c: {  	s1 =	sld [smem:$0x7D9];
	_ =	sdelay $0x2  }
0x7d: {  	s6 =	sshrl.u32 @!p1 s1, $0x3;
	s1 =	sld [smem:$0x7DA];
	_ =	sdelay $0x2  }
0x7e: {  	[spmem:s6], [sflag:s7] =	dma.local @!p1 [hbm:s1], $0x1000  }
0x7f: {  	s8 =	simm.s32 $0x0;
	s6 =	simm.s32 $0x0;
	s7 =	simm.s32 $0x0  }
.LBB2_2:
0x80: {  	s9 =	sshll.u32 s7, $0x9  }
0x81: {  	s11 =	simm.s32 $0x0;
	s9 =	sadd.s32 s0, s9  }
0x82: {  	[tilespmem:s11], [sflag:$0x7] =	stream.linear.gather [hbm4b:s9+s11], $0x1000, $0x38;
	[tilespmem:$0x1B900] =	vst v63  }
0x83: {  	_ =	swait.ge [sflag:s21], $0x1000  }
0x84: {  	[sflag:s21] =	ssyncset.done $0x0  }
0x85: {  	s26 =	simm.s32 $0x0;
	[sflag:s21] =	ssyncadd.s32 $0xFFFFF000  }
0x86: {  	v16 =	vld [tilespmem:s26+$0x0];
	_ =	sdelay $0x4  }
0x87: {  	v17 =	vsub.s32 v16, v5  }
0x88: {  	vm1 =	vge.s32 v16, v5;
	v18 =	vshrl.u32 v16, $0x8;
	v17 =	vshrl.u32 v17, $0x4  }
0x89: {  	vm2 =	vgt.s32 v16, $0xF3FFF;
	v19 =	vand.u32 $0xFF, v16;
	v17 =	vand.u32 $0x3FF00, v17  }
0x8a: {  	vm2 =	vmand vm0, vm2;
	v17 =	vor.u32 v19, v17;
	v19 =	vadd.s32 $0x13A00, v16  }
0x8b: {  	vm3 =	vlt.s32 v16, v4;
	v16 =	vand.u32 $0xF, v18;
	v17 =	vsel vm2, v19, v17  }
0x8c: {  	vm1 =	vmand vm1, vm3;
	vm4 =	veq.s32 v16, v7;
	v16 =	vshll.u32 v17, $0xE  }
0x8d: {  	vm1 =	vmand vm1, vm4;
	v16 =	vadd.s32 s6, v16  }
0x8e: {  	vm1 =	vmor vm2, vm1;
	v16 =	vadd.s32 v8, v16  }
0x8f: {  	s30 =	simm.s32 $0x10;
	[tilespmem:s8+$0x1000] =	vst.msk vm1, v16  }
0x90: {  	v16 =	vld [tilespmem:s30+$0x0];
	_ =	sdelay $0x4  }
0x91: {  	v17 =	vsub.s32 v16, v5;
	v18 =	vshrl.u32 v16, $0x8  }
0x92: {  	v18 =	vand.u32 $0xF, v18;
	v17 =	vshrl.u32 v17, $0x4  }
0x93: {  	vm2 =	veq.s32 v18, v7;
	v18 =	vand.u32 $0xFF, v16;
	v17 =	vand.u32 $0x3FF00, v17  }
0x94: {  	v17 =	vor.u32 v18, v17;
	v18 =	vmpcnt.ones.xlane vm1;
	_ =	sdelay $0x1  }
0x95: {  	(v2sf) =	vpush v18, $0x0;
	_ =	sdelay $0x8  }
0x96: {  	vm3 =	vge.s32 v16, v5;
	vm14 =	vlt.s32 v16, v4  }
0x97: {  	vm3 =	vmand vm3, vm14;
	vm1 =	vgt.s32 v16, $0xF3FFF  }
0x98: {  	v16 =	vadd.s32 $0x13A00, v16;
	vm15 =	vmand vm0, vm1;
	vm1 =	vmand vm3, vm2  }
0x99: {  	vm1 =	vmor vm15, vm1;
	v16 =	vsel vm15, v16, v17  }
0x9a: {  	s11 =	simm.s32 $0x80;
	s9 =	smov.u32 s6;
	v16 =	vshll.u32 v16, $0xE;
	v17 =	vmpcnt.ones.xlane vm1  }
.LBB2_3:
0x9b: {  	s9 =	sadd.s32 $0x10, s9  }
0x9c: {  	s13 =	spop (v2sf);
	s15 =	smov.u32 s11;
	s16 =	sadd.s32 $0x40, s11  }
0x9d: {  	p3 =	sne.s32 s11, $0x3FC0;
	v16 =	vadd.s32 s9, v16;
	(v2sf) =	vpush v17, $0x0;
	s8 =	sadd.s32 s8, s13  }
0x9e: {  	v16 =	vadd.s32 v8, v16  }
0x9f: {  	s11 =	sshra.s32 s15, $0x2;
	[tilespmem:s8+$0x1000] =	vst.msk vm1, v16  }
0xa0: {  	v16 =	vld [tilespmem:s11+$0x0];
	_ =	sdelay $0x4  }
0xa1: {  	v17 =	vsub.s32 v16, v5;
	vm1 =	vge.s32 v16, v5;
	v18 =	vshrl.u32 v16, $0x8  }
0xa2: {  	vm2 =	vlt.s32 v16, v4;
	v18 =	vand.u32 $0xF, v18;
	v17 =	vshrl.u32 v17, $0x4  }
.Ltmp2:
0xa3: {  	vm4 =	vgt.s32 v16, $0xF3FFF;
	vm3 =	veq.s32 v18, v7;
	v18 =	vand.u32 $0xFF, v16;
	(pc) =	sbr.rel @p3 .LBB2_3-.Ltmp2, $4  }
0xa4: {  	vm1 =	vmand vm1, vm2;
	vm2 =	vmand vm0, vm4;
	v17 =	vand.u32 $0x3FF00, v17  }
0xa5: {  	v16 =	vadd.s32 $0x13A00, v16;
	vm1 =	vmand vm1, vm3;
	v17 =	vor.u32 v18, v17  }
0xa6: {  	vm1 =	vmor vm2, vm1;
	v16 =	vsel vm2, v16, v17  }
0xa7: {  	s11 =	smov.u32 s16;
	v16 =	vshll.u32 v16, $0xE;
	v17 =	vmpcnt.ones.xlane vm1  }
0xa8: {  	_ = 	snop  }
0xa9: {  	(v2sf) =	vpush v17, $0x0;
	_ =	sdelay $0x9  }
0xaa: {  	s7 =	sadd.s32 $0x1, s7  }
0xab: {  	p3 =	sne.s32 s7, $0x4  }
.Ltmp3:
0xac: {  	_ = 	snop;
	(pc) =	sbr.rel @p3 .LBB2_2-.Ltmp3, $4  }
0xad: {  	s9 =	sadd.s32 $0x10, s9  }
0xae: {  	s11 =	spop (v2sf);
	v16 =	vadd.s32 s9, v16  }
0xaf: {  	s8 =	sadd.s32 s8, s11;
	v16 =	vadd.s32 v8, v16;
	s30 =	spop (v2sf)  }
0xb0: {  	s6 =	sadd.s32 $0x1000, s6;
	[tilespmem:s8+$0x1000] =	vst.msk vm1, v16;
	s8 =	sadd.s32 s8, s30  }
0xb1: {  	s6 =	sadd.s32 $0xF, s8  }
0xb2: {  	s7 =	sand.u32 $0xF, s6  }
0xb3: {  	s8 =	sshra.s32 s6, $0x1F;
	p3 =	slt.s32 s6, $0x1;
	p4 =	sne.s32 s7, $0x0  }
.Ltmp4:
0xb4: {  	s26 =	sshrl.u32 s8, $0x1C;
	p3 =	por !p3, !p4;
	(pc) =	sbr.rel .LBB2_7-.Ltmp4, $4  }
0xb5: {  	s7 =	simm.s32 $0x1;
	s6 =	sadd.s32 s26, s6;
	p3 =	por !p3, !p3  }
0xb6: {  	s6 =	sshra.s32 s6, $0x4;
	s7 =	simm.s32 @!p3 $0x0  }
0xb7: {  	s6 =	ssub.s32 s6, s7  }
0xb8: {  	s30 =	simm.s32 $0x0;
	s7 =	simm.s32 $0x0;
	p3 =	slt.s32 s6, $0x1  }
.LBB2_6:
0xb9: {  	p4 =	seq.s32 s7, $0x7B  }
.Ltmp5:
0xba: {  	_ = 	snop;
	(pc) =	sbr.rel @p4 .LBB2_33-.Ltmp5, $1  }
0xbb: {  	_ =	sdelay $0x3  }
.LBB2_7:
0xbc: {  	p4 =	seq.s32 s7, $0x0  }
.Ltmp6:
0xbd: {  	_ = 	snop;
	(pc) =	sbr.rel @p4 .LBB2_13-.Ltmp6, $2  }
0xbe: {  	_ =	sdelay $0x2  }
0xbf: {  	s8 =	smov.u32 s7  }
0xc0: {  	s7 =	sand.u32 $0x1, s8  }
0xc1: {  	p5 =	seq.s32 s7, $0x1;
	s7 =	simm.s32 $0x1  }
0xc2: {  	s7 =	simm.s32 @!p5 $0x2  }
.Ltmp7:
0xc3: {  	_ =	swait.ge [sflag:s7], $0x4000;
	(pc) =	sbr.rel @p2 .LBB2_9-.Ltmp7, $3  }
0xc4: {  	[sflag:s7] =	ssyncset.done $0x0  }
0xc5: {  	[sflag:s7] =	ssyncadd.s32 $0xFFFFC000  }
0xc6: {  	[bflag:$0x0] =	sbarrier.arrive $0xFFFF;
	_ =	sdelay $0x1  }
0xc7: {  	p6 =	seq.s32 s8, $0x7A  }
.Ltmp8:
0xc8: {  	_ = 	snop;
	(pc) =	sbr.rel @p6 .LBB2_24-.Ltmp8, $2  }
0xc9: {  	_ =	sdelay $0x1  }
0xca: {  	[bflag:$0x0] =	sbarrier.arrive $0xFFFF;
	_ =	sdelay $0x1  }
0xcb: {  	s7 =	smul.u32 $0xAB, s8;
	_ =	sdelay $0x1  }
0xcc: {  	s7 =	sshrl.u32 s7, $0x9  }
0xcd: {  	s7 =	sand.u32 $0x7F, s7  }
0xce: {  	s7 =	smul.u32 $0x3, s7  }
.Ltmp9:
0xcf: {  	_ = 	snop;
	(pc) =	sbr.rel @p5 .LBB2_20-.Ltmp9, $4  }
.Ltmp10:
0xd0: {  	_ = 	snop;
	(pc) =	sbr.rel @!p5 .LBB2_23-.Ltmp10, $4  }
0xd1: {  	_ = 	snop  }
0xd2: {  	s7 =	ssub.s32 s8, s7  }
0xd3: {  	s7 =	sand.u32 $0xFF, s7  }
0xd4: {  	_ = 	snop  }
.LBB2_13:
.Ltmp11:
0xd5: {  	(pc) =	sbr.rel @p2 .LBB2_15-.Ltmp11, $3  }
0xd6: {  	_ =	sdelay $0x1  }
0xd7: {  	[bflag:$0x0] =	sbarrier.arrive $0xFFFF  }
0xd8: {  	s7 =	smov.u32 s3  }
.Ltmp12:
0xd9: {  	(pc) =	sbr.rel .LBB2_23-.Ltmp12, $3  }
0xda: {  	_ =	sdelay $0x1  }
0xdb: {  	[bflag:$0x0] =	sbarrier.arrive $0xFFFF  }
0xdc: {  	s7 =	simm.s32 $0x0  }
.LBB2_9:
0xdd: {  	p5 =	sgt.u32 s8, $0x77  }
.Ltmp13:
0xde: {  	_ = 	snop;
	(pc) =	sbr.rel @p5 .LBB2_16-.Ltmp13, $1  }
0xdf: {  	_ =	sdelay $0x3  }
0xe0: {  	s7 =	sadd.s32 $0x2, s8  }
0xe1: {  	s9 =	smul.u32 $0xAB, s7;
	_ =	sdelay $0x1  }
0xe2: {  	s9 =	sshrl.u32 s9, $0x9  }
0xe3: {  	s9 =	sand.u32 $0x7F, s9  }
0xe4: {  	s9 =	smul.u32 $0x3, s9;
	_ =	sdelay $0x1  }
0xe5: {  	s9 =	ssub.s32 s7, s9  }
0xe6: {  	s9 =	sand.u32 $0xFF, s9  }
0xe7: {  	p5 =	seq.s32 s9, $0x2  }
.Ltmp14:
0xe8: {  	_ = 	snop;
	(pc) =	sbr.rel @p5 .LBB2_15-.Ltmp14, $3  }
0xe9: {  	_ =	sdelay $0x1  }
0xea: {  	s1 =	rddreg [dreg:$0x5];
	s7 =	sshll.u32 s7, $0xC  }
0xeb: {  	s7 =	sadd.s32 s1, s7  }
0xec: {  	p5 =	seq.s32 s9, $0x1  }
.Ltmp15:
0xed: {  	_ = 	snop;
	(pc) =	sbr.rel @!p5 .LBB2_12-.Ltmp15, $3  }
0xee: {  	s26 =	sld [smem:$0x7DB];
	_ =	sdelay $0x1  }
0xef: {  	s1 =	rddreg [dreg:$0x1]  }
0xf0: {  	s11 =	sadd.s32 s1, s7;
	s9 =	sadd.s32 s7, s26  }
0xf1: {  	s1 =	rddreg [dreg:$0x13]  }
0xf2: {  	s15 =	simm.s32 $0x1C04;
	s13 =	sshrl.u32 s1, $0x3  }
0xf3: {  	[spmem:s13], [sflag:s15] =	dma.local [hbm:s11], $0x1000  }
0xf4: {  	s26 =	rddreg [dreg:$0x15]  }
0xf5: {  	s1 =	sshrl.u32 s26, $0x3  }
0xf6: {  	[spmem:s1], [sflag:s15] =	dma.local [hbm:s9], $0x1000  }
0xf7: {  	s16 =	rddreg [dreg:$0x19]  }
0xf8: {  	s13 =	sadd.s32 s7, s28;
	s18 =	sshrl.u32 s16, $0x3  }
0xf9: {  	[spmem:s18], [sflag:s15] =	dma.local [hbm:s13], $0x1000  }
0xfa: {  	s26 =	rddreg [dreg:$0x1a]  }
0xfb: {  	s20 =	sadd.s32 s7, s10;
	s1 =	sshrl.u32 s26, $0x3  }
0xfc: {  	[spmem:s1], [sflag:s15] =	dma.local [hbm:s20], $0x1000  }
0xfd: {  	s16 =	rddreg [dreg:$0x1c]  }
0xfe: {  	s13 =	sadd.s32 s7, s14;
	s18 =	sshrl.u32 s16, $0x3  }
0xff: {  	[spmem:s18], [sflag:s15] =	dma.local [hbm:s13], $0x1000  }
0x100: {  	s26 =	rddreg [dreg:$0x1e]  }
0x101: {  	s20 =	sadd.s32 s7, s25;
	s1 =	sshrl.u32 s26, $0x3  }
0x102: {  	[spmem:s1], [sflag:s15] =	dma.local [hbm:s20], $0x1000  }
0x103: {  	s13 =	sld [smem:$0x7D8];
	_ =	sdelay $0x2  }
0x104: {  	s11 =	sadd.s32 s7, s31;
	s16 =	sshrl.u32 s13, $0x3  }
0x105: {  	[spmem:s16], [sflag:s15] =	dma.local [hbm:s11], $0x1000  }
.Ltmp16:
0x106: {  	s20 =	sld [smem:$0x7D9];
	(pc) =	sbr.rel .LBB2_19-.Ltmp16, $3  }
0x107: {  	_ =	sdelay $0x1  }
0x108: {  	s18 =	sadd.s32 s7, s17;
	s26 =	sshrl.u32 s20, $0x3  }
0x109: {  	[spmem:s26], [sflag:s15] =	dma.local [hbm:s18], $0x1000  }
.LBB2_15:
0x10a: {  	s1 =	stileid.u32;
	s18 =	sld [smem:$0x7E2]  }
0x10b: {  	s16 =	rddreg [dreg:$0x1];
	s9 =	sshll.u32 s1, $0x6  }
0x10c: {  	s11 =	sadd.s32 s16, s7;
	s9 =	sor.u32 $0x1C05, s9  }
0x10d: {  	[spmem:s18], [sflag:s9] =	dma.local [hbm:s11], $0x1000  }
0x10e: {  	s1 =	sld [smem:$0x7DB]  }
0x10f: {  	s26 =	sld [smem:$0x7E5];
	_ =	sdelay $0x1  }
0x110: {  	s20 =	sadd.s32 s7, s1  }
0x111: {  	[spmem:s26], [sflag:s9] =	dma.local [hbm:s20], $0x1000  }
0x112: {  	s1 =	sld [smem:$0x7E8];
	_ =	sdelay $0x1  }
0x113: {  	s13 =	sadd.s32 s7, s28  }
0x114: {  	[spmem:s1], [sflag:s9] =	dma.local [hbm:s13], $0x1000  }
0x115: {  	s1 =	sld [smem:$0x7EB];
	_ =	sdelay $0x1  }
0x116: {  	s15 =	sadd.s32 s7, s10  }
0x117: {  	[spmem:s1], [sflag:s9] =	dma.local [hbm:s15], $0x1000  }
0x118: {  	s1 =	sld [smem:$0x7EE];
	_ =	sdelay $0x1  }
0x119: {  	s16 =	sadd.s32 s7, s14  }
0x11a: {  	[spmem:s1], [sflag:s9] =	dma.local [hbm:s16], $0x1000  }
0x11b: {  	s1 =	sld [smem:$0x7F1];
	_ =	sdelay $0x1  }
0x11c: {  	s18 =	sadd.s32 s7, s25  }
0x11d: {  	[spmem:s1], [sflag:s9] =	dma.local [hbm:s18], $0x1000  }
0x11e: {  	s1 =	sld [smem:$0x7F4];
	_ =	sdelay $0x1  }
0x11f: {  	s20 =	sadd.s32 s7, s31  }
0x120: {  	[spmem:s1], [sflag:s9] =	dma.local [hbm:s20], $0x1000  }
.Ltmp17:
0x121: {  	_ = 	snop;
	(pc) =	sbr.rel .LBB2_19-.Ltmp17, $3  }
0x122: {  	s1 =	sld [smem:$0x7FA];
	_ =	sdelay $0x1  }
0x123: {  	s26 =	sadd.s32 s7, s17  }
0x124: {  	[spmem:s1], [sflag:s9] =	dma.local [hbm:s26], $0x1000  }
.LBB2_16:
0x125: {  	p5 =	sne.s32 s8, $0x7A  }
.Ltmp18:
0x126: {  	_ = 	snop;
	(pc) =	sbr.rel @p5 .LBB2_19-.Ltmp18, $1  }
0x127: {  	_ =	sdelay $0x3  }
.Ltmp19:
0x128: {  	(pc) =	sbr.rel .LBB2_24-.Ltmp19, $2  }
0x129: {  	_ =	sdelay $0x1  }
0x12a: {  	[bflag:$0x0] =	sbarrier.arrive $0xFFFF;
	_ =	sdelay $0x1  }
.LBB2_12:
0x12b: {  	s1 =	rddreg [dreg:$0x3]  }
0x12c: {  	s15 =	simm.s32 $0x1C03;
	s13 =	sshrl.u32 s1, $0x3  }
0x12d: {  	[spmem:s13], [sflag:s15] =	dma.local [hbm:s11], $0x1000  }
0x12e: {  	s26 =	rddreg [dreg:$0x7]  }
0x12f: {  	s1 =	sshrl.u32 s26, $0x3  }
0x130: {  	[spmem:s1], [sflag:s15] =	dma.local [hbm:s9], $0x1000  }
0x131: {  	s16 =	rddreg [dreg:$0x9]  }
0x132: {  	s13 =	sadd.s32 s7, s28;
	s18 =	sshrl.u32 s16, $0x3  }
0x133: {  	[spmem:s18], [sflag:s15] =	dma.local [hbm:s13], $0x1000  }
0x134: {  	s26 =	rddreg [dreg:$0xb]  }
0x135: {  	s20 =	sadd.s32 s7, s10;
	s1 =	sshrl.u32 s26, $0x3  }
0x136: {  	[spmem:s1], [sflag:s15] =	dma.local [hbm:s20], $0x1000  }
0x137: {  	s16 =	rddreg [dreg:$0xd]  }
0x138: {  	s13 =	sadd.s32 s7, s14;
	s18 =	sshrl.u32 s16, $0x3  }
0x139: {  	[spmem:s18], [sflag:s15] =	dma.local [hbm:s13], $0x1000  }
0x13a: {  	s26 =	rddreg [dreg:$0xe]  }
0x13b: {  	s20 =	sadd.s32 s7, s25;
	s1 =	sshrl.u32 s26, $0x3  }
0x13c: {  	[spmem:s1], [sflag:s15] =	dma.local [hbm:s20], $0x1000  }
0x13d: {  	s13 =	rddreg [dreg:$0x10]  }
0x13e: {  	s11 =	sadd.s32 s7, s31;
	s16 =	sshrl.u32 s13, $0x3  }
0x13f: {  	[spmem:s16], [sflag:s15] =	dma.local [hbm:s11], $0x1000  }
0x140: {  	s20 =	rddreg [dreg:$0x12]  }
0x141: {  	s18 =	sadd.s32 s7, s17;
	s26 =	sshrl.u32 s20, $0x3  }
0x142: {  	[spmem:s26], [sflag:s15] =	dma.local [hbm:s18], $0x1000  }
.LBB2_19:
0x143: {  	s7 =	smul.u32 $0xAB, s8;
	_ =	sdelay $0x1  }
0x144: {  	s7 =	sshrl.u32 s7, $0x9  }
0x145: {  	s7 =	sand.u32 $0x7F, s7  }
0x146: {  	s7 =	smul.u32 $0x3, s7;
	_ =	sdelay $0x1  }
0x147: {  	s7 =	ssub.s32 s8, s7  }
0x148: {  	s7 =	sand.u32 $0xFF, s7  }
0x149: {  	p5 =	seq.s32 s7, $0x0  }
0x14a: {  	p6 =	seq.s32 @!p5 s7, $0x2  }
0x14b: {  	p6 =	por !p6, p5  }
0x14c: {  	s9 =	simm.s32 @!p6 $0x5  }
0x14d: {  	s11 =	sand.u32 $0x1, s8;
	s9 =	simm.s32 @p6 $0x4  }
0x14e: {  	s9 =	simm.s32 @p5 $0x3;
	p5 =	seq.s32 s11, $0x1  }
.Ltmp20:
0x14f: {  	_ =	swait.ge [sflag:s9], $0x8000;
	(pc) =	sbr.rel @!p5 .LBB2_23-.Ltmp20, $3  }
0x150: {  	[sflag:s9] =	ssyncset.done $0x0  }
0x151: {  	[sflag:s9] =	ssyncadd.s32 $0xFFFF8000  }
0x152: {  	[bflag:$0x0] =	sbarrier.arrive $0xFFFF;
	_ =	sdelay $0x1  }
.LBB2_20:
.Ltmp21:
0x153: {  	(pc) =	sbr.rel .LBB2_24-.Ltmp21, $4  }
0x154: {  	_ = 	snop  }
0x155: {  	s7 =	sshll.u32 s7, $0x12  }
0x156: {  	s1 =	simm.s32 $0x9080;
	s7 =	sadd.s32 s7, s24  }
0x157: {  	[tilespmem:s1], [sflag:$0x2] =	stream.strided.gather [spmem:s7], $0x4000, s29, s23, $0x38;
	[tilespmem:$0x1B900] =	vst v63  }
.LBB2_23:
0x158: {  	s7 =	sshll.u32 s7, $0x12  }
0x159: {  	s7 =	sadd.s32 s7, s24  }
0x15a: {  	[tilespmem:s12], [sflag:$0x1] =	stream.strided.gather [spmem:s7], $0x4000, s29, s23, $0x38;
	[tilespmem:$0x1B900] =	vst v63  }
.LBB2_24:
.Ltmp22:
0x15b: {  	(pc) =	sbr.rel @p3 .LBB2_6-.Ltmp22, $2  }
0x15c: {  	_ =	sdelay $0x2  }
0x15d: {  	s7 =	sadd.s32 $0x1, s8  }
.Ltmp23:
0x15e: {  	s8 =	sshll.u32 s8, $0x8;
	(pc) =	sbr.rel .LBB2_26-.Ltmp23, $4  }
0x15f: {  	s9 =	sand.u32 $0x1, s7;
	s8 =	sadd.s32 $0xFFFFFF00, s8  }
0x160: {  	s9 =	sshll.u32 s9, $0xE;
	s8 =	simm.s32 @p4 $0x100000  }
0x161: {  	v18 =	vor.u32 s9, v0;
	v19 =	vor.u32 s9, v1;
	v20 =	vor.u32 s9, v2;
	s11 =	sadd.s32 $0x100, s8  }
0x162: {  	v21 =	vor.u32 s9, v3;
	s9 =	simm.s32 $0x0;
	v16 =	vmov s8;
	v17 =	vmov s11;
	s11 =	simm.s32 $0x0  }
.LBB2_28:
0x163: {  	s15 =	simm.s32 $0x1;
	s13 =	simm.s32 $0x0  }
.LBB2_31:
0x164: {  	_ =	sdelay $0x2  }
0x165: {  	[hbm4b:s18+s4] =	stream.linear.scatter @p4 [tilespmem:s20], [sflag:$0x6], $0x80, $0x38;
	[tilespmem:$0x1B900] =	vst v63  }
0x166: {  	v22 =	vld.idx.msk [tilespmem:v22+s2+$0x0], $0xffff;
	_ =	sdelay $0x4  }
0x167: {  	(v2sf) =	vpush v22, $0x0;
	_ =	sdelay $0xe  }
0x168: {  	s1 =	spop (v2sf)  }
0x169: {  	s16 =	sshrl.u32 s1, $0xE  }
0x16a: {  	s16 =	ssub.s32 s16, s8  }
0x16b: {  	v22 =	vmov s16  }
0x16c: {  	v23 =	vand.u32 $0x7F, v22;
	v22 =	vshll.u32 v22, $0x3  }
0x16d: {  	s13 =	sadd.s32 s13, s30;
	v22 =	vand.u32 $0xFFFFFC00, v22;
	v24 =	vor.u32 v23, v18  }
0x16e: {  	p4 =	slt.s32 s13, $0x10;
	v24 =	vadd.s32 v22, v24  }
0x16f: {  	s16 =	simm.s32 @!p4 $0x6  }
0x170: {  	_ =	swait.ge @!p4 [sflag:s16], $0x80  }
0x171: {  	s26 =	sshra.s32 s13, $0x1F;
	[sflag:s16] =	ssyncset.done @!p4 $0x0  }
0x172: {  	s18 =	sshrl.u32 s26, $0x1C;
	[sflag:s16] =	ssyncadd.s32 @!p4 $0xFFFFFF80  }
0x173: {  	s20 =	sadd.s32 s18, s13;
	v25 =	vor.u32 v23, v19;
	v24 =	vld.idx.msk [tilespmem:v24+s12+$0x0], $0xffff  }
0x174: {  	v25 =	vadd.s32 v22, v25;
	s16 =	sand.u32 $0xFFFFFFF0, s20  }
0x175: {  	s13 =	ssub.s32 s13, s16  }
0x176: {  	s13 =	sshll.u32 s13, $0x9  }
0x177: {  	s13 =	sshra.s32 s13, $0x2  }
0x178: {  	[tilespmem:s13+$0xD100] =	vst v24  }
0x179: {  	v63 =	vor.u32 v23, v20;
	v25 =	vld.idx.msk [tilespmem:v25+s12+$0x0], $0xffff  }
0x17a: {  	v24 =	vadd.s32 v22, v63;
	_ =	sdelay $0x3  }
0x17b: {  	[tilespmem:s13+$0xD110] =	vst v25  }
0x17c: {  	v23 =	vor.u32 v23, v21;
	v24 =	vld.idx.msk [tilespmem:v24+s12+$0x0], $0xffff  }
0x17d: {  	v22 =	vadd.s32 v22, v23;
	_ =	sdelay $0x3  }
0x17e: {  	[tilespmem:s13+$0xD120] =	vst v24  }
0x17f: {  	v22 =	vld.idx.msk [tilespmem:v22+s12+$0x0], $0xffff;
	_ =	sdelay $0x2  }
0x180: {  	s1 =	sshll.u32 s1, $0x4  }
0x181: {  	s1 =	sand.u32 $0x3FFF0, s1  }
0x182: {  	s30 =	sadd.s32 s15, s30;
	s1 =	sadd.s32 s5, s1;
	s26 =	sadd.s32 $0xD100, s13;
	[tilespmem:s13+$0xD130] =	vst v22  }
0x183: {  	[hbm4b:s1+s4] =	stream.linear.scatter [tilespmem:s26], [sflag:$0x6], $0x80, $0x38;
	[tilespmem:$0x1B900] =	vst v63  }
.LBB2_32:
0x184: {  	s11 =	sadd.s32 $0x1, s11  }
0x185: {  	p4 =	seq.s32 s11, s6  }
.Ltmp24:
0x186: {  	_ = 	snop;
	(pc) =	sbr.rel @p4 .LBB2_6-.Ltmp24, $1  }
0x187: {  	_ =	sdelay $0x3  }
.LBB2_26:
0x188: {  	s13 =	sshll.u32 s11, $0x6  }
0x189: {  	s13 =	sshra.s32 s13, $0x2  }
0x18a: {  	v22 =	vld [tilespmem:s13+$0x1000];
	_ =	sdelay $0x4  }
0x18b: {  	v23 =	vshrl.u32 v22, $0xE  }
0x18c: {  	vm1 =	vge.s32 v23, v16;
	vm2 =	vlt.s32 v23, v17  }
0x18d: {  	vm1 =	vmand vm1, vm2  }
0x18e: {  	v23 =	vmpcnt.ones.xlane vm1;
	_ =	sdelay $0x1  }
0x18f: {  	(v2sf) =	vpush v23, $0x0;
	_ =	sdelay $0xe  }
0x190: {  	s16 =	spop (v2sf)  }
0x191: {  	p4 =	slt.s32 s16, $0x1  }
.Ltmp25:
0x192: {  	_ = 	snop;
	(pc) =	sbr.rel @p4 .LBB2_32-.Ltmp25, $2  }
0x193: {  	_ =	sdelay $0x2  }
0x194: {  	[tilespmem:s2+$0x0] =	vst.msk vm1, v22  }
0x195: {  	p5 =	sne.s32 s16, $0x1  }
.Ltmp26:
0x196: {  	_ = 	snop;
	(pc) =	sbr.rel @!p5 .LBB2_28-.Ltmp26, $2  }
0x197: {  	_ =	sdelay $0x2  }
0x198: {  	s13 =	simm.s32 $0x1;
	v22 =	vmov s9;
	p4 =	por $0x0, $0x0  }
0x199: {  	_ =	sdelay $0x3  }
0x19a: {  	v22 =	vld.idx.msk [tilespmem:v22+s2+$0x0], $0xffff;
	_ =	sdelay $0x4  }
0x19b: {  	(v2sf) =	vpush v22, $0x0;
	_ =	sdelay $0xe  }
0x19c: {  	s15 =	spop (v2sf)  }
0x19d: {  	s18 =	sshrl.u32 s15, $0xE  }
0x19e: {  	s18 =	ssub.s32 s18, s8  }
0x19f: {  	v22 =	vmov s18  }
0x1a0: {  	v23 =	vand.u32 $0x7F, v22;
	v22 =	vshll.u32 v22, $0x3  }
0x1a1: {  	s26 =	sadd.s32 $0x0, s30;
	v22 =	vand.u32 $0xFFFFFC00, v22;
	v24 =	vor.u32 v23, v18  }
0x1a2: {  	p4 =	slt.s32 s26, $0x10;
	v24 =	vadd.s32 v22, v24  }
0x1a3: {  	s20 =	simm.s32 @!p4 $0x6  }
0x1a4: {  	_ =	swait.ge @!p4 [sflag:s20], $0x80  }
0x1a5: {  	s1 =	sshra.s32 s26, $0x1F;
	[sflag:s20] =	ssyncset.done @!p4 $0x0  }
0x1a6: {  	s1 =	sshrl.u32 s1, $0x1C;
	[sflag:s20] =	ssyncadd.s32 @!p4 $0xFFFFFF80  }
0x1a7: {  	s1 =	sadd.s32 s1, s26;
	v25 =	vor.u32 v23, v19;
	v24 =	vld.idx.msk [tilespmem:v24+s12+$0x0], $0xffff  }
0x1a8: {  	s1 =	sand.u32 $0xFFFFFFF0, s1;
	v25 =	vadd.s32 v22, v25  }
0x1a9: {  	s1 =	ssub.s32 s26, s1  }
0x1aa: {  	s1 =	sshll.u32 s1, $0x9  }
0x1ab: {  	s1 =	sshra.s32 s1, $0x2  }
0x1ac: {  	[tilespmem:s1+$0xD100] =	vst v24  }
0x1ad: {  	v63 =	vor.u32 v23, v20;
	v25 =	vld.idx.msk [tilespmem:v25+s12+$0x0], $0xffff  }
0x1ae: {  	v24 =	vadd.s32 v22, v63;
	_ =	sdelay $0x3  }
0x1af: {  	[tilespmem:s1+$0xD110] =	vst v25  }
0x1b0: {  	v23 =	vor.u32 v23, v21;
	v24 =	vld.idx.msk [tilespmem:v24+s12+$0x0], $0xffff  }
0x1b1: {  	v22 =	vadd.s32 v22, v23;
	_ =	sdelay $0x3  }
0x1b2: {  	[tilespmem:s1+$0xD120] =	vst v24  }
0x1b3: {  	p5 =	sne.s32 s16, $0x2;
	v23 =	vld.idx.msk [tilespmem:v22+s12+$0x0], $0xffff  }
.Ltmp27:
0x1b4: {  	_ = 	snop;
	(pc) =	sbr.rel @!p5 .LBB2_31-.Ltmp27, $4  }
0x1b5: {  	v22 =	vmov s13  }
0x1b6: {  	s26 =	sshll.u32 s15, $0x4  }
0x1b7: {  	s15 =	simm.s32 $0x2;
	s18 =	sand.u32 $0x3FFF0, s26  }
0x1b8: {  	s20 =	sadd.s32 $0xD100, s1;
	p4 =	por $0x1, $0x1;
	s18 =	sadd.s32 s5, s18;
	[tilespmem:s1+$0xD130] =	vst v23  }
.LBB2_30:
0x1b9: {  	[hbm4b:s18+s4] =	stream.linear.scatter [tilespmem:s20], [sflag:$0x6], $0x80, $0x38;
	[tilespmem:$0x1B900] =	vst v63  }
0x1ba: {  	s1 =	smov.u32 s15;
	s15 =	sadd.s32 $0x1, s15;
	v22 =	vld.idx.msk [tilespmem:v22+s2+$0x0], $0xffff  }
0x1bb: {  	p5 =	sne.s32 s16, s15;
	_ =	sdelay $0x4  }
0x1bc: {  	(v2sf) =	vpush v22, $0x0;
	_ =	sdelay $0xe  }
0x1bd: {  	s18 =	spop (v2sf)  }
0x1be: {  	s20 =	sshrl.u32 s18, $0xE;
	s18 =	sshll.u32 s18, $0x4  }
0x1bf: {  	s20 =	ssub.s32 s20, s8;
	s18 =	sand.u32 $0x3FFF0, s18  }
0x1c0: {  	v22 =	vmov s20  }
0x1c1: {  	v23 =	vand.u32 $0x7F, v22;
	v22 =	vshll.u32 v22, $0x3  }
0x1c2: {  	s20 =	sadd.s32 s13, s30;
	s13 =	smov.u32 s1;
	v22 =	vand.u32 $0xFFFFFC00, v22;
	v24 =	vor.u32 v23, v18;
	v25 =	vor.u32 v23, v19  }
0x1c3: {  	s1 =	sshra.s32 s20, $0x1F;
	p6 =	slt.s32 s20, $0x10;
	v26 =	vor.u32 v23, v20;
	v24 =	vadd.s32 v22, v24;
	v25 =	vadd.s32 v22, v25  }
0x1c4: {  	s1 =	sshrl.u32 s1, $0x1C;
	s26 =	simm.s32 @!p6 $0x6;
	v23 =	vor.u32 v23, v21;
	v26 =	vadd.s32 v22, v26  }
0x1c5: {  	s1 =	sadd.s32 s1, s20;
	v22 =	vadd.s32 v22, v23;
	_ =	swait.ge @!p6 [sflag:s26], $0x80  }
0x1c6: {  	s1 =	sand.u32 $0xFFFFFFF0, s1;
	[sflag:s26] =	ssyncset.done @!p6 $0x0  }
0x1c7: {  	s1 =	ssub.s32 s20, s1;
	[sflag:s26] =	ssyncadd.s32 @!p6 $0xFFFFFF80  }
0x1c8: {  	s1 =	sshll.u32 s1, $0x9;
	v23 =	vld.idx.msk [tilespmem:v24+s12+$0x0], $0xffff;
	_ =	sdelay $0x4  }
0x1c9: {  	s1 =	sshra.s32 s1, $0x2  }
0x1ca: {  	[tilespmem:s1+$0xD100] =	vst v23  }
0x1cb: {  	v23 =	vld.idx.msk [tilespmem:v25+s12+$0x0], $0xffff;
	_ =	sdelay $0x5  }
0x1cc: {  	[tilespmem:s1+$0xD110] =	vst v23  }
0x1cd: {  	v23 =	vld.idx.msk [tilespmem:v26+s12+$0x0], $0xffff;
	_ =	sdelay $0x5  }
0x1ce: {  	[tilespmem:s1+$0xD120] =	vst v23  }
0x1cf: {  	v23 =	vld.idx.msk [tilespmem:v22+s12+$0x0], $0xffff;
	_ =	sdelay $0x1  }
.Ltmp28:
0x1d0: {  	(pc) =	sbr.rel @p5 .LBB2_30-.Ltmp28, $2  }
0x1d1: {  	v22 =	vmov s13;
	_ =	sdelay $0x2  }
0x1d2: {  	s18 =	sadd.s32 s5, s18;
	s20 =	sadd.s32 $0xD100, s1;
	[tilespmem:s1+$0xD130] =	vst v23  }
.Ltmp29:
0x1d3: {  	_ = 	snop;
	(pc) =	sbr.rel .LBB2_31-.Ltmp29, $1  }
0x1d4: {  	_ =	sdelay $0x3  }
.LBB2_33:
.Ltmp30:
0x1d5: {  	(pc) =	sbr.rel @!p0 .LBB2_35-.Ltmp30, $1  }
0x1d6: {  	_ =	sdelay $0x3  }
0x1d7: {  	s1 =	sld [smem:$0x7DE];
	_ =	sdelay $0x2  }
0x1d8: {  	[tilespmem:s12], [sflag:$0x7] =	stream.linear.gather [hbm4b:s1+s4], $0x800, $0x38;
	[tilespmem:$0x1B900] =	vst v63  }
0x1d9: {  	_ =	swait.ge [sflag:s21], $0x800  }
0x1da: {  	s16 =	sld [smem:$0x7DF]  }
0x1db: {  	[sflag:s21] =	ssyncset.done $0x0  }
0x1dc: {  	s7 =	simm.s32 $0x9080;
	[sflag:s21] =	ssyncadd.s32 $0xFFFFF800  }
0x1dd: {  	[tilespmem:s7], [sflag:$0x7] =	stream.linear.gather [hbm4b:s16+s4], $0x800, $0x38;
	[tilespmem:$0x1B900] =	vst v63  }
0x1de: {  	_ =	swait.ge [sflag:s21], $0x800  }
0x1df: {  	s18 =	sld [smem:$0x7F7]  }
0x1e0: {  	[sflag:s21] =	ssyncset.done $0x0  }
0x1e1: {  	[sflag:s21] =	ssyncadd.s32 $0xFFFFF800  }
0x1e2: {  	[tilespmem:s19], [sflag:$0x7] =	stream.linear.gather [hbm4b:s18+s4], $0x400, $0x38;
	[tilespmem:$0x1B900] =	vst v63  }
0x1e3: {  	_ =	swait.ge [sflag:s21], $0x400  }
0x1e4: {  	s20 =	sld [smem:$0x7E0]  }
0x1e5: {  	[sflag:s21] =	ssyncset.done $0x0  }
0x1e6: {  	s26 =	simm.s32 $0x5880;
	[sflag:s21] =	ssyncadd.s32 $0xFFFFFC00  }
0x1e7: {  	[tilespmem:s26], [sflag:$0x7] =	stream.linear.gather [hbm4b:s20+s4], $0x800, $0x38;
	[tilespmem:$0x1B900] =	vst v63  }
0x1e8: {  	_ =	swait.ge [sflag:s21], $0x800  }
0x1e9: {  	s7 =	sld [smem:$0x7E1]  }
0x1ea: {  	[sflag:s21] =	ssyncset.done $0x0  }
0x1eb: {  	s8 =	simm.s32 $0x9880;
	[sflag:s21] =	ssyncadd.s32 $0xFFFFF800  }
0x1ec: {  	[tilespmem:s8], [sflag:$0x7] =	stream.linear.gather [hbm4b:s7+s4], $0x800, $0x38;
	[tilespmem:$0x1B900] =	vst v63  }
0x1ed: {  	_ =	swait.ge [sflag:s21], $0x800  }
0x1ee: {  	s9 =	sld [smem:$0x7E3]  }
0x1ef: {  	[sflag:s21] =	ssyncset.done $0x0  }
0x1f0: {  	s11 =	simm.s32 $0xDD00;
	[sflag:s21] =	ssyncadd.s32 $0xFFFFF800  }
0x1f1: {  	[tilespmem:s11], [sflag:$0x7] =	stream.linear.gather [hbm4b:s9+s4], $0x400, $0x38;
	[tilespmem:$0x1B900] =	vst v63  }
0x1f2: {  	_ =	swait.ge [sflag:s21], $0x400  }
0x1f3: {  	s13 =	sld [smem:$0x7E4]  }
0x1f4: {  	[sflag:s21] =	ssyncset.done $0x0  }
0x1f5: {  	s15 =	simm.s32 $0x6080;
	[sflag:s21] =	ssyncadd.s32 $0xFFFFFC00  }
0x1f6: {  	[tilespmem:s15], [sflag:$0x7] =	stream.linear.gather [hbm4b:s13+s4], $0x800, $0x38;
	[tilespmem:$0x1B900] =	vst v63  }
0x1f7: {  	_ =	swait.ge [sflag:s21], $0x800  }
0x1f8: {  	s16 =	sld [smem:$0x7E6]  }
0x1f9: {  	[sflag:s21] =	ssyncset.done $0x0  }
0x1fa: {  	s18 =	simm.s32 $0xA080;
	[sflag:s21] =	ssyncadd.s32 $0xFFFFF800  }
0x1fb: {  	[tilespmem:s18], [sflag:$0x7] =	stream.linear.gather [hbm4b:s16+s4], $0x800, $0x38;
	[tilespmem:$0x1B900] =	vst v63  }
0x1fc: {  	_ =	swait.ge [sflag:s21], $0x800  }
0x1fd: {  	s20 =	sld [smem:$0x7E7]  }
0x1fe: {  	[sflag:s21] =	ssyncset.done $0x0  }
0x1ff: {  	s26 =	simm.s32 $0xE100;
	[sflag:s21] =	ssyncadd.s32 $0xFFFFF800  }
0x200: {  	[tilespmem:s26], [sflag:$0x7] =	stream.linear.gather [hbm4b:s20+s4], $0x400, $0x38;
	[tilespmem:$0x1B900] =	vst v63  }
0x201: {  	_ =	swait.ge [sflag:s21], $0x400  }
0x202: {  	s7 =	sld [smem:$0x7E9]  }
0x203: {  	[sflag:s21] =	ssyncset.done $0x0  }
0x204: {  	s8 =	simm.s32 $0x6880;
	[sflag:s21] =	ssyncadd.s32 $0xFFFFFC00  }
0x205: {  	[tilespmem:s8], [sflag:$0x7] =	stream.linear.gather [hbm4b:s7+s4], $0x800, $0x38;
	[tilespmem:$0x1B900] =	vst v63  }
0x206: {  	_ =	swait.ge [sflag:s21], $0x800  }
0x207: {  	s9 =	sld [smem:$0x7EA]  }
0x208: {  	[sflag:s21] =	ssyncset.done $0x0  }
0x209: {  	s11 =	simm.s32 $0xA880;
	[sflag:s21] =	ssyncadd.s32 $0xFFFFF800  }
0x20a: {  	[tilespmem:s11], [sflag:$0x7] =	stream.linear.gather [hbm4b:s9+s4], $0x800, $0x38;
	[tilespmem:$0x1B900] =	vst v63  }
0x20b: {  	_ =	swait.ge [sflag:s21], $0x800  }
0x20c: {  	s13 =	sld [smem:$0x7EC]  }
0x20d: {  	[sflag:s21] =	ssyncset.done $0x0  }
0x20e: {  	s15 =	simm.s32 $0xE500;
	[sflag:s21] =	ssyncadd.s32 $0xFFFFF800  }
0x20f: {  	[tilespmem:s15], [sflag:$0x7] =	stream.linear.gather [hbm4b:s13+s4], $0x400, $0x38;
	[tilespmem:$0x1B900] =	vst v63  }
0x210: {  	_ =	swait.ge [sflag:s21], $0x400  }
0x211: {  	s16 =	sld [smem:$0x7ED]  }
0x212: {  	[sflag:s21] =	ssyncset.done $0x0  }
0x213: {  	s18 =	simm.s32 $0x7080;
	[sflag:s21] =	ssyncadd.s32 $0xFFFFFC00  }
0x214: {  	[tilespmem:s18], [sflag:$0x7] =	stream.linear.gather [hbm4b:s16+s4], $0x800, $0x38;
	[tilespmem:$0x1B900] =	vst v63  }
0x215: {  	_ =	swait.ge [sflag:s21], $0x800  }
0x216: {  	s20 =	sld [smem:$0x7EF]  }
0x217: {  	[sflag:s21] =	ssyncset.done $0x0  }
0x218: {  	s26 =	simm.s32 $0xB080;
	[sflag:s21] =	ssyncadd.s32 $0xFFFFF800  }
0x219: {  	[tilespmem:s26], [sflag:$0x7] =	stream.linear.gather [hbm4b:s20+s4], $0x800, $0x38;
	[tilespmem:$0x1B900] =	vst v63  }
0x21a: {  	_ =	swait.ge [sflag:s21], $0x800  }
0x21b: {  	s7 =	sld [smem:$0x7F0]  }
0x21c: {  	[sflag:s21] =	ssyncset.done $0x0  }
0x21d: {  	s8 =	simm.s32 $0xE900;
	[sflag:s21] =	ssyncadd.s32 $0xFFFFF800  }
0x21e: {  	[tilespmem:s8], [sflag:$0x7] =	stream.linear.gather [hbm4b:s7+s4], $0x400, $0x38;
	[tilespmem:$0x1B900] =	vst v63  }
0x21f: {  	_ =	swait.ge [sflag:s21], $0x400  }
0x220: {  	s9 =	sld [smem:$0x7F2]  }
0x221: {  	[sflag:s21] =	ssyncset.done $0x0  }
0x222: {  	s11 =	simm.s32 $0x7880;
	[sflag:s21] =	ssyncadd.s32 $0xFFFFFC00  }
0x223: {  	[tilespmem:s11], [sflag:$0x7] =	stream.linear.gather [hbm4b:s9+s4], $0x800, $0x38;
	[tilespmem:$0x1B900] =	vst v63  }
0x224: {  	_ =	swait.ge [sflag:s21], $0x800  }
0x225: {  	s13 =	sld [smem:$0x7F3]  }
0x226: {  	[sflag:s21] =	ssyncset.done $0x0  }
0x227: {  	s15 =	simm.s32 $0xB880;
	[sflag:s21] =	ssyncadd.s32 $0xFFFFF800  }
0x228: {  	[tilespmem:s15], [sflag:$0x7] =	stream.linear.gather [hbm4b:s13+s4], $0x800, $0x38;
	[tilespmem:$0x1B900] =	vst v63  }
0x229: {  	_ =	swait.ge [sflag:s21], $0x800  }
0x22a: {  	s16 =	sld [smem:$0x7F5]  }
0x22b: {  	[sflag:s21] =	ssyncset.done $0x0  }
0x22c: {  	s18 =	simm.s32 $0xED00;
	[sflag:s21] =	ssyncadd.s32 $0xFFFFF800  }
0x22d: {  	[tilespmem:s18], [sflag:$0x7] =	stream.linear.gather [hbm4b:s16+s4], $0x400, $0x38;
	[tilespmem:$0x1B900] =	vst v63  }
0x22e: {  	_ =	swait.ge [sflag:s21], $0x400  }
0x22f: {  	s20 =	sld [smem:$0x7F6]  }
0x230: {  	[sflag:s21] =	ssyncset.done $0x0  }
0x231: {  	s26 =	simm.s32 $0x8080;
	[sflag:s21] =	ssyncadd.s32 $0xFFFFFC00  }
0x232: {  	[tilespmem:s26], [sflag:$0x7] =	stream.linear.gather [hbm4b:s20+s4], $0x800, $0x38;
	[tilespmem:$0x1B900] =	vst v63  }
0x233: {  	_ =	swait.ge [sflag:s21], $0x800  }
0x234: {  	s7 =	sld [smem:$0x7F8]  }
0x235: {  	[sflag:s21] =	ssyncset.done $0x0  }
0x236: {  	s8 =	simm.s32 $0xC080;
	[sflag:s21] =	ssyncadd.s32 $0xFFFFF800  }
0x237: {  	[tilespmem:s8], [sflag:$0x7] =	stream.linear.gather [hbm4b:s7+s4], $0x800, $0x38;
	[tilespmem:$0x1B900] =	vst v63  }
0x238: {  	_ =	swait.ge [sflag:s21], $0x800  }
0x239: {  	s9 =	sld [smem:$0x7F9]  }
0x23a: {  	[sflag:s21] =	ssyncset.done $0x0  }
0x23b: {  	s11 =	simm.s32 $0xF100;
	[sflag:s21] =	ssyncadd.s32 $0xFFFFF800  }
0x23c: {  	[tilespmem:s11], [sflag:$0x7] =	stream.linear.gather [hbm4b:s9+s4], $0x400, $0x38;
	[tilespmem:$0x1B900] =	vst v63  }
0x23d: {  	_ =	swait.ge [sflag:s21], $0x400  }
0x23e: {  	s13 =	sld [smem:$0x7FB]  }
0x23f: {  	[sflag:s21] =	ssyncset.done $0x0  }
0x240: {  	s15 =	simm.s32 $0x8880;
	[sflag:s21] =	ssyncadd.s32 $0xFFFFFC00  }
0x241: {  	[tilespmem:s15], [sflag:$0x7] =	stream.linear.gather [hbm4b:s13+s4], $0x800, $0x38;
	[tilespmem:$0x1B900] =	vst v63  }
0x242: {  	_ =	swait.ge [sflag:s21], $0x800  }
0x243: {  	s16 =	sld [smem:$0x7FC]  }
0x244: {  	[sflag:s21] =	ssyncset.done $0x0  }
0x245: {  	s18 =	simm.s32 $0xC880;
	[sflag:s21] =	ssyncadd.s32 $0xFFFFF800  }
0x246: {  	[tilespmem:s18], [sflag:$0x7] =	stream.linear.gather [hbm4b:s16+s4], $0x800, $0x38;
	[tilespmem:$0x1B900] =	vst v63  }
0x247: {  	_ =	swait.ge [sflag:s21], $0x800  }
0x248: {  	s20 =	sld [smem:$0x7FD]  }
0x249: {  	[sflag:s21] =	ssyncset.done $0x0  }
0x24a: {  	s26 =	simm.s32 $0xF500;
	[sflag:s21] =	ssyncadd.s32 $0xFFFFF800  }
0x24b: {  	[tilespmem:s26], [sflag:$0x7] =	stream.linear.gather [hbm4b:s20+s4], $0x400, $0x38;
	[tilespmem:$0x1B900] =	vst v63  }
0x24c: {  	_ =	swait.ge [sflag:s21], $0x400  }
0x24d: {  	[sflag:s21] =	ssyncset.done $0x0  }
0x24e: {  	[sflag:s21] =	ssyncadd.s32 $0xFFFFFC00  }
.LBB2_35:
.Ltmp31:
0x24f: {  	(pc) =	sbr.rel @!p3 .LBB2_36-.Ltmp31, $2  }
0x250: {  	_ =	sdelay $0x2  }
0x251: {  	s7 =	simm.s32 $0x0;
	s9 =	simm.s32 $0x0  }
.LBB2_59:
0x252: {  	p3 =	slt.s32 s30, $0x1  }
.Ltmp32:
0x253: {  	_ = 	snop;
	(pc) =	sbr.rel @p3 .LBB2_63-.Ltmp32, $2  }
0x254: {  	_ =	sdelay $0x2  }
0x255: {  	s6 =	sld [smem:$0x7D6]  }
0x256: {  	p3 =	slt.s32 s30, $0x10  }
0x257: {  	s30 =	simm.s32 @!p3 $0x10  }
0x258: {  	p3 =	sne.s32 s30, $0x1  }
.Ltmp33:
0x259: {  	_ = 	snop;
	(pc) =	sbr.rel @!p3 .LBB2_62-.Ltmp33, $3  }
0x25a: {  	_ =	sdelay $0x1  }
0x25b: {  	_ =	swait.ge [sflag:s22], $0x80  }
0x25c: {  	[sflag:s22] =	ssyncset.done $0x0;
	s6 =	sadd.s32 $0xFFFFFFFF, s30  }
.LBB2_61:
0x25d: {  	p3 =	sne.s32 s6, $0x1;
	s6 =	sadd.s32 $0xFFFFFFFF, s6;
	[sflag:s22] =	ssyncadd.s32 $0xFFFFFF80  }
.Ltmp34:
0x25e: {  	(pc) =	sbr.rel @p3 .LBB2_61-.Ltmp34, $3  }
0x25f: {  	_ =	sdelay $0x1  }
0x260: {  	_ =	swait.ge [sflag:s22], $0x80  }
0x261: {  	[sflag:s22] =	ssyncset.done $0x0  }
.Ltmp35:
0x262: {  	_ = 	snop;
	(pc) =	sbr.rel .LBB2_62-.Ltmp35, $1  }
0x263: {  	_ =	sdelay $0x3  }
.LBB2_38:
0x264: {  	s11 =	simm.s32 $0x1;
	s8 =	simm.s32 $0x0  }
.LBB2_41:
0x265: {  	_ =	sdelay $0x2  }
0x266: {  	[hbm4b:s15+s4] =	stream.linear.scatter @p3 [tilespmem:s16], [sflag:$0x6], $0x80, $0x38;
	[tilespmem:$0x1B900] =	vst v63  }
0x267: {  	v16 =	vld.idx.msk [tilespmem:v16+s2+$0x0], $0xffff;
	_ =	sdelay $0x4  }
0x268: {  	(v2sf) =	vpush v16, $0x0;
	_ =	sdelay $0xe  }
0x269: {  	s1 =	spop (v2sf)  }
0x26a: {  	s13 =	sshrl.u32 s1, $0xE  }
0x26b: {  	s13 =	sadd.s32 $0xFFFF8600, s13  }
0x26c: {  	v16 =	vmov s13  }
0x26d: {  	v17 =	vshll.u32 v16, $0x3  }
0x26e: {  	v16 =	vand.u32 $0x7F, v16;
	v17 =	vand.u32 $0xFFFFFC00, v17  }
0x26f: {  	s8 =	sadd.s32 s8, s30;
	v16 =	vor.u32 v16, v17  }
0x270: {  	p3 =	slt.s32 s8, $0x10;
	v17 =	vadd.s32 v0, v16  }
0x271: {  	s13 =	simm.s32 @!p3 $0x6  }
0x272: {  	_ =	swait.ge @!p3 [sflag:s13], $0x80  }
0x273: {  	s18 =	sshra.s32 s8, $0x1F;
	[sflag:s13] =	ssyncset.done @!p3 $0x0  }
0x274: {  	s15 =	sshrl.u32 s18, $0x1C;
	[sflag:s13] =	ssyncadd.s32 @!p3 $0xFFFFFF80  }
0x275: {  	s20 =	sadd.s32 s15, s8;
	v17 =	vld.idx.msk [tilespmem:v17+s12+$0x0], $0xffff  }
0x276: {  	s13 =	sand.u32 $0xFFFFFFF0, s20;
	v18 =	vadd.s32 v1, v16  }
0x277: {  	s8 =	ssub.s32 s8, s13  }
0x278: {  	s8 =	sshll.u32 s8, $0x9  }
0x279: {  	s8 =	sshra.s32 s8, $0x2  }
0x27a: {  	[tilespmem:s8+$0xD100] =	vst v17  }
0x27b: {  	v17 =	vld.idx.msk [tilespmem:v18+s12+$0x0], $0xffff  }
0x27c: {  	v63 =	vadd.s32 v2, v16;
	_ =	sdelay $0x3  }
0x27d: {  	[tilespmem:s8+$0xD110] =	vst v17  }
0x27e: {  	v17 =	vld.idx.msk [tilespmem:v63+s12+$0x0], $0xffff  }
0x27f: {  	v16 =	vadd.s32 v3, v16;
	_ =	sdelay $0x3  }
0x280: {  	[tilespmem:s8+$0xD120] =	vst v17  }
0x281: {  	v16 =	vld.idx.msk [tilespmem:v16+s12+$0x0], $0xffff;
	_ =	sdelay $0x2  }
0x282: {  	s1 =	sshll.u32 s1, $0x4  }
0x283: {  	s1 =	sand.u32 $0x3FFF0, s1  }
0x284: {  	s30 =	sadd.s32 s11, s30;
	s1 =	sadd.s32 s5, s1;
	s26 =	sadd.s32 $0xD100, s8;
	[tilespmem:s8+$0xD130] =	vst v16  }
0x285: {  	[hbm4b:s1+s4] =	stream.linear.scatter [tilespmem:s26], [sflag:$0x6], $0x80, $0x38;
	[tilespmem:$0x1B900] =	vst v63  }
.LBB2_42:
0x286: {  	s9 =	sadd.s32 $0x1, s9  }
0x287: {  	p3 =	sne.s32 s9, s6  }
.Ltmp36:
0x288: {  	_ = 	snop;
	(pc) =	sbr.rel @!p3 .LBB2_43-.Ltmp36, $2  }
0x289: {  	_ =	sdelay $0x2  }
0x28a: {  	s8 =	simm.s32 $0x0  }
.LBB2_36:
0x28b: {  	s1 =	sshll.u32 s9, $0x6  }
0x28c: {  	s1 =	sshra.s32 s1, $0x2  }
0x28d: {  	v16 =	vld [tilespmem:s1+$0x1000];
	_ =	sdelay $0x4  }
0x28e: {  	v17 =	vand.u32 $0xFFC00000, v16  }
0x28f: {  	vm1 =	veq.s32 v17, $0x1E800000  }
0x290: {  	v17 =	vmpcnt.ones.xlane vm1;
	_ =	sdelay $0x1  }
0x291: {  	(v2sf) =	vpush v17, $0x0;
	_ =	sdelay $0xe  }
0x292: {  	s13 =	spop (v2sf)  }
0x293: {  	p3 =	slt.s32 s13, $0x1  }
.Ltmp37:
0x294: {  	_ = 	snop;
	(pc) =	sbr.rel @p3 .LBB2_42-.Ltmp37, $2  }
0x295: {  	_ =	sdelay $0x2  }
0x296: {  	[tilespmem:s2+$0x0] =	vst.msk vm1, v16  }
0x297: {  	p4 =	sne.s32 s13, $0x1  }
.Ltmp38:
0x298: {  	_ = 	snop;
	(pc) =	sbr.rel @!p4 .LBB2_38-.Ltmp38, $2  }
0x299: {  	_ =	sdelay $0x2  }
0x29a: {  	s8 =	simm.s32 $0x1;
	v16 =	vmov s7;
	p3 =	por $0x0, $0x0  }
0x29b: {  	_ =	sdelay $0x3  }
0x29c: {  	v16 =	vld.idx.msk [tilespmem:v16+s2+$0x0], $0xffff;
	_ =	sdelay $0x4  }
0x29d: {  	(v2sf) =	vpush v16, $0x0;
	_ =	sdelay $0xe  }
0x29e: {  	s1 =	spop (v2sf)  }
0x29f: {  	s11 =	sshrl.u32 s1, $0xE  }
0x2a0: {  	s11 =	sadd.s32 $0xFFFF8600, s11  }
0x2a1: {  	v16 =	vmov s11  }
0x2a2: {  	v17 =	vshll.u32 v16, $0x3  }
0x2a3: {  	v16 =	vand.u32 $0x7F, v16;
	v17 =	vand.u32 $0xFFFFFC00, v17  }
0x2a4: {  	s18 =	sadd.s32 $0x0, s30;
	v16 =	vor.u32 v16, v17  }
0x2a5: {  	p3 =	slt.s32 s18, $0x10;
	v17 =	vadd.s32 v0, v16  }
0x2a6: {  	s15 =	simm.s32 @!p3 $0x6  }
0x2a7: {  	_ =	swait.ge @!p3 [sflag:s15], $0x80  }
0x2a8: {  	s16 =	sshra.s32 s18, $0x1F;
	[sflag:s15] =	ssyncset.done @!p3 $0x0  }
0x2a9: {  	s16 =	sshrl.u32 s16, $0x1C;
	[sflag:s15] =	ssyncadd.s32 @!p3 $0xFFFFFF80  }
0x2aa: {  	s20 =	sadd.s32 s16, s18;
	v17 =	vld.idx.msk [tilespmem:v17+s12+$0x0], $0xffff  }
0x2ab: {  	s15 =	sand.u32 $0xFFFFFFF0, s20;
	v18 =	vadd.s32 v1, v16  }
0x2ac: {  	s11 =	ssub.s32 s18, s15  }
0x2ad: {  	s11 =	sshll.u32 s11, $0x9  }
0x2ae: {  	s26 =	sshra.s32 s11, $0x2  }
0x2af: {  	[tilespmem:s26+$0xD100] =	vst v17  }
0x2b0: {  	v17 =	vld.idx.msk [tilespmem:v18+s12+$0x0], $0xffff  }
0x2b1: {  	v18 =	vadd.s32 v2, v16;
	_ =	sdelay $0x3  }
0x2b2: {  	[tilespmem:s26+$0xD110] =	vst v17  }
0x2b3: {  	v17 =	vld.idx.msk [tilespmem:v18+s12+$0x0], $0xffff  }
0x2b4: {  	v16 =	vadd.s32 v3, v16;
	_ =	sdelay $0x3  }
0x2b5: {  	[tilespmem:s26+$0xD120] =	vst v17  }
0x2b6: {  	p4 =	sne.s32 s13, $0x2;
	v17 =	vld.idx.msk [tilespmem:v16+s12+$0x0], $0xffff  }
.Ltmp39:
0x2b7: {  	_ = 	snop;
	(pc) =	sbr.rel @!p4 .LBB2_41-.Ltmp39, $4  }
0x2b8: {  	v16 =	vmov s8  }
0x2b9: {  	s1 =	sshll.u32 s1, $0x4  }
0x2ba: {  	s1 =	sand.u32 $0x3FFF0, s1;
	p3 =	por $0x1, $0x1  }
0x2bb: {  	s15 =	sadd.s32 s5, s1;
	s11 =	simm.s32 $0x2;
	s16 =	sadd.s32 $0xD100, s26;
	[tilespmem:s26+$0xD130] =	vst v17  }
.LBB2_40:
0x2bc: {  	[hbm4b:s15+s4] =	stream.linear.scatter [tilespmem:s16], [sflag:$0x6], $0x80, $0x38;
	[tilespmem:$0x1B900] =	vst v63  }
0x2bd: {  	s1 =	smov.u32 s11;
	s11 =	sadd.s32 $0x1, s11;
	v16 =	vld.idx.msk [tilespmem:v16+s2+$0x0], $0xffff  }
0x2be: {  	p4 =	sne.s32 s13, s11;
	_ =	sdelay $0x4  }
0x2bf: {  	(v2sf) =	vpush v16, $0x0;
	_ =	sdelay $0xe  }
0x2c0: {  	s15 =	spop (v2sf)  }
0x2c1: {  	s16 =	sshrl.u32 s15, $0xE;
	s15 =	sshll.u32 s15, $0x4  }
0x2c2: {  	s16 =	sadd.s32 $0xFFFF8600, s16;
	s15 =	sand.u32 $0x3FFF0, s15  }
0x2c3: {  	v16 =	vmov s16  }
0x2c4: {  	v17 =	vshll.u32 v16, $0x3  }
0x2c5: {  	v16 =	vand.u32 $0x7F, v16;
	v17 =	vand.u32 $0xFFFFFC00, v17  }
0x2c6: {  	s16 =	sadd.s32 s8, s30;
	s8 =	smov.u32 s1;
	v16 =	vor.u32 v16, v17  }
0x2c7: {  	s1 =	sshra.s32 s16, $0x1F;
	p5 =	slt.s32 s16, $0x10;
	v17 =	vadd.s32 v0, v16  }
0x2c8: {  	s1 =	sshrl.u32 s1, $0x1C;
	s18 =	simm.s32 @!p5 $0x6  }
0x2c9: {  	s1 =	sadd.s32 s1, s16;
	_ =	swait.ge @!p5 [sflag:s18], $0x80  }
0x2ca: {  	s1 =	sand.u32 $0xFFFFFFF0, s1;
	[sflag:s18] =	ssyncset.done @!p5 $0x0  }
0x2cb: {  	s1 =	ssub.s32 s16, s1;
	[sflag:s18] =	ssyncadd.s32 @!p5 $0xFFFFFF80  }
0x2cc: {  	s1 =	sshll.u32 s1, $0x9;
	v17 =	vld.idx.msk [tilespmem:v17+s12+$0x0], $0xffff;
	_ =	sdelay $0x1  }
0x2cd: {  	v18 =	vadd.s32 v1, v16;
	_ =	sdelay $0x2  }
0x2ce: {  	s1 =	sshra.s32 s1, $0x2  }
0x2cf: {  	[tilespmem:s1+$0xD100] =	vst v17  }
0x2d0: {  	v17 =	vld.idx.msk [tilespmem:v18+s12+$0x0], $0xffff;
	_ =	sdelay $0x1  }
0x2d1: {  	v18 =	vadd.s32 v2, v16;
	_ =	sdelay $0x3  }
0x2d2: {  	[tilespmem:s1+$0xD110] =	vst v17  }
0x2d3: {  	v17 =	vld.idx.msk [tilespmem:v18+s12+$0x0], $0xffff;
	_ =	sdelay $0x1  }
0x2d4: {  	v16 =	vadd.s32 v3, v16;
	_ =	sdelay $0x3  }
0x2d5: {  	[tilespmem:s1+$0xD120] =	vst v17  }
0x2d6: {  	v17 =	vld.idx.msk [tilespmem:v16+s12+$0x0], $0xffff;
	_ =	sdelay $0x1  }
.Ltmp40:
0x2d7: {  	(pc) =	sbr.rel @p4 .LBB2_40-.Ltmp40, $2  }
0x2d8: {  	v16 =	vmov s8;
	_ =	sdelay $0x2  }
0x2d9: {  	s15 =	sadd.s32 s5, s15;
	s16 =	sadd.s32 $0xD100, s1;
	[tilespmem:s1+$0xD130] =	vst v17  }
.Ltmp41:
0x2da: {  	_ = 	snop;
	(pc) =	sbr.rel .LBB2_41-.Ltmp41, $1  }
0x2db: {  	_ =	sdelay $0x3  }
.LBB2_43:
.Ltmp42:
0x2dc: {  	(pc) =	sbr.rel .LBB2_44-.Ltmp42, $2  }
0x2dd: {  	_ =	sdelay $0x2  }
0x2de: {  	s7 =	simm.s32 $0x0  }
.LBB2_46:
0x2df: {  	s11 =	simm.s32 $0x1;
	s9 =	simm.s32 $0x0  }
.LBB2_49:
0x2e0: {  	_ =	sdelay $0x2  }
0x2e1: {  	[hbm4b:s15+s4] =	stream.linear.scatter @p3 [tilespmem:s16], [sflag:$0x6], $0x80, $0x38;
	[tilespmem:$0x1B900] =	vst v63  }
0x2e2: {  	v16 =	vld.idx.msk [tilespmem:v16+s2+$0x0], $0xffff;
	_ =	sdelay $0x4  }
0x2e3: {  	(v2sf) =	vpush v16, $0x0;
	_ =	sdelay $0xe  }
0x2e4: {  	s1 =	spop (v2sf)  }
0x2e5: {  	s13 =	sshrl.u32 s1, $0xE  }
0x2e6: {  	s13 =	sadd.s32 $0xFFFF8500, s13  }
0x2e7: {  	v16 =	vmov s13  }
0x2e8: {  	v17 =	vshll.u32 v16, $0x3  }
0x2e9: {  	v16 =	vand.u32 $0x7F, v16;
	v17 =	vand.u32 $0xFFFFFC00, v17  }
0x2ea: {  	s9 =	sadd.s32 s9, s30;
	v16 =	vor.u32 v16, v17  }
0x2eb: {  	p3 =	slt.s32 s9, $0x10;
	v17 =	vadd.s32 v6, v16  }
0x2ec: {  	s13 =	simm.s32 @!p3 $0x6  }
0x2ed: {  	_ =	swait.ge @!p3 [sflag:s13], $0x80  }
0x2ee: {  	s18 =	sshra.s32 s9, $0x1F;
	[sflag:s13] =	ssyncset.done @!p3 $0x0  }
0x2ef: {  	s15 =	sshrl.u32 s18, $0x1C;
	[sflag:s13] =	ssyncadd.s32 @!p3 $0xFFFFFF80  }
0x2f0: {  	s20 =	sadd.s32 s15, s9;
	v17 =	vld.idx.msk [tilespmem:v17+s12+$0x0], $0xffff  }
0x2f1: {  	s13 =	sand.u32 $0xFFFFFFF0, s20;
	v18 =	vadd.s32 v10, v16  }
0x2f2: {  	s9 =	ssub.s32 s9, s13  }
0x2f3: {  	s9 =	sshll.u32 s9, $0x9  }
0x2f4: {  	s9 =	sshra.s32 s9, $0x2  }
0x2f5: {  	[tilespmem:s9+$0xD100] =	vst v17  }
0x2f6: {  	v17 =	vld.idx.msk [tilespmem:v18+s12+$0x0], $0xffff  }
0x2f7: {  	v63 =	vadd.s32 v11, v16;
	_ =	sdelay $0x3  }
0x2f8: {  	[tilespmem:s9+$0xD110] =	vst v17  }
0x2f9: {  	v17 =	vld.idx.msk [tilespmem:v63+s12+$0x0], $0xffff  }
0x2fa: {  	v16 =	vadd.s32 v12, v16;
	_ =	sdelay $0x3  }
0x2fb: {  	[tilespmem:s9+$0xD120] =	vst v17  }
0x2fc: {  	v16 =	vld.idx.msk [tilespmem:v16+s12+$0x0], $0xffff;
	_ =	sdelay $0x2  }
0x2fd: {  	s1 =	sshll.u32 s1, $0x4  }
0x2fe: {  	s1 =	sand.u32 $0x3FFF0, s1  }
0x2ff: {  	s30 =	sadd.s32 s11, s30;
	s1 =	sadd.s32 s5, s1;
	s26 =	sadd.s32 $0xD100, s9;
	[tilespmem:s9+$0xD130] =	vst v16  }
0x300: {  	[hbm4b:s1+s4] =	stream.linear.scatter [tilespmem:s26], [sflag:$0x6], $0x80, $0x38;
	[tilespmem:$0x1B900] =	vst v63  }
.LBB2_50:
0x301: {  	s7 =	sadd.s32 $0x1, s7  }
0x302: {  	p3 =	sne.s32 s7, s6  }
.Ltmp43:
0x303: {  	_ = 	snop;
	(pc) =	sbr.rel @!p3 .LBB2_51-.Ltmp43, $2  }
0x304: {  	_ =	sdelay $0x2  }
0x305: {  	s9 =	simm.s32 $0x0  }
.LBB2_44:
0x306: {  	s1 =	sshll.u32 s7, $0x6  }
0x307: {  	s1 =	sshra.s32 s1, $0x2  }
0x308: {  	v16 =	vld [tilespmem:s1+$0x1000];
	_ =	sdelay $0x4  }
0x309: {  	v17 =	vand.u32 $0xFFC00000, v16  }
0x30a: {  	vm1 =	veq.s32 v17, $0x1EC00000  }
0x30b: {  	v17 =	vmpcnt.ones.xlane vm1;
	_ =	sdelay $0x1  }
0x30c: {  	(v2sf) =	vpush v17, $0x0;
	_ =	sdelay $0xe  }
0x30d: {  	s13 =	spop (v2sf)  }
0x30e: {  	p3 =	slt.s32 s13, $0x1  }
.Ltmp44:
0x30f: {  	_ = 	snop;
	(pc) =	sbr.rel @p3 .LBB2_50-.Ltmp44, $2  }
0x310: {  	_ =	sdelay $0x2  }
0x311: {  	[tilespmem:s2+$0x0] =	vst.msk vm1, v16  }
0x312: {  	p4 =	sne.s32 s13, $0x1  }
.Ltmp45:
0x313: {  	_ = 	snop;
	(pc) =	sbr.rel @!p4 .LBB2_46-.Ltmp45, $2  }
0x314: {  	_ =	sdelay $0x2  }
0x315: {  	s9 =	simm.s32 $0x1;
	v16 =	vmov s8;
	p3 =	por $0x0, $0x0  }
0x316: {  	_ =	sdelay $0x3  }
0x317: {  	v16 =	vld.idx.msk [tilespmem:v16+s2+$0x0], $0xffff;
	_ =	sdelay $0x4  }
0x318: {  	(v2sf) =	vpush v16, $0x0;
	_ =	sdelay $0xe  }
0x319: {  	s1 =	spop (v2sf)  }
0x31a: {  	s11 =	sshrl.u32 s1, $0xE  }
0x31b: {  	s11 =	sadd.s32 $0xFFFF8500, s11  }
0x31c: {  	v16 =	vmov s11  }
0x31d: {  	v17 =	vshll.u32 v16, $0x3  }
0x31e: {  	v16 =	vand.u32 $0x7F, v16;
	v17 =	vand.u32 $0xFFFFFC00, v17  }
0x31f: {  	s18 =	sadd.s32 $0x0, s30;
	v16 =	vor.u32 v16, v17  }
0x320: {  	p3 =	slt.s32 s18, $0x10;
	v17 =	vadd.s32 v6, v16  }
0x321: {  	s15 =	simm.s32 @!p3 $0x6  }
0x322: {  	_ =	swait.ge @!p3 [sflag:s15], $0x80  }
0x323: {  	s16 =	sshra.s32 s18, $0x1F;
	[sflag:s15] =	ssyncset.done @!p3 $0x0  }
0x324: {  	s16 =	sshrl.u32 s16, $0x1C;
	[sflag:s15] =	ssyncadd.s32 @!p3 $0xFFFFFF80  }
0x325: {  	s20 =	sadd.s32 s16, s18;
	v17 =	vld.idx.msk [tilespmem:v17+s12+$0x0], $0xffff  }
0x326: {  	s15 =	sand.u32 $0xFFFFFFF0, s20;
	v18 =	vadd.s32 v10, v16  }
0x327: {  	s11 =	ssub.s32 s18, s15  }
0x328: {  	s11 =	sshll.u32 s11, $0x9  }
0x329: {  	s26 =	sshra.s32 s11, $0x2  }
0x32a: {  	[tilespmem:s26+$0xD100] =	vst v17  }
0x32b: {  	v17 =	vld.idx.msk [tilespmem:v18+s12+$0x0], $0xffff  }
0x32c: {  	v18 =	vadd.s32 v11, v16;
	_ =	sdelay $0x3  }
0x32d: {  	[tilespmem:s26+$0xD110] =	vst v17  }
0x32e: {  	v17 =	vld.idx.msk [tilespmem:v18+s12+$0x0], $0xffff  }
0x32f: {  	v16 =	vadd.s32 v12, v16;
	_ =	sdelay $0x3  }
0x330: {  	[tilespmem:s26+$0xD120] =	vst v17  }
0x331: {  	p4 =	sne.s32 s13, $0x2;
	v17 =	vld.idx.msk [tilespmem:v16+s12+$0x0], $0xffff  }
.Ltmp46:
0x332: {  	_ = 	snop;
	(pc) =	sbr.rel @!p4 .LBB2_49-.Ltmp46, $4  }
0x333: {  	v16 =	vmov s9  }
0x334: {  	s1 =	sshll.u32 s1, $0x4  }
0x335: {  	s1 =	sand.u32 $0x3FFF0, s1;
	p3 =	por $0x1, $0x1  }
0x336: {  	s15 =	sadd.s32 s5, s1;
	s11 =	simm.s32 $0x2;
	s16 =	sadd.s32 $0xD100, s26;
	[tilespmem:s26+$0xD130] =	vst v17  }
.LBB2_48:
0x337: {  	[hbm4b:s15+s4] =	stream.linear.scatter [tilespmem:s16], [sflag:$0x6], $0x80, $0x38;
	[tilespmem:$0x1B900] =	vst v63  }
0x338: {  	s1 =	smov.u32 s11;
	s11 =	sadd.s32 $0x1, s11;
	v16 =	vld.idx.msk [tilespmem:v16+s2+$0x0], $0xffff  }
0x339: {  	p4 =	sne.s32 s13, s11;
	_ =	sdelay $0x4  }
0x33a: {  	(v2sf) =	vpush v16, $0x0;
	_ =	sdelay $0xe  }
0x33b: {  	s15 =	spop (v2sf)  }
0x33c: {  	s16 =	sshrl.u32 s15, $0xE;
	s15 =	sshll.u32 s15, $0x4  }
0x33d: {  	s16 =	sadd.s32 $0xFFFF8500, s16;
	s15 =	sand.u32 $0x3FFF0, s15  }
0x33e: {  	v16 =	vmov s16  }
0x33f: {  	v17 =	vshll.u32 v16, $0x3  }
0x340: {  	v16 =	vand.u32 $0x7F, v16;
	v17 =	vand.u32 $0xFFFFFC00, v17  }
0x341: {  	s16 =	sadd.s32 s9, s30;
	s9 =	smov.u32 s1;
	v16 =	vor.u32 v16, v17  }
0x342: {  	s1 =	sshra.s32 s16, $0x1F;
	p5 =	slt.s32 s16, $0x10;
	v17 =	vadd.s32 v6, v16  }
0x343: {  	s1 =	sshrl.u32 s1, $0x1C;
	s18 =	simm.s32 @!p5 $0x6  }
0x344: {  	s1 =	sadd.s32 s1, s16;
	_ =	swait.ge @!p5 [sflag:s18], $0x80  }
0x345: {  	s1 =	sand.u32 $0xFFFFFFF0, s1;
	[sflag:s18] =	ssyncset.done @!p5 $0x0  }
0x346: {  	s1 =	ssub.s32 s16, s1;
	[sflag:s18] =	ssyncadd.s32 @!p5 $0xFFFFFF80  }
0x347: {  	s1 =	sshll.u32 s1, $0x9;
	v17 =	vld.idx.msk [tilespmem:v17+s12+$0x0], $0xffff;
	_ =	sdelay $0x1  }
0x348: {  	v18 =	vadd.s32 v10, v16;
	_ =	sdelay $0x2  }
0x349: {  	s1 =	sshra.s32 s1, $0x2  }
0x34a: {  	[tilespmem:s1+$0xD100] =	vst v17  }
0x34b: {  	v17 =	vld.idx.msk [tilespmem:v18+s12+$0x0], $0xffff;
	_ =	sdelay $0x1  }
0x34c: {  	v18 =	vadd.s32 v11, v16;
	_ =	sdelay $0x3  }
0x34d: {  	[tilespmem:s1+$0xD110] =	vst v17  }
0x34e: {  	v17 =	vld.idx.msk [tilespmem:v18+s12+$0x0], $0xffff;
	_ =	sdelay $0x1  }
0x34f: {  	v16 =	vadd.s32 v12, v16;
	_ =	sdelay $0x3  }
0x350: {  	[tilespmem:s1+$0xD120] =	vst v17  }
0x351: {  	v17 =	vld.idx.msk [tilespmem:v16+s12+$0x0], $0xffff;
	_ =	sdelay $0x1  }
.Ltmp47:
0x352: {  	(pc) =	sbr.rel @p4 .LBB2_48-.Ltmp47, $2  }
0x353: {  	v16 =	vmov s9;
	_ =	sdelay $0x2  }
0x354: {  	s15 =	sadd.s32 s5, s15;
	s16 =	sadd.s32 $0xD100, s1;
	[tilespmem:s1+$0xD130] =	vst v17  }
.Ltmp48:
0x355: {  	_ = 	snop;
	(pc) =	sbr.rel .LBB2_49-.Ltmp48, $1  }
0x356: {  	_ =	sdelay $0x3  }
.LBB2_51:
.Ltmp49:
0x357: {  	(pc) =	sbr.rel .LBB2_52-.Ltmp49, $2  }
0x358: {  	_ =	sdelay $0x2  }
0x359: {  	s7 =	simm.s32 $0x0  }
.LBB2_54:
0x35a: {  	s11 =	simm.s32 $0x1;
	s8 =	simm.s32 $0x0  }
.LBB2_57:
0x35b: {  	_ =	sdelay $0x2  }
0x35c: {  	[hbm4b:s15+s4] =	stream.linear.scatter @p3 [tilespmem:s16], [sflag:$0x6], $0x80, $0x38;
	[tilespmem:$0x1B900] =	vst v63  }
0x35d: {  	v16 =	vld.idx.msk [tilespmem:v16+s2+$0x0], $0xffff;
	_ =	sdelay $0x4  }
0x35e: {  	(v2sf) =	vpush v16, $0x0;
	_ =	sdelay $0xe  }
0x35f: {  	s1 =	spop (v2sf)  }
0x360: {  	s13 =	sshrl.u32 s1, $0xE  }
0x361: {  	s13 =	sadd.s32 $0xFFFF8400, s13  }
0x362: {  	s8 =	sadd.s32 s8, s30;
	v16 =	vmov s13  }
0x363: {  	p3 =	slt.s32 s8, $0x10;
	v17 =	vadd.s32 v9, v16  }
0x364: {  	s13 =	simm.s32 @!p3 $0x6  }
0x365: {  	_ =	swait.ge @!p3 [sflag:s13], $0x80  }
0x366: {  	s18 =	sshra.s32 s8, $0x1F;
	[sflag:s13] =	ssyncset.done @!p3 $0x0  }
0x367: {  	s15 =	sshrl.u32 s18, $0x1C;
	[sflag:s13] =	ssyncadd.s32 @!p3 $0xFFFFFF80  }
0x368: {  	s20 =	sadd.s32 s15, s8;
	v17 =	vld.idx.msk [tilespmem:v17+s19+$0x0], $0xffff  }
0x369: {  	v18 =	vadd.s32 v13, v16;
	s13 =	sand.u32 $0xFFFFFFF0, s20  }
0x36a: {  	s8 =	ssub.s32 s8, s13  }
0x36b: {  	s8 =	sshll.u32 s8, $0x9  }
0x36c: {  	s8 =	sshra.s32 s8, $0x2  }
0x36d: {  	[tilespmem:s8+$0xD100] =	vst v17  }
0x36e: {  	v17 =	vld.idx.msk [tilespmem:v18+s19+$0x0], $0xffff  }
0x36f: {  	v63 =	vadd.s32 v14, v16;
	_ =	sdelay $0x3  }
0x370: {  	[tilespmem:s8+$0xD110] =	vst v17  }
0x371: {  	v17 =	vld.idx.msk [tilespmem:v63+s19+$0x0], $0xffff  }
0x372: {  	v16 =	vadd.s32 v15, v16;
	_ =	sdelay $0x3  }
0x373: {  	[tilespmem:s8+$0xD120] =	vst v17  }
0x374: {  	v16 =	vld.idx.msk [tilespmem:v16+s19+$0x0], $0xffff;
	_ =	sdelay $0x2  }
0x375: {  	s1 =	sshll.u32 s1, $0x4  }
0x376: {  	s1 =	sand.u32 $0x3FFF0, s1  }
0x377: {  	s30 =	sadd.s32 s11, s30;
	s1 =	sadd.s32 s5, s1;
	s26 =	sadd.s32 $0xD100, s8;
	[tilespmem:s8+$0xD130] =	vst v16  }
0x378: {  	[hbm4b:s1+s4] =	stream.linear.scatter [tilespmem:s26], [sflag:$0x6], $0x80, $0x38;
	[tilespmem:$0x1B900] =	vst v63  }
.LBB2_58:
0x379: {  	s7 =	sadd.s32 $0x1, s7  }
0x37a: {  	p3 =	sne.s32 s7, s6  }
.Ltmp50:
0x37b: {  	_ = 	snop;
	(pc) =	sbr.rel @!p3 .LBB2_59-.Ltmp50, $1  }
0x37c: {  	_ =	sdelay $0x3  }
.LBB2_52:
0x37d: {  	s1 =	sshll.u32 s7, $0x6  }
0x37e: {  	s1 =	sshra.s32 s1, $0x2  }
0x37f: {  	v16 =	vld [tilespmem:s1+$0x1000];
	_ =	sdelay $0x4  }
0x380: {  	v17 =	vand.u32 $0xFFC00000, v16  }
0x381: {  	vm1 =	veq.s32 v17, $0x1F000000  }
0x382: {  	v17 =	vmpcnt.ones.xlane vm1;
	_ =	sdelay $0x1  }
0x383: {  	(v2sf) =	vpush v17, $0x0;
	_ =	sdelay $0xe  }
0x384: {  	s13 =	spop (v2sf)  }
0x385: {  	p3 =	slt.s32 s13, $0x1  }
.Ltmp51:
0x386: {  	_ = 	snop;
	(pc) =	sbr.rel @p3 .LBB2_58-.Ltmp51, $2  }
0x387: {  	_ =	sdelay $0x2  }
0x388: {  	[tilespmem:s2+$0x0] =	vst.msk vm1, v16  }
0x389: {  	p4 =	sne.s32 s13, $0x1  }
.Ltmp52:
0x38a: {  	_ = 	snop;
	(pc) =	sbr.rel @!p4 .LBB2_54-.Ltmp52, $2  }
0x38b: {  	_ =	sdelay $0x2  }
0x38c: {  	s8 =	simm.s32 $0x1;
	v16 =	vmov s9;
	p3 =	por $0x0, $0x0  }
0x38d: {  	_ =	sdelay $0x3  }
0x38e: {  	v16 =	vld.idx.msk [tilespmem:v16+s2+$0x0], $0xffff;
	_ =	sdelay $0x4  }
0x38f: {  	(v2sf) =	vpush v16, $0x0;
	_ =	sdelay $0xe  }
0x390: {  	s1 =	spop (v2sf)  }
0x391: {  	s11 =	sshrl.u32 s1, $0xE  }
0x392: {  	s11 =	sadd.s32 $0xFFFF8400, s11  }
0x393: {  	s15 =	sadd.s32 $0x0, s30;
	v16 =	vmov s11  }
0x394: {  	p3 =	slt.s32 s15, $0x10;
	v17 =	vadd.s32 v9, v16  }
0x395: {  	s11 =	simm.s32 @!p3 $0x6  }
0x396: {  	_ =	swait.ge @!p3 [sflag:s11], $0x80  }
0x397: {  	s16 =	sshra.s32 s15, $0x1F;
	[sflag:s11] =	ssyncset.done @!p3 $0x0  }
0x398: {  	s16 =	sshrl.u32 s16, $0x1C;
	[sflag:s11] =	ssyncadd.s32 @!p3 $0xFFFFFF80  }
0x399: {  	s20 =	sadd.s32 s16, s15;
	v17 =	vld.idx.msk [tilespmem:v17+s19+$0x0], $0xffff  }
0x39a: {  	v18 =	vadd.s32 v13, v16;
	s11 =	sand.u32 $0xFFFFFFF0, s20  }
0x39b: {  	s11 =	ssub.s32 s15, s11  }
0x39c: {  	s11 =	sshll.u32 s11, $0x9  }
0x39d: {  	s26 =	sshra.s32 s11, $0x2  }
0x39e: {  	[tilespmem:s26+$0xD100] =	vst v17  }
0x39f: {  	v17 =	vld.idx.msk [tilespmem:v18+s19+$0x0], $0xffff  }
0x3a0: {  	v18 =	vadd.s32 v14, v16;
	_ =	sdelay $0x3  }
0x3a1: {  	[tilespmem:s26+$0xD110] =	vst v17  }
0x3a2: {  	v17 =	vld.idx.msk [tilespmem:v18+s19+$0x0], $0xffff  }
0x3a3: {  	v16 =	vadd.s32 v15, v16;
	_ =	sdelay $0x3  }
0x3a4: {  	[tilespmem:s26+$0xD120] =	vst v17  }
0x3a5: {  	p4 =	sne.s32 s13, $0x2;
	v17 =	vld.idx.msk [tilespmem:v16+s19+$0x0], $0xffff  }
.Ltmp53:
0x3a6: {  	_ = 	snop;
	(pc) =	sbr.rel @!p4 .LBB2_57-.Ltmp53, $4  }
0x3a7: {  	v16 =	vmov s8  }
0x3a8: {  	s1 =	sshll.u32 s1, $0x4  }
0x3a9: {  	s1 =	sand.u32 $0x3FFF0, s1;
	p3 =	por $0x1, $0x1  }
0x3aa: {  	s15 =	sadd.s32 s5, s1;
	s11 =	simm.s32 $0x2;
	s16 =	sadd.s32 $0xD100, s26;
	[tilespmem:s26+$0xD130] =	vst v17  }
.LBB2_56:
0x3ab: {  	[hbm4b:s15+s4] =	stream.linear.scatter [tilespmem:s16], [sflag:$0x6], $0x80, $0x38;
	[tilespmem:$0x1B900] =	vst v63  }
0x3ac: {  	s1 =	smov.u32 s11;
	s11 =	sadd.s32 $0x1, s11;
	v16 =	vld.idx.msk [tilespmem:v16+s2+$0x0], $0xffff  }
0x3ad: {  	p4 =	sne.s32 s13, s11;
	_ =	sdelay $0x4  }
0x3ae: {  	(v2sf) =	vpush v16, $0x0;
	_ =	sdelay $0xe  }
0x3af: {  	s15 =	spop (v2sf)  }
0x3b0: {  	s16 =	sshrl.u32 s15, $0xE;
	s15 =	sshll.u32 s15, $0x4  }
0x3b1: {  	s16 =	sadd.s32 $0xFFFF8400, s16;
	s15 =	sand.u32 $0x3FFF0, s15  }
0x3b2: {  	s18 =	sadd.s32 s8, s30;
	s8 =	smov.u32 s1;
	v16 =	vmov s16  }
0x3b3: {  	s1 =	sshra.s32 s18, $0x1F;
	p5 =	slt.s32 s18, $0x10;
	v17 =	vadd.s32 v9, v16  }
0x3b4: {  	s1 =	sshrl.u32 s1, $0x1C;
	s16 =	simm.s32 @!p5 $0x6  }
0x3b5: {  	s1 =	sadd.s32 s1, s18;
	_ =	swait.ge @!p5 [sflag:s16], $0x80  }
0x3b6: {  	s1 =	sand.u32 $0xFFFFFFF0, s1;
	[sflag:s16] =	ssyncset.done @!p5 $0x0  }
0x3b7: {  	s1 =	ssub.s32 s18, s1;
	[sflag:s16] =	ssyncadd.s32 @!p5 $0xFFFFFF80  }
0x3b8: {  	s1 =	sshll.u32 s1, $0x9;
	v17 =	vld.idx.msk [tilespmem:v17+s19+$0x0], $0xffff;
	_ =	sdelay $0x1  }
0x3b9: {  	v18 =	vadd.s32 v13, v16;
	_ =	sdelay $0x2  }
0x3ba: {  	s1 =	sshra.s32 s1, $0x2  }
0x3bb: {  	[tilespmem:s1+$0xD100] =	vst v17  }
0x3bc: {  	v17 =	vld.idx.msk [tilespmem:v18+s19+$0x0], $0xffff;
	_ =	sdelay $0x1  }
0x3bd: {  	v18 =	vadd.s32 v14, v16;
	_ =	sdelay $0x3  }
0x3be: {  	[tilespmem:s1+$0xD110] =	vst v17  }
0x3bf: {  	v17 =	vld.idx.msk [tilespmem:v18+s19+$0x0], $0xffff;
	_ =	sdelay $0x1  }
0x3c0: {  	v16 =	vadd.s32 v15, v16;
	_ =	sdelay $0x3  }
0x3c1: {  	[tilespmem:s1+$0xD120] =	vst v17  }
0x3c2: {  	v17 =	vld.idx.msk [tilespmem:v16+s19+$0x0], $0xffff;
	_ =	sdelay $0x1  }
.Ltmp54:
0x3c3: {  	(pc) =	sbr.rel @p4 .LBB2_56-.Ltmp54, $2  }
0x3c4: {  	v16 =	vmov s8;
	_ =	sdelay $0x2  }
0x3c5: {  	s15 =	sadd.s32 s5, s15;
	s16 =	sadd.s32 $0xD100, s1;
	[tilespmem:s1+$0xD130] =	vst v17  }
.Ltmp55:
0x3c6: {  	_ = 	snop;
	(pc) =	sbr.rel .LBB2_57-.Ltmp55, $1  }
0x3c7: {  	_ =	sdelay $0x3  }
.LBB2_64:
0x3c8: {  	_ =	sfence.sel $0x180000  }
0x3c9: {  	[bflag:$0x0] =	sbarrier.arrive $0xFFFF  }
0x3ca: {  	_ =	strace $0x90000047  }
0x3cb: {  	[bflag:$0x2] =	sbarrier.arrive $0xFFFF  }
0x3cc: {  	s0 =	rddreg [dreg:$0x4]  }
0x3cd: {  	s0 =	sadd.s32 @!p1 $0x100000, s0  }
0x3ce: {  	[sflag:s0] =	ssyncadd.tile.s32 @!p1 $0x1;
	_ =	shalt  }
.Lfunc_end2:
_tile_overlayer_lowered:
.L_overlay_start_2:
0x3cf: {  	(tag) =	ssettag $0x2  }
0x3d0: {  	s0 =	rddreg [dreg:$0x0];
	s2 =	stileid.u32  }
0x3d1: {  	s1 =	rddreg [dreg:$0x1];
	p0 =	sne.s32 s2, $0x0  }
0x3d2: {  	s3 =	rddreg [dreg:$0x2];
	[bflag:$0x3] =	sbarrier.arrive $0xFFFF;
	s2 =	simm.s32 @!p0 $0x1C07  }
0x3d3: {  	[timem:s3], [sflag:s2] =	dma.local @!p0 [hbm:s0], s1  }
0x3d4: {  	s0 =	simm.s32 @!p0 $0x7  }
0x3d5: {  	_ =	swait.ge @!p0 [sflag:s0], s1  }
0x3d6: {  	s1 =	ssub.s32 @!p0 $0x0, s1;
	[sflag:s0] =	ssyncset.done @!p0 $0x0  }
0x3d7: {  	[sflag:s0] =	ssyncadd.s32 @!p0 s1  }
0x3d8: {  	[bflag:$0x3] =	sbarrier.arrive $0xFFFF  }
0x3d9: {  	_ =	shalt  }

</sc_bundles>
